<compile_context>
chip_gen: v7x
topology: tpu7x:2x2x1
jax: 0.10.2.dev20260603
libtpu: 0.0.44.dev20260713+nightly
codegen_flags: <defaults>
</compile_context>

<pallas_src>
import functools

import jax
import jax.numpy as jnp
from jax import lax
from jax.experimental import pallas as pl
from jax.experimental.pallas import tpu as pltpu
from jax.experimental.pallas import tpu_sc as plsc

_T = 200
_B = 16384
_D = 32
_UB = 512
_NG = 4
_NO = 2
_PL = (_UB // 128) * 1024


def _gather_fn(v):
    info = plsc.get_sparse_core_info()
    nc, ns = info.num_cores, info.num_subcores
    nw = nc * ns
    nunits = _T * (_B // _UB)
    per_w = nunits // nw
    ppt = _B // _UB
    assert nunits % nw == 0 and per_w % _NG == 0

    mesh = plsc.VectorSubcoreMesh(core_axis_name="c", subcore_axis_name="s")

    @functools.partial(
        pl.kernel,
        out_type=jax.ShapeDtypeStruct((_T, _D // 8, (_B // 128) * 1024),
                                      jnp.float32),
        mesh=mesh,
        scratch_types=[
            pltpu.VMEM((_NG, _UB), jnp.int32),
            pltpu.VMEM((_NG, _UB, _D), jnp.float32),
            pltpu.VMEM((_NO, _D // 8, _PL), jnp.float32),
            [pltpu.SemaphoreType.DMA] * _NG,
            [pltpu.SemaphoreType.DMA] * _NG,
            [pltpu.SemaphoreType.DMA] * _NO,
        ],
        compiler_params=pltpu.CompilerParams(use_tc_tiling_on_sc=False,
                                             needs_layout_passes=False),
    )
    def run(idx_hbm, table_hbm, out_hbm, idx_v, rows_v, tile_v,
            isems, gsems, osems):
        wid = lax.axis_index("s") * nc + lax.axis_index("c")
        u0 = wid * per_w
        iota = lax.iota(jnp.int32, 16)

        rots = [(iota + i) & 15 for i in range(16)]
        plane = [r >> 3 for r in rots]
        inpl = [(r & 7) * 128 + iota for r in rots]

        def unit_tp(u):
            t = u // ppt
            p = u - t * ppt
            return t, p

        def start_idx(s, u):
            t, p = unit_tp(u)
            off = pl.multiple_of(t * _B + p * _UB, 8)
            pltpu.async_copy(idx_hbm.at[pl.ds(off, _UB)], idx_v.at[s],
                             isems[s])

        def wait_idx(s):
            pltpu.make_async_copy(idx_hbm.at[pl.ds(0, _UB)], idx_v.at[s],
                                  isems[s]).wait()

        def start_gather(s):
            pltpu.async_copy(table_hbm.at[idx_v.at[s]], rows_v.at[s],
                             gsems[s])

        def wait_gather(s):
            pltpu.make_async_copy(table_hbm.at[idx_v.at[s]], rows_v.at[s],
                                  gsems[s]).wait()

        def start_out(s, u):
            t, p = unit_tp(u)
            pltpu.async_copy(tile_v.at[s],
                             out_hbm.at[t, :, pl.ds(p * _PL, _PL)],
                             osems[s])

        def wait_out(s):
            pltpu.make_async_copy(tile_v.at[s],
                                  out_hbm.at[0, :, pl.ds(0, _PL)],
                                  osems[s]).wait()

        def transpose(rs, ts):
            rows = rows_v.at[rs]
            tiles = tile_v.at[ts]

            def tbody(bg, carry):
                brow = iota + bg * 16
                wbv = (iota * 0) + ((bg >> 3) * 1024 + (bg & 7) * 16)
                for h in range(2):
                    for i in range(16):
                        val = plsc.load_gather(rows,
                                               [brow, rots[i] + h * 16])
                        plsc.store_scatter(
                            tiles, [plane[i] + 2 * h, inpl[i] + wbv], val)
                return carry

            lax.fori_loop(0, _UB // 16, tbody, 0)

        for s in range(_NG):
            start_idx(s, u0 + s)
        for s in range(2):
            wait_idx(s)
            start_gather(s)

        def body(k4, carry):
            for sv in range(_NG):
                k = k4 * _NG + sv
                ts = sv % _NO
                wait_gather(sv)

                @pl.when(k + 2 < per_w)
                def _():
                    s2 = (sv + 2) % _NG
                    wait_idx(s2)
                    start_gather(s2)

                @pl.when(k >= _NO)
                def _():
                    wait_out(ts)
                transpose(sv, ts)
                start_out(ts, u0 + k)

                @pl.when(k + _NG < per_w)
                def _():
                    start_idx(sv, u0 + k + _NG)
            return carry

        lax.fori_loop(0, per_w // _NG, body, 0)
        for s in range(_NO):
            wait_out(s)

    return run


def kernel(input, weight):
    idx_flat = jnp.transpose(input).reshape(-1).astype(jnp.int32)
    out3d = _gather_fn(weight.shape[0])(idx_flat, weight)
    out5d = out3d.reshape(_T, _D // 8, _B // 128, 8, 128)
    return jnp.transpose(out5d, (2, 4, 0, 1, 3)).reshape(_B, _T, _D)

# --- scband reference (transcript-rebuilt; emitter-appended) ---
"""Pipeline reference for scband-custom-embedding-30116310680247 (READ-ONLY COPY).

The authoritative reference and input builder live on the scoring server;
editing this copy changes nothing except your own understanding.
"""

import jax, jax.numpy as jnp
import numpy as np

NUM_EMBEDDINGS = 1000000
EMBEDDING_DIM = 32
BATCH = 16384
HIST_LEN = 200


def setup_inputs(seed: int = 0) -> dict:
    key = jax.random.key(seed)
    k_idx, k_w = jax.random.split(key)
    input_ids = jax.random.randint(k_idx, (BATCH, HIST_LEN), 0, NUM_EMBEDDINGS, dtype=jnp.int64 if jax.config.jax_enable_x64 else jnp.int32)
    weight = jax.random.normal(k_w, (NUM_EMBEDDINGS, EMBEDDING_DIM), dtype=jnp.float32)
    return {"input": input_ids, "weight": weight}


def reference(input, weight):
    # CustomEmbedding.forward: self.weight[input]
    return jnp.take(weight, input, axis=0)

if __name__ == "__main__":
    import jax
    _d = setup_inputs()
    print(jax.jit(kernel)(*tuple(_d.values())))

</pallas_src>

<mosaic_0001>
#map = affine_map<(d0, d1) -> (0)>
#map1 = affine_map<(d0, d1) -> (0, 0)>
#map2 = affine_map<(d0, d1) -> (0, 0, 0)>
module attributes {stable_mosaic.version = 14 : i64} {
  func.func @run(%arg0: i32, %arg1: i32, %arg2: memref<3276800xi32, #tpu.memory_space<hbm>>, %arg3: memref<1000000x32xf32, #tpu.memory_space<hbm>>, %arg4: memref<200x4x131072xf32, #tpu.memory_space<hbm>>, %arg5: memref<4x512xi32, #tpu.memory_space<vmem>>, %arg6: memref<4x512x32xf32, #tpu.memory_space<vmem>>, %arg7: memref<2x4x4096xf32, #tpu.memory_space<vmem>>, %arg8: memref<!tpu.dma_semaphore, #tpu.memory_space<semaphore_mem>>, %arg9: memref<!tpu.dma_semaphore, #tpu.memory_space<semaphore_mem>>, %arg10: memref<!tpu.dma_semaphore, #tpu.memory_space<semaphore_mem>>, %arg11: memref<!tpu.dma_semaphore, #tpu.memory_space<semaphore_mem>>, %arg12: memref<!tpu.dma_semaphore, #tpu.memory_space<semaphore_mem>>, %arg13: memref<!tpu.dma_semaphore, #tpu.memory_space<semaphore_mem>>, %arg14: memref<!tpu.dma_semaphore, #tpu.memory_space<semaphore_mem>>, %arg15: memref<!tpu.dma_semaphore, #tpu.memory_space<semaphore_mem>>, %arg16: memref<!tpu.dma_semaphore, #tpu.memory_space<semaphore_mem>>, %arg17: memref<!tpu.dma_semaphore, #tpu.memory_space<semaphore_mem>>) attributes {dimension_semantics = [#tpu.dimension_semantics<core_parallel>, #tpu.dimension_semantics<subcore_parallel>], iteration_bounds = array<i64: 2, 16>, scalar_prefetch = 0 : i64, scratch_operands = 13 : i64, tpu.core_type = #tpu.core_type<sc_vector_subcore>, window_params = [{transform_indices = #map}, {transform_indices = #map1}, {transform_indices = #map2}]} {
    %mul3A = arith.constant 2 : i32
    %mul3A_0 = arith.muli %arg1, %mul3A : i32
    %add3A = arith.addi %mul3A_0, %arg0 : i32
    %mul3A_1 = arith.constant 200 : i32
    %mul3A_2 = arith.muli %add3A, %mul3A_1 : i32
    %iota3A = tpu.iota {dimensions = array<i32: 0>} : vector<16xi32>
    %add3A_3 = arith.constant 0 : i32
    %add3A_4 = vector.broadcast %add3A_3 : i32 to vector<16xi32>
    %add3A_5 = arith.addi %iota3A, %add3A_4 : vector<16xi32>
    %and3A = arith.constant 15 : i32
    %and3A_6 = vector.broadcast %and3A : i32 to vector<16xi32>
    %and3A_7 = arith.andi %add3A_5, %and3A_6 : vector<16xi32>
    %add3A_8 = arith.constant 1 : i32
    %add3A_9 = vector.broadcast %add3A_8 : i32 to vector<16xi32>
    %add3A_10 = arith.addi %iota3A, %add3A_9 : vector<16xi32>
    %and3A_11 = arith.constant 15 : i32
    %and3A_12 = vector.broadcast %and3A_11 : i32 to vector<16xi32>
    %and3A_13 = arith.andi %add3A_10, %and3A_12 : vector<16xi32>
    %add3A_14 = arith.constant 2 : i32
    %add3A_15 = vector.broadcast %add3A_14 : i32 to vector<16xi32>
    %add3A_16 = arith.addi %iota3A, %add3A_15 : vector<16xi32>
    %and3A_17 = arith.constant 15 : i32
    %and3A_18 = vector.broadcast %and3A_17 : i32 to vector<16xi32>
    %and3A_19 = arith.andi %add3A_16, %and3A_18 : vector<16xi32>
    %add3A_20 = arith.constant 3 : i32
    %add3A_21 = vector.broadcast %add3A_20 : i32 to vector<16xi32>
    %add3A_22 = arith.addi %iota3A, %add3A_21 : vector<16xi32>
    %and3A_23 = arith.constant 15 : i32
    %and3A_24 = vector.broadcast %and3A_23 : i32 to vector<16xi32>
    %and3A_25 = arith.andi %add3A_22, %and3A_24 : vector<16xi32>
    %add3A_26 = arith.constant 4 : i32
    %add3A_27 = vector.broadcast %add3A_26 : i32 to vector<16xi32>
    %add3A_28 = arith.addi %iota3A, %add3A_27 : vector<16xi32>
    %and3A_29 = arith.constant 15 : i32
    %and3A_30 = vector.broadcast %and3A_29 : i32 to vector<16xi32>
    %and3A_31 = arith.andi %add3A_28, %and3A_30 : vector<16xi32>
    %add3A_32 = arith.constant 5 : i32
    %add3A_33 = vector.broadcast %add3A_32 : i32 to vector<16xi32>
    %add3A_34 = arith.addi %iota3A, %add3A_33 : vector<16xi32>
    %and3A_35 = arith.constant 15 : i32
    %and3A_36 = vector.broadcast %and3A_35 : i32 to vector<16xi32>
    %and3A_37 = arith.andi %add3A_34, %and3A_36 : vector<16xi32>
    %add3A_38 = arith.constant 6 : i32
    %add3A_39 = vector.broadcast %add3A_38 : i32 to vector<16xi32>
    %add3A_40 = arith.addi %iota3A, %add3A_39 : vector<16xi32>
    %and3A_41 = arith.constant 15 : i32
    %and3A_42 = vector.broadcast %and3A_41 : i32 to vector<16xi32>
    %and3A_43 = arith.andi %add3A_40, %and3A_42 : vector<16xi32>
    %add3A_44 = arith.constant 7 : i32
    %add3A_45 = vector.broadcast %add3A_44 : i32 to vector<16xi32>
    %add3A_46 = arith.addi %iota3A, %add3A_45 : vector<16xi32>
    %and3A_47 = arith.constant 15 : i32
    %and3A_48 = vector.broadcast %and3A_47 : i32 to vector<16xi32>
    %and3A_49 = arith.andi %add3A_46, %and3A_48 : vector<16xi32>
    %add3A_50 = arith.constant 8 : i32
    %add3A_51 = vector.broadcast %add3A_50 : i32 to vector<16xi32>
    %add3A_52 = arith.addi %iota3A, %add3A_51 : vector<16xi32>
    %and3A_53 = arith.constant 15 : i32
    %and3A_54 = vector.broadcast %and3A_53 : i32 to vector<16xi32>
    %and3A_55 = arith.andi %add3A_52, %and3A_54 : vector<16xi32>
    %add3A_56 = arith.constant 9 : i32
    %add3A_57 = vector.broadcast %add3A_56 : i32 to vector<16xi32>
    %add3A_58 = arith.addi %iota3A, %add3A_57 : vector<16xi32>
    %and3A_59 = arith.constant 15 : i32
    %and3A_60 = vector.broadcast %and3A_59 : i32 to vector<16xi32>
    %and3A_61 = arith.andi %add3A_58, %and3A_60 : vector<16xi32>
    %add3A_62 = arith.constant 10 : i32
    %add3A_63 = vector.broadcast %add3A_62 : i32 to vector<16xi32>
    %add3A_64 = arith.addi %iota3A, %add3A_63 : vector<16xi32>
    %and3A_65 = arith.constant 15 : i32
    %and3A_66 = vector.broadcast %and3A_65 : i32 to vector<16xi32>
    %and3A_67 = arith.andi %add3A_64, %and3A_66 : vector<16xi32>
    %add3A_68 = arith.constant 11 : i32
    %add3A_69 = vector.broadcast %add3A_68 : i32 to vector<16xi32>
    %add3A_70 = arith.addi %iota3A, %add3A_69 : vector<16xi32>
    %and3A_71 = arith.constant 15 : i32
    %and3A_72 = vector.broadcast %and3A_71 : i32 to vector<16xi32>
    %and3A_73 = arith.andi %add3A_70, %and3A_72 : vector<16xi32>
    %add3A_74 = arith.constant 12 : i32
    %add3A_75 = vector.broadcast %add3A_74 : i32 to vector<16xi32>
    %add3A_76 = arith.addi %iota3A, %add3A_75 : vector<16xi32>
    %and3A_77 = arith.constant 15 : i32
    %and3A_78 = vector.broadcast %and3A_77 : i32 to vector<16xi32>
    %and3A_79 = arith.andi %add3A_76, %and3A_78 : vector<16xi32>
    %add3A_80 = arith.constant 13 : i32
    %add3A_81 = vector.broadcast %add3A_80 : i32 to vector<16xi32>
    %add3A_82 = arith.addi %iota3A, %add3A_81 : vector<16xi32>
    %and3A_83 = arith.constant 15 : i32
    %and3A_84 = vector.broadcast %and3A_83 : i32 to vector<16xi32>
    %and3A_85 = arith.andi %add3A_82, %and3A_84 : vector<16xi32>
    %add3A_86 = arith.constant 14 : i32
    %add3A_87 = vector.broadcast %add3A_86 : i32 to vector<16xi32>
    %add3A_88 = arith.addi %iota3A, %add3A_87 : vector<16xi32>
    %and3A_89 = arith.constant 15 : i32
    %and3A_90 = vector.broadcast %and3A_89 : i32 to vector<16xi32>
    %and3A_91 = arith.andi %add3A_88, %and3A_90 : vector<16xi32>
    %add3A_92 = arith.constant 15 : i32
    %add3A_93 = vector.broadcast %add3A_92 : i32 to vector<16xi32>
    %add3A_94 = arith.addi %iota3A, %add3A_93 : vector<16xi32>
    %and3A_95 = arith.constant 15 : i32
    %and3A_96 = vector.broadcast %and3A_95 : i32 to vector<16xi32>
    %and3A_97 = arith.andi %add3A_94, %and3A_96 : vector<16xi32>
    %shift_right_arithmetic3A = arith.constant 3 : i32
    %shift_right_arithmetic3A_98 = vector.broadcast %shift_right_arithmetic3A : i32 to vector<16xi32>
    %shift_right_arithmetic3A_99 = arith.shrsi %and3A_7, %shift_right_arithmetic3A_98 : vector<16xi32>
    %shift_right_arithmetic3A_100 = arith.constant 3 : i32
    %shift_right_arithmetic3A_101 = vector.broadcast %shift_right_arithmetic3A_100 : i32 to vector<16xi32>
    %shift_right_arithmetic3A_102 = arith.shrsi %and3A_13, %shift_right_arithmetic3A_101 : vector<16xi32>
    %shift_right_arithmetic3A_103 = arith.constant 3 : i32
    %shift_right_arithmetic3A_104 = vector.broadcast %shift_right_arithmetic3A_103 : i32 to vector<16xi32>
    %shift_right_arithmetic3A_105 = arith.shrsi %and3A_19, %shift_right_arithmetic3A_104 : vector<16xi32>
    %shift_right_arithmetic3A_106 = arith.constant 3 : i32
    %shift_right_arithmetic3A_107 = vector.broadcast %shift_right_arithmetic3A_106 : i32 to vector<16xi32>
    %shift_right_arithmetic3A_108 = arith.shrsi %and3A_25, %shift_right_arithmetic3A_107 : vector<16xi32>
    %shift_right_arithmetic3A_109 = arith.constant 3 : i32
    %shift_right_arithmetic3A_110 = vector.broadcast %shift_right_arithmetic3A_109 : i32 to vector<16xi32>
    %shift_right_arithmetic3A_111 = arith.shrsi %and3A_31, %shift_right_arithmetic3A_110 : vector<16xi32>
    %shift_right_arithmetic3A_112 = arith.constant 3 : i32
    %shift_right_arithmetic3A_113 = vector.broadcast %shift_right_arithmetic3A_112 : i32 to vector<16xi32>
    %shift_right_arithmetic3A_114 = arith.shrsi %and3A_37, %shift_right_arithmetic3A_113 : vector<16xi32>
    %shift_right_arithmetic3A_115 = arith.constant 3 : i32
    %shift_right_arithmetic3A_116 = vector.broadcast %shift_right_arithmetic3A_115 : i32 to vector<16xi32>
    %shift_right_arithmetic3A_117 = arith.shrsi %and3A_43, %shift_right_arithmetic3A_116 : vector<16xi32>
    %shift_right_arithmetic3A_118 = arith.constant 3 : i32
    %shift_right_arithmetic3A_119 = vector.broadcast %shift_right_arithmetic3A_118 : i32 to vector<16xi32>
    %shift_right_arithmetic3A_120 = arith.shrsi %and3A_49, %shift_right_arithmetic3A_119 : vector<16xi32>
    %shift_right_arithmetic3A_121 = arith.constant 3 : i32
    %shift_right_arithmetic3A_122 = vector.broadcast %shift_right_arithmetic3A_121 : i32 to vector<16xi32>
    %shift_right_arithmetic3A_123 = arith.shrsi %and3A_55, %shift_right_arithmetic3A_122 : vector<16xi32>
    %shift_right_arithmetic3A_124 = arith.constant 3 : i32
    %shift_right_arithmetic3A_125 = vector.broadcast %shift_right_arithmetic3A_124 : i32 to vector<16xi32>
    %shift_right_arithmetic3A_126 = arith.shrsi %and3A_61, %shift_right_arithmetic3A_125 : vector<16xi32>
    %shift_right_arithmetic3A_127 = arith.constant 3 : i32
    %shift_right_arithmetic3A_128 = vector.broadcast %shift_right_arithmetic3A_127 : i32 to vector<16xi32>
    %shift_right_arithmetic3A_129 = arith.shrsi %and3A_67, %shift_right_arithmetic3A_128 : vector<16xi32>
    %shift_right_arithmetic3A_130 = arith.constant 3 : i32
    %shift_right_arithmetic3A_131 = vector.broadcast %shift_right_arithmetic3A_130 : i32 to vector<16xi32>
    %shift_right_arithmetic3A_132 = arith.shrsi %and3A_73, %shift_right_arithmetic3A_131 : vector<16xi32>
    %shift_right_arithmetic3A_133 = arith.constant 3 : i32
    %shift_right_arithmetic3A_134 = vector.broadcast %shift_right_arithmetic3A_133 : i32 to vector<16xi32>
    %shift_right_arithmetic3A_135 = arith.shrsi %and3A_79, %shift_right_arithmetic3A_134 : vector<16xi32>
    %shift_right_arithmetic3A_136 = arith.constant 3 : i32
    %shift_right_arithmetic3A_137 = vector.broadcast %shift_right_arithmetic3A_136 : i32 to vector<16xi32>
    %shift_right_arithmetic3A_138 = arith.shrsi %and3A_85, %shift_right_arithmetic3A_137 : vector<16xi32>
    %shift_right_arithmetic3A_139 = arith.constant 3 : i32
    %shift_right_arithmetic3A_140 = vector.broadcast %shift_right_arithmetic3A_139 : i32 to vector<16xi32>
    %shift_right_arithmetic3A_141 = arith.shrsi %and3A_91, %shift_right_arithmetic3A_140 : vector<16xi32>
    %shift_right_arithmetic3A_142 = arith.constant 3 : i32
    %shift_right_arithmetic3A_143 = vector.broadcast %shift_right_arithmetic3A_142 : i32 to vector<16xi32>
    %shift_right_arithmetic3A_144 = arith.shrsi %and3A_97, %shift_right_arithmetic3A_143 : vector<16xi32>
    %and3A_145 = arith.constant 7 : i32
    %and3A_146 = vector.broadcast %and3A_145 : i32 to vector<16xi32>
    %and3A_147 = arith.andi %and3A_7, %and3A_146 : vector<16xi32>
    %mul3A_148 = arith.constant 128 : i32
    %mul3A_149 = vector.broadcast %mul3A_148 : i32 to vector<16xi32>
    %mul3A_150 = arith.muli %and3A_147, %mul3A_149 : vector<16xi32>
    %add3A_151 = arith.addi %mul3A_150, %iota3A : vector<16xi32>
    %and3A_152 = arith.constant 7 : i32
    %and3A_153 = vector.broadcast %and3A_152 : i32 to vector<16xi32>
    %and3A_154 = arith.andi %and3A_13, %and3A_153 : vector<16xi32>
    %mul3A_155 = arith.constant 128 : i32
    %mul3A_156 = vector.broadcast %mul3A_155 : i32 to vector<16xi32>
    %mul3A_157 = arith.muli %and3A_154, %mul3A_156 : vector<16xi32>
    %add3A_158 = arith.addi %mul3A_157, %iota3A : vector<16xi32>
    %and3A_159 = arith.constant 7 : i32
    %and3A_160 = vector.broadcast %and3A_159 : i32 to vector<16xi32>
    %and3A_161 = arith.andi %and3A_19, %and3A_160 : vector<16xi32>
    %mul3A_162 = arith.constant 128 : i32
    %mul3A_163 = vector.broadcast %mul3A_162 : i32 to vector<16xi32>
    %mul3A_164 = arith.muli %and3A_161, %mul3A_163 : vector<16xi32>
    %add3A_165 = arith.addi %mul3A_164, %iota3A : vector<16xi32>
    %and3A_166 = arith.constant 7 : i32
    %and3A_167 = vector.broadcast %and3A_166 : i32 to vector<16xi32>
    %and3A_168 = arith.andi %and3A_25, %and3A_167 : vector<16xi32>
    %mul3A_169 = arith.constant 128 : i32
    %mul3A_170 = vector.broadcast %mul3A_169 : i32 to vector<16xi32>
    %mul3A_171 = arith.muli %and3A_168, %mul3A_170 : vector<16xi32>
    %add3A_172 = arith.addi %mul3A_171, %iota3A : vector<16xi32>
    %and3A_173 = arith.constant 7 : i32
    %and3A_174 = vector.broadcast %and3A_173 : i32 to vector<16xi32>
    %and3A_175 = arith.andi %and3A_31, %and3A_174 : vector<16xi32>
    %mul3A_176 = arith.constant 128 : i32
    %mul3A_177 = vector.broadcast %mul3A_176 : i32 to vector<16xi32>
    %mul3A_178 = arith.muli %and3A_175, %mul3A_177 : vector<16xi32>
    %add3A_179 = arith.addi %mul3A_178, %iota3A : vector<16xi32>
    %and3A_180 = arith.constant 7 : i32
    %and3A_181 = vector.broadcast %and3A_180 : i32 to vector<16xi32>
    %and3A_182 = arith.andi %and3A_37, %and3A_181 : vector<16xi32>
    %mul3A_183 = arith.constant 128 : i32
    %mul3A_184 = vector.broadcast %mul3A_183 : i32 to vector<16xi32>
    %mul3A_185 = arith.muli %and3A_182, %mul3A_184 : vector<16xi32>
    %add3A_186 = arith.addi %mul3A_185, %iota3A : vector<16xi32>
    %and3A_187 = arith.constant 7 : i32
    %and3A_188 = vector.broadcast %and3A_187 : i32 to vector<16xi32>
    %and3A_189 = arith.andi %and3A_43, %and3A_188 : vector<16xi32>
    %mul3A_190 = arith.constant 128 : i32
    %mul3A_191 = vector.broadcast %mul3A_190 : i32 to vector<16xi32>
    %mul3A_192 = arith.muli %and3A_189, %mul3A_191 : vector<16xi32>
    %add3A_193 = arith.addi %mul3A_192, %iota3A : vector<16xi32>
    %and3A_194 = arith.constant 7 : i32
    %and3A_195 = vector.broadcast %and3A_194 : i32 to vector<16xi32>
    %and3A_196 = arith.andi %and3A_49, %and3A_195 : vector<16xi32>
    %mul3A_197 = arith.constant 128 : i32
    %mul3A_198 = vector.broadcast %mul3A_197 : i32 to vector<16xi32>
    %mul3A_199 = arith.muli %and3A_196, %mul3A_198 : vector<16xi32>
    %add3A_200 = arith.addi %mul3A_199, %iota3A : vector<16xi32>
    %and3A_201 = arith.constant 7 : i32
    %and3A_202 = vector.broadcast %and3A_201 : i32 to vector<16xi32>
    %and3A_203 = arith.andi %and3A_55, %and3A_202 : vector<16xi32>
    %mul3A_204 = arith.constant 128 : i32
    %mul3A_205 = vector.broadcast %mul3A_204 : i32 to vector<16xi32>
    %mul3A_206 = arith.muli %and3A_203, %mul3A_205 : vector<16xi32>
    %add3A_207 = arith.addi %mul3A_206, %iota3A : vector<16xi32>
    %and3A_208 = arith.constant 7 : i32
    %and3A_209 = vector.broadcast %and3A_208 : i32 to vector<16xi32>
    %and3A_210 = arith.andi %and3A_61, %and3A_209 : vector<16xi32>
    %mul3A_211 = arith.constant 128 : i32
    %mul3A_212 = vector.broadcast %mul3A_211 : i32 to vector<16xi32>
    %mul3A_213 = arith.muli %and3A_210, %mul3A_212 : vector<16xi32>
    %add3A_214 = arith.addi %mul3A_213, %iota3A : vector<16xi32>
    %and3A_215 = arith.constant 7 : i32
    %and3A_216 = vector.broadcast %and3A_215 : i32 to vector<16xi32>
    %and3A_217 = arith.andi %and3A_67, %and3A_216 : vector<16xi32>
    %mul3A_218 = arith.constant 128 : i32
    %mul3A_219 = vector.broadcast %mul3A_218 : i32 to vector<16xi32>
    %mul3A_220 = arith.muli %and3A_217, %mul3A_219 : vector<16xi32>
    %add3A_221 = arith.addi %mul3A_220, %iota3A : vector<16xi32>
    %and3A_222 = arith.constant 7 : i32
    %and3A_223 = vector.broadcast %and3A_222 : i32 to vector<16xi32>
    %and3A_224 = arith.andi %and3A_73, %and3A_223 : vector<16xi32>
    %mul3A_225 = arith.constant 128 : i32
    %mul3A_226 = vector.broadcast %mul3A_225 : i32 to vector<16xi32>
    %mul3A_227 = arith.muli %and3A_224, %mul3A_226 : vector<16xi32>
    %add3A_228 = arith.addi %mul3A_227, %iota3A : vector<16xi32>
    %and3A_229 = arith.constant 7 : i32
    %and3A_230 = vector.broadcast %and3A_229 : i32 to vector<16xi32>
    %and3A_231 = arith.andi %and3A_79, %and3A_230 : vector<16xi32>
    %mul3A_232 = arith.constant 128 : i32
    %mul3A_233 = vector.broadcast %mul3A_232 : i32 to vector<16xi32>
    %mul3A_234 = arith.muli %and3A_231, %mul3A_233 : vector<16xi32>
    %add3A_235 = arith.addi %mul3A_234, %iota3A : vector<16xi32>
    %and3A_236 = arith.constant 7 : i32
    %and3A_237 = vector.broadcast %and3A_236 : i32 to vector<16xi32>
    %and3A_238 = arith.andi %and3A_85, %and3A_237 : vector<16xi32>
    %mul3A_239 = arith.constant 128 : i32
    %mul3A_240 = vector.broadcast %mul3A_239 : i32 to vector<16xi32>
    %mul3A_241 = arith.muli %and3A_238, %mul3A_240 : vector<16xi32>
    %add3A_242 = arith.addi %mul3A_241, %iota3A : vector<16xi32>
    %and3A_243 = arith.constant 7 : i32
    %and3A_244 = vector.broadcast %and3A_243 : i32 to vector<16xi32>
    %and3A_245 = arith.andi %and3A_91, %and3A_244 : vector<16xi32>
    %mul3A_246 = arith.constant 128 : i32
    %mul3A_247 = vector.broadcast %mul3A_246 : i32 to vector<16xi32>
    %mul3A_248 = arith.muli %and3A_245, %mul3A_247 : vector<16xi32>
    %add3A_249 = arith.addi %mul3A_248, %iota3A : vector<16xi32>
    %and3A_250 = arith.constant 7 : i32
    %and3A_251 = vector.broadcast %and3A_250 : i32 to vector<16xi32>
    %and3A_252 = arith.andi %and3A_97, %and3A_251 : vector<16xi32>
    %mul3A_253 = arith.constant 128 : i32
    %mul3A_254 = vector.broadcast %mul3A_253 : i32 to vector<16xi32>
    %mul3A_255 = arith.muli %and3A_252, %mul3A_254 : vector<16xi32>
    %add3A_256 = arith.addi %mul3A_255, %iota3A : vector<16xi32>
    %add3A_257 = arith.constant 0 : i32
    %add3A_258 = arith.addi %mul3A_2, %add3A_257 : i32
    %jit3A = arith.constant 32 : i32
    %div3A = arith.divsi %add3A_258, %jit3A : i32
    %sign3A = arith.constant 0 : i32
    %sign3A_259 = arith.cmpi sgt, %add3A_258, %sign3A : i32
    %sign3A_260 = arith.extui %sign3A_259 : i1 to i32
    %sign3A_261 = arith.constant 0 : i32
    %sign3A_262 = arith.cmpi slt, %add3A_258, %sign3A_261 : i32
    %sign3A_263 = arith.extui %sign3A_262 : i1 to i32
    %sign3A_264 = arith.subi %sign3A_260, %sign3A_263 : i32
    %sign3A_265 = arith.constant 0 : i32
    %sign3A_266 = arith.cmpi sgt, %jit3A, %sign3A_265 : i32
    %sign3A_267 = arith.extui %sign3A_266 : i1 to i32
    %sign3A_268 = arith.constant 0 : i32
    %sign3A_269 = arith.cmpi slt, %jit3A, %sign3A_268 : i32
    %sign3A_270 = arith.extui %sign3A_269 : i1 to i32
    %sign3A_271 = arith.subi %sign3A_267, %sign3A_270 : i32
    %ne3A = arith.cmpi ne, %sign3A_264, %sign3A_271 : i32
    %rem3A = arith.remsi %add3A_258, %jit3A : i32
    %ne3A_272 = arith.constant 0 : i32
    %ne3A_273 = arith.cmpi ne, %rem3A, %ne3A_272 : i32
    %and3A_274 = arith.andi %ne3A, %ne3A_273 : i1
    %sub3A = arith.constant 1 : i32
    %sub3A_275 = arith.subi %div3A, %sub3A : i32
    %select_n3A = arith.select %and3A_274, %sub3A_275, %div3A : i32
    %mul3A_276 = arith.constant 32 : i32
    %mul3A_277 = arith.muli %select_n3A, %mul3A_276 : i32
    %sub3A_278 = arith.subi %add3A_258, %mul3A_277 : i32
    %mul3A_279 = arith.constant 16384 : i32
    %mul3A_280 = arith.muli %select_n3A, %mul3A_279 : i32
    %mul3A_281 = arith.constant 512 : i32
    %mul3A_282 = arith.muli %sub3A_278, %mul3A_281 : i32
    %add3A_283 = arith.addi %mul3A_280, %mul3A_282 : i32
    %multiple_of3A = tpu.assume_multiple %add3A_283, 8 : i32
    %dma_start3A = arith.constant 0 : i32
    %dma_start3A_284 = arith.constant 0 : i32
    %dma_start3A_285 = tpu.memref_slice %arg5[%dma_start3A, %dma_start3A_284] : memref<4x512xi32, #tpu.memory_space<vmem>> -> memref<1x512xi32, #tpu.memory_space<vmem>>
    %dma_start3A_286 = tpu.memref_squeeze %dma_start3A_285 : memref<1x512xi32, #tpu.memory_space<vmem>> -> memref<512xi32, #tpu.memory_space<vmem>>
    %dma_start3A_287 = tpu.memref_slice %arg2[%multiple_of3A] : memref<3276800xi32, #tpu.memory_space<hbm>> -> memref<512xi32, #tpu.memory_space<hbm>>
    %dma_start3A_288 = arith.constant 0 : i32
    %dma_start3A_289 = tpu.memref_slice %arg5[%dma_start3A, %dma_start3A_288] : memref<4x512xi32, #tpu.memory_space<vmem>> -> memref<1x512xi32, #tpu.memory_space<vmem>>
    %dma_start3A_290 = tpu.memref_squeeze %dma_start3A_289 : memref<1x512xi32, #tpu.memory_space<vmem>> -> memref<512xi32, #tpu.memory_space<vmem>>
    %dma_start3A_291 = tpu.memref_slice %arg2[%multiple_of3A] : memref<3276800xi32, #tpu.memory_space<hbm>> -> memref<512xi32, #tpu.memory_space<hbm>>
    tpu.enqueue_dma source(%dma_start3A_291 : memref<512xi32, #tpu.memory_space<hbm>>) target(%dma_start3A_290 : memref<512xi32, #tpu.memory_space<vmem>>) target_semaphore(%arg8 : memref<!tpu.dma_semaphore, #tpu.memory_space<semaphore_mem>>)
    %add3A_292 = arith.constant 1 : i32
    %add3A_293 = arith.addi %mul3A_2, %add3A_292 : i32
    %jit3A_294 = arith.constant 32 : i32
    %div3A_295 = arith.divsi %add3A_293, %jit3A_294 : i32
    %sign3A_296 = arith.constant 0 : i32
    %sign3A_297 = arith.cmpi sgt, %add3A_293, %sign3A_296 : i32
    %sign3A_298 = arith.extui %sign3A_297 : i1 to i32
    %sign3A_299 = arith.constant 0 : i32
    %sign3A_300 = arith.cmpi slt, %add3A_293, %sign3A_299 : i32
    %sign3A_301 = arith.extui %sign3A_300 : i1 to i32
    %sign3A_302 = arith.subi %sign3A_298, %sign3A_301 : i32
    %sign3A_303 = arith.constant 0 : i32
    %sign3A_304 = arith.cmpi sgt, %jit3A_294, %sign3A_303 : i32
    %sign3A_305 = arith.extui %sign3A_304 : i1 to i32
    %sign3A_306 = arith.constant 0 : i32
    %sign3A_307 = arith.cmpi slt, %jit3A_294, %sign3A_306 : i32
    %sign3A_308 = arith.extui %sign3A_307 : i1 to i32
    %sign3A_309 = arith.subi %sign3A_305, %sign3A_308 : i32
    %ne3A_310 = arith.cmpi ne, %sign3A_302, %sign3A_309 : i32
    %rem3A_311 = arith.remsi %add3A_293, %jit3A_294 : i32
    %ne3A_312 = arith.constant 0 : i32
    %ne3A_313 = arith.cmpi ne, %rem3A_311, %ne3A_312 : i32
    %and3A_314 = arith.andi %ne3A_310, %ne3A_313 : i1
    %sub3A_315 = arith.constant 1 : i32
    %sub3A_316 = arith.subi %div3A_295, %sub3A_315 : i32
    %select_n3A_317 = arith.select %and3A_314, %sub3A_316, %div3A_295 : i32
    %mul3A_318 = arith.constant 32 : i32
    %mul3A_319 = arith.muli %select_n3A_317, %mul3A_318 : i32
    %sub3A_320 = arith.subi %add3A_293, %mul3A_319 : i32
    %mul3A_321 = arith.constant 16384 : i32
    %mul3A_322 = arith.muli %select_n3A_317, %mul3A_321 : i32
    %mul3A_323 = arith.constant 512 : i32
    %mul3A_324 = arith.muli %sub3A_320, %mul3A_323 : i32
    %add3A_325 = arith.addi %mul3A_322, %mul3A_324 : i32
    %multiple_of3A_326 = tpu.assume_multiple %add3A_325, 8 : i32
    %dma_start3A_327 = arith.constant 1 : i32
    %dma_start3A_328 = arith.constant 0 : i32
    %dma_start3A_329 = tpu.memref_slice %arg5[%dma_start3A_327, %dma_start3A_328] : memref<4x512xi32, #tpu.memory_space<vmem>> -> memref<1x512xi32, #tpu.memory_space<vmem>>
    %dma_start3A_330 = tpu.memref_squeeze %dma_start3A_329 : memref<1x512xi32, #tpu.memory_space<vmem>> -> memref<512xi32, #tpu.memory_space<vmem>>
    %dma_start3A_331 = tpu.memref_slice %arg2[%multiple_of3A_326] : memref<3276800xi32, #tpu.memory_space<hbm>> -> memref<512xi32, #tpu.memory_space<hbm>>
    %dma_start3A_332 = arith.constant 0 : i32
    %dma_start3A_333 = tpu.memref_slice %arg5[%dma_start3A_327, %dma_start3A_332] : memref<4x512xi32, #tpu.memory_space<vmem>> -> memref<1x512xi32, #tpu.memory_space<vmem>>
    %dma_start3A_334 = tpu.memref_squeeze %dma_start3A_333 : memref<1x512xi32, #tpu.memory_space<vmem>> -> memref<512xi32, #tpu.memory_space<vmem>>
    %dma_start3A_335 = tpu.memref_slice %arg2[%multiple_of3A_326] : memref<3276800xi32, #tpu.memory_space<hbm>> -> memref<512xi32, #tpu.memory_space<hbm>>
    tpu.enqueue_dma source(%dma_start3A_335 : memref<512xi32, #tpu.memory_space<hbm>>) target(%dma_start3A_334 : memref<512xi32, #tpu.memory_space<vmem>>) target_semaphore(%arg9 : memref<!tpu.dma_semaphore, #tpu.memory_space<semaphore_mem>>)
    %add3A_336 = arith.constant 2 : i32
    %add3A_337 = arith.addi %mul3A_2, %add3A_336 : i32
    %jit3A_338 = arith.constant 32 : i32
    %div3A_339 = arith.divsi %add3A_337, %jit3A_338 : i32
    %sign3A_340 = arith.constant 0 : i32
    %sign3A_341 = arith.cmpi sgt, %add3A_337, %sign3A_340 : i32
    %sign3A_342 = arith.extui %sign3A_341 : i1 to i32
    %sign3A_343 = arith.constant 0 : i32
    %sign3A_344 = arith.cmpi slt, %add3A_337, %sign3A_343 : i32
    %sign3A_345 = arith.extui %sign3A_344 : i1 to i32
    %sign3A_346 = arith.subi %sign3A_342, %sign3A_345 : i32
    %sign3A_347 = arith.constant 0 : i32
    %sign3A_348 = arith.cmpi sgt, %jit3A_338, %sign3A_347 : i32
    %sign3A_349 = arith.extui %sign3A_348 : i1 to i32
    %sign3A_350 = arith.constant 0 : i32
    %sign3A_351 = arith.cmpi slt, %jit3A_338, %sign3A_350 : i32
    %sign3A_352 = arith.extui %sign3A_351 : i1 to i32
    %sign3A_353 = arith.subi %sign3A_349, %sign3A_352 : i32
    %ne3A_354 = arith.cmpi ne, %sign3A_346, %sign3A_353 : i32
    %rem3A_355 = arith.remsi %add3A_337, %jit3A_338 : i32
    %ne3A_356 = arith.constant 0 : i32
    %ne3A_357 = arith.cmpi ne, %rem3A_355, %ne3A_356 : i32
    %and3A_358 = arith.andi %ne3A_354, %ne3A_357 : i1
    %sub3A_359 = arith.constant 1 : i32
    %sub3A_360 = arith.subi %div3A_339, %sub3A_359 : i32
    %select_n3A_361 = arith.select %and3A_358, %sub3A_360, %div3A_339 : i32
    %mul3A_362 = arith.constant 32 : i32
    %mul3A_363 = arith.muli %select_n3A_361, %mul3A_362 : i32
    %sub3A_364 = arith.subi %add3A_337, %mul3A_363 : i32
    %mul3A_365 = arith.constant 16384 : i32
    %mul3A_366 = arith.muli %select_n3A_361, %mul3A_365 : i32
    %mul3A_367 = arith.constant 512 : i32
    %mul3A_368 = arith.muli %sub3A_364, %mul3A_367 : i32
    %add3A_369 = arith.addi %mul3A_366, %mul3A_368 : i32
    %multiple_of3A_370 = tpu.assume_multiple %add3A_369, 8 : i32
    %dma_start3A_371 = arith.constant 2 : i32
    %dma_start3A_372 = arith.constant 0 : i32
    %dma_start3A_373 = tpu.memref_slice %arg5[%dma_start3A_371, %dma_start3A_372] : memref<4x512xi32, #tpu.memory_space<vmem>> -> memref<1x512xi32, #tpu.memory_space<vmem>>
    %dma_start3A_374 = tpu.memref_squeeze %dma_start3A_373 : memref<1x512xi32, #tpu.memory_space<vmem>> -> memref<512xi32, #tpu.memory_space<vmem>>
    %dma_start3A_375 = tpu.memref_slice %arg2[%multiple_of3A_370] : memref<3276800xi32, #tpu.memory_space<hbm>> -> memref<512xi32, #tpu.memory_space<hbm>>
    %dma_start3A_376 = arith.constant 0 : i32
    %dma_start3A_377 = tpu.memref_slice %arg5[%dma_start3A_371, %dma_start3A_376] : memref<4x512xi32, #tpu.memory_space<vmem>> -> memref<1x512xi32, #tpu.memory_space<vmem>>
    %dma_start3A_378 = tpu.memref_squeeze %dma_start3A_377 : memref<1x512xi32, #tpu.memory_space<vmem>> -> memref<512xi32, #tpu.memory_space<vmem>>
    %dma_start3A_379 = tpu.memref_slice %arg2[%multiple_of3A_370] : memref<3276800xi32, #tpu.memory_space<hbm>> -> memref<512xi32, #tpu.memory_space<hbm>>
    tpu.enqueue_dma source(%dma_start3A_379 : memref<512xi32, #tpu.memory_space<hbm>>) target(%dma_start3A_378 : memref<512xi32, #tpu.memory_space<vmem>>) target_semaphore(%arg10 : memref<!tpu.dma_semaphore, #tpu.memory_space<semaphore_mem>>)
    %add3A_380 = arith.constant 3 : i32
    %add3A_381 = arith.addi %mul3A_2, %add3A_380 : i32
    %jit3A_382 = arith.constant 32 : i32
    %div3A_383 = arith.divsi %add3A_381, %jit3A_382 : i32
    %sign3A_384 = arith.constant 0 : i32
    %sign3A_385 = arith.cmpi sgt, %add3A_381, %sign3A_384 : i32
    %sign3A_386 = arith.extui %sign3A_385 : i1 to i32
    %sign3A_387 = arith.constant 0 : i32
    %sign3A_388 = arith.cmpi slt, %add3A_381, %sign3A_387 : i32
    %sign3A_389 = arith.extui %sign3A_388 : i1 to i32
    %sign3A_390 = arith.subi %sign3A_386, %sign3A_389 : i32
    %sign3A_391 = arith.constant 0 : i32
    %sign3A_392 = arith.cmpi sgt, %jit3A_382, %sign3A_391 : i32
    %sign3A_393 = arith.extui %sign3A_392 : i1 to i32
    %sign3A_394 = arith.constant 0 : i32
    %sign3A_395 = arith.cmpi slt, %jit3A_382, %sign3A_394 : i32
    %sign3A_396 = arith.extui %sign3A_395 : i1 to i32
    %sign3A_397 = arith.subi %sign3A_393, %sign3A_396 : i32
    %ne3A_398 = arith.cmpi ne, %sign3A_390, %sign3A_397 : i32
    %rem3A_399 = arith.remsi %add3A_381, %jit3A_382 : i32
    %ne3A_400 = arith.constant 0 : i32
    %ne3A_401 = arith.cmpi ne, %rem3A_399, %ne3A_400 : i32
    %and3A_402 = arith.andi %ne3A_398, %ne3A_401 : i1
    %sub3A_403 = arith.constant 1 : i32
    %sub3A_404 = arith.subi %div3A_383, %sub3A_403 : i32
    %select_n3A_405 = arith.select %and3A_402, %sub3A_404, %div3A_383 : i32
    %mul3A_406 = arith.constant 32 : i32
    %mul3A_407 = arith.muli %select_n3A_405, %mul3A_406 : i32
    %sub3A_408 = arith.subi %add3A_381, %mul3A_407 : i32
    %mul3A_409 = arith.constant 16384 : i32
    %mul3A_410 = arith.muli %select_n3A_405, %mul3A_409 : i32
    %mul3A_411 = arith.constant 512 : i32
    %mul3A_412 = arith.muli %sub3A_408, %mul3A_411 : i32
    %add3A_413 = arith.addi %mul3A_410, %mul3A_412 : i32
    %multiple_of3A_414 = tpu.assume_multiple %add3A_413, 8 : i32
    %dma_start3A_415 = arith.constant 3 : i32
    %dma_start3A_416 = arith.constant 0 : i32
    %dma_start3A_417 = tpu.memref_slice %arg5[%dma_start3A_415, %dma_start3A_416] : memref<4x512xi32, #tpu.memory_space<vmem>> -> memref<1x512xi32, #tpu.memory_space<vmem>>
    %dma_start3A_418 = tpu.memref_squeeze %dma_start3A_417 : memref<1x512xi32, #tpu.memory_space<vmem>> -> memref<512xi32, #tpu.memory_space<vmem>>
    %dma_start3A_419 = tpu.memref_slice %arg2[%multiple_of3A_414] : memref<3276800xi32, #tpu.memory_space<hbm>> -> memref<512xi32, #tpu.memory_space<hbm>>
    %dma_start3A_420 = arith.constant 0 : i32
    %dma_start3A_421 = tpu.memref_slice %arg5[%dma_start3A_415, %dma_start3A_420] : memref<4x512xi32, #tpu.memory_space<vmem>> -> memref<1x512xi32, #tpu.memory_space<vmem>>
    %dma_start3A_422 = tpu.memref_squeeze %dma_start3A_421 : memref<1x512xi32, #tpu.memory_space<vmem>> -> memref<512xi32, #tpu.memory_space<vmem>>
    %dma_start3A_423 = tpu.memref_slice %arg2[%multiple_of3A_414] : memref<3276800xi32, #tpu.memory_space<hbm>> -> memref<512xi32, #tpu.memory_space<hbm>>
    tpu.enqueue_dma source(%dma_start3A_423 : memref<512xi32, #tpu.memory_space<hbm>>) target(%dma_start3A_422 : memref<512xi32, #tpu.memory_space<vmem>>) target_semaphore(%arg11 : memref<!tpu.dma_semaphore, #tpu.memory_space<semaphore_mem>>)
    %dma_wait3A = arith.constant 0 : i32
    %dma_wait3A_424 = arith.constant 0 : i32
    %dma_wait3A_425 = tpu.memref_slice %arg5[%dma_wait3A, %dma_wait3A_424] : memref<4x512xi32, #tpu.memory_space<vmem>> -> memref<1x512xi32, #tpu.memory_space<vmem>>
    %dma_wait3A_426 = tpu.memref_squeeze %dma_wait3A_425 : memref<1x512xi32, #tpu.memory_space<vmem>> -> memref<512xi32, #tpu.memory_space<vmem>>
    %dma_wait3A_427 = arith.constant 0 : i32
    %dma_wait3A_428 = tpu.memref_slice %arg2[%dma_wait3A_427] : memref<3276800xi32, #tpu.memory_space<hbm>> -> memref<512xi32, #tpu.memory_space<hbm>>
    %dma_wait3A_429 = arith.constant 0 : i32
    %dma_wait3A_430 = tpu.memref_slice %arg5[%dma_wait3A, %dma_wait3A_429] : memref<4x512xi32, #tpu.memory_space<vmem>> -> memref<1x512xi32, #tpu.memory_space<vmem>>
    %dma_wait3A_431 = tpu.memref_squeeze %dma_wait3A_430 : memref<1x512xi32, #tpu.memory_space<vmem>> -> memref<512xi32, #tpu.memory_space<vmem>>
    %dma_wait3A_432 = arith.constant 0 : i32
    %dma_wait3A_433 = tpu.memref_slice %arg2[%dma_wait3A_432] : memref<3276800xi32, #tpu.memory_space<hbm>> -> memref<512xi32, #tpu.memory_space<hbm>>
    tpu.wait_dma2 semaphore(%arg8 : memref<!tpu.dma_semaphore, #tpu.memory_space<semaphore_mem>>) src(%dma_wait3A_433 : memref<512xi32, #tpu.memory_space<hbm>>) dst(%dma_wait3A_431 : memref<512xi32, #tpu.memory_space<vmem>>)
    %dma_start3A_434 = arith.constant 0 : i32
    %dma_start3A_435 = arith.constant 0 : i32
    %dma_start3A_436 = arith.constant 0 : i32
    %dma_start3A_437 = arith.constant 0 : i32
    %dma_start3A_438 = tpu.memref_slice %arg6[%dma_start3A_435, %dma_start3A_436, %dma_start3A_437] : memref<4x512x32xf32, #tpu.memory_space<vmem>> -> memref<1x512x32xf32, #tpu.memory_space<vmem>>
    %dma_start3A_439 = tpu.memref_squeeze %dma_start3A_438 : memref<1x512x32xf32, #tpu.memory_space<vmem>> -> memref<512x32xf32, #tpu.memory_space<vmem>>
    %dma_start3A_440 = arith.constant 0 : i32
    %dma_start3A_441 = tpu.memref_slice %arg5[%dma_start3A_434, %dma_start3A_440] : memref<4x512xi32, #tpu.memory_space<vmem>> -> memref<1x512xi32, #tpu.memory_space<vmem>>
    %dma_start3A_442 = tpu.memref_squeeze %dma_start3A_441 : memref<1x512xi32, #tpu.memory_space<vmem>> -> memref<512xi32, #tpu.memory_space<vmem>>
    %dma_start3A_443 = arith.constant 0 : i32
    %dma_start3A_444 = arith.constant 0 : i32
    %dma_start3A_445 = tpu.memref_slice %arg3[%dma_start3A_443, %dma_start3A_444] : memref<1000000x32xf32, #tpu.memory_space<hbm>> -> memref<1000000x32xf32, #tpu.memory_space<hbm>>
    tpu.enqueue_indirect_dma source(%dma_start3A_445 : memref<1000000x32xf32, #tpu.memory_space<hbm>>) target(%dma_start3A_439 : memref<512x32xf32, #tpu.memory_space<vmem>>) offsets(%dma_start3A_442 : memref<512xi32, #tpu.memory_space<vmem>>) semaphore(%arg12 : memref<!tpu.dma_semaphore, #tpu.memory_space<semaphore_mem>>)
    %dma_wait3A_446 = arith.constant 1 : i32
    %dma_wait3A_447 = arith.constant 0 : i32
    %dma_wait3A_448 = tpu.memref_slice %arg5[%dma_wait3A_446, %dma_wait3A_447] : memref<4x512xi32, #tpu.memory_space<vmem>> -> memref<1x512xi32, #tpu.memory_space<vmem>>
    %dma_wait3A_449 = tpu.memref_squeeze %dma_wait3A_448 : memref<1x512xi32, #tpu.memory_space<vmem>> -> memref<512xi32, #tpu.memory_space<vmem>>
    %dma_wait3A_450 = arith.constant 0 : i32
    %dma_wait3A_451 = tpu.memref_slice %arg2[%dma_wait3A_450] : memref<3276800xi32, #tpu.memory_space<hbm>> -> memref<512xi32, #tpu.memory_space<hbm>>
    %dma_wait3A_452 = arith.constant 0 : i32
    %dma_wait3A_453 = tpu.memref_slice %arg5[%dma_wait3A_446, %dma_wait3A_452] : memref<4x512xi32, #tpu.memory_space<vmem>> -> memref<1x512xi32, #tpu.memory_space<vmem>>
    %dma_wait3A_454 = tpu.memref_squeeze %dma_wait3A_453 : memref<1x512xi32, #tpu.memory_space<vmem>> -> memref<512xi32, #tpu.memory_space<vmem>>
    %dma_wait3A_455 = arith.constant 0 : i32
    %dma_wait3A_456 = tpu.memref_slice %arg2[%dma_wait3A_455] : memref<3276800xi32, #tpu.memory_space<hbm>> -> memref<512xi32, #tpu.memory_space<hbm>>
    tpu.wait_dma2 semaphore(%arg9 : memref<!tpu.dma_semaphore, #tpu.memory_space<semaphore_mem>>) src(%dma_wait3A_456 : memref<512xi32, #tpu.memory_space<hbm>>) dst(%dma_wait3A_454 : memref<512xi32, #tpu.memory_space<vmem>>)
    %dma_start3A_457 = arith.constant 1 : i32
    %dma_start3A_458 = arith.constant 1 : i32
    %dma_start3A_459 = arith.constant 0 : i32
    %dma_start3A_460 = arith.constant 0 : i32
    %dma_start3A_461 = tpu.memref_slice %arg6[%dma_start3A_458, %dma_start3A_459, %dma_start3A_460] : memref<4x512x32xf32, #tpu.memory_space<vmem>> -> memref<1x512x32xf32, #tpu.memory_space<vmem>>
    %dma_start3A_462 = tpu.memref_squeeze %dma_start3A_461 : memref<1x512x32xf32, #tpu.memory_space<vmem>> -> memref<512x32xf32, #tpu.memory_space<vmem>>
    %dma_start3A_463 = arith.constant 0 : i32
    %dma_start3A_464 = tpu.memref_slice %arg5[%dma_start3A_457, %dma_start3A_463] : memref<4x512xi32, #tpu.memory_space<vmem>> -> memref<1x512xi32, #tpu.memory_space<vmem>>
    %dma_start3A_465 = tpu.memref_squeeze %dma_start3A_464 : memref<1x512xi32, #tpu.memory_space<vmem>> -> memref<512xi32, #tpu.memory_space<vmem>>
    %dma_start3A_466 = arith.constant 0 : i32
    %dma_start3A_467 = arith.constant 0 : i32
    %dma_start3A_468 = tpu.memref_slice %arg3[%dma_start3A_466, %dma_start3A_467] : memref<1000000x32xf32, #tpu.memory_space<hbm>> -> memref<1000000x32xf32, #tpu.memory_space<hbm>>
    tpu.enqueue_indirect_dma source(%dma_start3A_468 : memref<1000000x32xf32, #tpu.memory_space<hbm>>) target(%dma_start3A_462 : memref<512x32xf32, #tpu.memory_space<vmem>>) offsets(%dma_start3A_465 : memref<512xi32, #tpu.memory_space<vmem>>) semaphore(%arg13 : memref<!tpu.dma_semaphore, #tpu.memory_space<semaphore_mem>>)
    %scan3A = arith.constant 0 : i32
    %scan3A_469 = arith.constant 0 : i32
    %scan3A_470 = arith.constant 50 : i32
    %scan3A_471 = arith.addi %scan3A_469, %scan3A_470 : i32
    %scan3A_472 = arith.constant 1 : i32
    scf.for %scan3A_510 = %scan3A_469 to %scan3A_471 step %scan3A_472  : i32 {
      %mul3A_511 = arith.constant 4 : i32
      %mul3A_512 = arith.muli %scan3A_510, %mul3A_511 : i32
      %add3A_513 = arith.constant 0 : i32
      %add3A_514 = arith.addi %mul3A_512, %add3A_513 : i32
      %dma_wait3A_515 = arith.constant 0 : i32
      %dma_wait3A_516 = arith.constant 0 : i32
      %dma_wait3A_517 = arith.constant 0 : i32
      %dma_wait3A_518 = arith.constant 0 : i32
      %dma_wait3A_519 = tpu.memref_slice %arg6[%dma_wait3A_516, %dma_wait3A_517, %dma_wait3A_518] : memref<4x512x32xf32, #tpu.memory_space<vmem>> -> memref<1x512x32xf32, #tpu.memory_space<vmem>>
      %dma_wait3A_520 = tpu.memref_squeeze %dma_wait3A_519 : memref<1x512x32xf32, #tpu.memory_space<vmem>> -> memref<512x32xf32, #tpu.memory_space<vmem>>
      %dma_wait3A_521 = arith.constant 0 : i32
      %dma_wait3A_522 = tpu.memref_slice %arg5[%dma_wait3A_515, %dma_wait3A_521] : memref<4x512xi32, #tpu.memory_space<vmem>> -> memref<1x512xi32, #tpu.memory_space<vmem>>
      %dma_wait3A_523 = tpu.memref_squeeze %dma_wait3A_522 : memref<1x512xi32, #tpu.memory_space<vmem>> -> memref<512xi32, #tpu.memory_space<vmem>>
      %dma_wait3A_524 = arith.constant 0 : i32
      %dma_wait3A_525 = arith.constant 0 : i32
      %dma_wait3A_526 = tpu.memref_slice %arg3[%dma_wait3A_524, %dma_wait3A_525] : memref<1000000x32xf32, #tpu.memory_space<hbm>> -> memref<1000000x32xf32, #tpu.memory_space<hbm>>
      tpu.wait_indirect_dma semaphore(%arg12 : memref<!tpu.dma_semaphore, #tpu.memory_space<semaphore_mem>>) src(%dma_wait3A_526 : memref<1000000x32xf32, #tpu.memory_space<hbm>>) dst(%dma_wait3A_520 : memref<512x32xf32, #tpu.memory_space<vmem>>)
      %add3A_527 = arith.constant 2 : i32
      %add3A_528 = arith.addi %add3A_514, %add3A_527 : i32
      %lt3A = arith.constant 200 : i32
      %lt3A_529 = arith.cmpi slt, %add3A_528, %lt3A : i32
      %convert_element_type3A = arith.extui %lt3A_529 : i1 to i32
      %cond3A = arith.constant 0 : i32
      %cond3A_530 = arith.cmpi ne, %convert_element_type3A, %cond3A : i32
      scf.if %cond3A_530 {
        %dma_wait3A_859 = arith.constant 2 : i32
        %dma_wait3A_860 = arith.constant 0 : i32
        %dma_wait3A_861 = tpu.memref_slice %arg5[%dma_wait3A_859, %dma_wait3A_860] : memref<4x512xi32, #tpu.memory_space<vmem>> -> memref<1x512xi32, #tpu.memory_space<vmem>>
        %dma_wait3A_862 = tpu.memref_squeeze %dma_wait3A_861 : memref<1x512xi32, #tpu.memory_space<vmem>> -> memref<512xi32, #tpu.memory_space<vmem>>
        %dma_wait3A_863 = arith.constant 0 : i32
        %dma_wait3A_864 = tpu.memref_slice %arg2[%dma_wait3A_863] : memref<3276800xi32, #tpu.memory_space<hbm>> -> memref<512xi32, #tpu.memory_space<hbm>>
        %dma_wait3A_865 = arith.constant 0 : i32
        %dma_wait3A_866 = tpu.memref_slice %arg5[%dma_wait3A_859, %dma_wait3A_865] : memref<4x512xi32, #tpu.memory_space<vmem>> -> memref<1x512xi32, #tpu.memory_space<vmem>>
        %dma_wait3A_867 = tpu.memref_squeeze %dma_wait3A_866 : memref<1x512xi32, #tpu.memory_space<vmem>> -> memref<512xi32, #tpu.memory_space<vmem>>
        %dma_wait3A_868 = arith.constant 0 : i32
        %dma_wait3A_869 = tpu.memref_slice %arg2[%dma_wait3A_868] : memref<3276800xi32, #tpu.memory_space<hbm>> -> memref<512xi32, #tpu.memory_space<hbm>>
        tpu.wait_dma2 semaphore(%arg10 : memref<!tpu.dma_semaphore, #tpu.memory_space<semaphore_mem>>) src(%dma_wait3A_869 : memref<512xi32, #tpu.memory_space<hbm>>) dst(%dma_wait3A_867 : memref<512xi32, #tpu.memory_space<vmem>>)
        %dma_start3A_870 = arith.constant 2 : i32
        %dma_start3A_871 = arith.constant 2 : i32
        %dma_start3A_872 = arith.constant 0 : i32
        %dma_start3A_873 = arith.constant 0 : i32
        %dma_start3A_874 = tpu.memref_slice %arg6[%dma_start3A_871, %dma_start3A_872, %dma_start3A_873] : memref<4x512x32xf32, #tpu.memory_space<vmem>> -> memref<1x512x32xf32, #tpu.memory_space<vmem>>
        %dma_start3A_875 = tpu.memref_squeeze %dma_start3A_874 : memref<1x512x32xf32, #tpu.memory_space<vmem>> -> memref<512x32xf32, #tpu.memory_space<vmem>>
        %dma_start3A_876 = arith.constant 0 : i32
        %dma_start3A_877 = tpu.memref_slice %arg5[%dma_start3A_870, %dma_start3A_876] : memref<4x512xi32, #tpu.memory_space<vmem>> -> memref<1x512xi32, #tpu.memory_space<vmem>>
        %dma_start3A_878 = tpu.memref_squeeze %dma_start3A_877 : memref<1x512xi32, #tpu.memory_space<vmem>> -> memref<512xi32, #tpu.memory_space<vmem>>
        %dma_start3A_879 = arith.constant 0 : i32
        %dma_start3A_880 = arith.constant 0 : i32
        %dma_start3A_881 = tpu.memref_slice %arg3[%dma_start3A_879, %dma_start3A_880] : memref<1000000x32xf32, #tpu.memory_space<hbm>> -> memref<1000000x32xf32, #tpu.memory_space<hbm>>
        tpu.enqueue_indirect_dma source(%dma_start3A_881 : memref<1000000x32xf32, #tpu.memory_space<hbm>>) target(%dma_start3A_875 : memref<512x32xf32, #tpu.memory_space<vmem>>) offsets(%dma_start3A_878 : memref<512xi32, #tpu.memory_space<vmem>>) semaphore(%arg14 : memref<!tpu.dma_semaphore, #tpu.memory_space<semaphore_mem>>)
      } else {
      }
      %ge3A = arith.constant 2 : i32
      %ge3A_531 = arith.cmpi sge, %add3A_514, %ge3A : i32
      %convert_element_type3A_532 = arith.extui %ge3A_531 : i1 to i32
      %cond3A_533 = arith.constant 0 : i32
      %cond3A_534 = arith.cmpi ne, %convert_element_type3A_532, %cond3A_533 : i32
      scf.if %cond3A_534 {
        %dma_wait3A_859 = arith.constant 0 : i32
        %dma_wait3A_860 = arith.constant 0 : i32
        %dma_wait3A_861 = arith.constant 0 : i32
        %dma_wait3A_862 = arith.constant 0 : i32
        %dma_wait3A_863 = tpu.memref_slice %arg7[%dma_wait3A_859, %dma_wait3A_861, %dma_wait3A_862] : memref<2x4x4096xf32, #tpu.memory_space<vmem>> -> memref<1x4x4096xf32, #tpu.memory_space<vmem>>
        %dma_wait3A_864 = tpu.memref_squeeze %dma_wait3A_863 : memref<1x4x4096xf32, #tpu.memory_space<vmem>> -> memref<4x4096xf32, #tpu.memory_space<vmem>>
        %dma_wait3A_865 = arith.constant 0 : i32
        %dma_wait3A_866 = arith.constant 0 : i32
        %dma_wait3A_867 = tpu.memref_slice %arg4[%dma_wait3A_860, %dma_wait3A_865, %dma_wait3A_866] : memref<200x4x131072xf32, #tpu.memory_space<hbm>> -> memref<1x4x4096xf32, #tpu.memory_space<hbm>>
        %dma_wait3A_868 = tpu.memref_squeeze %dma_wait3A_867 : memref<1x4x4096xf32, #tpu.memory_space<hbm>> -> memref<4x4096xf32, #tpu.memory_space<hbm>>
        %dma_wait3A_869 = arith.constant 0 : i32
        %dma_wait3A_870 = arith.constant 0 : i32
        %dma_wait3A_871 = tpu.memref_slice %arg4[%dma_wait3A_860, %dma_wait3A_869, %dma_wait3A_870] : memref<200x4x131072xf32, #tpu.memory_space<hbm>> -> memref<1x4x4096xf32, #tpu.memory_space<hbm>>
        %dma_wait3A_872 = tpu.memref_squeeze %dma_wait3A_871 : memref<1x4x4096xf32, #tpu.memory_space<hbm>> -> memref<4x4096xf32, #tpu.memory_space<hbm>>
        %dma_wait3A_873 = arith.constant 0 : i32
        %dma_wait3A_874 = arith.constant 0 : i32
        %dma_wait3A_875 = tpu.memref_slice %arg7[%dma_wait3A_859, %dma_wait3A_873, %dma_wait3A_874] : memref<2x4x4096xf32, #tpu.memory_space<vmem>> -> memref<1x4x4096xf32, #tpu.memory_space<vmem>>
        %dma_wait3A_876 = tpu.memref_squeeze %dma_wait3A_875 : memref<1x4x4096xf32, #tpu.memory_space<vmem>> -> memref<4x4096xf32, #tpu.memory_space<vmem>>
        tpu.wait_dma2 semaphore(%arg16 : memref<!tpu.dma_semaphore, #tpu.memory_space<semaphore_mem>>) src(%dma_wait3A_876 : memref<4x4096xf32, #tpu.memory_space<vmem>>) dst(%dma_wait3A_872 : memref<4x4096xf32, #tpu.memory_space<hbm>>)
      } else {
      }
      %scan3A_535 = arith.constant 0 : i32
      %scan3A_536 = arith.constant 0 : i32
      %scan3A_537 = arith.constant 0 : i32
      %scan3A_538 = arith.constant 0 : i32
      %scan3A_539 = arith.constant 32 : i32
      %scan3A_540 = arith.addi %scan3A_538, %scan3A_539 : i32
      %scan3A_541 = arith.constant 1 : i32
      scf.for %scan3A_859 = %scan3A_538 to %scan3A_540 step %scan3A_541  : i32 {
        %mul3A_860 = arith.constant 16 : i32
        %mul3A_861 = arith.muli %scan3A_859, %mul3A_860 : i32
        %add3A_862 = vector.broadcast %mul3A_861 : i32 to vector<16xi32>
        %add3A_863 = arith.addi %iota3A, %add3A_862 : vector<16xi32>
        %mul3A_864 = arith.constant 0 : i32
        %mul3A_865 = vector.broadcast %mul3A_864 : i32 to vector<16xi32>
        %mul3A_866 = arith.muli %iota3A, %mul3A_865 : vector<16xi32>
        %shift_right_arithmetic3A_867 = arith.constant 3 : i32
        %shift_right_arithmetic3A_868 = arith.shrsi %scan3A_859, %shift_right_arithmetic3A_867 : i32
        %mul3A_869 = arith.constant 1024 : i32
        %mul3A_870 = arith.muli %shift_right_arithmetic3A_868, %mul3A_869 : i32
        %and3A_871 = arith.constant 7 : i32
        %and3A_872 = arith.andi %scan3A_859, %and3A_871 : i32
        %mul3A_873 = arith.constant 16 : i32
        %mul3A_874 = arith.muli %and3A_872, %mul3A_873 : i32
        %add3A_875 = arith.addi %mul3A_870, %mul3A_874 : i32
        %add3A_876 = vector.broadcast %add3A_875 : i32 to vector<16xi32>
        %add3A_877 = arith.addi %mul3A_866, %add3A_876 : vector<16xi32>
        %add3A_878 = arith.constant 0 : i32
        %add3A_879 = vector.broadcast %add3A_878 : i32 to vector<16xi32>
        %add3A_880 = arith.addi %and3A_7, %add3A_879 : vector<16xi32>
        %gather3A = arith.constant 0 : i32
        %gather3A_881 = arith.constant 0 : i32
        %gather3A_882 = tpu.memref_slice %arg6[%scan3A_536, %gather3A, %gather3A_881] : memref<4x512x32xf32, #tpu.memory_space<vmem>> -> memref<1x512x32xf32, #tpu.memory_space<vmem>>
        %gather3A_883 = tpu.memref_squeeze %gather3A_882 : memref<1x512x32xf32, #tpu.memory_space<vmem>> -> memref<512x32xf32, #tpu.memory_space<vmem>>
        %gather3A_884 = tpu.vector_load_idx %gather3A_883[%add3A_863, %add3A_880] : memref<512x32xf32, #tpu.memory_space<vmem>>[vector<16xi32>, vector<16xi32>], vector<16xf32>,
        %add3A_885 = arith.constant 0 : i32
        %add3A_886 = vector.broadcast %add3A_885 : i32 to vector<16xi32>
        %add3A_887 = arith.addi %shift_right_arithmetic3A_99, %add3A_886 : vector<16xi32>
        %add3A_888 = arith.addi %add3A_151, %add3A_877 : vector<16xi32>
        %scatter3A = arith.constant 0 : i32
        %scatter3A_889 = arith.constant 0 : i32
        %scatter3A_890 = tpu.memref_slice %arg7[%scan3A_537, %scatter3A, %scatter3A_889] : memref<2x4x4096xf32, #tpu.memory_space<vmem>> -> memref<1x4x4096xf32, #tpu.memory_space<vmem>>
        %scatter3A_891 = tpu.memref_squeeze %scatter3A_890 : memref<1x4x4096xf32, #tpu.memory_space<vmem>> -> memref<4x4096xf32, #tpu.memory_space<vmem>>
        tpu.vector_store_idx %scatter3A_891[%add3A_887, %add3A_888], %gather3A_884 : memref<4x4096xf32, #tpu.memory_space<vmem>>[vector<16xi32>, vector<16xi32>], vector<16xf32>,
        %add3A_892 = arith.constant 0 : i32
        %add3A_893 = vector.broadcast %add3A_892 : i32 to vector<16xi32>
        %add3A_894 = arith.addi %and3A_13, %add3A_893 : vector<16xi32>
        %gather3A_895 = arith.constant 0 : i32
        %gather3A_896 = arith.constant 0 : i32
        %gather3A_897 = tpu.memref_slice %arg6[%scan3A_536, %gather3A_895, %gather3A_896] : memref<4x512x32xf32, #tpu.memory_space<vmem>> -> memref<1x512x32xf32, #tpu.memory_space<vmem>>
        %gather3A_898 = tpu.memref_squeeze %gather3A_897 : memref<1x512x32xf32, #tpu.memory_space<vmem>> -> memref<512x32xf32, #tpu.memory_space<vmem>>
        %gather3A_899 = tpu.vector_load_idx %gather3A_898[%add3A_863, %add3A_894] : memref<512x32xf32, #tpu.memory_space<vmem>>[vector<16xi32>, vector<16xi32>], vector<16xf32>,
        %add3A_900 = arith.constant 0 : i32
        %add3A_901 = vector.broadcast %add3A_900 : i32 to vector<16xi32>
        %add3A_902 = arith.addi %shift_right_arithmetic3A_102, %add3A_901 : vector<16xi32>
        %add3A_903 = arith.addi %add3A_158, %add3A_877 : vector<16xi32>
        %scatter3A_904 = arith.constant 0 : i32
        %scatter3A_905 = arith.constant 0 : i32
        %scatter3A_906 = tpu.memref_slice %arg7[%scan3A_537, %scatter3A_904, %scatter3A_905] : memref<2x4x4096xf32, #tpu.memory_space<vmem>> -> memref<1x4x4096xf32, #tpu.memory_space<vmem>>
        %scatter3A_907 = tpu.memref_squeeze %scatter3A_906 : memref<1x4x4096xf32, #tpu.memory_space<vmem>> -> memref<4x4096xf32, #tpu.memory_space<vmem>>
        tpu.vector_store_idx %scatter3A_907[%add3A_902, %add3A_903], %gather3A_899 : memref<4x4096xf32, #tpu.memory_space<vmem>>[vector<16xi32>, vector<16xi32>], vector<16xf32>,
        %add3A_908 = arith.constant 0 : i32
        %add3A_909 = vector.broadcast %add3A_908 : i32 to vector<16xi32>
        %add3A_910 = arith.addi %and3A_19, %add3A_909 : vector<16xi32>
        %gather3A_911 = arith.constant 0 : i32
        %gather3A_912 = arith.constant 0 : i32
        %gather3A_913 = tpu.memref_slice %arg6[%scan3A_536, %gather3A_911, %gather3A_912] : memref<4x512x32xf32, #tpu.memory_space<vmem>> -> memref<1x512x32xf32, #tpu.memory_space<vmem>>
        %gather3A_914 = tpu.memref_squeeze %gather3A_913 : memref<1x512x32xf32, #tpu.memory_space<vmem>> -> memref<512x32xf32, #tpu.memory_space<vmem>>
        %gather3A_915 = tpu.vector_load_idx %gather3A_914[%add3A_863, %add3A_910] : memref<512x32xf32, #tpu.memory_space<vmem>>[vector<16xi32>, vector<16xi32>], vector<16xf32>,
        %add3A_916 = arith.constant 0 : i32
        %add3A_917 = vector.broadcast %add3A_916 : i32 to vector<16xi32>
        %add3A_918 = arith.addi %shift_right_arithmetic3A_105, %add3A_917 : vector<16xi32>
        %add3A_919 = arith.addi %add3A_165, %add3A_877 : vector<16xi32>
        %scatter3A_920 = arith.constant 0 : i32
        %scatter3A_921 = arith.constant 0 : i32
        %scatter3A_922 = tpu.memref_slice %arg7[%scan3A_537, %scatter3A_920, %scatter3A_921] : memref<2x4x4096xf32, #tpu.memory_space<vmem>> -> memref<1x4x4096xf32, #tpu.memory_space<vmem>>
        %scatter3A_923 = tpu.memref_squeeze %scatter3A_922 : memref<1x4x4096xf32, #tpu.memory_space<vmem>> -> memref<4x4096xf32, #tpu.memory_space<vmem>>
        tpu.vector_store_idx %scatter3A_923[%add3A_918, %add3A_919], %gather3A_915 : memref<4x4096xf32, #tpu.memory_space<vmem>>[vector<16xi32>, vector<16xi32>], vector<16xf32>,
        %add3A_924 = arith.constant 0 : i32
        %add3A_925 = vector.broadcast %add3A_924 : i32 to vector<16xi32>
        %add3A_926 = arith.addi %and3A_25, %add3A_925 : vector<16xi32>
        %gather3A_927 = arith.constant 0 : i32
        %gather3A_928 = arith.constant 0 : i32
        %gather3A_929 = tpu.memref_slice %arg6[%scan3A_536, %gather3A_927, %gather3A_928] : memref<4x512x32xf32, #tpu.memory_space<vmem>> -> memref<1x512x32xf32, #tpu.memory_space<vmem>>
        %gather3A_930 = tpu.memref_squeeze %gather3A_929 : memref<1x512x32xf32, #tpu.memory_space<vmem>> -> memref<512x32xf32, #tpu.memory_space<vmem>>
        %gather3A_931 = tpu.vector_load_idx %gather3A_930[%add3A_863, %add3A_926] : memref<512x32xf32, #tpu.memory_space<vmem>>[vector<16xi32>, vector<16xi32>], vector<16xf32>,
        %add3A_932 = arith.constant 0 : i32
        %add3A_933 = vector.broadcast %add3A_932 : i32 to vector<16xi32>
        %add3A_934 = arith.addi %shift_right_arithmetic3A_108, %add3A_933 : vector<16xi32>
        %add3A_935 = arith.addi %add3A_172, %add3A_877 : vector<16xi32>
        %scatter3A_936 = arith.constant 0 : i32
        %scatter3A_937 = arith.constant 0 : i32
        %scatter3A_938 = tpu.memref_slice %arg7[%scan3A_537, %scatter3A_936, %scatter3A_937] : memref<2x4x4096xf32, #tpu.memory_space<vmem>> -> memref<1x4x4096xf32, #tpu.memory_space<vmem>>
        %scatter3A_939 = tpu.memref_squeeze %scatter3A_938 : memref<1x4x4096xf32, #tpu.memory_space<vmem>> -> memref<4x4096xf32, #tpu.memory_space<vmem>>
        tpu.vector_store_idx %scatter3A_939[%add3A_934, %add3A_935], %gather3A_931 : memref<4x4096xf32, #tpu.memory_space<vmem>>[vector<16xi32>, vector<16xi32>], vector<16xf32>,
        %add3A_940 = arith.constant 0 : i32
        %add3A_941 = vector.broadcast %add3A_940 : i32 to vector<16xi32>
        %add3A_942 = arith.addi %and3A_31, %add3A_941 : vector<16xi32>
        %gather3A_943 = arith.constant 0 : i32
        %gather3A_944 = arith.constant 0 : i32
        %gather3A_945 = tpu.memref_slice %arg6[%scan3A_536, %gather3A_943, %gather3A_944] : memref<4x512x32xf32, #tpu.memory_space<vmem>> -> memref<1x512x32xf32, #tpu.memory_space<vmem>>
        %gather3A_946 = tpu.memref_squeeze %gather3A_945 : memref<1x512x32xf32, #tpu.memory_space<vmem>> -> memref<512x32xf32, #tpu.memory_space<vmem>>
        %gather3A_947 = tpu.vector_load_idx %gather3A_946[%add3A_863, %add3A_942] : memref<512x32xf32, #tpu.memory_space<vmem>>[vector<16xi32>, vector<16xi32>], vector<16xf32>,
        %add3A_948 = arith.constant 0 : i32
        %add3A_949 = vector.broadcast %add3A_948 : i32 to vector<16xi32>
        %add3A_950 = arith.addi %shift_right_arithmetic3A_111, %add3A_949 : vector<16xi32>
        %add3A_951 = arith.addi %add3A_179, %add3A_877 : vector<16xi32>
        %scatter3A_952 = arith.constant 0 : i32
        %scatter3A_953 = arith.constant 0 : i32
        %scatter3A_954 = tpu.memref_slice %arg7[%scan3A_537, %scatter3A_952, %scatter3A_953] : memref<2x4x4096xf32, #tpu.memory_space<vmem>> -> memref<1x4x4096xf32, #tpu.memory_space<vmem>>
        %scatter3A_955 = tpu.memref_squeeze %scatter3A_954 : memref<1x4x4096xf32, #tpu.memory_space<vmem>> -> memref<4x4096xf32, #tpu.memory_space<vmem>>
        tpu.vector_store_idx %scatter3A_955[%add3A_950, %add3A_951], %gather3A_947 : memref<4x4096xf32, #tpu.memory_space<vmem>>[vector<16xi32>, vector<16xi32>], vector<16xf32>,
        %add3A_956 = arith.constant 0 : i32
        %add3A_957 = vector.broadcast %add3A_956 : i32 to vector<16xi32>
        %add3A_958 = arith.addi %and3A_37, %add3A_957 : vector<16xi32>
        %gather3A_959 = arith.constant 0 : i32
        %gather3A_960 = arith.constant 0 : i32
        %gather3A_961 = tpu.memref_slice %arg6[%scan3A_536, %gather3A_959, %gather3A_960] : memref<4x512x32xf32, #tpu.memory_space<vmem>> -> memref<1x512x32xf32, #tpu.memory_space<vmem>>
        %gather3A_962 = tpu.memref_squeeze %gather3A_961 : memref<1x512x32xf32, #tpu.memory_space<vmem>> -> memref<512x32xf32, #tpu.memory_space<vmem>>
        %gather3A_963 = tpu.vector_load_idx %gather3A_962[%add3A_863, %add3A_958] : memref<512x32xf32, #tpu.memory_space<vmem>>[vector<16xi32>, vector<16xi32>], vector<16xf32>,
        %add3A_964 = arith.constant 0 : i32
        %add3A_965 = vector.broadcast %add3A_964 : i32 to vector<16xi32>
        %add3A_966 = arith.addi %shift_right_arithmetic3A_114, %add3A_965 : vector<16xi32>
        %add3A_967 = arith.addi %add3A_186, %add3A_877 : vector<16xi32>
        %scatter3A_968 = arith.constant 0 : i32
        %scatter3A_969 = arith.constant 0 : i32
        %scatter3A_970 = tpu.memref_slice %arg7[%scan3A_537, %scatter3A_968, %scatter3A_969] : memref<2x4x4096xf32, #tpu.memory_space<vmem>> -> memref<1x4x4096xf32, #tpu.memory_space<vmem>>
        %scatter3A_971 = tpu.memref_squeeze %scatter3A_970 : memref<1x4x4096xf32, #tpu.memory_space<vmem>> -> memref<4x4096xf32, #tpu.memory_space<vmem>>
        tpu.vector_store_idx %scatter3A_971[%add3A_966, %add3A_967], %gather3A_963 : memref<4x4096xf32, #tpu.memory_space<vmem>>[vector<16xi32>, vector<16xi32>], vector<16xf32>,
        %add3A_972 = arith.constant 0 : i32
        %add3A_973 = vector.broadcast %add3A_972 : i32 to vector<16xi32>
        %add3A_974 = arith.addi %and3A_43, %add3A_973 : vector<16xi32>
        %gather3A_975 = arith.constant 0 : i32
        %gather3A_976 = arith.constant 0 : i32
        %gather3A_977 = tpu.memref_slice %arg6[%scan3A_536, %gather3A_975, %gather3A_976] : memref<4x512x32xf32, #tpu.memory_space<vmem>> -> memref<1x512x32xf32, #tpu.memory_space<vmem>>
        %gather3A_978 = tpu.memref_squeeze %gather3A_977 : memref<1x512x32xf32, #tpu.memory_space<vmem>> -> memref<512x32xf32, #tpu.memory_space<vmem>>
        %gather3A_979 = tpu.vector_load_idx %gather3A_978[%add3A_863, %add3A_974] : memref<512x32xf32, #tpu.memory_space<vmem>>[vector<16xi32>, vector<16xi32>], vector<16xf32>,
        %add3A_980 = arith.constant 0 : i32
        %add3A_981 = vector.broadcast %add3A_980 : i32 to vector<16xi32>
        %add3A_982 = arith.addi %shift_right_arithmetic3A_117, %add3A_981 : vector<16xi32>
        %add3A_983 = arith.addi %add3A_193, %add3A_877 : vector<16xi32>
        %scatter3A_984 = arith.constant 0 : i32
        %scatter3A_985 = arith.constant 0 : i32
        %scatter3A_986 = tpu.memref_slice %arg7[%scan3A_537, %scatter3A_984, %scatter3A_985] : memref<2x4x4096xf32, #tpu.memory_space<vmem>> -> memref<1x4x4096xf32, #tpu.memory_space<vmem>>
        %scatter3A_987 = tpu.memref_squeeze %scatter3A_986 : memref<1x4x4096xf32, #tpu.memory_space<vmem>> -> memref<4x4096xf32, #tpu.memory_space<vmem>>
        tpu.vector_store_idx %scatter3A_987[%add3A_982, %add3A_983], %gather3A_979 : memref<4x4096xf32, #tpu.memory_space<vmem>>[vector<16xi32>, vector<16xi32>], vector<16xf32>,
        %add3A_988 = arith.constant 0 : i32
        %add3A_989 = vector.broadcast %add3A_988 : i32 to vector<16xi32>
        %add3A_990 = arith.addi %and3A_49, %add3A_989 : vector<16xi32>
        %gather3A_991 = arith.constant 0 : i32
        %gather3A_992 = arith.constant 0 : i32
        %gather3A_993 = tpu.memref_slice %arg6[%scan3A_536, %gather3A_991, %gather3A_992] : memref<4x512x32xf32, #tpu.memory_space<vmem>> -> memref<1x512x32xf32, #tpu.memory_space<vmem>>
        %gather3A_994 = tpu.memref_squeeze %gather3A_993 : memref<1x512x32xf32, #tpu.memory_space<vmem>> -> memref<512x32xf32, #tpu.memory_space<vmem>>
        %gather3A_995 = tpu.vector_load_idx %gather3A_994[%add3A_863, %add3A_990] : memref<512x32xf32, #tpu.memory_space<vmem>>[vector<16xi32>, vector<16xi32>], vector<16xf32>,
        %add3A_996 = arith.constant 0 : i32
        %add3A_997 = vector.broadcast %add3A_996 : i32 to vector<16xi32>
        %add3A_998 = arith.addi %shift_right_arithmetic3A_120, %add3A_997 : vector<16xi32>
        %add3A_999 = arith.addi %add3A_200, %add3A_877 : vector<16xi32>
        %scatter3A_1000 = arith.constant 0 : i32
        %scatter3A_1001 = arith.constant 0 : i32
        %scatter3A_1002 = tpu.memref_slice %arg7[%scan3A_537, %scatter3A_1000, %scatter3A_1001] : memref<2x4x4096xf32, #tpu.memory_space<vmem>> -> memref<1x4x4096xf32, #tpu.memory_space<vmem>>
        %scatter3A_1003 = tpu.memref_squeeze %scatter3A_1002 : memref<1x4x4096xf32, #tpu.memory_space<vmem>> -> memref<4x4096xf32, #tpu.memory_space<vmem>>
        tpu.vector_store_idx %scatter3A_1003[%add3A_998, %add3A_999], %gather3A_995 : memref<4x4096xf32, #tpu.memory_space<vmem>>[vector<16xi32>, vector<16xi32>], vector<16xf32>,
        %add3A_1004 = arith.constant 0 : i32
        %add3A_1005 = vector.broadcast %add3A_1004 : i32 to vector<16xi32>
        %add3A_1006 = arith.addi %and3A_55, %add3A_1005 : vector<16xi32>
        %gather3A_1007 = arith.constant 0 : i32
        %gather3A_1008 = arith.constant 0 : i32
        %gather3A_1009 = tpu.memref_slice %arg6[%scan3A_536, %gather3A_1007, %gather3A_1008] : memref<4x512x32xf32, #tpu.memory_space<vmem>> -> memref<1x512x32xf32, #tpu.memory_space<vmem>>
        %gather3A_1010 = tpu.memref_squeeze %gather3A_1009 : memref<1x512x32xf32, #tpu.memory_space<vmem>> -> memref<512x32xf32, #tpu.memory_space<vmem>>
        %gather3A_1011 = tpu.vector_load_idx %gather3A_1010[%add3A_863, %add3A_1006] : memref<512x32xf32, #tpu.memory_space<vmem>>[vector<16xi32>, vector<16xi32>], vector<16xf32>,
        %add3A_1012 = arith.constant 0 : i32
        %add3A_1013 = vector.broadcast %add3A_1012 : i32 to vector<16xi32>
        %add3A_1014 = arith.addi %shift_right_arithmetic3A_123, %add3A_1013 : vector<16xi32>
        %add3A_1015 = arith.addi %add3A_207, %add3A_877 : vector<16xi32>
        %scatter3A_1016 = arith.constant 0 : i32
        %scatter3A_1017 = arith.constant 0 : i32
        %scatter3A_1018 = tpu.memref_slice %arg7[%scan3A_537, %scatter3A_1016, %scatter3A_1017] : memref<2x4x4096xf32, #tpu.memory_space<vmem>> -> memref<1x4x4096xf32, #tpu.memory_space<vmem>>
        %scatter3A_1019 = tpu.memref_squeeze %scatter3A_1018 : memref<1x4x4096xf32, #tpu.memory_space<vmem>> -> memref<4x4096xf32, #tpu.memory_space<vmem>>
        tpu.vector_store_idx %scatter3A_1019[%add3A_1014, %add3A_1015], %gather3A_1011 : memref<4x4096xf32, #tpu.memory_space<vmem>>[vector<16xi32>, vector<16xi32>], vector<16xf32>,
        %add3A_1020 = arith.constant 0 : i32
        %add3A_1021 = vector.broadcast %add3A_1020 : i32 to vector<16xi32>
        %add3A_1022 = arith.addi %and3A_61, %add3A_1021 : vector<16xi32>
        %gather3A_1023 = arith.constant 0 : i32
        %gather3A_1024 = arith.constant 0 : i32
        %gather3A_1025 = tpu.memref_slice %arg6[%scan3A_536, %gather3A_1023, %gather3A_1024] : memref<4x512x32xf32, #tpu.memory_space<vmem>> -> memref<1x512x32xf32, #tpu.memory_space<vmem>>
        %gather3A_1026 = tpu.memref_squeeze %gather3A_1025 : memref<1x512x32xf32, #tpu.memory_space<vmem>> -> memref<512x32xf32, #tpu.memory_space<vmem>>
        %gather3A_1027 = tpu.vector_load_idx %gather3A_1026[%add3A_863, %add3A_1022] : memref<512x32xf32, #tpu.memory_space<vmem>>[vector<16xi32>, vector<16xi32>], vector<16xf32>,
        %add3A_1028 = arith.constant 0 : i32
        %add3A_1029 = vector.broadcast %add3A_1028 : i32 to vector<16xi32>
        %add3A_1030 = arith.addi %shift_right_arithmetic3A_126, %add3A_1029 : vector<16xi32>
        %add3A_1031 = arith.addi %add3A_214, %add3A_877 : vector<16xi32>
        %scatter3A_1032 = arith.constant 0 : i32
        %scatter3A_1033 = arith.constant 0 : i32
        %scatter3A_1034 = tpu.memref_slice %arg7[%scan3A_537, %scatter3A_1032, %scatter3A_1033] : memref<2x4x4096xf32, #tpu.memory_space<vmem>> -> memref<1x4x4096xf32, #tpu.memory_space<vmem>>
        %scatter3A_1035 = tpu.memref_squeeze %scatter3A_1034 : memref<1x4x4096xf32, #tpu.memory_space<vmem>> -> memref<4x4096xf32, #tpu.memory_space<vmem>>
        tpu.vector_store_idx %scatter3A_1035[%add3A_1030, %add3A_1031], %gather3A_1027 : memref<4x4096xf32, #tpu.memory_space<vmem>>[vector<16xi32>, vector<16xi32>], vector<16xf32>,
        %add3A_1036 = arith.constant 0 : i32
        %add3A_1037 = vector.broadcast %add3A_1036 : i32 to vector<16xi32>
        %add3A_1038 = arith.addi %and3A_67, %add3A_1037 : vector<16xi32>
        %gather3A_1039 = arith.constant 0 : i32
        %gather3A_1040 = arith.constant 0 : i32
        %gather3A_1041 = tpu.memref_slice %arg6[%scan3A_536, %gather3A_1039, %gather3A_1040] : memref<4x512x32xf32, #tpu.memory_space<vmem>> -> memref<1x512x32xf32, #tpu.memory_space<vmem>>
        %gather3A_1042 = tpu.memref_squeeze %gather3A_1041 : memref<1x512x32xf32, #tpu.memory_space<vmem>> -> memref<512x32xf32, #tpu.memory_space<vmem>>
        %gather3A_1043 = tpu.vector_load_idx %gather3A_1042[%add3A_863, %add3A_1038] : memref<512x32xf32, #tpu.memory_space<vmem>>[vector<16xi32>, vector<16xi32>], vector<16xf32>,
        %add3A_1044 = arith.constant 0 : i32
        %add3A_1045 = vector.broadcast %add3A_1044 : i32 to vector<16xi32>
        %add3A_1046 = arith.addi %shift_right_arithmetic3A_129, %add3A_1045 : vector<16xi32>
        %add3A_1047 = arith.addi %add3A_221, %add3A_877 : vector<16xi32>
        %scatter3A_1048 = arith.constant 0 : i32
        %scatter3A_1049 = arith.constant 0 : i32
        %scatter3A_1050 = tpu.memref_slice %arg7[%scan3A_537, %scatter3A_1048, %scatter3A_1049] : memref<2x4x4096xf32, #tpu.memory_space<vmem>> -> memref<1x4x4096xf32, #tpu.memory_space<vmem>>
        %scatter3A_1051 = tpu.memref_squeeze %scatter3A_1050 : memref<1x4x4096xf32, #tpu.memory_space<vmem>> -> memref<4x4096xf32, #tpu.memory_space<vmem>>
        tpu.vector_store_idx %scatter3A_1051[%add3A_1046, %add3A_1047], %gather3A_1043 : memref<4x4096xf32, #tpu.memory_space<vmem>>[vector<16xi32>, vector<16xi32>], vector<16xf32>,
        %add3A_1052 = arith.constant 0 : i32
        %add3A_1053 = vector.broadcast %add3A_1052 : i32 to vector<16xi32>
        %add3A_1054 = arith.addi %and3A_73, %add3A_1053 : vector<16xi32>
        %gather3A_1055 = arith.constant 0 : i32
        %gather3A_1056 = arith.constant 0 : i32
        %gather3A_1057 = tpu.memref_slice %arg6[%scan3A_536, %gather3A_1055, %gather3A_1056] : memref<4x512x32xf32, #tpu.memory_space<vmem>> -> memref<1x512x32xf32, #tpu.memory_space<vmem>>
        %gather3A_1058 = tpu.memref_squeeze %gather3A_1057 : memref<1x512x32xf32, #tpu.memory_space<vmem>> -> memref<512x32xf32, #tpu.memory_space<vmem>>
        %gather3A_1059 = tpu.vector_load_idx %gather3A_1058[%add3A_863, %add3A_1054] : memref<512x32xf32, #tpu.memory_space<vmem>>[vector<16xi32>, vector<16xi32>], vector<16xf32>,
        %add3A_1060 = arith.constant 0 : i32
        %add3A_1061 = vector.broadcast %add3A_1060 : i32 to vector<16xi32>
        %add3A_1062 = arith.addi %shift_right_arithmetic3A_132, %add3A_1061 : vector<16xi32>
        %add3A_1063 = arith.addi %add3A_228, %add3A_877 : vector<16xi32>
        %scatter3A_1064 = arith.constant 0 : i32
        %scatter3A_1065 = arith.constant 0 : i32
        %scatter3A_1066 = tpu.memref_slice %arg7[%scan3A_537, %scatter3A_1064, %scatter3A_1065] : memref<2x4x4096xf32, #tpu.memory_space<vmem>> -> memref<1x4x4096xf32, #tpu.memory_space<vmem>>
        %scatter3A_1067 = tpu.memref_squeeze %scatter3A_1066 : memref<1x4x4096xf32, #tpu.memory_space<vmem>> -> memref<4x4096xf32, #tpu.memory_space<vmem>>
        tpu.vector_store_idx %scatter3A_1067[%add3A_1062, %add3A_1063], %gather3A_1059 : memref<4x4096xf32, #tpu.memory_space<vmem>>[vector<16xi32>, vector<16xi32>], vector<16xf32>,
        %add3A_1068 = arith.constant 0 : i32
        %add3A_1069 = vector.broadcast %add3A_1068 : i32 to vector<16xi32>
        %add3A_1070 = arith.addi %and3A_79, %add3A_1069 : vector<16xi32>
        %gather3A_1071 = arith.constant 0 : i32
        %gather3A_1072 = arith.constant 0 : i32
        %gather3A_1073 = tpu.memref_slice %arg6[%scan3A_536, %gather3A_1071, %gather3A_1072] : memref<4x512x32xf32, #tpu.memory_space<vmem>> -> memref<1x512x32xf32, #tpu.memory_space<vmem>>
        %gather3A_1074 = tpu.memref_squeeze %gather3A_1073 : memref<1x512x32xf32, #tpu.memory_space<vmem>> -> memref<512x32xf32, #tpu.memory_space<vmem>>
        %gather3A_1075 = tpu.vector_load_idx %gather3A_1074[%add3A_863, %add3A_1070] : memref<512x32xf32, #tpu.memory_space<vmem>>[vector<16xi32>, vector<16xi32>], vector<16xf32>,
        %add3A_1076 = arith.constant 0 : i32
        %add3A_1077 = vector.broadcast %add3A_1076 : i32 to vector<16xi32>
        %add3A_1078 = arith.addi %shift_right_arithmetic3A_135, %add3A_1077 : vector<16xi32>
        %add3A_1079 = arith.addi %add3A_235, %add3A_877 : vector<16xi32>
        %scatter3A_1080 = arith.constant 0 : i32
        %scatter3A_1081 = arith.constant 0 : i32
        %scatter3A_1082 = tpu.memref_slice %arg7[%scan3A_537, %scatter3A_1080, %scatter3A_1081] : memref<2x4x4096xf32, #tpu.memory_space<vmem>> -> memref<1x4x4096xf32, #tpu.memory_space<vmem>>
        %scatter3A_1083 = tpu.memref_squeeze %scatter3A_1082 : memref<1x4x4096xf32, #tpu.memory_space<vmem>> -> memref<4x4096xf32, #tpu.memory_space<vmem>>
        tpu.vector_store_idx %scatter3A_1083[%add3A_1078, %add3A_1079], %gather3A_1075 : memref<4x4096xf32, #tpu.memory_space<vmem>>[vector<16xi32>, vector<16xi32>], vector<16xf32>,
        %add3A_1084 = arith.constant 0 : i32
        %add3A_1085 = vector.broadcast %add3A_1084 : i32 to vector<16xi32>
        %add3A_1086 = arith.addi %and3A_85, %add3A_1085 : vector<16xi32>
        %gather3A_1087 = arith.constant 0 : i32
        %gather3A_1088 = arith.constant 0 : i32
        %gather3A_1089 = tpu.memref_slice %arg6[%scan3A_536, %gather3A_1087, %gather3A_1088] : memref<4x512x32xf32, #tpu.memory_space<vmem>> -> memref<1x512x32xf32, #tpu.memory_space<vmem>>
        %gather3A_1090 = tpu.memref_squeeze %gather3A_1089 : memref<1x512x32xf32, #tpu.memory_space<vmem>> -> memref<512x32xf32, #tpu.memory_space<vmem>>
        %gather3A_1091 = tpu.vector_load_idx %gather3A_1090[%add3A_863, %add3A_1086] : memref<512x32xf32, #tpu.memory_space<vmem>>[vector<16xi32>, vector<16xi32>], vector<16xf32>,
        %add3A_1092 = arith.constant 0 : i32
        %add3A_1093 = vector.broadcast %add3A_1092 : i32 to vector<16xi32>
        %add3A_1094 = arith.addi %shift_right_arithmetic3A_138, %add3A_1093 : vector<16xi32>
        %add3A_1095 = arith.addi %add3A_242, %add3A_877 : vector<16xi32>
        %scatter3A_1096 = arith.constant 0 : i32
        %scatter3A_1097 = arith.constant 0 : i32
        %scatter3A_1098 = tpu.memref_slice %arg7[%scan3A_537, %scatter3A_1096, %scatter3A_1097] : memref<2x4x4096xf32, #tpu.memory_space<vmem>> -> memref<1x4x4096xf32, #tpu.memory_space<vmem>>
        %scatter3A_1099 = tpu.memref_squeeze %scatter3A_1098 : memref<1x4x4096xf32, #tpu.memory_space<vmem>> -> memref<4x4096xf32, #tpu.memory_space<vmem>>
        tpu.vector_store_idx %scatter3A_1099[%add3A_1094, %add3A_1095], %gather3A_1091 : memref<4x4096xf32, #tpu.memory_space<vmem>>[vector<16xi32>, vector<16xi32>], vector<16xf32>,
        %add3A_1100 = arith.constant 0 : i32
        %add3A_1101 = vector.broadcast %add3A_1100 : i32 to vector<16xi32>
        %add3A_1102 = arith.addi %and3A_91, %add3A_1101 : vector<16xi32>
        %gather3A_1103 = arith.constant 0 : i32
        %gather3A_1104 = arith.constant 0 : i32
        %gather3A_1105 = tpu.memref_slice %arg6[%scan3A_536, %gather3A_1103, %gather3A_1104] : memref<4x512x32xf32, #tpu.memory_space<vmem>> -> memref<1x512x32xf32, #tpu.memory_space<vmem>>
        %gather3A_1106 = tpu.memref_squeeze %gather3A_1105 : memref<1x512x32xf32, #tpu.memory_space<vmem>> -> memref<512x32xf32, #tpu.memory_space<vmem>>
        %gather3A_1107 = tpu.vector_load_idx %gather3A_1106[%add3A_863, %add3A_1102] : memref<512x32xf32, #tpu.memory_space<vmem>>[vector<16xi32>, vector<16xi32>], vector<16xf32>,
        %add3A_1108 = arith.constant 0 : i32
        %add3A_1109 = vector.broadcast %add3A_1108 : i32 to vector<16xi32>
        %add3A_1110 = arith.addi %shift_right_arithmetic3A_141, %add3A_1109 : vector<16xi32>
        %add3A_1111 = arith.addi %add3A_249, %add3A_877 : vector<16xi32>
        %scatter3A_1112 = arith.constant 0 : i32
        %scatter3A_1113 = arith.constant 0 : i32
        %scatter3A_1114 = tpu.memref_slice %arg7[%scan3A_537, %scatter3A_1112, %scatter3A_1113] : memref<2x4x4096xf32, #tpu.memory_space<vmem>> -> memref<1x4x4096xf32, #tpu.memory_space<vmem>>
        %scatter3A_1115 = tpu.memref_squeeze %scatter3A_1114 : memref<1x4x4096xf32, #tpu.memory_space<vmem>> -> memref<4x4096xf32, #tpu.memory_space<vmem>>
        tpu.vector_store_idx %scatter3A_1115[%add3A_1110, %add3A_1111], %gather3A_1107 : memref<4x4096xf32, #tpu.memory_space<vmem>>[vector<16xi32>, vector<16xi32>], vector<16xf32>,
        %add3A_1116 = arith.constant 0 : i32
        %add3A_1117 = vector.broadcast %add3A_1116 : i32 to vector<16xi32>
        %add3A_1118 = arith.addi %and3A_97, %add3A_1117 : vector<16xi32>
        %gather3A_1119 = arith.constant 0 : i32
        %gather3A_1120 = arith.constant 0 : i32
        %gather3A_1121 = tpu.memref_slice %arg6[%scan3A_536, %gather3A_1119, %gather3A_1120] : memref<4x512x32xf32, #tpu.memory_space<vmem>> -> memref<1x512x32xf32, #tpu.memory_space<vmem>>
        %gather3A_1122 = tpu.memref_squeeze %gather3A_1121 : memref<1x512x32xf32, #tpu.memory_space<vmem>> -> memref<512x32xf32, #tpu.memory_space<vmem>>
        %gather3A_1123 = tpu.vector_load_idx %gather3A_1122[%add3A_863, %add3A_1118] : memref<512x32xf32, #tpu.memory_space<vmem>>[vector<16xi32>, vector<16xi32>], vector<16xf32>,
        %add3A_1124 = arith.constant 0 : i32
        %add3A_1125 = vector.broadcast %add3A_1124 : i32 to vector<16xi32>
        %add3A_1126 = arith.addi %shift_right_arithmetic3A_144, %add3A_1125 : vector<16xi32>
        %add3A_1127 = arith.addi %add3A_256, %add3A_877 : vector<16xi32>
        %scatter3A_1128 = arith.constant 0 : i32
        %scatter3A_1129 = arith.constant 0 : i32
        %scatter3A_1130 = tpu.memref_slice %arg7[%scan3A_537, %scatter3A_1128, %scatter3A_1129] : memref<2x4x4096xf32, #tpu.memory_space<vmem>> -> memref<1x4x4096xf32, #tpu.memory_space<vmem>>
        %scatter3A_1131 = tpu.memref_squeeze %scatter3A_1130 : memref<1x4x4096xf32, #tpu.memory_space<vmem>> -> memref<4x4096xf32, #tpu.memory_space<vmem>>
        tpu.vector_store_idx %scatter3A_1131[%add3A_1126, %add3A_1127], %gather3A_1123 : memref<4x4096xf32, #tpu.memory_space<vmem>>[vector<16xi32>, vector<16xi32>], vector<16xf32>,
        %add3A_1132 = arith.constant 16 : i32
        %add3A_1133 = vector.broadcast %add3A_1132 : i32 to vector<16xi32>
        %add3A_1134 = arith.addi %and3A_7, %add3A_1133 : vector<16xi32>
        %gather3A_1135 = arith.constant 0 : i32
        %gather3A_1136 = arith.constant 0 : i32
        %gather3A_1137 = tpu.memref_slice %arg6[%scan3A_536, %gather3A_1135, %gather3A_1136] : memref<4x512x32xf32, #tpu.memory_space<vmem>> -> memref<1x512x32xf32, #tpu.memory_space<vmem>>
        %gather3A_1138 = tpu.memref_squeeze %gather3A_1137 : memref<1x512x32xf32, #tpu.memory_space<vmem>> -> memref<512x32xf32, #tpu.memory_space<vmem>>
        %gather3A_1139 = tpu.vector_load_idx %gather3A_1138[%add3A_863, %add3A_1134] : memref<512x32xf32, #tpu.memory_space<vmem>>[vector<16xi32>, vector<16xi32>], vector<16xf32>,
        %add3A_1140 = arith.constant 2 : i32
        %add3A_1141 = vector.broadcast %add3A_1140 : i32 to vector<16xi32>
        %add3A_1142 = arith.addi %shift_right_arithmetic3A_99, %add3A_1141 : vector<16xi32>
        %add3A_1143 = arith.addi %add3A_151, %add3A_877 : vector<16xi32>
        %scatter3A_1144 = arith.constant 0 : i32
        %scatter3A_1145 = arith.constant 0 : i32
        %scatter3A_1146 = tpu.memref_slice %arg7[%scan3A_537, %scatter3A_1144, %scatter3A_1145] : memref<2x4x4096xf32, #tpu.memory_space<vmem>> -> memref<1x4x4096xf32, #tpu.memory_space<vmem>>
        %scatter3A_1147 = tpu.memref_squeeze %scatter3A_1146 : memref<1x4x4096xf32, #tpu.memory_space<vmem>> -> memref<4x4096xf32, #tpu.memory_space<vmem>>
        tpu.vector_store_idx %scatter3A_1147[%add3A_1142, %add3A_1143], %gather3A_1139 : memref<4x4096xf32, #tpu.memory_space<vmem>>[vector<16xi32>, vector<16xi32>], vector<16xf32>,
        %add3A_1148 = arith.constant 16 : i32
        %add3A_1149 = vector.broadcast %add3A_1148 : i32 to vector<16xi32>
        %add3A_1150 = arith.addi %and3A_13, %add3A_1149 : vector<16xi32>
        %gather3A_1151 = arith.constant 0 : i32
        %gather3A_1152 = arith.constant 0 : i32
        %gather3A_1153 = tpu.memref_slice %arg6[%scan3A_536, %gather3A_1151, %gather3A_1152] : memref<4x512x32xf32, #tpu.memory_space<vmem>> -> memref<1x512x32xf32, #tpu.memory_space<vmem>>
        %gather3A_1154 = tpu.memref_squeeze %gather3A_1153 : memref<1x512x32xf32, #tpu.memory_space<vmem>> -> memref<512x32xf32, #tpu.memory_space<vmem>>
        %gather3A_1155 = tpu.vector_load_idx %gather3A_1154[%add3A_863, %add3A_1150] : memref<512x32xf32, #tpu.memory_space<vmem>>[vector<16xi32>, vector<16xi32>], vector<16xf32>,
        %add3A_1156 = arith.constant 2 : i32
        %add3A_1157 = vector.broadcast %add3A_1156 : i32 to vector<16xi32>
        %add3A_1158 = arith.addi %shift_right_arithmetic3A_102, %add3A_1157 : vector<16xi32>
        %add3A_1159 = arith.addi %add3A_158, %add3A_877 : vector<16xi32>
        %scatter3A_1160 = arith.constant 0 : i32
        %scatter3A_1161 = arith.constant 0 : i32
        %scatter3A_1162 = tpu.memref_slice %arg7[%scan3A_537, %scatter3A_1160, %scatter3A_1161] : memref<2x4x4096xf32, #tpu.memory_space<vmem>> -> memref<1x4x4096xf32, #tpu.memory_space<vmem>>
        %scatter3A_1163 = tpu.memref_squeeze %scatter3A_1162 : memref<1x4x4096xf32, #tpu.memory_space<vmem>> -> memref<4x4096xf32, #tpu.memory_space<vmem>>
        tpu.vector_store_idx %scatter3A_1163[%add3A_1158, %add3A_1159], %gather3A_1155 : memref<4x4096xf32, #tpu.memory_space<vmem>>[vector<16xi32>, vector<16xi32>], vector<16xf32>,
        %add3A_1164 = arith.constant 16 : i32
        %add3A_1165 = vector.broadcast %add3A_1164 : i32 to vector<16xi32>
        %add3A_1166 = arith.addi %and3A_19, %add3A_1165 : vector<16xi32>
        %gather3A_1167 = arith.constant 0 : i32
        %gather3A_1168 = arith.constant 0 : i32
        %gather3A_1169 = tpu.memref_slice %arg6[%scan3A_536, %gather3A_1167, %gather3A_1168] : memref<4x512x32xf32, #tpu.memory_space<vmem>> -> memref<1x512x32xf32, #tpu.memory_space<vmem>>
        %gather3A_1170 = tpu.memref_squeeze %gather3A_1169 : memref<1x512x32xf32, #tpu.memory_space<vmem>> -> memref<512x32xf32, #tpu.memory_space<vmem>>
        %gather3A_1171 = tpu.vector_load_idx %gather3A_1170[%add3A_863, %add3A_1166] : memref<512x32xf32, #tpu.memory_space<vmem>>[vector<16xi32>, vector<16xi32>], vector<16xf32>,
        %add3A_1172 = arith.constant 2 : i32
        %add3A_1173 = vector.broadcast %add3A_1172 : i32 to vector<16xi32>
        %add3A_1174 = arith.addi %shift_right_arithmetic3A_105, %add3A_1173 : vector<16xi32>
        %add3A_1175 = arith.addi %add3A_165, %add3A_877 : vector<16xi32>
        %scatter3A_1176 = arith.constant 0 : i32
        %scatter3A_1177 = arith.constant 0 : i32
        %scatter3A_1178 = tpu.memref_slice %arg7[%scan3A_537, %scatter3A_1176, %scatter3A_1177] : memref<2x4x4096xf32, #tpu.memory_space<vmem>> -> memref<1x4x4096xf32, #tpu.memory_space<vmem>>
        %scatter3A_1179 = tpu.memref_squeeze %scatter3A_1178 : memref<1x4x4096xf32, #tpu.memory_space<vmem>> -> memref<4x4096xf32, #tpu.memory_space<vmem>>
        tpu.vector_store_idx %scatter3A_1179[%add3A_1174, %add3A_1175], %gather3A_1171 : memref<4x4096xf32, #tpu.memory_space<vmem>>[vector<16xi32>, vector<16xi32>], vector<16xf32>,
        %add3A_1180 = arith.constant 16 : i32
        %add3A_1181 = vector.broadcast %add3A_1180 : i32 to vector<16xi32>
        %add3A_1182 = arith.addi %and3A_25, %add3A_1181 : vector<16xi32>
        %gather3A_1183 = arith.constant 0 : i32
        %gather3A_1184 = arith.constant 0 : i32
        %gather3A_1185 = tpu.memref_slice %arg6[%scan3A_536, %gather3A_1183, %gather3A_1184] : memref<4x512x32xf32, #tpu.memory_space<vmem>> -> memref<1x512x32xf32, #tpu.memory_space<vmem>>
        %gather3A_1186 = tpu.memref_squeeze %gather3A_1185 : memref<1x512x32xf32, #tpu.memory_space<vmem>> -> memref<512x32xf32, #tpu.memory_space<vmem>>
        %gather3A_1187 = tpu.vector_load_idx %gather3A_1186[%add3A_863, %add3A_1182] : memref<512x32xf32, #tpu.memory_space<vmem>>[vector<16xi32>, vector<16xi32>], vector<16xf32>,
        %add3A_1188 = arith.constant 2 : i32
        %add3A_1189 = vector.broadcast %add3A_1188 : i32 to vector<16xi32>
        %add3A_1190 = arith.addi %shift_right_arithmetic3A_108, %add3A_1189 : vector<16xi32>
        %add3A_1191 = arith.addi %add3A_172, %add3A_877 : vector<16xi32>
        %scatter3A_1192 = arith.constant 0 : i32
        %scatter3A_1193 = arith.constant 0 : i32
        %scatter3A_1194 = tpu.memref_slice %arg7[%scan3A_537, %scatter3A_1192, %scatter3A_1193] : memref<2x4x4096xf32, #tpu.memory_space<vmem>> -> memref<1x4x4096xf32, #tpu.memory_space<vmem>>
        %scatter3A_1195 = tpu.memref_squeeze %scatter3A_1194 : memref<1x4x4096xf32, #tpu.memory_space<vmem>> -> memref<4x4096xf32, #tpu.memory_space<vmem>>
        tpu.vector_store_idx %scatter3A_1195[%add3A_1190, %add3A_1191], %gather3A_1187 : memref<4x4096xf32, #tpu.memory_space<vmem>>[vector<16xi32>, vector<16xi32>], vector<16xf32>,
        %add3A_1196 = arith.constant 16 : i32
        %add3A_1197 = vector.broadcast %add3A_1196 : i32 to vector<16xi32>
        %add3A_1198 = arith.addi %and3A_31, %add3A_1197 : vector<16xi32>
        %gather3A_1199 = arith.constant 0 : i32
        %gather3A_1200 = arith.constant 0 : i32
        %gather3A_1201 = tpu.memref_slice %arg6[%scan3A_536, %gather3A_1199, %gather3A_1200] : memref<4x512x32xf32, #tpu.memory_space<vmem>> -> memref<1x512x32xf32, #tpu.memory_space<vmem>>
        %gather3A_1202 = tpu.memref_squeeze %gather3A_1201 : memref<1x512x32xf32, #tpu.memory_space<vmem>> -> memref<512x32xf32, #tpu.memory_space<vmem>>
        %gather3A_1203 = tpu.vector_load_idx %gather3A_1202[%add3A_863, %add3A_1198] : memref<512x32xf32, #tpu.memory_space<vmem>>[vector<16xi32>, vector<16xi32>], vector<16xf32>,
        %add3A_1204 = arith.constant 2 : i32
        %add3A_1205 = vector.broadcast %add3A_1204 : i32 to vector<16xi32>
        %add3A_1206 = arith.addi %shift_right_arithmetic3A_111, %add3A_1205 : vector<16xi32>
        %add3A_1207 = arith.addi %add3A_179, %add3A_877 : vector<16xi32>
        %scatter3A_1208 = arith.constant 0 : i32
        %scatter3A_1209 = arith.constant 0 : i32
        %scatter3A_1210 = tpu.memref_slice %arg7[%scan3A_537, %scatter3A_1208, %scatter3A_1209] : memref<2x4x4096xf32, #tpu.memory_space<vmem>> -> memref<1x4x4096xf32, #tpu.memory_space<vmem>>
        %scatter3A_1211 = tpu.memref_squeeze %scatter3A_1210 : memref<1x4x4096xf32, #tpu.memory_space<vmem>> -> memref<4x4096xf32, #tpu.memory_space<vmem>>
        tpu.vector_store_idx %scatter3A_1211[%add3A_1206, %add3A_1207], %gather3A_1203 : memref<4x4096xf32, #tpu.memory_space<vmem>>[vector<16xi32>, vector<16xi32>], vector<16xf32>,
        %add3A_1212 = arith.constant 16 : i32
        %add3A_1213 = vector.broadcast %add3A_1212 : i32 to vector<16xi32>
        %add3A_1214 = arith.addi %and3A_37, %add3A_1213 : vector<16xi32>
        %gather3A_1215 = arith.constant 0 : i32
        %gather3A_1216 = arith.constant 0 : i32
        %gather3A_1217 = tpu.memref_slice %arg6[%scan3A_536, %gather3A_1215, %gather3A_1216] : memref<4x512x32xf32, #tpu.memory_space<vmem>> -> memref<1x512x32xf32, #tpu.memory_space<vmem>>
        %gather3A_1218 = tpu.memref_squeeze %gather3A_1217 : memref<1x512x32xf32, #tpu.memory_space<vmem>> -> memref<512x32xf32, #tpu.memory_space<vmem>>
        %gather3A_1219 = tpu.vector_load_idx %gather3A_1218[%add3A_863, %add3A_1214] : memref<512x32xf32, #tpu.memory_space<vmem>>[vector<16xi32>, vector<16xi32>], vector<16xf32>,
        %add3A_1220 = arith.constant 2 : i32
        %add3A_1221 = vector.broadcast %add3A_1220 : i32 to vector<16xi32>
        %add3A_1222 = arith.addi %shift_right_arithmetic3A_114, %add3A_1221 : vector<16xi32>
        %add3A_1223 = arith.addi %add3A_186, %add3A_877 : vector<16xi32>
        %scatter3A_1224 = arith.constant 0 : i32
        %scatter3A_1225 = arith.constant 0 : i32
        %scatter3A_1226 = tpu.memref_slice %arg7[%scan3A_537, %scatter3A_1224, %scatter3A_1225] : memref<2x4x4096xf32, #tpu.memory_space<vmem>> -> memref<1x4x4096xf32, #tpu.memory_space<vmem>>
        %scatter3A_1227 = tpu.memref_squeeze %scatter3A_1226 : memref<1x4x4096xf32, #tpu.memory_space<vmem>> -> memref<4x4096xf32, #tpu.memory_space<vmem>>
        tpu.vector_store_idx %scatter3A_1227[%add3A_1222, %add3A_1223], %gather3A_1219 : memref<4x4096xf32, #tpu.memory_space<vmem>>[vector<16xi32>, vector<16xi32>], vector<16xf32>,
        %add3A_1228 = arith.constant 16 : i32
        %add3A_1229 = vector.broadcast %add3A_1228 : i32 to vector<16xi32>
        %add3A_1230 = arith.addi %and3A_43, %add3A_1229 : vector<16xi32>
        %gather3A_1231 = arith.constant 0 : i32
        %gather3A_1232 = arith.constant 0 : i32
        %gather3A_1233 = tpu.memref_slice %arg6[%scan3A_536, %gather3A_1231, %gather3A_1232] : memref<4x512x32xf32, #tpu.memory_space<vmem>> -> memref<1x512x32xf32, #tpu.memory_space<vmem>>
        %gather3A_1234 = tpu.memref_squeeze %gather3A_1233 : memref<1x512x32xf32, #tpu.memory_space<vmem>> -> memref<512x32xf32, #tpu.memory_space<vmem>>
        %gather3A_1235 = tpu.vector_load_idx %gather3A_1234[%add3A_863, %add3A_1230] : memref<512x32xf32, #tpu.memory_space<vmem>>[vector<16xi32>, vector<16xi32>], vector<16xf32>,
        %add3A_1236 = arith.constant 2 : i32
        %add3A_1237 = vector.broadcast %add3A_1236 : i32 to vector<16xi32>
        %add3A_1238 = arith.addi %shift_right_arithmetic3A_117, %add3A_1237 : vector<16xi32>
        %add3A_1239 = arith.addi %add3A_193, %add3A_877 : vector<16xi32>
        %scatter3A_1240 = arith.constant 0 : i32
        %scatter3A_1241 = arith.constant 0 : i32
        %scatter3A_1242 = tpu.memref_slice %arg7[%scan3A_537, %scatter3A_1240, %scatter3A_1241] : memref<2x4x4096xf32, #tpu.memory_space<vmem>> -> memref<1x4x4096xf32, #tpu.memory_space<vmem>>
        %scatter3A_1243 = tpu.memref_squeeze %scatter3A_1242 : memref<1x4x4096xf32, #tpu.memory_space<vmem>> -> memref<4x4096xf32, #tpu.memory_space<vmem>>
        tpu.vector_store_idx %scatter3A_1243[%add3A_1238, %add3A_1239], %gather3A_1235 : memref<4x4096xf32, #tpu.memory_space<vmem>>[vector<16xi32>, vector<16xi32>], vector<16xf32>,
        %add3A_1244 = arith.constant 16 : i32
        %add3A_1245 = vector.broadcast %add3A_1244 : i32 to vector<16xi32>
        %add3A_1246 = arith.addi %and3A_49, %add3A_1245 : vector<16xi32>
        %gather3A_1247 = arith.constant 0 : i32
        %gather3A_1248 = arith.constant 0 : i32
        %gather3A_1249 = tpu.memref_slice %arg6[%scan3A_536, %gather3A_1247, %gather3A_1248] : memref<4x512x32xf32, #tpu.memory_space<vmem>> -> memref<1x512x32xf32, #tpu.memory_space<vmem>>
        %gather3A_1250 = tpu.memref_squeeze %gather3A_1249 : memref<1x512x32xf32, #tpu.memory_space<vmem>> -> memref<512x32xf32, #tpu.memory_space<vmem>>
        %gather3A_1251 = tpu.vector_load_idx %gather3A_1250[%add3A_863, %add3A_1246] : memref<512x32xf32, #tpu.memory_space<vmem>>[vector<16xi32>, vector<16xi32>], vector<16xf32>,
        %add3A_1252 = arith.constant 2 : i32
        %add3A_1253 = vector.broadcast %add3A_1252 : i32 to vector<16xi32>
        %add3A_1254 = arith.addi %shift_right_arithmetic3A_120, %add3A_1253 : vector<16xi32>
        %add3A_1255 = arith.addi %add3A_200, %add3A_877 : vector<16xi32>
        %scatter3A_1256 = arith.constant 0 : i32
        %scatter3A_1257 = arith.constant 0 : i32
        %scatter3A_1258 = tpu.memref_slice %arg7[%scan3A_537, %scatter3A_1256, %scatter3A_1257] : memref<2x4x4096xf32, #tpu.memory_space<vmem>> -> memref<1x4x4096xf32, #tpu.memory_space<vmem>>
        %scatter3A_1259 = tpu.memref_squeeze %scatter3A_1258 : memref<1x4x4096xf32, #tpu.memory_space<vmem>> -> memref<4x4096xf32, #tpu.memory_space<vmem>>
        tpu.vector_store_idx %scatter3A_1259[%add3A_1254, %add3A_1255], %gather3A_1251 : memref<4x4096xf32, #tpu.memory_space<vmem>>[vector<16xi32>, vector<16xi32>], vector<16xf32>,
        %add3A_1260 = arith.constant 16 : i32
        %add3A_1261 = vector.broadcast %add3A_1260 : i32 to vector<16xi32>
        %add3A_1262 = arith.addi %and3A_55, %add3A_1261 : vector<16xi32>
        %gather3A_1263 = arith.constant 0 : i32
        %gather3A_1264 = arith.constant 0 : i32
        %gather3A_1265 = tpu.memref_slice %arg6[%scan3A_536, %gather3A_1263, %gather3A_1264] : memref<4x512x32xf32, #tpu.memory_space<vmem>> -> memref<1x512x32xf32, #tpu.memory_space<vmem>>
        %gather3A_1266 = tpu.memref_squeeze %gather3A_1265 : memref<1x512x32xf32, #tpu.memory_space<vmem>> -> memref<512x32xf32, #tpu.memory_space<vmem>>
        %gather3A_1267 = tpu.vector_load_idx %gather3A_1266[%add3A_863, %add3A_1262] : memref<512x32xf32, #tpu.memory_space<vmem>>[vector<16xi32>, vector<16xi32>], vector<16xf32>,
        %add3A_1268 = arith.constant 2 : i32
        %add3A_1269 = vector.broadcast %add3A_1268 : i32 to vector<16xi32>
        %add3A_1270 = arith.addi %shift_right_arithmetic3A_123, %add3A_1269 : vector<16xi32>
        %add3A_1271 = arith.addi %add3A_207, %add3A_877 : vector<16xi32>
        %scatter3A_1272 = arith.constant 0 : i32
        %scatter3A_1273 = arith.constant 0 : i32
        %scatter3A_1274 = tpu.memref_slice %arg7[%scan3A_537, %scatter3A_1272, %scatter3A_1273] : memref<2x4x4096xf32, #tpu.memory_space<vmem>> -> memref<1x4x4096xf32, #tpu.memory_space<vmem>>
        %scatter3A_1275 = tpu.memref_squeeze %scatter3A_1274 : memref<1x4x4096xf32, #tpu.memory_space<vmem>> -> memref<4x4096xf32, #tpu.memory_space<vmem>>
        tpu.vector_store_idx %scatter3A_1275[%add3A_1270, %add3A_1271], %gather3A_1267 : memref<4x4096xf32, #tpu.memory_space<vmem>>[vector<16xi32>, vector<16xi32>], vector<16xf32>,
        %add3A_1276 = arith.constant 16 : i32
        %add3A_1277 = vector.broadcast %add3A_1276 : i32 to vector<16xi32>
        %add3A_1278 = arith.addi %and3A_61, %add3A_1277 : vector<16xi32>
        %gather3A_1279 = arith.constant 0 : i32
        %gather3A_1280 = arith.constant 0 : i32
        %gather3A_1281 = tpu.memref_slice %arg6[%scan3A_536, %gather3A_1279, %gather3A_1280] : memref<4x512x32xf32, #tpu.memory_space<vmem>> -> memref<1x512x32xf32, #tpu.memory_space<vmem>>
        %gather3A_1282 = tpu.memref_squeeze %gather3A_1281 : memref<1x512x32xf32, #tpu.memory_space<vmem>> -> memref<512x32xf32, #tpu.memory_space<vmem>>
        %gather3A_1283 = tpu.vector_load_idx %gather3A_1282[%add3A_863, %add3A_1278] : memref<512x32xf32, #tpu.memory_space<vmem>>[vector<16xi32>, vector<16xi32>], vector<16xf32>,
        %add3A_1284 = arith.constant 2 : i32
        %add3A_1285 = vector.broadcast %add3A_1284 : i32 to vector<16xi32>
        %add3A_1286 = arith.addi %shift_right_arithmetic3A_126, %add3A_1285 : vector<16xi32>
        %add3A_1287 = arith.addi %add3A_214, %add3A_877 : vector<16xi32>
        %scatter3A_1288 = arith.constant 0 : i32
        %scatter3A_1289 = arith.constant 0 : i32
        %scatter3A_1290 = tpu.memref_slice %arg7[%scan3A_537, %scatter3A_1288, %scatter3A_1289] : memref<2x4x4096xf32, #tpu.memory_space<vmem>> -> memref<1x4x4096xf32, #tpu.memory_space<vmem>>
        %scatter3A_1291 = tpu.memref_squeeze %scatter3A_1290 : memref<1x4x4096xf32, #tpu.memory_space<vmem>> -> memref<4x4096xf32, #tpu.memory_space<vmem>>
        tpu.vector_store_idx %scatter3A_1291[%add3A_1286, %add3A_1287], %gather3A_1283 : memref<4x4096xf32, #tpu.memory_space<vmem>>[vector<16xi32>, vector<16xi32>], vector<16xf32>,
        %add3A_1292 = arith.constant 16 : i32
        %add3A_1293 = vector.broadcast %add3A_1292 : i32 to vector<16xi32>
        %add3A_1294 = arith.addi %and3A_67, %add3A_1293 : vector<16xi32>
        %gather3A_1295 = arith.constant 0 : i32
        %gather3A_1296 = arith.constant 0 : i32
        %gather3A_1297 = tpu.memref_slice %arg6[%scan3A_536, %gather3A_1295, %gather3A_1296] : memref<4x512x32xf32, #tpu.memory_space<vmem>> -> memref<1x512x32xf32, #tpu.memory_space<vmem>>
        %gather3A_1298 = tpu.memref_squeeze %gather3A_1297 : memref<1x512x32xf32, #tpu.memory_space<vmem>> -> memref<512x32xf32, #tpu.memory_space<vmem>>
        %gather3A_1299 = tpu.vector_load_idx %gather3A_1298[%add3A_863, %add3A_1294] : memref<512x32xf32, #tpu.memory_space<vmem>>[vector<16xi32>, vector<16xi32>], vector<16xf32>,
        %add3A_1300 = arith.constant 2 : i32
        %add3A_1301 = vector.broadcast %add3A_1300 : i32 to vector<16xi32>
        %add3A_1302 = arith.addi %shift_right_arithmetic3A_129, %add3A_1301 : vector<16xi32>
        %add3A_1303 = arith.addi %add3A_221, %add3A_877 : vector<16xi32>
        %scatter3A_1304 = arith.constant 0 : i32
        %scatter3A_1305 = arith.constant 0 : i32
        %scatter3A_1306 = tpu.memref_slice %arg7[%scan3A_537, %scatter3A_1304, %scatter3A_1305] : memref<2x4x4096xf32, #tpu.memory_space<vmem>> -> memref<1x4x4096xf32, #tpu.memory_space<vmem>>
        %scatter3A_1307 = tpu.memref_squeeze %scatter3A_1306 : memref<1x4x4096xf32, #tpu.memory_space<vmem>> -> memref<4x4096xf32, #tpu.memory_space<vmem>>
        tpu.vector_store_idx %scatter3A_1307[%add3A_1302, %add3A_1303], %gather3A_1299 : memref<4x4096xf32, #tpu.memory_space<vmem>>[vector<16xi32>, vector<16xi32>], vector<16xf32>,
        %add3A_1308 = arith.constant 16 : i32
        %add3A_1309 = vector.broadcast %add3A_1308 : i32 to vector<16xi32>
        %add3A_1310 = arith.addi %and3A_73, %add3A_1309 : vector<16xi32>
        %gather3A_1311 = arith.constant 0 : i32
        %gather3A_1312 = arith.constant 0 : i32
        %gather3A_1313 = tpu.memref_slice %arg6[%scan3A_536, %gather3A_1311, %gather3A_1312] : memref<4x512x32xf32, #tpu.memory_space<vmem>> -> memref<1x512x32xf32, #tpu.memory_space<vmem>>
        %gather3A_1314 = tpu.memref_squeeze %gather3A_1313 : memref<1x512x32xf32, #tpu.memory_space<vmem>> -> memref<512x32xf32, #tpu.memory_space<vmem>>
        %gather3A_1315 = tpu.vector_load_idx %gather3A_1314[%add3A_863, %add3A_1310] : memref<512x32xf32, #tpu.memory_space<vmem>>[vector<16xi32>, vector<16xi32>], vector<16xf32>,
        %add3A_1316 = arith.constant 2 : i32
        %add3A_1317 = vector.broadcast %add3A_1316 : i32 to vector<16xi32>
        %add3A_1318 = arith.addi %shift_right_arithmetic3A_132, %add3A_1317 : vector<16xi32>
        %add3A_1319 = arith.addi %add3A_228, %add3A_877 : vector<16xi32>
        %scatter3A_1320 = arith.constant 0 : i32
        %scatter3A_1321 = arith.constant 0 : i32
        %scatter3A_1322 = tpu.memref_slice %arg7[%scan3A_537, %scatter3A_1320, %scatter3A_1321] : memref<2x4x4096xf32, #tpu.memory_space<vmem>> -> memref<1x4x4096xf32, #tpu.memory_space<vmem>>
        %scatter3A_1323 = tpu.memref_squeeze %scatter3A_1322 : memref<1x4x4096xf32, #tpu.memory_space<vmem>> -> memref<4x4096xf32, #tpu.memory_space<vmem>>
        tpu.vector_store_idx %scatter3A_1323[%add3A_1318, %add3A_1319], %gather3A_1315 : memref<4x4096xf32, #tpu.memory_space<vmem>>[vector<16xi32>, vector<16xi32>], vector<16xf32>,
        %add3A_1324 = arith.constant 16 : i32
        %add3A_1325 = vector.broadcast %add3A_1324 : i32 to vector<16xi32>
        %add3A_1326 = arith.addi %and3A_79, %add3A_1325 : vector<16xi32>
        %gather3A_1327 = arith.constant 0 : i32
        %gather3A_1328 = arith.constant 0 : i32
        %gather3A_1329 = tpu.memref_slice %arg6[%scan3A_536, %gather3A_1327, %gather3A_1328] : memref<4x512x32xf32, #tpu.memory_space<vmem>> -> memref<1x512x32xf32, #tpu.memory_space<vmem>>
        %gather3A_1330 = tpu.memref_squeeze %gather3A_1329 : memref<1x512x32xf32, #tpu.memory_space<vmem>> -> memref<512x32xf32, #tpu.memory_space<vmem>>
        %gather3A_1331 = tpu.vector_load_idx %gather3A_1330[%add3A_863, %add3A_1326] : memref<512x32xf32, #tpu.memory_space<vmem>>[vector<16xi32>, vector<16xi32>], vector<16xf32>,
        %add3A_1332 = arith.constant 2 : i32
        %add3A_1333 = vector.broadcast %add3A_1332 : i32 to vector<16xi32>
        %add3A_1334 = arith.addi %shift_right_arithmetic3A_135, %add3A_1333 : vector<16xi32>
        %add3A_1335 = arith.addi %add3A_235, %add3A_877 : vector<16xi32>
        %scatter3A_1336 = arith.constant 0 : i32
        %scatter3A_1337 = arith.constant 0 : i32
        %scatter3A_1338 = tpu.memref_slice %arg7[%scan3A_537, %scatter3A_1336, %scatter3A_1337] : memref<2x4x4096xf32, #tpu.memory_space<vmem>> -> memref<1x4x4096xf32, #tpu.memory_space<vmem>>
        %scatter3A_1339 = tpu.memref_squeeze %scatter3A_1338 : memref<1x4x4096xf32, #tpu.memory_space<vmem>> -> memref<4x4096xf32, #tpu.memory_space<vmem>>
        tpu.vector_store_idx %scatter3A_1339[%add3A_1334, %add3A_1335], %gather3A_1331 : memref<4x4096xf32, #tpu.memory_space<vmem>>[vector<16xi32>, vector<16xi32>], vector<16xf32>,
        %add3A_1340 = arith.constant 16 : i32
        %add3A_1341 = vector.broadcast %add3A_1340 : i32 to vector<16xi32>
        %add3A_1342 = arith.addi %and3A_85, %add3A_1341 : vector<16xi32>
        %gather3A_1343 = arith.constant 0 : i32
        %gather3A_1344 = arith.constant 0 : i32
        %gather3A_1345 = tpu.memref_slice %arg6[%scan3A_536, %gather3A_1343, %gather3A_1344] : memref<4x512x32xf32, #tpu.memory_space<vmem>> -> memref<1x512x32xf32, #tpu.memory_space<vmem>>
        %gather3A_1346 = tpu.memref_squeeze %gather3A_1345 : memref<1x512x32xf32, #tpu.memory_space<vmem>> -> memref<512x32xf32, #tpu.memory_space<vmem>>
        %gather3A_1347 = tpu.vector_load_idx %gather3A_1346[%add3A_863, %add3A_1342] : memref<512x32xf32, #tpu.memory_space<vmem>>[vector<16xi32>, vector<16xi32>], vector<16xf32>,
        %add3A_1348 = arith.constant 2 : i32
        %add3A_1349 = vector.broadcast %add3A_1348 : i32 to vector<16xi32>
        %add3A_1350 = arith.addi %shift_right_arithmetic3A_138, %add3A_1349 : vector<16xi32>
        %add3A_1351 = arith.addi %add3A_242, %add3A_877 : vector<16xi32>
        %scatter3A_1352 = arith.constant 0 : i32
        %scatter3A_1353 = arith.constant 0 : i32
        %scatter3A_1354 = tpu.memref_slice %arg7[%scan3A_537, %scatter3A_1352, %scatter3A_1353] : memref<2x4x4096xf32, #tpu.memory_space<vmem>> -> memref<1x4x4096xf32, #tpu.memory_space<vmem>>
        %scatter3A_1355 = tpu.memref_squeeze %scatter3A_1354 : memref<1x4x4096xf32, #tpu.memory_space<vmem>> -> memref<4x4096xf32, #tpu.memory_space<vmem>>
        tpu.vector_store_idx %scatter3A_1355[%add3A_1350, %add3A_1351], %gather3A_1347 : memref<4x4096xf32, #tpu.memory_space<vmem>>[vector<16xi32>, vector<16xi32>], vector<16xf32>,
        %add3A_1356 = arith.constant 16 : i32
        %add3A_1357 = vector.broadcast %add3A_1356 : i32 to vector<16xi32>
        %add3A_1358 = arith.addi %and3A_91, %add3A_1357 : vector<16xi32>
        %gather3A_1359 = arith.constant 0 : i32
        %gather3A_1360 = arith.constant 0 : i32
        %gather3A_1361 = tpu.memref_slice %arg6[%scan3A_536, %gather3A_1359, %gather3A_1360] : memref<4x512x32xf32, #tpu.memory_space<vmem>> -> memref<1x512x32xf32, #tpu.memory_space<vmem>>
        %gather3A_1362 = tpu.memref_squeeze %gather3A_1361 : memref<1x512x32xf32, #tpu.memory_space<vmem>> -> memref<512x32xf32, #tpu.memory_space<vmem>>
        %gather3A_1363 = tpu.vector_load_idx %gather3A_1362[%add3A_863, %add3A_1358] : memref<512x32xf32, #tpu.memory_space<vmem>>[vector<16xi32>, vector<16xi32>], vector<16xf32>,
        %add3A_1364 = arith.constant 2 : i32
        %add3A_1365 = vector.broadcast %add3A_1364 : i32 to vector<16xi32>
        %add3A_1366 = arith.addi %shift_right_arithmetic3A_141, %add3A_1365 : vector<16xi32>
        %add3A_1367 = arith.addi %add3A_249, %add3A_877 : vector<16xi32>
        %scatter3A_1368 = arith.constant 0 : i32
        %scatter3A_1369 = arith.constant 0 : i32
        %scatter3A_1370 = tpu.memref_slice %arg7[%scan3A_537, %scatter3A_1368, %scatter3A_1369] : memref<2x4x4096xf32, #tpu.memory_space<vmem>> -> memref<1x4x4096xf32, #tpu.memory_space<vmem>>
        %scatter3A_1371 = tpu.memref_squeeze %scatter3A_1370 : memref<1x4x4096xf32, #tpu.memory_space<vmem>> -> memref<4x4096xf32, #tpu.memory_space<vmem>>
        tpu.vector_store_idx %scatter3A_1371[%add3A_1366, %add3A_1367], %gather3A_1363 : memref<4x4096xf32, #tpu.memory_space<vmem>>[vector<16xi32>, vector<16xi32>], vector<16xf32>,
        %add3A_1372 = arith.constant 16 : i32
        %add3A_1373 = vector.broadcast %add3A_1372 : i32 to vector<16xi32>
        %add3A_1374 = arith.addi %and3A_97, %add3A_1373 : vector<16xi32>
        %gather3A_1375 = arith.constant 0 : i32
        %gather3A_1376 = arith.constant 0 : i32
        %gather3A_1377 = tpu.memref_slice %arg6[%scan3A_536, %gather3A_1375, %gather3A_1376] : memref<4x512x32xf32, #tpu.memory_space<vmem>> -> memref<1x512x32xf32, #tpu.memory_space<vmem>>
        %gather3A_1378 = tpu.memref_squeeze %gather3A_1377 : memref<1x512x32xf32, #tpu.memory_space<vmem>> -> memref<512x32xf32, #tpu.memory_space<vmem>>
        %gather3A_1379 = tpu.vector_load_idx %gather3A_1378[%add3A_863, %add3A_1374] : memref<512x32xf32, #tpu.memory_space<vmem>>[vector<16xi32>, vector<16xi32>], vector<16xf32>,
        %add3A_1380 = arith.constant 2 : i32
        %add3A_1381 = vector.broadcast %add3A_1380 : i32 to vector<16xi32>
        %add3A_1382 = arith.addi %shift_right_arithmetic3A_144, %add3A_1381 : vector<16xi32>
        %add3A_1383 = arith.addi %add3A_256, %add3A_877 : vector<16xi32>
        %scatter3A_1384 = arith.constant 0 : i32
        %scatter3A_1385 = arith.constant 0 : i32
        %scatter3A_1386 = tpu.memref_slice %arg7[%scan3A_537, %scatter3A_1384, %scatter3A_1385] : memref<2x4x4096xf32, #tpu.memory_space<vmem>> -> memref<1x4x4096xf32, #tpu.memory_space<vmem>>
        %scatter3A_1387 = tpu.memref_squeeze %scatter3A_1386 : memref<1x4x4096xf32, #tpu.memory_space<vmem>> -> memref<4x4096xf32, #tpu.memory_space<vmem>>
        tpu.vector_store_idx %scatter3A_1387[%add3A_1382, %add3A_1383], %gather3A_1379 : memref<4x4096xf32, #tpu.memory_space<vmem>>[vector<16xi32>, vector<16xi32>], vector<16xf32>,
      }
      %scan3A_542 = arith.constant 32 : i32
      %add3A_543 = arith.addi %mul3A_2, %add3A_514 : i32
      %jit3A_544 = arith.constant 32 : i32
      %div3A_545 = arith.divsi %add3A_543, %jit3A_544 : i32
      %sign3A_546 = arith.constant 0 : i32
      %sign3A_547 = arith.cmpi sgt, %add3A_543, %sign3A_546 : i32
      %sign3A_548 = arith.extui %sign3A_547 : i1 to i32
      %sign3A_549 = arith.constant 0 : i32
      %sign3A_550 = arith.cmpi slt, %add3A_543, %sign3A_549 : i32
      %sign3A_551 = arith.extui %sign3A_550 : i1 to i32
      %sign3A_552 = arith.subi %sign3A_548, %sign3A_551 : i32
      %sign3A_553 = arith.constant 0 : i32
      %sign3A_554 = arith.cmpi sgt, %jit3A_544, %sign3A_553 : i32
      %sign3A_555 = arith.extui %sign3A_554 : i1 to i32
      %sign3A_556 = arith.constant 0 : i32
      %sign3A_557 = arith.cmpi slt, %jit3A_544, %sign3A_556 : i32
      %sign3A_558 = arith.extui %sign3A_557 : i1 to i32
      %sign3A_559 = arith.subi %sign3A_555, %sign3A_558 : i32
      %ne3A_560 = arith.cmpi ne, %sign3A_552, %sign3A_559 : i32
      %rem3A_561 = arith.remsi %add3A_543, %jit3A_544 : i32
      %ne3A_562 = arith.constant 0 : i32
      %ne3A_563 = arith.cmpi ne, %rem3A_561, %ne3A_562 : i32
      %and3A_564 = arith.andi %ne3A_560, %ne3A_563 : i1
      %sub3A_565 = arith.constant 1 : i32
      %sub3A_566 = arith.subi %div3A_545, %sub3A_565 : i32
      %select_n3A_567 = arith.select %and3A_564, %sub3A_566, %div3A_545 : i32
      %mul3A_568 = arith.constant 32 : i32
      %mul3A_569 = arith.muli %select_n3A_567, %mul3A_568 : i32
      %sub3A_570 = arith.subi %add3A_543, %mul3A_569 : i32
      %mul3A_571 = arith.constant 4096 : i32
      %mul3A_572 = arith.muli %sub3A_570, %mul3A_571 : i32
      %dma_start3A_573 = arith.constant 0 : i32
      %dma_start3A_574 = arith.constant 0 : i32
      %dma_start3A_575 = arith.constant 0 : i32
      %dma_start3A_576 = tpu.memref_slice %arg7[%dma_start3A_573, %dma_start3A_574, %dma_start3A_575] : memref<2x4x4096xf32, #tpu.memory_space<vmem>> -> memref<1x4x4096xf32, #tpu.memory_space<vmem>>
      %dma_start3A_577 = tpu.memref_squeeze %dma_start3A_576 : memref<1x4x4096xf32, #tpu.memory_space<vmem>> -> memref<4x4096xf32, #tpu.memory_space<vmem>>
      %dma_start3A_578 = arith.constant 0 : i32
      %dma_start3A_579 = tpu.memref_slice %arg4[%select_n3A_567, %dma_start3A_578, %mul3A_572] : memref<200x4x131072xf32, #tpu.memory_space<hbm>> -> memref<1x4x4096xf32, #tpu.memory_space<hbm>>
      %dma_start3A_580 = tpu.memref_squeeze %dma_start3A_579 : memref<1x4x4096xf32, #tpu.memory_space<hbm>> -> memref<4x4096xf32, #tpu.memory_space<hbm>>
      %dma_start3A_581 = arith.constant 0 : i32
      %dma_start3A_582 = tpu.memref_slice %arg4[%select_n3A_567, %dma_start3A_581, %mul3A_572] : memref<200x4x131072xf32, #tpu.memory_space<hbm>> -> memref<1x4x4096xf32, #tpu.memory_space<hbm>>
      %dma_start3A_583 = tpu.memref_squeeze %dma_start3A_582 : memref<1x4x4096xf32, #tpu.memory_space<hbm>> -> memref<4x4096xf32, #tpu.memory_space<hbm>>
      %dma_start3A_584 = arith.constant 0 : i32
      %dma_start3A_585 = arith.constant 0 : i32
      %dma_start3A_586 = tpu.memref_slice %arg7[%dma_start3A_573, %dma_start3A_584, %dma_start3A_585] : memref<2x4x4096xf32, #tpu.memory_space<vmem>> -> memref<1x4x4096xf32, #tpu.memory_space<vmem>>
      %dma_start3A_587 = tpu.memref_squeeze %dma_start3A_586 : memref<1x4x4096xf32, #tpu.memory_space<vmem>> -> memref<4x4096xf32, #tpu.memory_space<vmem>>
      tpu.enqueue_dma source(%dma_start3A_587 : memref<4x4096xf32, #tpu.memory_space<vmem>>) target(%dma_start3A_583 : memref<4x4096xf32, #tpu.memory_space<hbm>>) target_semaphore(%arg16 : memref<!tpu.dma_semaphore, #tpu.memory_space<semaphore_mem>>)
      %add3A_588 = arith.constant 4 : i32
      %add3A_589 = arith.addi %add3A_514, %add3A_588 : i32
      %lt3A_590 = arith.constant 200 : i32
      %lt3A_591 = arith.cmpi slt, %add3A_589, %lt3A_590 : i32
      %convert_element_type3A_592 = arith.extui %lt3A_591 : i1 to i32
      %cond3A_593 = arith.constant 0 : i32
      %cond3A_594 = arith.cmpi ne, %convert_element_type3A_592, %cond3A_593 : i32
      scf.if %cond3A_594 {
        %add3A_859 = arith.addi %mul3A_2, %add3A_514 : i32
        %add3A_860 = arith.constant 4 : i32
        %add3A_861 = arith.addi %add3A_859, %add3A_860 : i32
        %jit3A_862 = arith.constant 32 : i32
        %div3A_863 = arith.divsi %add3A_861, %jit3A_862 : i32
        %sign3A_864 = arith.constant 0 : i32
        %sign3A_865 = arith.cmpi sgt, %add3A_861, %sign3A_864 : i32
        %sign3A_866 = arith.extui %sign3A_865 : i1 to i32
        %sign3A_867 = arith.constant 0 : i32
        %sign3A_868 = arith.cmpi slt, %add3A_861, %sign3A_867 : i32
        %sign3A_869 = arith.extui %sign3A_868 : i1 to i32
        %sign3A_870 = arith.subi %sign3A_866, %sign3A_869 : i32
        %sign3A_871 = arith.constant 0 : i32
        %sign3A_872 = arith.cmpi sgt, %jit3A_862, %sign3A_871 : i32
        %sign3A_873 = arith.extui %sign3A_872 : i1 to i32
        %sign3A_874 = arith.constant 0 : i32
        %sign3A_875 = arith.cmpi slt, %jit3A_862, %sign3A_874 : i32
        %sign3A_876 = arith.extui %sign3A_875 : i1 to i32
        %sign3A_877 = arith.subi %sign3A_873, %sign3A_876 : i32
        %ne3A_878 = arith.cmpi ne, %sign3A_870, %sign3A_877 : i32
        %rem3A_879 = arith.remsi %add3A_861, %jit3A_862 : i32
        %ne3A_880 = arith.constant 0 : i32
        %ne3A_881 = arith.cmpi ne, %rem3A_879, %ne3A_880 : i32
        %and3A_882 = arith.andi %ne3A_878, %ne3A_881 : i1
        %sub3A_883 = arith.constant 1 : i32
        %sub3A_884 = arith.subi %div3A_863, %sub3A_883 : i32
        %select_n3A_885 = arith.select %and3A_882, %sub3A_884, %div3A_863 : i32
        %mul3A_886 = arith.constant 32 : i32
        %mul3A_887 = arith.muli %select_n3A_885, %mul3A_886 : i32
        %sub3A_888 = arith.subi %add3A_861, %mul3A_887 : i32
        %mul3A_889 = arith.constant 16384 : i32
        %mul3A_890 = arith.muli %select_n3A_885, %mul3A_889 : i32
        %mul3A_891 = arith.constant 512 : i32
        %mul3A_892 = arith.muli %sub3A_888, %mul3A_891 : i32
        %add3A_893 = arith.addi %mul3A_890, %mul3A_892 : i32
        %multiple_of3A_894 = tpu.assume_multiple %add3A_893, 8 : i32
        %dma_start3A_895 = arith.constant 0 : i32
        %dma_start3A_896 = arith.constant 0 : i32
        %dma_start3A_897 = tpu.memref_slice %arg5[%dma_start3A_895, %dma_start3A_896] : memref<4x512xi32, #tpu.memory_space<vmem>> -> memref<1x512xi32, #tpu.memory_space<vmem>>
        %dma_start3A_898 = tpu.memref_squeeze %dma_start3A_897 : memref<1x512xi32, #tpu.memory_space<vmem>> -> memref<512xi32, #tpu.memory_space<vmem>>
        %dma_start3A_899 = tpu.memref_slice %arg2[%multiple_of3A_894] : memref<3276800xi32, #tpu.memory_space<hbm>> -> memref<512xi32, #tpu.memory_space<hbm>>
        %dma_start3A_900 = arith.constant 0 : i32
        %dma_start3A_901 = tpu.memref_slice %arg5[%dma_start3A_895, %dma_start3A_900] : memref<4x512xi32, #tpu.memory_space<vmem>> -> memref<1x512xi32, #tpu.memory_space<vmem>>
        %dma_start3A_902 = tpu.memref_squeeze %dma_start3A_901 : memref<1x512xi32, #tpu.memory_space<vmem>> -> memref<512xi32, #tpu.memory_space<vmem>>
        %dma_start3A_903 = tpu.memref_slice %arg2[%multiple_of3A_894] : memref<3276800xi32, #tpu.memory_space<hbm>> -> memref<512xi32, #tpu.memory_space<hbm>>
        tpu.enqueue_dma source(%dma_start3A_903 : memref<512xi32, #tpu.memory_space<hbm>>) target(%dma_start3A_902 : memref<512xi32, #tpu.memory_space<vmem>>) target_semaphore(%arg8 : memref<!tpu.dma_semaphore, #tpu.memory_space<semaphore_mem>>)
      } else {
      }
      %mul3A_595 = arith.constant 4 : i32
      %mul3A_596 = arith.muli %scan3A_510, %mul3A_595 : i32
      %add3A_597 = arith.constant 1 : i32
      %add3A_598 = arith.addi %mul3A_596, %add3A_597 : i32
      %dma_wait3A_599 = arith.constant 1 : i32
      %dma_wait3A_600 = arith.constant 1 : i32
      %dma_wait3A_601 = arith.constant 0 : i32
      %dma_wait3A_602 = arith.constant 0 : i32
      %dma_wait3A_603 = tpu.memref_slice %arg6[%dma_wait3A_600, %dma_wait3A_601, %dma_wait3A_602] : memref<4x512x32xf32, #tpu.memory_space<vmem>> -> memref<1x512x32xf32, #tpu.memory_space<vmem>>
      %dma_wait3A_604 = tpu.memref_squeeze %dma_wait3A_603 : memref<1x512x32xf32, #tpu.memory_space<vmem>> -> memref<512x32xf32, #tpu.memory_space<vmem>>
      %dma_wait3A_605 = arith.constant 0 : i32
      %dma_wait3A_606 = tpu.memref_slice %arg5[%dma_wait3A_599, %dma_wait3A_605] : memref<4x512xi32, #tpu.memory_space<vmem>> -> memref<1x512xi32, #tpu.memory_space<vmem>>
      %dma_wait3A_607 = tpu.memref_squeeze %dma_wait3A_606 : memref<1x512xi32, #tpu.memory_space<vmem>> -> memref<512xi32, #tpu.memory_space<vmem>>
      %dma_wait3A_608 = arith.constant 0 : i32
      %dma_wait3A_609 = arith.constant 0 : i32
      %dma_wait3A_610 = tpu.memref_slice %arg3[%dma_wait3A_608, %dma_wait3A_609] : memref<1000000x32xf32, #tpu.memory_space<hbm>> -> memref<1000000x32xf32, #tpu.memory_space<hbm>>
      tpu.wait_indirect_dma semaphore(%arg13 : memref<!tpu.dma_semaphore, #tpu.memory_space<semaphore_mem>>) src(%dma_wait3A_610 : memref<1000000x32xf32, #tpu.memory_space<hbm>>) dst(%dma_wait3A_604 : memref<512x32xf32, #tpu.memory_space<vmem>>)
      %add3A_611 = arith.constant 2 : i32
      %add3A_612 = arith.addi %add3A_598, %add3A_611 : i32
      %lt3A_613 = arith.constant 200 : i32
      %lt3A_614 = arith.cmpi slt, %add3A_612, %lt3A_613 : i32
      %convert_element_type3A_615 = arith.extui %lt3A_614 : i1 to i32
      %cond3A_616 = arith.constant 0 : i32
      %cond3A_617 = arith.cmpi ne, %convert_element_type3A_615, %cond3A_616 : i32
      scf.if %cond3A_617 {
        %dma_wait3A_859 = arith.constant 3 : i32
        %dma_wait3A_860 = arith.constant 0 : i32
        %dma_wait3A_861 = tpu.memref_slice %arg5[%dma_wait3A_859, %dma_wait3A_860] : memref<4x512xi32, #tpu.memory_space<vmem>> -> memref<1x512xi32, #tpu.memory_space<vmem>>
        %dma_wait3A_862 = tpu.memref_squeeze %dma_wait3A_861 : memref<1x512xi32, #tpu.memory_space<vmem>> -> memref<512xi32, #tpu.memory_space<vmem>>
        %dma_wait3A_863 = arith.constant 0 : i32
        %dma_wait3A_864 = tpu.memref_slice %arg2[%dma_wait3A_863] : memref<3276800xi32, #tpu.memory_space<hbm>> -> memref<512xi32, #tpu.memory_space<hbm>>
        %dma_wait3A_865 = arith.constant 0 : i32
        %dma_wait3A_866 = tpu.memref_slice %arg5[%dma_wait3A_859, %dma_wait3A_865] : memref<4x512xi32, #tpu.memory_space<vmem>> -> memref<1x512xi32, #tpu.memory_space<vmem>>
        %dma_wait3A_867 = tpu.memref_squeeze %dma_wait3A_866 : memref<1x512xi32, #tpu.memory_space<vmem>> -> memref<512xi32, #tpu.memory_space<vmem>>
        %dma_wait3A_868 = arith.constant 0 : i32
        %dma_wait3A_869 = tpu.memref_slice %arg2[%dma_wait3A_868] : memref<3276800xi32, #tpu.memory_space<hbm>> -> memref<512xi32, #tpu.memory_space<hbm>>
        tpu.wait_dma2 semaphore(%arg11 : memref<!tpu.dma_semaphore, #tpu.memory_space<semaphore_mem>>) src(%dma_wait3A_869 : memref<512xi32, #tpu.memory_space<hbm>>) dst(%dma_wait3A_867 : memref<512xi32, #tpu.memory_space<vmem>>)
        %dma_start3A_870 = arith.constant 3 : i32
        %dma_start3A_871 = arith.constant 3 : i32
        %dma_start3A_872 = arith.constant 0 : i32
        %dma_start3A_873 = arith.constant 0 : i32
        %dma_start3A_874 = tpu.memref_slice %arg6[%dma_start3A_871, %dma_start3A_872, %dma_start3A_873] : memref<4x512x32xf32, #tpu.memory_space<vmem>> -> memref<1x512x32xf32, #tpu.memory_space<vmem>>
        %dma_start3A_875 = tpu.memref_squeeze %dma_start3A_874 : memref<1x512x32xf32, #tpu.memory_space<vmem>> -> memref<512x32xf32, #tpu.memory_space<vmem>>
        %dma_start3A_876 = arith.constant 0 : i32
        %dma_start3A_877 = tpu.memref_slice %arg5[%dma_start3A_870, %dma_start3A_876] : memref<4x512xi32, #tpu.memory_space<vmem>> -> memref<1x512xi32, #tpu.memory_space<vmem>>
        %dma_start3A_878 = tpu.memref_squeeze %dma_start3A_877 : memref<1x512xi32, #tpu.memory_space<vmem>> -> memref<512xi32, #tpu.memory_space<vmem>>
        %dma_start3A_879 = arith.constant 0 : i32
        %dma_start3A_880 = arith.constant 0 : i32
        %dma_start3A_881 = tpu.memref_slice %arg3[%dma_start3A_879, %dma_start3A_880] : memref<1000000x32xf32, #tpu.memory_space<hbm>> -> memref<1000000x32xf32, #tpu.memory_space<hbm>>
        tpu.enqueue_indirect_dma source(%dma_start3A_881 : memref<1000000x32xf32, #tpu.memory_space<hbm>>) target(%dma_start3A_875 : memref<512x32xf32, #tpu.memory_space<vmem>>) offsets(%dma_start3A_878 : memref<512xi32, #tpu.memory_space<vmem>>) semaphore(%arg15 : memref<!tpu.dma_semaphore, #tpu.memory_space<semaphore_mem>>)
      } else {
      }
      %ge3A_618 = arith.constant 2 : i32
      %ge3A_619 = arith.cmpi sge, %add3A_598, %ge3A_618 : i32
      %convert_element_type3A_620 = arith.extui %ge3A_619 : i1 to i32
      %cond3A_621 = arith.constant 0 : i32
      %cond3A_622 = arith.cmpi ne, %convert_element_type3A_620, %cond3A_621 : i32
      scf.if %cond3A_622 {
        %dma_wait3A_859 = arith.constant 1 : i32
        %dma_wait3A_860 = arith.constant 0 : i32
        %dma_wait3A_861 = arith.constant 0 : i32
        %dma_wait3A_862 = arith.constant 0 : i32
        %dma_wait3A_863 = tpu.memref_slice %arg7[%dma_wait3A_859, %dma_wait3A_861, %dma_wait3A_862] : memref<2x4x4096xf32, #tpu.memory_space<vmem>> -> memref<1x4x4096xf32, #tpu.memory_space<vmem>>
        %dma_wait3A_864 = tpu.memref_squeeze %dma_wait3A_863 : memref<1x4x4096xf32, #tpu.memory_space<vmem>> -> memref<4x4096xf32, #tpu.memory_space<vmem>>
        %dma_wait3A_865 = arith.constant 0 : i32
        %dma_wait3A_866 = arith.constant 0 : i32
        %dma_wait3A_867 = tpu.memref_slice %arg4[%dma_wait3A_860, %dma_wait3A_865, %dma_wait3A_866] : memref<200x4x131072xf32, #tpu.memory_space<hbm>> -> memref<1x4x4096xf32, #tpu.memory_space<hbm>>
        %dma_wait3A_868 = tpu.memref_squeeze %dma_wait3A_867 : memref<1x4x4096xf32, #tpu.memory_space<hbm>> -> memref<4x4096xf32, #tpu.memory_space<hbm>>
        %dma_wait3A_869 = arith.constant 0 : i32
        %dma_wait3A_870 = arith.constant 0 : i32
        %dma_wait3A_871 = tpu.memref_slice %arg4[%dma_wait3A_860, %dma_wait3A_869, %dma_wait3A_870] : memref<200x4x131072xf32, #tpu.memory_space<hbm>> -> memref<1x4x4096xf32, #tpu.memory_space<hbm>>
        %dma_wait3A_872 = tpu.memref_squeeze %dma_wait3A_871 : memref<1x4x4096xf32, #tpu.memory_space<hbm>> -> memref<4x4096xf32, #tpu.memory_space<hbm>>
        %dma_wait3A_873 = arith.constant 0 : i32
        %dma_wait3A_874 = arith.constant 0 : i32
        %dma_wait3A_875 = tpu.memref_slice %arg7[%dma_wait3A_859, %dma_wait3A_873, %dma_wait3A_874] : memref<2x4x4096xf32, #tpu.memory_space<vmem>> -> memref<1x4x4096xf32, #tpu.memory_space<vmem>>
        %dma_wait3A_876 = tpu.memref_squeeze %dma_wait3A_875 : memref<1x4x4096xf32, #tpu.memory_space<vmem>> -> memref<4x4096xf32, #tpu.memory_space<vmem>>
        tpu.wait_dma2 semaphore(%arg17 : memref<!tpu.dma_semaphore, #tpu.memory_space<semaphore_mem>>) src(%dma_wait3A_876 : memref<4x4096xf32, #tpu.memory_space<vmem>>) dst(%dma_wait3A_872 : memref<4x4096xf32, #tpu.memory_space<hbm>>)
      } else {
      }
      %scan3A_623 = arith.constant 0 : i32
      %scan3A_624 = arith.constant 1 : i32
      %scan3A_625 = arith.constant 1 : i32
      %scan3A_626 = arith.constant 0 : i32
      %scan3A_627 = arith.constant 32 : i32
      %scan3A_628 = arith.addi %scan3A_626, %scan3A_627 : i32
      %scan3A_629 = arith.constant 1 : i32
      scf.for %scan3A_859 = %scan3A_626 to %scan3A_628 step %scan3A_629  : i32 {
        %mul3A_860 = arith.constant 16 : i32
        %mul3A_861 = arith.muli %scan3A_859, %mul3A_860 : i32
        %add3A_862 = vector.broadcast %mul3A_861 : i32 to vector<16xi32>
        %add3A_863 = arith.addi %iota3A, %add3A_862 : vector<16xi32>
        %mul3A_864 = arith.constant 0 : i32
        %mul3A_865 = vector.broadcast %mul3A_864 : i32 to vector<16xi32>
        %mul3A_866 = arith.muli %iota3A, %mul3A_865 : vector<16xi32>
        %shift_right_arithmetic3A_867 = arith.constant 3 : i32
        %shift_right_arithmetic3A_868 = arith.shrsi %scan3A_859, %shift_right_arithmetic3A_867 : i32
        %mul3A_869 = arith.constant 1024 : i32
        %mul3A_870 = arith.muli %shift_right_arithmetic3A_868, %mul3A_869 : i32
        %and3A_871 = arith.constant 7 : i32
        %and3A_872 = arith.andi %scan3A_859, %and3A_871 : i32
        %mul3A_873 = arith.constant 16 : i32
        %mul3A_874 = arith.muli %and3A_872, %mul3A_873 : i32
        %add3A_875 = arith.addi %mul3A_870, %mul3A_874 : i32
        %add3A_876 = vector.broadcast %add3A_875 : i32 to vector<16xi32>
        %add3A_877 = arith.addi %mul3A_866, %add3A_876 : vector<16xi32>
        %add3A_878 = arith.constant 0 : i32
        %add3A_879 = vector.broadcast %add3A_878 : i32 to vector<16xi32>
        %add3A_880 = arith.addi %and3A_7, %add3A_879 : vector<16xi32>
        %gather3A = arith.constant 0 : i32
        %gather3A_881 = arith.constant 0 : i32
        %gather3A_882 = tpu.memref_slice %arg6[%scan3A_624, %gather3A, %gather3A_881] : memref<4x512x32xf32, #tpu.memory_space<vmem>> -> memref<1x512x32xf32, #tpu.memory_space<vmem>>
        %gather3A_883 = tpu.memref_squeeze %gather3A_882 : memref<1x512x32xf32, #tpu.memory_space<vmem>> -> memref<512x32xf32, #tpu.memory_space<vmem>>
        %gather3A_884 = tpu.vector_load_idx %gather3A_883[%add3A_863, %add3A_880] : memref<512x32xf32, #tpu.memory_space<vmem>>[vector<16xi32>, vector<16xi32>], vector<16xf32>,
        %add3A_885 = arith.constant 0 : i32
        %add3A_886 = vector.broadcast %add3A_885 : i32 to vector<16xi32>
        %add3A_887 = arith.addi %shift_right_arithmetic3A_99, %add3A_886 : vector<16xi32>
        %add3A_888 = arith.addi %add3A_151, %add3A_877 : vector<16xi32>
        %scatter3A = arith.constant 0 : i32
        %scatter3A_889 = arith.constant 0 : i32
        %scatter3A_890 = tpu.memref_slice %arg7[%scan3A_625, %scatter3A, %scatter3A_889] : memref<2x4x4096xf32, #tpu.memory_space<vmem>> -> memref<1x4x4096xf32, #tpu.memory_space<vmem>>
        %scatter3A_891 = tpu.memref_squeeze %scatter3A_890 : memref<1x4x4096xf32, #tpu.memory_space<vmem>> -> memref<4x4096xf32, #tpu.memory_space<vmem>>
        tpu.vector_store_idx %scatter3A_891[%add3A_887, %add3A_888], %gather3A_884 : memref<4x4096xf32, #tpu.memory_space<vmem>>[vector<16xi32>, vector<16xi32>], vector<16xf32>,
        %add3A_892 = arith.constant 0 : i32
        %add3A_893 = vector.broadcast %add3A_892 : i32 to vector<16xi32>
        %add3A_894 = arith.addi %and3A_13, %add3A_893 : vector<16xi32>
        %gather3A_895 = arith.constant 0 : i32
        %gather3A_896 = arith.constant 0 : i32
        %gather3A_897 = tpu.memref_slice %arg6[%scan3A_624, %gather3A_895, %gather3A_896] : memref<4x512x32xf32, #tpu.memory_space<vmem>> -> memref<1x512x32xf32, #tpu.memory_space<vmem>>
        %gather3A_898 = tpu.memref_squeeze %gather3A_897 : memref<1x512x32xf32, #tpu.memory_space<vmem>> -> memref<512x32xf32, #tpu.memory_space<vmem>>
        %gather3A_899 = tpu.vector_load_idx %gather3A_898[%add3A_863, %add3A_894] : memref<512x32xf32, #tpu.memory_space<vmem>>[vector<16xi32>, vector<16xi32>], vector<16xf32>,
        %add3A_900 = arith.constant 0 : i32
        %add3A_901 = vector.broadcast %add3A_900 : i32 to vector<16xi32>
        %add3A_902 = arith.addi %shift_right_arithmetic3A_102, %add3A_901 : vector<16xi32>
        %add3A_903 = arith.addi %add3A_158, %add3A_877 : vector<16xi32>
        %scatter3A_904 = arith.constant 0 : i32
        %scatter3A_905 = arith.constant 0 : i32
        %scatter3A_906 = tpu.memref_slice %arg7[%scan3A_625, %scatter3A_904, %scatter3A_905] : memref<2x4x4096xf32, #tpu.memory_space<vmem>> -> memref<1x4x4096xf32, #tpu.memory_space<vmem>>
        %scatter3A_907 = tpu.memref_squeeze %scatter3A_906 : memref<1x4x4096xf32, #tpu.memory_space<vmem>> -> memref<4x4096xf32, #tpu.memory_space<vmem>>
        tpu.vector_store_idx %scatter3A_907[%add3A_902, %add3A_903], %gather3A_899 : memref<4x4096xf32, #tpu.memory_space<vmem>>[vector<16xi32>, vector<16xi32>], vector<16xf32>,
        %add3A_908 = arith.constant 0 : i32
        %add3A_909 = vector.broadcast %add3A_908 : i32 to vector<16xi32>
        %add3A_910 = arith.addi %and3A_19, %add3A_909 : vector<16xi32>
        %gather3A_911 = arith.constant 0 : i32
        %gather3A_912 = arith.constant 0 : i32
        %gather3A_913 = tpu.memref_slice %arg6[%scan3A_624, %gather3A_911, %gather3A_912] : memref<4x512x32xf32, #tpu.memory_space<vmem>> -> memref<1x512x32xf32, #tpu.memory_space<vmem>>
        %gather3A_914 = tpu.memref_squeeze %gather3A_913 : memref<1x512x32xf32, #tpu.memory_space<vmem>> -> memref<512x32xf32, #tpu.memory_space<vmem>>
        %gather3A_915 = tpu.vector_load_idx %gather3A_914[%add3A_863, %add3A_910] : memref<512x32xf32, #tpu.memory_space<vmem>>[vector<16xi32>, vector<16xi32>], vector<16xf32>,
        %add3A_916 = arith.constant 0 : i32
        %add3A_917 = vector.broadcast %add3A_916 : i32 to vector<16xi32>
        %add3A_918 = arith.addi %shift_right_arithmetic3A_105, %add3A_917 : vector<16xi32>
        %add3A_919 = arith.addi %add3A_165, %add3A_877 : vector<16xi32>
        %scatter3A_920 = arith.constant 0 : i32
        %scatter3A_921 = arith.constant 0 : i32
        %scatter3A_922 = tpu.memref_slice %arg7[%scan3A_625, %scatter3A_920, %scatter3A_921] : memref<2x4x4096xf32, #tpu.memory_space<vmem>> -> memref<1x4x4096xf32, #tpu.memory_space<vmem>>
        %scatter3A_923 = tpu.memref_squeeze %scatter3A_922 : memref<1x4x4096xf32, #tpu.memory_space<vmem>> -> memref<4x4096xf32, #tpu.memory_space<vmem>>
        tpu.vector_store_idx %scatter3A_923[%add3A_918, %add3A_919], %gather3A_915 : memref<4x4096xf32, #tpu.memory_space<vmem>>[vector<16xi32>, vector<16xi32>], vector<16xf32>,
        %add3A_924 = arith.constant 0 : i32
        %add3A_925 = vector.broadcast %add3A_924 : i32 to vector<16xi32>
        %add3A_926 = arith.addi %and3A_25, %add3A_925 : vector<16xi32>
        %gather3A_927 = arith.constant 0 : i32
        %gather3A_928 = arith.constant 0 : i32
        %gather3A_929 = tpu.memref_slice %arg6[%scan3A_624, %gather3A_927, %gather3A_928] : memref<4x512x32xf32, #tpu.memory_space<vmem>> -> memref<1x512x32xf32, #tpu.memory_space<vmem>>
        %gather3A_930 = tpu.memref_squeeze %gather3A_929 : memref<1x512x32xf32, #tpu.memory_space<vmem>> -> memref<512x32xf32, #tpu.memory_space<vmem>>
        %gather3A_931 = tpu.vector_load_idx %gather3A_930[%add3A_863, %add3A_926] : memref<512x32xf32, #tpu.memory_space<vmem>>[vector<16xi32>, vector<16xi32>], vector<16xf32>,
        %add3A_932 = arith.constant 0 : i32
        %add3A_933 = vector.broadcast %add3A_932 : i32 to vector<16xi32>
        %add3A_934 = arith.addi %shift_right_arithmetic3A_108, %add3A_933 : vector<16xi32>
        %add3A_935 = arith.addi %add3A_172, %add3A_877 : vector<16xi32>
        %scatter3A_936 = arith.constant 0 : i32
        %scatter3A_937 = arith.constant 0 : i32
        %scatter3A_938 = tpu.memref_slice %arg7[%scan3A_625, %scatter3A_936, %scatter3A_937] : memref<2x4x4096xf32, #tpu.memory_space<vmem>> -> memref<1x4x4096xf32, #tpu.memory_space<vmem>>
        %scatter3A_939 = tpu.memref_squeeze %scatter3A_938 : memref<1x4x4096xf32, #tpu.memory_space<vmem>> -> memref<4x4096xf32, #tpu.memory_space<vmem>>
        tpu.vector_store_idx %scatter3A_939[%add3A_934, %add3A_935], %gather3A_931 : memref<4x4096xf32, #tpu.memory_space<vmem>>[vector<16xi32>, vector<16xi32>], vector<16xf32>,
        %add3A_940 = arith.constant 0 : i32
        %add3A_941 = vector.broadcast %add3A_940 : i32 to vector<16xi32>
        %add3A_942 = arith.addi %and3A_31, %add3A_941 : vector<16xi32>
        %gather3A_943 = arith.constant 0 : i32
        %gather3A_944 = arith.constant 0 : i32
        %gather3A_945 = tpu.memref_slice %arg6[%scan3A_624, %gather3A_943, %gather3A_944] : memref<4x512x32xf32, #tpu.memory_space<vmem>> -> memref<1x512x32xf32, #tpu.memory_space<vmem>>
        %gather3A_946 = tpu.memref_squeeze %gather3A_945 : memref<1x512x32xf32, #tpu.memory_space<vmem>> -> memref<512x32xf32, #tpu.memory_space<vmem>>
        %gather3A_947 = tpu.vector_load_idx %gather3A_946[%add3A_863, %add3A_942] : memref<512x32xf32, #tpu.memory_space<vmem>>[vector<16xi32>, vector<16xi32>], vector<16xf32>,
        %add3A_948 = arith.constant 0 : i32
        %add3A_949 = vector.broadcast %add3A_948 : i32 to vector<16xi32>
        %add3A_950 = arith.addi %shift_right_arithmetic3A_111, %add3A_949 : vector<16xi32>
        %add3A_951 = arith.addi %add3A_179, %add3A_877 : vector<16xi32>
        %scatter3A_952 = arith.constant 0 : i32
        %scatter3A_953 = arith.constant 0 : i32
        %scatter3A_954 = tpu.memref_slice %arg7[%scan3A_625, %scatter3A_952, %scatter3A_953] : memref<2x4x4096xf32, #tpu.memory_space<vmem>> -> memref<1x4x4096xf32, #tpu.memory_space<vmem>>
        %scatter3A_955 = tpu.memref_squeeze %scatter3A_954 : memref<1x4x4096xf32, #tpu.memory_space<vmem>> -> memref<4x4096xf32, #tpu.memory_space<vmem>>
        tpu.vector_store_idx %scatter3A_955[%add3A_950, %add3A_951], %gather3A_947 : memref<4x4096xf32, #tpu.memory_space<vmem>>[vector<16xi32>, vector<16xi32>], vector<16xf32>,
        %add3A_956 = arith.constant 0 : i32
        %add3A_957 = vector.broadcast %add3A_956 : i32 to vector<16xi32>
        %add3A_958 = arith.addi %and3A_37, %add3A_957 : vector<16xi32>
        %gather3A_959 = arith.constant 0 : i32
        %gather3A_960 = arith.constant 0 : i32
        %gather3A_961 = tpu.memref_slice %arg6[%scan3A_624, %gather3A_959, %gather3A_960] : memref<4x512x32xf32, #tpu.memory_space<vmem>> -> memref<1x512x32xf32, #tpu.memory_space<vmem>>
        %gather3A_962 = tpu.memref_squeeze %gather3A_961 : memref<1x512x32xf32, #tpu.memory_space<vmem>> -> memref<512x32xf32, #tpu.memory_space<vmem>>
        %gather3A_963 = tpu.vector_load_idx %gather3A_962[%add3A_863, %add3A_958] : memref<512x32xf32, #tpu.memory_space<vmem>>[vector<16xi32>, vector<16xi32>], vector<16xf32>,
        %add3A_964 = arith.constant 0 : i32
        %add3A_965 = vector.broadcast %add3A_964 : i32 to vector<16xi32>
        %add3A_966 = arith.addi %shift_right_arithmetic3A_114, %add3A_965 : vector<16xi32>
        %add3A_967 = arith.addi %add3A_186, %add3A_877 : vector<16xi32>
        %scatter3A_968 = arith.constant 0 : i32
        %scatter3A_969 = arith.constant 0 : i32
        %scatter3A_970 = tpu.memref_slice %arg7[%scan3A_625, %scatter3A_968, %scatter3A_969] : memref<2x4x4096xf32, #tpu.memory_space<vmem>> -> memref<1x4x4096xf32, #tpu.memory_space<vmem>>
        %scatter3A_971 = tpu.memref_squeeze %scatter3A_970 : memref<1x4x4096xf32, #tpu.memory_space<vmem>> -> memref<4x4096xf32, #tpu.memory_space<vmem>>
        tpu.vector_store_idx %scatter3A_971[%add3A_966, %add3A_967], %gather3A_963 : memref<4x4096xf32, #tpu.memory_space<vmem>>[vector<16xi32>, vector<16xi32>], vector<16xf32>,
        %add3A_972 = arith.constant 0 : i32
        %add3A_973 = vector.broadcast %add3A_972 : i32 to vector<16xi32>
        %add3A_974 = arith.addi %and3A_43, %add3A_973 : vector<16xi32>
        %gather3A_975 = arith.constant 0 : i32
        %gather3A_976 = arith.constant 0 : i32
        %gather3A_977 = tpu.memref_slice %arg6[%scan3A_624, %gather3A_975, %gather3A_976] : memref<4x512x32xf32, #tpu.memory_space<vmem>> -> memref<1x512x32xf32, #tpu.memory_space<vmem>>
        %gather3A_978 = tpu.memref_squeeze %gather3A_977 : memref<1x512x32xf32, #tpu.memory_space<vmem>> -> memref<512x32xf32, #tpu.memory_space<vmem>>
        %gather3A_979 = tpu.vector_load_idx %gather3A_978[%add3A_863, %add3A_974] : memref<512x32xf32, #tpu.memory_space<vmem>>[vector<16xi32>, vector<16xi32>], vector<16xf32>,
        %add3A_980 = arith.constant 0 : i32
        %add3A_981 = vector.broadcast %add3A_980 : i32 to vector<16xi32>
        %add3A_982 = arith.addi %shift_right_arithmetic3A_117, %add3A_981 : vector<16xi32>
        %add3A_983 = arith.addi %add3A_193, %add3A_877 : vector<16xi32>
        %scatter3A_984 = arith.constant 0 : i32
        %scatter3A_985 = arith.constant 0 : i32
        %scatter3A_986 = tpu.memref_slice %arg7[%scan3A_625, %scatter3A_984, %scatter3A_985] : memref<2x4x4096xf32, #tpu.memory_space<vmem>> -> memref<1x4x4096xf32, #tpu.memory_space<vmem>>
        %scatter3A_987 = tpu.memref_squeeze %scatter3A_986 : memref<1x4x4096xf32, #tpu.memory_space<vmem>> -> memref<4x4096xf32, #tpu.memory_space<vmem>>
        tpu.vector_store_idx %scatter3A_987[%add3A_982, %add3A_983], %gather3A_979 : memref<4x4096xf32, #tpu.memory_space<vmem>>[vector<16xi32>, vector<16xi32>], vector<16xf32>,
        %add3A_988 = arith.constant 0 : i32
        %add3A_989 = vector.broadcast %add3A_988 : i32 to vector<16xi32>
        %add3A_990 = arith.addi %and3A_49, %add3A_989 : vector<16xi32>
        %gather3A_991 = arith.constant 0 : i32
        %gather3A_992 = arith.constant 0 : i32
        %gather3A_993 = tpu.memref_slice %arg6[%scan3A_624, %gather3A_991, %gather3A_992] : memref<4x512x32xf32, #tpu.memory_space<vmem>> -> memref<1x512x32xf32, #tpu.memory_space<vmem>>
        %gather3A_994 = tpu.memref_squeeze %gather3A_993 : memref<1x512x32xf32, #tpu.memory_space<vmem>> -> memref<512x32xf32, #tpu.memory_space<vmem>>
        %gather3A_995 = tpu.vector_load_idx %gather3A_994[%add3A_863, %add3A_990] : memref<512x32xf32, #tpu.memory_space<vmem>>[vector<16xi32>, vector<16xi32>], vector<16xf32>,
        %add3A_996 = arith.constant 0 : i32
        %add3A_997 = vector.broadcast %add3A_996 : i32 to vector<16xi32>
        %add3A_998 = arith.addi %shift_right_arithmetic3A_120, %add3A_997 : vector<16xi32>
        %add3A_999 = arith.addi %add3A_200, %add3A_877 : vector<16xi32>
        %scatter3A_1000 = arith.constant 0 : i32
        %scatter3A_1001 = arith.constant 0 : i32
        %scatter3A_1002 = tpu.memref_slice %arg7[%scan3A_625, %scatter3A_1000, %scatter3A_1001] : memref<2x4x4096xf32, #tpu.memory_space<vmem>> -> memref<1x4x4096xf32, #tpu.memory_space<vmem>>
        %scatter3A_1003 = tpu.memref_squeeze %scatter3A_1002 : memref<1x4x4096xf32, #tpu.memory_space<vmem>> -> memref<4x4096xf32, #tpu.memory_space<vmem>>
        tpu.vector_store_idx %scatter3A_1003[%add3A_998, %add3A_999], %gather3A_995 : memref<4x4096xf32, #tpu.memory_space<vmem>>[vector<16xi32>, vector<16xi32>], vector<16xf32>,
        %add3A_1004 = arith.constant 0 : i32
        %add3A_1005 = vector.broadcast %add3A_1004 : i32 to vector<16xi32>
        %add3A_1006 = arith.addi %and3A_55, %add3A_1005 : vector<16xi32>
        %gather3A_1007 = arith.constant 0 : i32
        %gather3A_1008 = arith.constant 0 : i32
        %gather3A_1009 = tpu.memref_slice %arg6[%scan3A_624, %gather3A_1007, %gather3A_1008] : memref<4x512x32xf32, #tpu.memory_space<vmem>> -> memref<1x512x32xf32, #tpu.memory_space<vmem>>
        %gather3A_1010 = tpu.memref_squeeze %gather3A_1009 : memref<1x512x32xf32, #tpu.memory_space<vmem>> -> memref<512x32xf32, #tpu.memory_space<vmem>>
        %gather3A_1011 = tpu.vector_load_idx %gather3A_1010[%add3A_863, %add3A_1006] : memref<512x32xf32, #tpu.memory_space<vmem>>[vector<16xi32>, vector<16xi32>], vector<16xf32>,
        %add3A_1012 = arith.constant 0 : i32
        %add3A_1013 = vector.broadcast %add3A_1012 : i32 to vector<16xi32>
        %add3A_1014 = arith.addi %shift_right_arithmetic3A_123, %add3A_1013 : vector<16xi32>
        %add3A_1015 = arith.addi %add3A_207, %add3A_877 : vector<16xi32>
        %scatter3A_1016 = arith.constant 0 : i32
        %scatter3A_1017 = arith.constant 0 : i32
        %scatter3A_1018 = tpu.memref_slice %arg7[%scan3A_625, %scatter3A_1016, %scatter3A_1017] : memref<2x4x4096xf32, #tpu.memory_space<vmem>> -> memref<1x4x4096xf32, #tpu.memory_space<vmem>>
        %scatter3A_1019 = tpu.memref_squeeze %scatter3A_1018 : memref<1x4x4096xf32, #tpu.memory_space<vmem>> -> memref<4x4096xf32, #tpu.memory_space<vmem>>
        tpu.vector_store_idx %scatter3A_1019[%add3A_1014, %add3A_1015], %gather3A_1011 : memref<4x4096xf32, #tpu.memory_space<vmem>>[vector<16xi32>, vector<16xi32>], vector<16xf32>,
        %add3A_1020 = arith.constant 0 : i32
        %add3A_1021 = vector.broadcast %add3A_1020 : i32 to vector<16xi32>
        %add3A_1022 = arith.addi %and3A_61, %add3A_1021 : vector<16xi32>
        %gather3A_1023 = arith.constant 0 : i32
        %gather3A_1024 = arith.constant 0 : i32
        %gather3A_1025 = tpu.memref_slice %arg6[%scan3A_624, %gather3A_1023, %gather3A_1024] : memref<4x512x32xf32, #tpu.memory_space<vmem>> -> memref<1x512x32xf32, #tpu.memory_space<vmem>>
        %gather3A_1026 = tpu.memref_squeeze %gather3A_1025 : memref<1x512x32xf32, #tpu.memory_space<vmem>> -> memref<512x32xf32, #tpu.memory_space<vmem>>
        %gather3A_1027 = tpu.vector_load_idx %gather3A_1026[%add3A_863, %add3A_1022] : memref<512x32xf32, #tpu.memory_space<vmem>>[vector<16xi32>, vector<16xi32>], vector<16xf32>,
        %add3A_1028 = arith.constant 0 : i32
        %add3A_1029 = vector.broadcast %add3A_1028 : i32 to vector<16xi32>
        %add3A_1030 = arith.addi %shift_right_arithmetic3A_126, %add3A_1029 : vector<16xi32>
        %add3A_1031 = arith.addi %add3A_214, %add3A_877 : vector<16xi32>
        %scatter3A_1032 = arith.constant 0 : i32
        %scatter3A_1033 = arith.constant 0 : i32
        %scatter3A_1034 = tpu.memref_slice %arg7[%scan3A_625, %scatter3A_1032, %scatter3A_1033] : memref<2x4x4096xf32, #tpu.memory_space<vmem>> -> memref<1x4x4096xf32, #tpu.memory_space<vmem>>
        %scatter3A_1035 = tpu.memref_squeeze %scatter3A_1034 : memref<1x4x4096xf32, #tpu.memory_space<vmem>> -> memref<4x4096xf32, #tpu.memory_space<vmem>>
        tpu.vector_store_idx %scatter3A_1035[%add3A_1030, %add3A_1031], %gather3A_1027 : memref<4x4096xf32, #tpu.memory_space<vmem>>[vector<16xi32>, vector<16xi32>], vector<16xf32>,
        %add3A_1036 = arith.constant 0 : i32
        %add3A_1037 = vector.broadcast %add3A_1036 : i32 to vector<16xi32>
        %add3A_1038 = arith.addi %and3A_67, %add3A_1037 : vector<16xi32>
        %gather3A_1039 = arith.constant 0 : i32
        %gather3A_1040 = arith.constant 0 : i32
        %gather3A_1041 = tpu.memref_slice %arg6[%scan3A_624, %gather3A_1039, %gather3A_1040] : memref<4x512x32xf32, #tpu.memory_space<vmem>> -> memref<1x512x32xf32, #tpu.memory_space<vmem>>
        %gather3A_1042 = tpu.memref_squeeze %gather3A_1041 : memref<1x512x32xf32, #tpu.memory_space<vmem>> -> memref<512x32xf32, #tpu.memory_space<vmem>>
        %gather3A_1043 = tpu.vector_load_idx %gather3A_1042[%add3A_863, %add3A_1038] : memref<512x32xf32, #tpu.memory_space<vmem>>[vector<16xi32>, vector<16xi32>], vector<16xf32>,
        %add3A_1044 = arith.constant 0 : i32
        %add3A_1045 = vector.broadcast %add3A_1044 : i32 to vector<16xi32>
        %add3A_1046 = arith.addi %shift_right_arithmetic3A_129, %add3A_1045 : vector<16xi32>
        %add3A_1047 = arith.addi %add3A_221, %add3A_877 : vector<16xi32>
        %scatter3A_1048 = arith.constant 0 : i32
        %scatter3A_1049 = arith.constant 0 : i32
        %scatter3A_1050 = tpu.memref_slice %arg7[%scan3A_625, %scatter3A_1048, %scatter3A_1049] : memref<2x4x4096xf32, #tpu.memory_space<vmem>> -> memref<1x4x4096xf32, #tpu.memory_space<vmem>>
        %scatter3A_1051 = tpu.memref_squeeze %scatter3A_1050 : memref<1x4x4096xf32, #tpu.memory_space<vmem>> -> memref<4x4096xf32, #tpu.memory_space<vmem>>
        tpu.vector_store_idx %scatter3A_1051[%add3A_1046, %add3A_1047], %gather3A_1043 : memref<4x4096xf32, #tpu.memory_space<vmem>>[vector<16xi32>, vector<16xi32>], vector<16xf32>,
        %add3A_1052 = arith.constant 0 : i32
        %add3A_1053 = vector.broadcast %add3A_1052 : i32 to vector<16xi32>
        %add3A_1054 = arith.addi %and3A_73, %add3A_1053 : vector<16xi32>
        %gather3A_1055 = arith.constant 0 : i32
        %gather3A_1056 = arith.constant 0 : i32
        %gather3A_1057 = tpu.memref_slice %arg6[%scan3A_624, %gather3A_1055, %gather3A_1056] : memref<4x512x32xf32, #tpu.memory_space<vmem>> -> memref<1x512x32xf32, #tpu.memory_space<vmem>>
        %gather3A_1058 = tpu.memref_squeeze %gather3A_1057 : memref<1x512x32xf32, #tpu.memory_space<vmem>> -> memref<512x32xf32, #tpu.memory_space<vmem>>
        %gather3A_1059 = tpu.vector_load_idx %gather3A_1058[%add3A_863, %add3A_1054] : memref<512x32xf32, #tpu.memory_space<vmem>>[vector<16xi32>, vector<16xi32>], vector<16xf32>,
        %add3A_1060 = arith.constant 0 : i32
        %add3A_1061 = vector.broadcast %add3A_1060 : i32 to vector<16xi32>
        %add3A_1062 = arith.addi %shift_right_arithmetic3A_132, %add3A_1061 : vector<16xi32>
        %add3A_1063 = arith.addi %add3A_228, %add3A_877 : vector<16xi32>
        %scatter3A_1064 = arith.constant 0 : i32
        %scatter3A_1065 = arith.constant 0 : i32
        %scatter3A_1066 = tpu.memref_slice %arg7[%scan3A_625, %scatter3A_1064, %scatter3A_1065] : memref<2x4x4096xf32, #tpu.memory_space<vmem>> -> memref<1x4x4096xf32, #tpu.memory_space<vmem>>
        %scatter3A_1067 = tpu.memref_squeeze %scatter3A_1066 : memref<1x4x4096xf32, #tpu.memory_space<vmem>> -> memref<4x4096xf32, #tpu.memory_space<vmem>>
        tpu.vector_store_idx %scatter3A_1067[%add3A_1062, %add3A_1063], %gather3A_1059 : memref<4x4096xf32, #tpu.memory_space<vmem>>[vector<16xi32>, vector<16xi32>], vector<16xf32>,
        %add3A_1068 = arith.constant 0 : i32
        %add3A_1069 = vector.broadcast %add3A_1068 : i32 to vector<16xi32>
        %add3A_1070 = arith.addi %and3A_79, %add3A_1069 : vector<16xi32>
        %gather3A_1071 = arith.constant 0 : i32
        %gather3A_1072 = arith.constant 0 : i32
        %gather3A_1073 = tpu.memref_slice %arg6[%scan3A_624, %gather3A_1071, %gather3A_1072] : memref<4x512x32xf32, #tpu.memory_space<vmem>> -> memref<1x512x32xf32, #tpu.memory_space<vmem>>
        %gather3A_1074 = tpu.memref_squeeze %gather3A_1073 : memref<1x512x32xf32, #tpu.memory_space<vmem>> -> memref<512x32xf32, #tpu.memory_space<vmem>>
        %gather3A_1075 = tpu.vector_load_idx %gather3A_1074[%add3A_863, %add3A_1070] : memref<512x32xf32, #tpu.memory_space<vmem>>[vector<16xi32>, vector<16xi32>], vector<16xf32>,
        %add3A_1076 = arith.constant 0 : i32
        %add3A_1077 = vector.broadcast %add3A_1076 : i32 to vector<16xi32>
        %add3A_1078 = arith.addi %shift_right_arithmetic3A_135, %add3A_1077 : vector<16xi32>
        %add3A_1079 = arith.addi %add3A_235, %add3A_877 : vector<16xi32>
        %scatter3A_1080 = arith.constant 0 : i32
        %scatter3A_1081 = arith.constant 0 : i32
        %scatter3A_1082 = tpu.memref_slice %arg7[%scan3A_625, %scatter3A_1080, %scatter3A_1081] : memref<2x4x4096xf32, #tpu.memory_space<vmem>> -> memref<1x4x4096xf32, #tpu.memory_space<vmem>>
        %scatter3A_1083 = tpu.memref_squeeze %scatter3A_1082 : memref<1x4x4096xf32, #tpu.memory_space<vmem>> -> memref<4x4096xf32, #tpu.memory_space<vmem>>
        tpu.vector_store_idx %scatter3A_1083[%add3A_1078, %add3A_1079], %gather3A_1075 : memref<4x4096xf32, #tpu.memory_space<vmem>>[vector<16xi32>, vector<16xi32>], vector<16xf32>,
        %add3A_1084 = arith.constant 0 : i32
        %add3A_1085 = vector.broadcast %add3A_1084 : i32 to vector<16xi32>
        %add3A_1086 = arith.addi %and3A_85, %add3A_1085 : vector<16xi32>
        %gather3A_1087 = arith.constant 0 : i32
        %gather3A_1088 = arith.constant 0 : i32
        %gather3A_1089 = tpu.memref_slice %arg6[%scan3A_624, %gather3A_1087, %gather3A_1088] : memref<4x512x32xf32, #tpu.memory_space<vmem>> -> memref<1x512x32xf32, #tpu.memory_space<vmem>>
        %gather3A_1090 = tpu.memref_squeeze %gather3A_1089 : memref<1x512x32xf32, #tpu.memory_space<vmem>> -> memref<512x32xf32, #tpu.memory_space<vmem>>
        %gather3A_1091 = tpu.vector_load_idx %gather3A_1090[%add3A_863, %add3A_1086] : memref<512x32xf32, #tpu.memory_space<vmem>>[vector<16xi32>, vector<16xi32>], vector<16xf32>,
        %add3A_1092 = arith.constant 0 : i32
        %add3A_1093 = vector.broadcast %add3A_1092 : i32 to vector<16xi32>
        %add3A_1094 = arith.addi %shift_right_arithmetic3A_138, %add3A_1093 : vector<16xi32>
        %add3A_1095 = arith.addi %add3A_242, %add3A_877 : vector<16xi32>
        %scatter3A_1096 = arith.constant 0 : i32
        %scatter3A_1097 = arith.constant 0 : i32
        %scatter3A_1098 = tpu.memref_slice %arg7[%scan3A_625, %scatter3A_1096, %scatter3A_1097] : memref<2x4x4096xf32, #tpu.memory_space<vmem>> -> memref<1x4x4096xf32, #tpu.memory_space<vmem>>
        %scatter3A_1099 = tpu.memref_squeeze %scatter3A_1098 : memref<1x4x4096xf32, #tpu.memory_space<vmem>> -> memref<4x4096xf32, #tpu.memory_space<vmem>>
        tpu.vector_store_idx %scatter3A_1099[%add3A_1094, %add3A_1095], %gather3A_1091 : memref<4x4096xf32, #tpu.memory_space<vmem>>[vector<16xi32>, vector<16xi32>], vector<16xf32>,
        %add3A_1100 = arith.constant 0 : i32
        %add3A_1101 = vector.broadcast %add3A_1100 : i32 to vector<16xi32>
        %add3A_1102 = arith.addi %and3A_91, %add3A_1101 : vector<16xi32>
        %gather3A_1103 = arith.constant 0 : i32
        %gather3A_1104 = arith.constant 0 : i32
        %gather3A_1105 = tpu.memref_slice %arg6[%scan3A_624, %gather3A_1103, %gather3A_1104] : memref<4x512x32xf32, #tpu.memory_space<vmem>> -> memref<1x512x32xf32, #tpu.memory_space<vmem>>
        %gather3A_1106 = tpu.memref_squeeze %gather3A_1105 : memref<1x512x32xf32, #tpu.memory_space<vmem>> -> memref<512x32xf32, #tpu.memory_space<vmem>>
        %gather3A_1107 = tpu.vector_load_idx %gather3A_1106[%add3A_863, %add3A_1102] : memref<512x32xf32, #tpu.memory_space<vmem>>[vector<16xi32>, vector<16xi32>], vector<16xf32>,
        %add3A_1108 = arith.constant 0 : i32
        %add3A_1109 = vector.broadcast %add3A_1108 : i32 to vector<16xi32>
        %add3A_1110 = arith.addi %shift_right_arithmetic3A_141, %add3A_1109 : vector<16xi32>
        %add3A_1111 = arith.addi %add3A_249, %add3A_877 : vector<16xi32>
        %scatter3A_1112 = arith.constant 0 : i32
        %scatter3A_1113 = arith.constant 0 : i32
        %scatter3A_1114 = tpu.memref_slice %arg7[%scan3A_625, %scatter3A_1112, %scatter3A_1113] : memref<2x4x4096xf32, #tpu.memory_space<vmem>> -> memref<1x4x4096xf32, #tpu.memory_space<vmem>>
        %scatter3A_1115 = tpu.memref_squeeze %scatter3A_1114 : memref<1x4x4096xf32, #tpu.memory_space<vmem>> -> memref<4x4096xf32, #tpu.memory_space<vmem>>
        tpu.vector_store_idx %scatter3A_1115[%add3A_1110, %add3A_1111], %gather3A_1107 : memref<4x4096xf32, #tpu.memory_space<vmem>>[vector<16xi32>, vector<16xi32>], vector<16xf32>,
        %add3A_1116 = arith.constant 0 : i32
        %add3A_1117 = vector.broadcast %add3A_1116 : i32 to vector<16xi32>
        %add3A_1118 = arith.addi %and3A_97, %add3A_1117 : vector<16xi32>
        %gather3A_1119 = arith.constant 0 : i32
        %gather3A_1120 = arith.constant 0 : i32
        %gather3A_1121 = tpu.memref_slice %arg6[%scan3A_624, %gather3A_1119, %gather3A_1120] : memref<4x512x32xf32, #tpu.memory_space<vmem>> -> memref<1x512x32xf32, #tpu.memory_space<vmem>>
        %gather3A_1122 = tpu.memref_squeeze %gather3A_1121 : memref<1x512x32xf32, #tpu.memory_space<vmem>> -> memref<512x32xf32, #tpu.memory_space<vmem>>
        %gather3A_1123 = tpu.vector_load_idx %gather3A_1122[%add3A_863, %add3A_1118] : memref<512x32xf32, #tpu.memory_space<vmem>>[vector<16xi32>, vector<16xi32>], vector<16xf32>,
        %add3A_1124 = arith.constant 0 : i32
        %add3A_1125 = vector.broadcast %add3A_1124 : i32 to vector<16xi32>
        %add3A_1126 = arith.addi %shift_right_arithmetic3A_144, %add3A_1125 : vector<16xi32>
        %add3A_1127 = arith.addi %add3A_256, %add3A_877 : vector<16xi32>
        %scatter3A_1128 = arith.constant 0 : i32
        %scatter3A_1129 = arith.constant 0 : i32
        %scatter3A_1130 = tpu.memref_slice %arg7[%scan3A_625, %scatter3A_1128, %scatter3A_1129] : memref<2x4x4096xf32, #tpu.memory_space<vmem>> -> memref<1x4x4096xf32, #tpu.memory_space<vmem>>
        %scatter3A_1131 = tpu.memref_squeeze %scatter3A_1130 : memref<1x4x4096xf32, #tpu.memory_space<vmem>> -> memref<4x4096xf32, #tpu.memory_space<vmem>>
        tpu.vector_store_idx %scatter3A_1131[%add3A_1126, %add3A_1127], %gather3A_1123 : memref<4x4096xf32, #tpu.memory_space<vmem>>[vector<16xi32>, vector<16xi32>], vector<16xf32>,
        %add3A_1132 = arith.constant 16 : i32
        %add3A_1133 = vector.broadcast %add3A_1132 : i32 to vector<16xi32>
        %add3A_1134 = arith.addi %and3A_7, %add3A_1133 : vector<16xi32>
        %gather3A_1135 = arith.constant 0 : i32
        %gather3A_1136 = arith.constant 0 : i32
        %gather3A_1137 = tpu.memref_slice %arg6[%scan3A_624, %gather3A_1135, %gather3A_1136] : memref<4x512x32xf32, #tpu.memory_space<vmem>> -> memref<1x512x32xf32, #tpu.memory_space<vmem>>
        %gather3A_1138 = tpu.memref_squeeze %gather3A_1137 : memref<1x512x32xf32, #tpu.memory_space<vmem>> -> memref<512x32xf32, #tpu.memory_space<vmem>>
        %gather3A_1139 = tpu.vector_load_idx %gather3A_1138[%add3A_863, %add3A_1134] : memref<512x32xf32, #tpu.memory_space<vmem>>[vector<16xi32>, vector<16xi32>], vector<16xf32>,
        %add3A_1140 = arith.constant 2 : i32
        %add3A_1141 = vector.broadcast %add3A_1140 : i32 to vector<16xi32>
        %add3A_1142 = arith.addi %shift_right_arithmetic3A_99, %add3A_1141 : vector<16xi32>
        %add3A_1143 = arith.addi %add3A_151, %add3A_877 : vector<16xi32>
        %scatter3A_1144 = arith.constant 0 : i32
        %scatter3A_1145 = arith.constant 0 : i32
        %scatter3A_1146 = tpu.memref_slice %arg7[%scan3A_625, %scatter3A_1144, %scatter3A_1145] : memref<2x4x4096xf32, #tpu.memory_space<vmem>> -> memref<1x4x4096xf32, #tpu.memory_space<vmem>>
        %scatter3A_1147 = tpu.memref_squeeze %scatter3A_1146 : memref<1x4x4096xf32, #tpu.memory_space<vmem>> -> memref<4x4096xf32, #tpu.memory_space<vmem>>
        tpu.vector_store_idx %scatter3A_1147[%add3A_1142, %add3A_1143], %gather3A_1139 : memref<4x4096xf32, #tpu.memory_space<vmem>>[vector<16xi32>, vector<16xi32>], vector<16xf32>,
        %add3A_1148 = arith.constant 16 : i32
        %add3A_1149 = vector.broadcast %add3A_1148 : i32 to vector<16xi32>
        %add3A_1150 = arith.addi %and3A_13, %add3A_1149 : vector<16xi32>
        %gather3A_1151 = arith.constant 0 : i32
        %gather3A_1152 = arith.constant 0 : i32
        %gather3A_1153 = tpu.memref_slice %arg6[%scan3A_624, %gather3A_1151, %gather3A_1152] : memref<4x512x32xf32, #tpu.memory_space<vmem>> -> memref<1x512x32xf32, #tpu.memory_space<vmem>>
        %gather3A_1154 = tpu.memref_squeeze %gather3A_1153 : memref<1x512x32xf32, #tpu.memory_space<vmem>> -> memref<512x32xf32, #tpu.memory_space<vmem>>
        %gather3A_1155 = tpu.vector_load_idx %gather3A_1154[%add3A_863, %add3A_1150] : memref<512x32xf32, #tpu.memory_space<vmem>>[vector<16xi32>, vector<16xi32>], vector<16xf32>,
        %add3A_1156 = arith.constant 2 : i32
        %add3A_1157 = vector.broadcast %add3A_1156 : i32 to vector<16xi32>
        %add3A_1158 = arith.addi %shift_right_arithmetic3A_102, %add3A_1157 : vector<16xi32>
        %add3A_1159 = arith.addi %add3A_158, %add3A_877 : vector<16xi32>
        %scatter3A_1160 = arith.constant 0 : i32
        %scatter3A_1161 = arith.constant 0 : i32
        %scatter3A_1162 = tpu.memref_slice %arg7[%scan3A_625, %scatter3A_1160, %scatter3A_1161] : memref<2x4x4096xf32, #tpu.memory_space<vmem>> -> memref<1x4x4096xf32, #tpu.memory_space<vmem>>
        %scatter3A_1163 = tpu.memref_squeeze %scatter3A_1162 : memref<1x4x4096xf32, #tpu.memory_space<vmem>> -> memref<4x4096xf32, #tpu.memory_space<vmem>>
        tpu.vector_store_idx %scatter3A_1163[%add3A_1158, %add3A_1159], %gather3A_1155 : memref<4x4096xf32, #tpu.memory_space<vmem>>[vector<16xi32>, vector<16xi32>], vector<16xf32>,
        %add3A_1164 = arith.constant 16 : i32
        %add3A_1165 = vector.broadcast %add3A_1164 : i32 to vector<16xi32>
        %add3A_1166 = arith.addi %and3A_19, %add3A_1165 : vector<16xi32>
        %gather3A_1167 = arith.constant 0 : i32
        %gather3A_1168 = arith.constant 0 : i32
        %gather3A_1169 = tpu.memref_slice %arg6[%scan3A_624, %gather3A_1167, %gather3A_1168] : memref<4x512x32xf32, #tpu.memory_space<vmem>> -> memref<1x512x32xf32, #tpu.memory_space<vmem>>
        %gather3A_1170 = tpu.memref_squeeze %gather3A_1169 : memref<1x512x32xf32, #tpu.memory_space<vmem>> -> memref<512x32xf32, #tpu.memory_space<vmem>>
        %gather3A_1171 = tpu.vector_load_idx %gather3A_1170[%add3A_863, %add3A_1166] : memref<512x32xf32, #tpu.memory_space<vmem>>[vector<16xi32>, vector<16xi32>], vector<16xf32>,
        %add3A_1172 = arith.constant 2 : i32
        %add3A_1173 = vector.broadcast %add3A_1172 : i32 to vector<16xi32>
        %add3A_1174 = arith.addi %shift_right_arithmetic3A_105, %add3A_1173 : vector<16xi32>
        %add3A_1175 = arith.addi %add3A_165, %add3A_877 : vector<16xi32>
        %scatter3A_1176 = arith.constant 0 : i32
        %scatter3A_1177 = arith.constant 0 : i32
        %scatter3A_1178 = tpu.memref_slice %arg7[%scan3A_625, %scatter3A_1176, %scatter3A_1177] : memref<2x4x4096xf32, #tpu.memory_space<vmem>> -> memref<1x4x4096xf32, #tpu.memory_space<vmem>>
        %scatter3A_1179 = tpu.memref_squeeze %scatter3A_1178 : memref<1x4x4096xf32, #tpu.memory_space<vmem>> -> memref<4x4096xf32, #tpu.memory_space<vmem>>
        tpu.vector_store_idx %scatter3A_1179[%add3A_1174, %add3A_1175], %gather3A_1171 : memref<4x4096xf32, #tpu.memory_space<vmem>>[vector<16xi32>, vector<16xi32>], vector<16xf32>,
        %add3A_1180 = arith.constant 16 : i32
        %add3A_1181 = vector.broadcast %add3A_1180 : i32 to vector<16xi32>
        %add3A_1182 = arith.addi %and3A_25, %add3A_1181 : vector<16xi32>
        %gather3A_1183 = arith.constant 0 : i32
        %gather3A_1184 = arith.constant 0 : i32
        %gather3A_1185 = tpu.memref_slice %arg6[%scan3A_624, %gather3A_1183, %gather3A_1184] : memref<4x512x32xf32, #tpu.memory_space<vmem>> -> memref<1x512x32xf32, #tpu.memory_space<vmem>>
        %gather3A_1186 = tpu.memref_squeeze %gather3A_1185 : memref<1x512x32xf32, #tpu.memory_space<vmem>> -> memref<512x32xf32, #tpu.memory_space<vmem>>
        %gather3A_1187 = tpu.vector_load_idx %gather3A_1186[%add3A_863, %add3A_1182] : memref<512x32xf32, #tpu.memory_space<vmem>>[vector<16xi32>, vector<16xi32>], vector<16xf32>,
        %add3A_1188 = arith.constant 2 : i32
        %add3A_1189 = vector.broadcast %add3A_1188 : i32 to vector<16xi32>
        %add3A_1190 = arith.addi %shift_right_arithmetic3A_108, %add3A_1189 : vector<16xi32>
        %add3A_1191 = arith.addi %add3A_172, %add3A_877 : vector<16xi32>
        %scatter3A_1192 = arith.constant 0 : i32
        %scatter3A_1193 = arith.constant 0 : i32
        %scatter3A_1194 = tpu.memref_slice %arg7[%scan3A_625, %scatter3A_1192, %scatter3A_1193] : memref<2x4x4096xf32, #tpu.memory_space<vmem>> -> memref<1x4x4096xf32, #tpu.memory_space<vmem>>
        %scatter3A_1195 = tpu.memref_squeeze %scatter3A_1194 : memref<1x4x4096xf32, #tpu.memory_space<vmem>> -> memref<4x4096xf32, #tpu.memory_space<vmem>>
        tpu.vector_store_idx %scatter3A_1195[%add3A_1190, %add3A_1191], %gather3A_1187 : memref<4x4096xf32, #tpu.memory_space<vmem>>[vector<16xi32>, vector<16xi32>], vector<16xf32>,
        %add3A_1196 = arith.constant 16 : i32
        %add3A_1197 = vector.broadcast %add3A_1196 : i32 to vector<16xi32>
        %add3A_1198 = arith.addi %and3A_31, %add3A_1197 : vector<16xi32>
        %gather3A_1199 = arith.constant 0 : i32
        %gather3A_1200 = arith.constant 0 : i32
        %gather3A_1201 = tpu.memref_slice %arg6[%scan3A_624, %gather3A_1199, %gather3A_1200] : memref<4x512x32xf32, #tpu.memory_space<vmem>> -> memref<1x512x32xf32, #tpu.memory_space<vmem>>
        %gather3A_1202 = tpu.memref_squeeze %gather3A_1201 : memref<1x512x32xf32, #tpu.memory_space<vmem>> -> memref<512x32xf32, #tpu.memory_space<vmem>>
        %gather3A_1203 = tpu.vector_load_idx %gather3A_1202[%add3A_863, %add3A_1198] : memref<512x32xf32, #tpu.memory_space<vmem>>[vector<16xi32>, vector<16xi32>], vector<16xf32>,
        %add3A_1204 = arith.constant 2 : i32
        %add3A_1205 = vector.broadcast %add3A_1204 : i32 to vector<16xi32>
        %add3A_1206 = arith.addi %shift_right_arithmetic3A_111, %add3A_1205 : vector<16xi32>
        %add3A_1207 = arith.addi %add3A_179, %add3A_877 : vector<16xi32>
        %scatter3A_1208 = arith.constant 0 : i32
        %scatter3A_1209 = arith.constant 0 : i32
        %scatter3A_1210 = tpu.memref_slice %arg7[%scan3A_625, %scatter3A_1208, %scatter3A_1209] : memref<2x4x4096xf32, #tpu.memory_space<vmem>> -> memref<1x4x4096xf32, #tpu.memory_space<vmem>>
        %scatter3A_1211 = tpu.memref_squeeze %scatter3A_1210 : memref<1x4x4096xf32, #tpu.memory_space<vmem>> -> memref<4x4096xf32, #tpu.memory_space<vmem>>
        tpu.vector_store_idx %scatter3A_1211[%add3A_1206, %add3A_1207], %gather3A_1203 : memref<4x4096xf32, #tpu.memory_space<vmem>>[vector<16xi32>, vector<16xi32>], vector<16xf32>,
        %add3A_1212 = arith.constant 16 : i32
        %add3A_1213 = vector.broadcast %add3A_1212 : i32 to vector<16xi32>
        %add3A_1214 = arith.addi %and3A_37, %add3A_1213 : vector<16xi32>
        %gather3A_1215 = arith.constant 0 : i32
        %gather3A_1216 = arith.constant 0 : i32
        %gather3A_1217 = tpu.memref_slice %arg6[%scan3A_624, %gather3A_1215, %gather3A_1216] : memref<4x512x32xf32, #tpu.memory_space<vmem>> -> memref<1x512x32xf32, #tpu.memory_space<vmem>>
        %gather3A_1218 = tpu.memref_squeeze %gather3A_1217 : memref<1x512x32xf32, #tpu.memory_space<vmem>> -> memref<512x32xf32, #tpu.memory_space<vmem>>
        %gather3A_1219 = tpu.vector_load_idx %gather3A_1218[%add3A_863, %add3A_1214] : memref<512x32xf32, #tpu.memory_space<vmem>>[vector<16xi32>, vector<16xi32>], vector<16xf32>,
        %add3A_1220 = arith.constant 2 : i32
        %add3A_1221 = vector.broadcast %add3A_1220 : i32 to vector<16xi32>
        %add3A_1222 = arith.addi %shift_right_arithmetic3A_114, %add3A_1221 : vector<16xi32>
        %add3A_1223 = arith.addi %add3A_186, %add3A_877 : vector<16xi32>
        %scatter3A_1224 = arith.constant 0 : i32
        %scatter3A_1225 = arith.constant 0 : i32
        %scatter3A_1226 = tpu.memref_slice %arg7[%scan3A_625, %scatter3A_1224, %scatter3A_1225] : memref<2x4x4096xf32, #tpu.memory_space<vmem>> -> memref<1x4x4096xf32, #tpu.memory_space<vmem>>
        %scatter3A_1227 = tpu.memref_squeeze %scatter3A_1226 : memref<1x4x4096xf32, #tpu.memory_space<vmem>> -> memref<4x4096xf32, #tpu.memory_space<vmem>>
        tpu.vector_store_idx %scatter3A_1227[%add3A_1222, %add3A_1223], %gather3A_1219 : memref<4x4096xf32, #tpu.memory_space<vmem>>[vector<16xi32>, vector<16xi32>], vector<16xf32>,
        %add3A_1228 = arith.constant 16 : i32
        %add3A_1229 = vector.broadcast %add3A_1228 : i32 to vector<16xi32>
        %add3A_1230 = arith.addi %and3A_43, %add3A_1229 : vector<16xi32>
        %gather3A_1231 = arith.constant 0 : i32
        %gather3A_1232 = arith.constant 0 : i32
        %gather3A_1233 = tpu.memref_slice %arg6[%scan3A_624, %gather3A_1231, %gather3A_1232] : memref<4x512x32xf32, #tpu.memory_space<vmem>> -> memref<1x512x32xf32, #tpu.memory_space<vmem>>
        %gather3A_1234 = tpu.memref_squeeze %gather3A_1233 : memref<1x512x32xf32, #tpu.memory_space<vmem>> -> memref<512x32xf32, #tpu.memory_space<vmem>>
        %gather3A_1235 = tpu.vector_load_idx %gather3A_1234[%add3A_863, %add3A_1230] : memref<512x32xf32, #tpu.memory_space<vmem>>[vector<16xi32>, vector<16xi32>], vector<16xf32>,
        %add3A_1236 = arith.constant 2 : i32
        %add3A_1237 = vector.broadcast %add3A_1236 : i32 to vector<16xi32>
        %add3A_1238 = arith.addi %shift_right_arithmetic3A_117, %add3A_1237 : vector<16xi32>
        %add3A_1239 = arith.addi %add3A_193, %add3A_877 : vector<16xi32>
        %scatter3A_1240 = arith.constant 0 : i32
        %scatter3A_1241 = arith.constant 0 : i32
        %scatter3A_1242 = tpu.memref_slice %arg7[%scan3A_625, %scatter3A_1240, %scatter3A_1241] : memref<2x4x4096xf32, #tpu.memory_space<vmem>> -> memref<1x4x4096xf32, #tpu.memory_space<vmem>>
        %scatter3A_1243 = tpu.memref_squeeze %scatter3A_1242 : memref<1x4x4096xf32, #tpu.memory_space<vmem>> -> memref<4x4096xf32, #tpu.memory_space<vmem>>
        tpu.vector_store_idx %scatter3A_1243[%add3A_1238, %add3A_1239], %gather3A_1235 : memref<4x4096xf32, #tpu.memory_space<vmem>>[vector<16xi32>, vector<16xi32>], vector<16xf32>,
        %add3A_1244 = arith.constant 16 : i32
        %add3A_1245 = vector.broadcast %add3A_1244 : i32 to vector<16xi32>
        %add3A_1246 = arith.addi %and3A_49, %add3A_1245 : vector<16xi32>
        %gather3A_1247 = arith.constant 0 : i32
        %gather3A_1248 = arith.constant 0 : i32
        %gather3A_1249 = tpu.memref_slice %arg6[%scan3A_624, %gather3A_1247, %gather3A_1248] : memref<4x512x32xf32, #tpu.memory_space<vmem>> -> memref<1x512x32xf32, #tpu.memory_space<vmem>>
        %gather3A_1250 = tpu.memref_squeeze %gather3A_1249 : memref<1x512x32xf32, #tpu.memory_space<vmem>> -> memref<512x32xf32, #tpu.memory_space<vmem>>
        %gather3A_1251 = tpu.vector_load_idx %gather3A_1250[%add3A_863, %add3A_1246] : memref<512x32xf32, #tpu.memory_space<vmem>>[vector<16xi32>, vector<16xi32>], vector<16xf32>,
        %add3A_1252 = arith.constant 2 : i32
        %add3A_1253 = vector.broadcast %add3A_1252 : i32 to vector<16xi32>
        %add3A_1254 = arith.addi %shift_right_arithmetic3A_120, %add3A_1253 : vector<16xi32>
        %add3A_1255 = arith.addi %add3A_200, %add3A_877 : vector<16xi32>
        %scatter3A_1256 = arith.constant 0 : i32
        %scatter3A_1257 = arith.constant 0 : i32
        %scatter3A_1258 = tpu.memref_slice %arg7[%scan3A_625, %scatter3A_1256, %scatter3A_1257] : memref<2x4x4096xf32, #tpu.memory_space<vmem>> -> memref<1x4x4096xf32, #tpu.memory_space<vmem>>
        %scatter3A_1259 = tpu.memref_squeeze %scatter3A_1258 : memref<1x4x4096xf32, #tpu.memory_space<vmem>> -> memref<4x4096xf32, #tpu.memory_space<vmem>>
        tpu.vector_store_idx %scatter3A_1259[%add3A_1254, %add3A_1255], %gather3A_1251 : memref<4x4096xf32, #tpu.memory_space<vmem>>[vector<16xi32>, vector<16xi32>], vector<16xf32>,
        %add3A_1260 = arith.constant 16 : i32
        %add3A_1261 = vector.broadcast %add3A_1260 : i32 to vector<16xi32>
        %add3A_1262 = arith.addi %and3A_55, %add3A_1261 : vector<16xi32>
        %gather3A_1263 = arith.constant 0 : i32
        %gather3A_1264 = arith.constant 0 : i32
        %gather3A_1265 = tpu.memref_slice %arg6[%scan3A_624, %gather3A_1263, %gather3A_1264] : memref<4x512x32xf32, #tpu.memory_space<vmem>> -> memref<1x512x32xf32, #tpu.memory_space<vmem>>
        %gather3A_1266 = tpu.memref_squeeze %gather3A_1265 : memref<1x512x32xf32, #tpu.memory_space<vmem>> -> memref<512x32xf32, #tpu.memory_space<vmem>>
        %gather3A_1267 = tpu.vector_load_idx %gather3A_1266[%add3A_863, %add3A_1262] : memref<512x32xf32, #tpu.memory_space<vmem>>[vector<16xi32>, vector<16xi32>], vector<16xf32>,
        %add3A_1268 = arith.constant 2 : i32
        %add3A_1269 = vector.broadcast %add3A_1268 : i32 to vector<16xi32>
        %add3A_1270 = arith.addi %shift_right_arithmetic3A_123, %add3A_1269 : vector<16xi32>
        %add3A_1271 = arith.addi %add3A_207, %add3A_877 : vector<16xi32>
        %scatter3A_1272 = arith.constant 0 : i32
        %scatter3A_1273 = arith.constant 0 : i32
        %scatter3A_1274 = tpu.memref_slice %arg7[%scan3A_625, %scatter3A_1272, %scatter3A_1273] : memref<2x4x4096xf32, #tpu.memory_space<vmem>> -> memref<1x4x4096xf32, #tpu.memory_space<vmem>>
        %scatter3A_1275 = tpu.memref_squeeze %scatter3A_1274 : memref<1x4x4096xf32, #tpu.memory_space<vmem>> -> memref<4x4096xf32, #tpu.memory_space<vmem>>
        tpu.vector_store_idx %scatter3A_1275[%add3A_1270, %add3A_1271], %gather3A_1267 : memref<4x4096xf32, #tpu.memory_space<vmem>>[vector<16xi32>, vector<16xi32>], vector<16xf32>,
        %add3A_1276 = arith.constant 16 : i32
        %add3A_1277 = vector.broadcast %add3A_1276 : i32 to vector<16xi32>
        %add3A_1278 = arith.addi %and3A_61, %add3A_1277 : vector<16xi32>
        %gather3A_1279 = arith.constant 0 : i32
        %gather3A_1280 = arith.constant 0 : i32
        %gather3A_1281 = tpu.memref_slice %arg6[%scan3A_624, %gather3A_1279, %gather3A_1280] : memref<4x512x32xf32, #tpu.memory_space<vmem>> -> memref<1x512x32xf32, #tpu.memory_space<vmem>>
        %gather3A_1282 = tpu.memref_squeeze %gather3A_1281 : memref<1x512x32xf32, #tpu.memory_space<vmem>> -> memref<512x32xf32, #tpu.memory_space<vmem>>
        %gather3A_1283 = tpu.vector_load_idx %gather3A_1282[%add3A_863, %add3A_1278] : memref<512x32xf32, #tpu.memory_space<vmem>>[vector<16xi32>, vector<16xi32>], vector<16xf32>,
        %add3A_1284 = arith.constant 2 : i32
        %add3A_1285 = vector.broadcast %add3A_1284 : i32 to vector<16xi32>
        %add3A_1286 = arith.addi %shift_right_arithmetic3A_126, %add3A_1285 : vector<16xi32>
        %add3A_1287 = arith.addi %add3A_214, %add3A_877 : vector<16xi32>
        %scatter3A_1288 = arith.constant 0 : i32
        %scatter3A_1289 = arith.constant 0 : i32
        %scatter3A_1290 = tpu.memref_slice %arg7[%scan3A_625, %scatter3A_1288, %scatter3A_1289] : memref<2x4x4096xf32, #tpu.memory_space<vmem>> -> memref<1x4x4096xf32, #tpu.memory_space<vmem>>
        %scatter3A_1291 = tpu.memref_squeeze %scatter3A_1290 : memref<1x4x4096xf32, #tpu.memory_space<vmem>> -> memref<4x4096xf32, #tpu.memory_space<vmem>>
        tpu.vector_store_idx %scatter3A_1291[%add3A_1286, %add3A_1287], %gather3A_1283 : memref<4x4096xf32, #tpu.memory_space<vmem>>[vector<16xi32>, vector<16xi32>], vector<16xf32>,
        %add3A_1292 = arith.constant 16 : i32
        %add3A_1293 = vector.broadcast %add3A_1292 : i32 to vector<16xi32>
        %add3A_1294 = arith.addi %and3A_67, %add3A_1293 : vector<16xi32>
        %gather3A_1295 = arith.constant 0 : i32
        %gather3A_1296 = arith.constant 0 : i32
        %gather3A_1297 = tpu.memref_slice %arg6[%scan3A_624, %gather3A_1295, %gather3A_1296] : memref<4x512x32xf32, #tpu.memory_space<vmem>> -> memref<1x512x32xf32, #tpu.memory_space<vmem>>
        %gather3A_1298 = tpu.memref_squeeze %gather3A_1297 : memref<1x512x32xf32, #tpu.memory_space<vmem>> -> memref<512x32xf32, #tpu.memory_space<vmem>>
        %gather3A_1299 = tpu.vector_load_idx %gather3A_1298[%add3A_863, %add3A_1294] : memref<512x32xf32, #tpu.memory_space<vmem>>[vector<16xi32>, vector<16xi32>], vector<16xf32>,
        %add3A_1300 = arith.constant 2 : i32
        %add3A_1301 = vector.broadcast %add3A_1300 : i32 to vector<16xi32>
        %add3A_1302 = arith.addi %shift_right_arithmetic3A_129, %add3A_1301 : vector<16xi32>
        %add3A_1303 = arith.addi %add3A_221, %add3A_877 : vector<16xi32>
        %scatter3A_1304 = arith.constant 0 : i32
        %scatter3A_1305 = arith.constant 0 : i32
        %scatter3A_1306 = tpu.memref_slice %arg7[%scan3A_625, %scatter3A_1304, %scatter3A_1305] : memref<2x4x4096xf32, #tpu.memory_space<vmem>> -> memref<1x4x4096xf32, #tpu.memory_space<vmem>>
        %scatter3A_1307 = tpu.memref_squeeze %scatter3A_1306 : memref<1x4x4096xf32, #tpu.memory_space<vmem>> -> memref<4x4096xf32, #tpu.memory_space<vmem>>
        tpu.vector_store_idx %scatter3A_1307[%add3A_1302, %add3A_1303], %gather3A_1299 : memref<4x4096xf32, #tpu.memory_space<vmem>>[vector<16xi32>, vector<16xi32>], vector<16xf32>,
        %add3A_1308 = arith.constant 16 : i32
        %add3A_1309 = vector.broadcast %add3A_1308 : i32 to vector<16xi32>
        %add3A_1310 = arith.addi %and3A_73, %add3A_1309 : vector<16xi32>
        %gather3A_1311 = arith.constant 0 : i32
        %gather3A_1312 = arith.constant 0 : i32
        %gather3A_1313 = tpu.memref_slice %arg6[%scan3A_624, %gather3A_1311, %gather3A_1312] : memref<4x512x32xf32, #tpu.memory_space<vmem>> -> memref<1x512x32xf32, #tpu.memory_space<vmem>>
        %gather3A_1314 = tpu.memref_squeeze %gather3A_1313 : memref<1x512x32xf32, #tpu.memory_space<vmem>> -> memref<512x32xf32, #tpu.memory_space<vmem>>
        %gather3A_1315 = tpu.vector_load_idx %gather3A_1314[%add3A_863, %add3A_1310] : memref<512x32xf32, #tpu.memory_space<vmem>>[vector<16xi32>, vector<16xi32>], vector<16xf32>,
        %add3A_1316 = arith.constant 2 : i32
        %add3A_1317 = vector.broadcast %add3A_1316 : i32 to vector<16xi32>
        %add3A_1318 = arith.addi %shift_right_arithmetic3A_132, %add3A_1317 : vector<16xi32>
        %add3A_1319 = arith.addi %add3A_228, %add3A_877 : vector<16xi32>
        %scatter3A_1320 = arith.constant 0 : i32
        %scatter3A_1321 = arith.constant 0 : i32
        %scatter3A_1322 = tpu.memref_slice %arg7[%scan3A_625, %scatter3A_1320, %scatter3A_1321] : memref<2x4x4096xf32, #tpu.memory_space<vmem>> -> memref<1x4x4096xf32, #tpu.memory_space<vmem>>
        %scatter3A_1323 = tpu.memref_squeeze %scatter3A_1322 : memref<1x4x4096xf32, #tpu.memory_space<vmem>> -> memref<4x4096xf32, #tpu.memory_space<vmem>>
        tpu.vector_store_idx %scatter3A_1323[%add3A_1318, %add3A_1319], %gather3A_1315 : memref<4x4096xf32, #tpu.memory_space<vmem>>[vector<16xi32>, vector<16xi32>], vector<16xf32>,
        %add3A_1324 = arith.constant 16 : i32
        %add3A_1325 = vector.broadcast %add3A_1324 : i32 to vector<16xi32>
        %add3A_1326 = arith.addi %and3A_79, %add3A_1325 : vector<16xi32>
        %gather3A_1327 = arith.constant 0 : i32
        %gather3A_1328 = arith.constant 0 : i32
        %gather3A_1329 = tpu.memref_slice %arg6[%scan3A_624, %gather3A_1327, %gather3A_1328] : memref<4x512x32xf32, #tpu.memory_space<vmem>> -> memref<1x512x32xf32, #tpu.memory_space<vmem>>
        %gather3A_1330 = tpu.memref_squeeze %gather3A_1329 : memref<1x512x32xf32, #tpu.memory_space<vmem>> -> memref<512x32xf32, #tpu.memory_space<vmem>>
        %gather3A_1331 = tpu.vector_load_idx %gather3A_1330[%add3A_863, %add3A_1326] : memref<512x32xf32, #tpu.memory_space<vmem>>[vector<16xi32>, vector<16xi32>], vector<16xf32>,
        %add3A_1332 = arith.constant 2 : i32
        %add3A_1333 = vector.broadcast %add3A_1332 : i32 to vector<16xi32>
        %add3A_1334 = arith.addi %shift_right_arithmetic3A_135, %add3A_1333 : vector<16xi32>
        %add3A_1335 = arith.addi %add3A_235, %add3A_877 : vector<16xi32>
        %scatter3A_1336 = arith.constant 0 : i32
        %scatter3A_1337 = arith.constant 0 : i32
        %scatter3A_1338 = tpu.memref_slice %arg7[%scan3A_625, %scatter3A_1336, %scatter3A_1337] : memref<2x4x4096xf32, #tpu.memory_space<vmem>> -> memref<1x4x4096xf32, #tpu.memory_space<vmem>>
        %scatter3A_1339 = tpu.memref_squeeze %scatter3A_1338 : memref<1x4x4096xf32, #tpu.memory_space<vmem>> -> memref<4x4096xf32, #tpu.memory_space<vmem>>
        tpu.vector_store_idx %scatter3A_1339[%add3A_1334, %add3A_1335], %gather3A_1331 : memref<4x4096xf32, #tpu.memory_space<vmem>>[vector<16xi32>, vector<16xi32>], vector<16xf32>,
        %add3A_1340 = arith.constant 16 : i32
        %add3A_1341 = vector.broadcast %add3A_1340 : i32 to vector<16xi32>
        %add3A_1342 = arith.addi %and3A_85, %add3A_1341 : vector<16xi32>
        %gather3A_1343 = arith.constant 0 : i32
        %gather3A_1344 = arith.constant 0 : i32
        %gather3A_1345 = tpu.memref_slice %arg6[%scan3A_624, %gather3A_1343, %gather3A_1344] : memref<4x512x32xf32, #tpu.memory_space<vmem>> -> memref<1x512x32xf32, #tpu.memory_space<vmem>>
        %gather3A_1346 = tpu.memref_squeeze %gather3A_1345 : memref<1x512x32xf32, #tpu.memory_space<vmem>> -> memref<512x32xf32, #tpu.memory_space<vmem>>
        %gather3A_1347 = tpu.vector_load_idx %gather3A_1346[%add3A_863, %add3A_1342] : memref<512x32xf32, #tpu.memory_space<vmem>>[vector<16xi32>, vector<16xi32>], vector<16xf32>,
        %add3A_1348 = arith.constant 2 : i32
        %add3A_1349 = vector.broadcast %add3A_1348 : i32 to vector<16xi32>
        %add3A_1350 = arith.addi %shift_right_arithmetic3A_138, %add3A_1349 : vector<16xi32>
        %add3A_1351 = arith.addi %add3A_242, %add3A_877 : vector<16xi32>
        %scatter3A_1352 = arith.constant 0 : i32
        %scatter3A_1353 = arith.constant 0 : i32
        %scatter3A_1354 = tpu.memref_slice %arg7[%scan3A_625, %scatter3A_1352, %scatter3A_1353] : memref<2x4x4096xf32, #tpu.memory_space<vmem>> -> memref<1x4x4096xf32, #tpu.memory_space<vmem>>
        %scatter3A_1355 = tpu.memref_squeeze %scatter3A_1354 : memref<1x4x4096xf32, #tpu.memory_space<vmem>> -> memref<4x4096xf32, #tpu.memory_space<vmem>>
        tpu.vector_store_idx %scatter3A_1355[%add3A_1350, %add3A_1351], %gather3A_1347 : memref<4x4096xf32, #tpu.memory_space<vmem>>[vector<16xi32>, vector<16xi32>], vector<16xf32>,
        %add3A_1356 = arith.constant 16 : i32
        %add3A_1357 = vector.broadcast %add3A_1356 : i32 to vector<16xi32>
        %add3A_1358 = arith.addi %and3A_91, %add3A_1357 : vector<16xi32>
        %gather3A_1359 = arith.constant 0 : i32
        %gather3A_1360 = arith.constant 0 : i32
        %gather3A_1361 = tpu.memref_slice %arg6[%scan3A_624, %gather3A_1359, %gather3A_1360] : memref<4x512x32xf32, #tpu.memory_space<vmem>> -> memref<1x512x32xf32, #tpu.memory_space<vmem>>
        %gather3A_1362 = tpu.memref_squeeze %gather3A_1361 : memref<1x512x32xf32, #tpu.memory_space<vmem>> -> memref<512x32xf32, #tpu.memory_space<vmem>>
        %gather3A_1363 = tpu.vector_load_idx %gather3A_1362[%add3A_863, %add3A_1358] : memref<512x32xf32, #tpu.memory_space<vmem>>[vector<16xi32>, vector<16xi32>], vector<16xf32>,
        %add3A_1364 = arith.constant 2 : i32
        %add3A_1365 = vector.broadcast %add3A_1364 : i32 to vector<16xi32>
        %add3A_1366 = arith.addi %shift_right_arithmetic3A_141, %add3A_1365 : vector<16xi32>
        %add3A_1367 = arith.addi %add3A_249, %add3A_877 : vector<16xi32>
        %scatter3A_1368 = arith.constant 0 : i32
        %scatter3A_1369 = arith.constant 0 : i32
        %scatter3A_1370 = tpu.memref_slice %arg7[%scan3A_625, %scatter3A_1368, %scatter3A_1369] : memref<2x4x4096xf32, #tpu.memory_space<vmem>> -> memref<1x4x4096xf32, #tpu.memory_space<vmem>>
        %scatter3A_1371 = tpu.memref_squeeze %scatter3A_1370 : memref<1x4x4096xf32, #tpu.memory_space<vmem>> -> memref<4x4096xf32, #tpu.memory_space<vmem>>
        tpu.vector_store_idx %scatter3A_1371[%add3A_1366, %add3A_1367], %gather3A_1363 : memref<4x4096xf32, #tpu.memory_space<vmem>>[vector<16xi32>, vector<16xi32>], vector<16xf32>,
        %add3A_1372 = arith.constant 16 : i32
        %add3A_1373 = vector.broadcast %add3A_1372 : i32 to vector<16xi32>
        %add3A_1374 = arith.addi %and3A_97, %add3A_1373 : vector<16xi32>
        %gather3A_1375 = arith.constant 0 : i32
        %gather3A_1376 = arith.constant 0 : i32
        %gather3A_1377 = tpu.memref_slice %arg6[%scan3A_624, %gather3A_1375, %gather3A_1376] : memref<4x512x32xf32, #tpu.memory_space<vmem>> -> memref<1x512x32xf32, #tpu.memory_space<vmem>>
        %gather3A_1378 = tpu.memref_squeeze %gather3A_1377 : memref<1x512x32xf32, #tpu.memory_space<vmem>> -> memref<512x32xf32, #tpu.memory_space<vmem>>
        %gather3A_1379 = tpu.vector_load_idx %gather3A_1378[%add3A_863, %add3A_1374] : memref<512x32xf32, #tpu.memory_space<vmem>>[vector<16xi32>, vector<16xi32>], vector<16xf32>,
        %add3A_1380 = arith.constant 2 : i32
        %add3A_1381 = vector.broadcast %add3A_1380 : i32 to vector<16xi32>
        %add3A_1382 = arith.addi %shift_right_arithmetic3A_144, %add3A_1381 : vector<16xi32>
        %add3A_1383 = arith.addi %add3A_256, %add3A_877 : vector<16xi32>
        %scatter3A_1384 = arith.constant 0 : i32
        %scatter3A_1385 = arith.constant 0 : i32
        %scatter3A_1386 = tpu.memref_slice %arg7[%scan3A_625, %scatter3A_1384, %scatter3A_1385] : memref<2x4x4096xf32, #tpu.memory_space<vmem>> -> memref<1x4x4096xf32, #tpu.memory_space<vmem>>
        %scatter3A_1387 = tpu.memref_squeeze %scatter3A_1386 : memref<1x4x4096xf32, #tpu.memory_space<vmem>> -> memref<4x4096xf32, #tpu.memory_space<vmem>>
        tpu.vector_store_idx %scatter3A_1387[%add3A_1382, %add3A_1383], %gather3A_1379 : memref<4x4096xf32, #tpu.memory_space<vmem>>[vector<16xi32>, vector<16xi32>], vector<16xf32>,
      }
      %scan3A_630 = arith.constant 32 : i32
      %add3A_631 = arith.addi %mul3A_2, %add3A_598 : i32
      %jit3A_632 = arith.constant 32 : i32
      %div3A_633 = arith.divsi %add3A_631, %jit3A_632 : i32
      %sign3A_634 = arith.constant 0 : i32
      %sign3A_635 = arith.cmpi sgt, %add3A_631, %sign3A_634 : i32
      %sign3A_636 = arith.extui %sign3A_635 : i1 to i32
      %sign3A_637 = arith.constant 0 : i32
      %sign3A_638 = arith.cmpi slt, %add3A_631, %sign3A_637 : i32
      %sign3A_639 = arith.extui %sign3A_638 : i1 to i32
      %sign3A_640 = arith.subi %sign3A_636, %sign3A_639 : i32
      %sign3A_641 = arith.constant 0 : i32
      %sign3A_642 = arith.cmpi sgt, %jit3A_632, %sign3A_641 : i32
      %sign3A_643 = arith.extui %sign3A_642 : i1 to i32
      %sign3A_644 = arith.constant 0 : i32
      %sign3A_645 = arith.cmpi slt, %jit3A_632, %sign3A_644 : i32
      %sign3A_646 = arith.extui %sign3A_645 : i1 to i32
      %sign3A_647 = arith.subi %sign3A_643, %sign3A_646 : i32
      %ne3A_648 = arith.cmpi ne, %sign3A_640, %sign3A_647 : i32
      %rem3A_649 = arith.remsi %add3A_631, %jit3A_632 : i32
      %ne3A_650 = arith.constant 0 : i32
      %ne3A_651 = arith.cmpi ne, %rem3A_649, %ne3A_650 : i32
      %and3A_652 = arith.andi %ne3A_648, %ne3A_651 : i1
      %sub3A_653 = arith.constant 1 : i32
      %sub3A_654 = arith.subi %div3A_633, %sub3A_653 : i32
      %select_n3A_655 = arith.select %and3A_652, %sub3A_654, %div3A_633 : i32
      %mul3A_656 = arith.constant 32 : i32
      %mul3A_657 = arith.muli %select_n3A_655, %mul3A_656 : i32
      %sub3A_658 = arith.subi %add3A_631, %mul3A_657 : i32
      %mul3A_659 = arith.constant 4096 : i32
      %mul3A_660 = arith.muli %sub3A_658, %mul3A_659 : i32
      %dma_start3A_661 = arith.constant 1 : i32
      %dma_start3A_662 = arith.constant 0 : i32
      %dma_start3A_663 = arith.constant 0 : i32
      %dma_start3A_664 = tpu.memref_slice %arg7[%dma_start3A_661, %dma_start3A_662, %dma_start3A_663] : memref<2x4x4096xf32, #tpu.memory_space<vmem>> -> memref<1x4x4096xf32, #tpu.memory_space<vmem>>
      %dma_start3A_665 = tpu.memref_squeeze %dma_start3A_664 : memref<1x4x4096xf32, #tpu.memory_space<vmem>> -> memref<4x4096xf32, #tpu.memory_space<vmem>>
      %dma_start3A_666 = arith.constant 0 : i32
      %dma_start3A_667 = tpu.memref_slice %arg4[%select_n3A_655, %dma_start3A_666, %mul3A_660] : memref<200x4x131072xf32, #tpu.memory_space<hbm>> -> memref<1x4x4096xf32, #tpu.memory_space<hbm>>
      %dma_start3A_668 = tpu.memref_squeeze %dma_start3A_667 : memref<1x4x4096xf32, #tpu.memory_space<hbm>> -> memref<4x4096xf32, #tpu.memory_space<hbm>>
      %dma_start3A_669 = arith.constant 0 : i32
      %dma_start3A_670 = tpu.memref_slice %arg4[%select_n3A_655, %dma_start3A_669, %mul3A_660] : memref<200x4x131072xf32, #tpu.memory_space<hbm>> -> memref<1x4x4096xf32, #tpu.memory_space<hbm>>
      %dma_start3A_671 = tpu.memref_squeeze %dma_start3A_670 : memref<1x4x4096xf32, #tpu.memory_space<hbm>> -> memref<4x4096xf32, #tpu.memory_space<hbm>>
      %dma_start3A_672 = arith.constant 0 : i32
      %dma_start3A_673 = arith.constant 0 : i32
      %dma_start3A_674 = tpu.memref_slice %arg7[%dma_start3A_661, %dma_start3A_672, %dma_start3A_673] : memref<2x4x4096xf32, #tpu.memory_space<vmem>> -> memref<1x4x4096xf32, #tpu.memory_space<vmem>>
      %dma_start3A_675 = tpu.memref_squeeze %dma_start3A_674 : memref<1x4x4096xf32, #tpu.memory_space<vmem>> -> memref<4x4096xf32, #tpu.memory_space<vmem>>
      tpu.enqueue_dma source(%dma_start3A_675 : memref<4x4096xf32, #tpu.memory_space<vmem>>) target(%dma_start3A_671 : memref<4x4096xf32, #tpu.memory_space<hbm>>) target_semaphore(%arg17 : memref<!tpu.dma_semaphore, #tpu.memory_space<semaphore_mem>>)
      %add3A_676 = arith.constant 4 : i32
      %add3A_677 = arith.addi %add3A_598, %add3A_676 : i32
      %lt3A_678 = arith.constant 200 : i32
      %lt3A_679 = arith.cmpi slt, %add3A_677, %lt3A_678 : i32
      %convert_element_type3A_680 = arith.extui %lt3A_679 : i1 to i32
      %cond3A_681 = arith.constant 0 : i32
      %cond3A_682 = arith.cmpi ne, %convert_element_type3A_680, %cond3A_681 : i32
      scf.if %cond3A_682 {
        %add3A_859 = arith.addi %mul3A_2, %add3A_598 : i32
        %add3A_860 = arith.constant 4 : i32
        %add3A_861 = arith.addi %add3A_859, %add3A_860 : i32
        %jit3A_862 = arith.constant 32 : i32
        %div3A_863 = arith.divsi %add3A_861, %jit3A_862 : i32
        %sign3A_864 = arith.constant 0 : i32
        %sign3A_865 = arith.cmpi sgt, %add3A_861, %sign3A_864 : i32
        %sign3A_866 = arith.extui %sign3A_865 : i1 to i32
        %sign3A_867 = arith.constant 0 : i32
        %sign3A_868 = arith.cmpi slt, %add3A_861, %sign3A_867 : i32
        %sign3A_869 = arith.extui %sign3A_868 : i1 to i32
        %sign3A_870 = arith.subi %sign3A_866, %sign3A_869 : i32
        %sign3A_871 = arith.constant 0 : i32
        %sign3A_872 = arith.cmpi sgt, %jit3A_862, %sign3A_871 : i32
        %sign3A_873 = arith.extui %sign3A_872 : i1 to i32
        %sign3A_874 = arith.constant 0 : i32
        %sign3A_875 = arith.cmpi slt, %jit3A_862, %sign3A_874 : i32
        %sign3A_876 = arith.extui %sign3A_875 : i1 to i32
        %sign3A_877 = arith.subi %sign3A_873, %sign3A_876 : i32
        %ne3A_878 = arith.cmpi ne, %sign3A_870, %sign3A_877 : i32
        %rem3A_879 = arith.remsi %add3A_861, %jit3A_862 : i32
        %ne3A_880 = arith.constant 0 : i32
        %ne3A_881 = arith.cmpi ne, %rem3A_879, %ne3A_880 : i32
        %and3A_882 = arith.andi %ne3A_878, %ne3A_881 : i1
        %sub3A_883 = arith.constant 1 : i32
        %sub3A_884 = arith.subi %div3A_863, %sub3A_883 : i32
        %select_n3A_885 = arith.select %and3A_882, %sub3A_884, %div3A_863 : i32
        %mul3A_886 = arith.constant 32 : i32
        %mul3A_887 = arith.muli %select_n3A_885, %mul3A_886 : i32
        %sub3A_888 = arith.subi %add3A_861, %mul3A_887 : i32
        %mul3A_889 = arith.constant 16384 : i32
        %mul3A_890 = arith.muli %select_n3A_885, %mul3A_889 : i32
        %mul3A_891 = arith.constant 512 : i32
        %mul3A_892 = arith.muli %sub3A_888, %mul3A_891 : i32
        %add3A_893 = arith.addi %mul3A_890, %mul3A_892 : i32
        %multiple_of3A_894 = tpu.assume_multiple %add3A_893, 8 : i32
        %dma_start3A_895 = arith.constant 1 : i32
        %dma_start3A_896 = arith.constant 0 : i32
        %dma_start3A_897 = tpu.memref_slice %arg5[%dma_start3A_895, %dma_start3A_896] : memref<4x512xi32, #tpu.memory_space<vmem>> -> memref<1x512xi32, #tpu.memory_space<vmem>>
        %dma_start3A_898 = tpu.memref_squeeze %dma_start3A_897 : memref<1x512xi32, #tpu.memory_space<vmem>> -> memref<512xi32, #tpu.memory_space<vmem>>
        %dma_start3A_899 = tpu.memref_slice %arg2[%multiple_of3A_894] : memref<3276800xi32, #tpu.memory_space<hbm>> -> memref<512xi32, #tpu.memory_space<hbm>>
        %dma_start3A_900 = arith.constant 0 : i32
        %dma_start3A_901 = tpu.memref_slice %arg5[%dma_start3A_895, %dma_start3A_900] : memref<4x512xi32, #tpu.memory_space<vmem>> -> memref<1x512xi32, #tpu.memory_space<vmem>>
        %dma_start3A_902 = tpu.memref_squeeze %dma_start3A_901 : memref<1x512xi32, #tpu.memory_space<vmem>> -> memref<512xi32, #tpu.memory_space<vmem>>
        %dma_start3A_903 = tpu.memref_slice %arg2[%multiple_of3A_894] : memref<3276800xi32, #tpu.memory_space<hbm>> -> memref<512xi32, #tpu.memory_space<hbm>>
        tpu.enqueue_dma source(%dma_start3A_903 : memref<512xi32, #tpu.memory_space<hbm>>) target(%dma_start3A_902 : memref<512xi32, #tpu.memory_space<vmem>>) target_semaphore(%arg9 : memref<!tpu.dma_semaphore, #tpu.memory_space<semaphore_mem>>)
      } else {
      }
      %mul3A_683 = arith.constant 4 : i32
      %mul3A_684 = arith.muli %scan3A_510, %mul3A_683 : i32
      %add3A_685 = arith.constant 2 : i32
      %add3A_686 = arith.addi %mul3A_684, %add3A_685 : i32
      %dma_wait3A_687 = arith.constant 2 : i32
      %dma_wait3A_688 = arith.constant 2 : i32
      %dma_wait3A_689 = arith.constant 0 : i32
      %dma_wait3A_690 = arith.constant 0 : i32
      %dma_wait3A_691 = tpu.memref_slice %arg6[%dma_wait3A_688, %dma_wait3A_689, %dma_wait3A_690] : memref<4x512x32xf32, #tpu.memory_space<vmem>> -> memref<1x512x32xf32, #tpu.memory_space<vmem>>
      %dma_wait3A_692 = tpu.memref_squeeze %dma_wait3A_691 : memref<1x512x32xf32, #tpu.memory_space<vmem>> -> memref<512x32xf32, #tpu.memory_space<vmem>>
      %dma_wait3A_693 = arith.constant 0 : i32
      %dma_wait3A_694 = tpu.memref_slice %arg5[%dma_wait3A_687, %dma_wait3A_693] : memref<4x512xi32, #tpu.memory_space<vmem>> -> memref<1x512xi32, #tpu.memory_space<vmem>>
      %dma_wait3A_695 = tpu.memref_squeeze %dma_wait3A_694 : memref<1x512xi32, #tpu.memory_space<vmem>> -> memref<512xi32, #tpu.memory_space<vmem>>
      %dma_wait3A_696 = arith.constant 0 : i32
      %dma_wait3A_697 = arith.constant 0 : i32
      %dma_wait3A_698 = tpu.memref_slice %arg3[%dma_wait3A_696, %dma_wait3A_697] : memref<1000000x32xf32, #tpu.memory_space<hbm>> -> memref<1000000x32xf32, #tpu.memory_space<hbm>>
      tpu.wait_indirect_dma semaphore(%arg14 : memref<!tpu.dma_semaphore, #tpu.memory_space<semaphore_mem>>) src(%dma_wait3A_698 : memref<1000000x32xf32, #tpu.memory_space<hbm>>) dst(%dma_wait3A_692 : memref<512x32xf32, #tpu.memory_space<vmem>>)
      %add3A_699 = arith.constant 2 : i32
      %add3A_700 = arith.addi %add3A_686, %add3A_699 : i32
      %lt3A_701 = arith.constant 200 : i32
      %lt3A_702 = arith.cmpi slt, %add3A_700, %lt3A_701 : i32
      %convert_element_type3A_703 = arith.extui %lt3A_702 : i1 to i32
      %cond3A_704 = arith.constant 0 : i32
      %cond3A_705 = arith.cmpi ne, %convert_element_type3A_703, %cond3A_704 : i32
      scf.if %cond3A_705 {
        %dma_wait3A_859 = arith.constant 0 : i32
        %dma_wait3A_860 = arith.constant 0 : i32
        %dma_wait3A_861 = tpu.memref_slice %arg5[%dma_wait3A_859, %dma_wait3A_860] : memref<4x512xi32, #tpu.memory_space<vmem>> -> memref<1x512xi32, #tpu.memory_space<vmem>>
        %dma_wait3A_862 = tpu.memref_squeeze %dma_wait3A_861 : memref<1x512xi32, #tpu.memory_space<vmem>> -> memref<512xi32, #tpu.memory_space<vmem>>
        %dma_wait3A_863 = arith.constant 0 : i32
        %dma_wait3A_864 = tpu.memref_slice %arg2[%dma_wait3A_863] : memref<3276800xi32, #tpu.memory_space<hbm>> -> memref<512xi32, #tpu.memory_space<hbm>>
        %dma_wait3A_865 = arith.constant 0 : i32
        %dma_wait3A_866 = tpu.memref_slice %arg5[%dma_wait3A_859, %dma_wait3A_865] : memref<4x512xi32, #tpu.memory_space<vmem>> -> memref<1x512xi32, #tpu.memory_space<vmem>>
        %dma_wait3A_867 = tpu.memref_squeeze %dma_wait3A_866 : memref<1x512xi32, #tpu.memory_space<vmem>> -> memref<512xi32, #tpu.memory_space<vmem>>
        %dma_wait3A_868 = arith.constant 0 : i32
        %dma_wait3A_869 = tpu.memref_slice %arg2[%dma_wait3A_868] : memref<3276800xi32, #tpu.memory_space<hbm>> -> memref<512xi32, #tpu.memory_space<hbm>>
        tpu.wait_dma2 semaphore(%arg8 : memref<!tpu.dma_semaphore, #tpu.memory_space<semaphore_mem>>) src(%dma_wait3A_869 : memref<512xi32, #tpu.memory_space<hbm>>) dst(%dma_wait3A_867 : memref<512xi32, #tpu.memory_space<vmem>>)
        %dma_start3A_870 = arith.constant 0 : i32
        %dma_start3A_871 = arith.constant 0 : i32
        %dma_start3A_872 = arith.constant 0 : i32
        %dma_start3A_873 = arith.constant 0 : i32
        %dma_start3A_874 = tpu.memref_slice %arg6[%dma_start3A_871, %dma_start3A_872, %dma_start3A_873] : memref<4x512x32xf32, #tpu.memory_space<vmem>> -> memref<1x512x32xf32, #tpu.memory_space<vmem>>
        %dma_start3A_875 = tpu.memref_squeeze %dma_start3A_874 : memref<1x512x32xf32, #tpu.memory_space<vmem>> -> memref<512x32xf32, #tpu.memory_space<vmem>>
        %dma_start3A_876 = arith.constant 0 : i32
        %dma_start3A_877 = tpu.memref_slice %arg5[%dma_start3A_870, %dma_start3A_876] : memref<4x512xi32, #tpu.memory_space<vmem>> -> memref<1x512xi32, #tpu.memory_space<vmem>>
        %dma_start3A_878 = tpu.memref_squeeze %dma_start3A_877 : memref<1x512xi32, #tpu.memory_space<vmem>> -> memref<512xi32, #tpu.memory_space<vmem>>
        %dma_start3A_879 = arith.constant 0 : i32
        %dma_start3A_880 = arith.constant 0 : i32
        %dma_start3A_881 = tpu.memref_slice %arg3[%dma_start3A_879, %dma_start3A_880] : memref<1000000x32xf32, #tpu.memory_space<hbm>> -> memref<1000000x32xf32, #tpu.memory_space<hbm>>
        tpu.enqueue_indirect_dma source(%dma_start3A_881 : memref<1000000x32xf32, #tpu.memory_space<hbm>>) target(%dma_start3A_875 : memref<512x32xf32, #tpu.memory_space<vmem>>) offsets(%dma_start3A_878 : memref<512xi32, #tpu.memory_space<vmem>>) semaphore(%arg12 : memref<!tpu.dma_semaphore, #tpu.memory_space<semaphore_mem>>)
      } else {
      }
      %ge3A_706 = arith.constant 2 : i32
      %ge3A_707 = arith.cmpi sge, %add3A_686, %ge3A_706 : i32
      %convert_element_type3A_708 = arith.extui %ge3A_707 : i1 to i32
      %cond3A_709 = arith.constant 0 : i32
      %cond3A_710 = arith.cmpi ne, %convert_element_type3A_708, %cond3A_709 : i32
      scf.if %cond3A_710 {
        %dma_wait3A_859 = arith.constant 0 : i32
        %dma_wait3A_860 = arith.constant 0 : i32
        %dma_wait3A_861 = arith.constant 0 : i32
        %dma_wait3A_862 = arith.constant 0 : i32
        %dma_wait3A_863 = tpu.memref_slice %arg7[%dma_wait3A_859, %dma_wait3A_861, %dma_wait3A_862] : memref<2x4x4096xf32, #tpu.memory_space<vmem>> -> memref<1x4x4096xf32, #tpu.memory_space<vmem>>
        %dma_wait3A_864 = tpu.memref_squeeze %dma_wait3A_863 : memref<1x4x4096xf32, #tpu.memory_space<vmem>> -> memref<4x4096xf32, #tpu.memory_space<vmem>>
        %dma_wait3A_865 = arith.constant 0 : i32
        %dma_wait3A_866 = arith.constant 0 : i32
        %dma_wait3A_867 = tpu.memref_slice %arg4[%dma_wait3A_860, %dma_wait3A_865, %dma_wait3A_866] : memref<200x4x131072xf32, #tpu.memory_space<hbm>> -> memref<1x4x4096xf32, #tpu.memory_space<hbm>>
        %dma_wait3A_868 = tpu.memref_squeeze %dma_wait3A_867 : memref<1x4x4096xf32, #tpu.memory_space<hbm>> -> memref<4x4096xf32, #tpu.memory_space<hbm>>
        %dma_wait3A_869 = arith.constant 0 : i32
        %dma_wait3A_870 = arith.constant 0 : i32
        %dma_wait3A_871 = tpu.memref_slice %arg4[%dma_wait3A_860, %dma_wait3A_869, %dma_wait3A_870] : memref<200x4x131072xf32, #tpu.memory_space<hbm>> -> memref<1x4x4096xf32, #tpu.memory_space<hbm>>
        %dma_wait3A_872 = tpu.memref_squeeze %dma_wait3A_871 : memref<1x4x4096xf32, #tpu.memory_space<hbm>> -> memref<4x4096xf32, #tpu.memory_space<hbm>>
        %dma_wait3A_873 = arith.constant 0 : i32
        %dma_wait3A_874 = arith.constant 0 : i32
        %dma_wait3A_875 = tpu.memref_slice %arg7[%dma_wait3A_859, %dma_wait3A_873, %dma_wait3A_874] : memref<2x4x4096xf32, #tpu.memory_space<vmem>> -> memref<1x4x4096xf32, #tpu.memory_space<vmem>>
        %dma_wait3A_876 = tpu.memref_squeeze %dma_wait3A_875 : memref<1x4x4096xf32, #tpu.memory_space<vmem>> -> memref<4x4096xf32, #tpu.memory_space<vmem>>
        tpu.wait_dma2 semaphore(%arg16 : memref<!tpu.dma_semaphore, #tpu.memory_space<semaphore_mem>>) src(%dma_wait3A_876 : memref<4x4096xf32, #tpu.memory_space<vmem>>) dst(%dma_wait3A_872 : memref<4x4096xf32, #tpu.memory_space<hbm>>)
      } else {
      }
      %scan3A_711 = arith.constant 0 : i32
      %scan3A_712 = arith.constant 2 : i32
      %scan3A_713 = arith.constant 0 : i32
      %scan3A_714 = arith.constant 0 : i32
      %scan3A_715 = arith.constant 32 : i32
      %scan3A_716 = arith.addi %scan3A_714, %scan3A_715 : i32
      %scan3A_717 = arith.constant 1 : i32
      scf.for %scan3A_859 = %scan3A_714 to %scan3A_716 step %scan3A_717  : i32 {
        %mul3A_860 = arith.constant 16 : i32
        %mul3A_861 = arith.muli %scan3A_859, %mul3A_860 : i32
        %add3A_862 = vector.broadcast %mul3A_861 : i32 to vector<16xi32>
        %add3A_863 = arith.addi %iota3A, %add3A_862 : vector<16xi32>
        %mul3A_864 = arith.constant 0 : i32
        %mul3A_865 = vector.broadcast %mul3A_864 : i32 to vector<16xi32>
        %mul3A_866 = arith.muli %iota3A, %mul3A_865 : vector<16xi32>
        %shift_right_arithmetic3A_867 = arith.constant 3 : i32
        %shift_right_arithmetic3A_868 = arith.shrsi %scan3A_859, %shift_right_arithmetic3A_867 : i32
        %mul3A_869 = arith.constant 1024 : i32
        %mul3A_870 = arith.muli %shift_right_arithmetic3A_868, %mul3A_869 : i32
        %and3A_871 = arith.constant 7 : i32
        %and3A_872 = arith.andi %scan3A_859, %and3A_871 : i32
        %mul3A_873 = arith.constant 16 : i32
        %mul3A_874 = arith.muli %and3A_872, %mul3A_873 : i32
        %add3A_875 = arith.addi %mul3A_870, %mul3A_874 : i32
        %add3A_876 = vector.broadcast %add3A_875 : i32 to vector<16xi32>
        %add3A_877 = arith.addi %mul3A_866, %add3A_876 : vector<16xi32>
        %add3A_878 = arith.constant 0 : i32
        %add3A_879 = vector.broadcast %add3A_878 : i32 to vector<16xi32>
        %add3A_880 = arith.addi %and3A_7, %add3A_879 : vector<16xi32>
        %gather3A = arith.constant 0 : i32
        %gather3A_881 = arith.constant 0 : i32
        %gather3A_882 = tpu.memref_slice %arg6[%scan3A_712, %gather3A, %gather3A_881] : memref<4x512x32xf32, #tpu.memory_space<vmem>> -> memref<1x512x32xf32, #tpu.memory_space<vmem>>
        %gather3A_883 = tpu.memref_squeeze %gather3A_882 : memref<1x512x32xf32, #tpu.memory_space<vmem>> -> memref<512x32xf32, #tpu.memory_space<vmem>>
        %gather3A_884 = tpu.vector_load_idx %gather3A_883[%add3A_863, %add3A_880] : memref<512x32xf32, #tpu.memory_space<vmem>>[vector<16xi32>, vector<16xi32>], vector<16xf32>,
        %add3A_885 = arith.constant 0 : i32
        %add3A_886 = vector.broadcast %add3A_885 : i32 to vector<16xi32>
        %add3A_887 = arith.addi %shift_right_arithmetic3A_99, %add3A_886 : vector<16xi32>
        %add3A_888 = arith.addi %add3A_151, %add3A_877 : vector<16xi32>
        %scatter3A = arith.constant 0 : i32
        %scatter3A_889 = arith.constant 0 : i32
        %scatter3A_890 = tpu.memref_slice %arg7[%scan3A_713, %scatter3A, %scatter3A_889] : memref<2x4x4096xf32, #tpu.memory_space<vmem>> -> memref<1x4x4096xf32, #tpu.memory_space<vmem>>
        %scatter3A_891 = tpu.memref_squeeze %scatter3A_890 : memref<1x4x4096xf32, #tpu.memory_space<vmem>> -> memref<4x4096xf32, #tpu.memory_space<vmem>>
        tpu.vector_store_idx %scatter3A_891[%add3A_887, %add3A_888], %gather3A_884 : memref<4x4096xf32, #tpu.memory_space<vmem>>[vector<16xi32>, vector<16xi32>], vector<16xf32>,
        %add3A_892 = arith.constant 0 : i32
        %add3A_893 = vector.broadcast %add3A_892 : i32 to vector<16xi32>
        %add3A_894 = arith.addi %and3A_13, %add3A_893 : vector<16xi32>
        %gather3A_895 = arith.constant 0 : i32
        %gather3A_896 = arith.constant 0 : i32
        %gather3A_897 = tpu.memref_slice %arg6[%scan3A_712, %gather3A_895, %gather3A_896] : memref<4x512x32xf32, #tpu.memory_space<vmem>> -> memref<1x512x32xf32, #tpu.memory_space<vmem>>
        %gather3A_898 = tpu.memref_squeeze %gather3A_897 : memref<1x512x32xf32, #tpu.memory_space<vmem>> -> memref<512x32xf32, #tpu.memory_space<vmem>>
        %gather3A_899 = tpu.vector_load_idx %gather3A_898[%add3A_863, %add3A_894] : memref<512x32xf32, #tpu.memory_space<vmem>>[vector<16xi32>, vector<16xi32>], vector<16xf32>,
        %add3A_900 = arith.constant 0 : i32
        %add3A_901 = vector.broadcast %add3A_900 : i32 to vector<16xi32>
        %add3A_902 = arith.addi %shift_right_arithmetic3A_102, %add3A_901 : vector<16xi32>
        %add3A_903 = arith.addi %add3A_158, %add3A_877 : vector<16xi32>
        %scatter3A_904 = arith.constant 0 : i32
        %scatter3A_905 = arith.constant 0 : i32
        %scatter3A_906 = tpu.memref_slice %arg7[%scan3A_713, %scatter3A_904, %scatter3A_905] : memref<2x4x4096xf32, #tpu.memory_space<vmem>> -> memref<1x4x4096xf32, #tpu.memory_space<vmem>>
        %scatter3A_907 = tpu.memref_squeeze %scatter3A_906 : memref<1x4x4096xf32, #tpu.memory_space<vmem>> -> memref<4x4096xf32, #tpu.memory_space<vmem>>
        tpu.vector_store_idx %scatter3A_907[%add3A_902, %add3A_903], %gather3A_899 : memref<4x4096xf32, #tpu.memory_space<vmem>>[vector<16xi32>, vector<16xi32>], vector<16xf32>,
        %add3A_908 = arith.constant 0 : i32
        %add3A_909 = vector.broadcast %add3A_908 : i32 to vector<16xi32>
        %add3A_910 = arith.addi %and3A_19, %add3A_909 : vector<16xi32>
        %gather3A_911 = arith.constant 0 : i32
        %gather3A_912 = arith.constant 0 : i32
        %gather3A_913 = tpu.memref_slice %arg6[%scan3A_712, %gather3A_911, %gather3A_912] : memref<4x512x32xf32, #tpu.memory_space<vmem>> -> memref<1x512x32xf32, #tpu.memory_space<vmem>>
        %gather3A_914 = tpu.memref_squeeze %gather3A_913 : memref<1x512x32xf32, #tpu.memory_space<vmem>> -> memref<512x32xf32, #tpu.memory_space<vmem>>
        %gather3A_915 = tpu.vector_load_idx %gather3A_914[%add3A_863, %add3A_910] : memref<512x32xf32, #tpu.memory_space<vmem>>[vector<16xi32>, vector<16xi32>], vector<16xf32>,
        %add3A_916 = arith.constant 0 : i32
        %add3A_917 = vector.broadcast %add3A_916 : i32 to vector<16xi32>
        %add3A_918 = arith.addi %shift_right_arithmetic3A_105, %add3A_917 : vector<16xi32>
        %add3A_919 = arith.addi %add3A_165, %add3A_877 : vector<16xi32>
        %scatter3A_920 = arith.constant 0 : i32
        %scatter3A_921 = arith.constant 0 : i32
        %scatter3A_922 = tpu.memref_slice %arg7[%scan3A_713, %scatter3A_920, %scatter3A_921] : memref<2x4x4096xf32, #tpu.memory_space<vmem>> -> memref<1x4x4096xf32, #tpu.memory_space<vmem>>
        %scatter3A_923 = tpu.memref_squeeze %scatter3A_922 : memref<1x4x4096xf32, #tpu.memory_space<vmem>> -> memref<4x4096xf32, #tpu.memory_space<vmem>>
        tpu.vector_store_idx %scatter3A_923[%add3A_918, %add3A_919], %gather3A_915 : memref<4x4096xf32, #tpu.memory_space<vmem>>[vector<16xi32>, vector<16xi32>], vector<16xf32>,
        %add3A_924 = arith.constant 0 : i32
        %add3A_925 = vector.broadcast %add3A_924 : i32 to vector<16xi32>
        %add3A_926 = arith.addi %and3A_25, %add3A_925 : vector<16xi32>
        %gather3A_927 = arith.constant 0 : i32
        %gather3A_928 = arith.constant 0 : i32
        %gather3A_929 = tpu.memref_slice %arg6[%scan3A_712, %gather3A_927, %gather3A_928] : memref<4x512x32xf32, #tpu.memory_space<vmem>> -> memref<1x512x32xf32, #tpu.memory_space<vmem>>
        %gather3A_930 = tpu.memref_squeeze %gather3A_929 : memref<1x512x32xf32, #tpu.memory_space<vmem>> -> memref<512x32xf32, #tpu.memory_space<vmem>>
        %gather3A_931 = tpu.vector_load_idx %gather3A_930[%add3A_863, %add3A_926] : memref<512x32xf32, #tpu.memory_space<vmem>>[vector<16xi32>, vector<16xi32>], vector<16xf32>,
        %add3A_932 = arith.constant 0 : i32
        %add3A_933 = vector.broadcast %add3A_932 : i32 to vector<16xi32>
        %add3A_934 = arith.addi %shift_right_arithmetic3A_108, %add3A_933 : vector<16xi32>
        %add3A_935 = arith.addi %add3A_172, %add3A_877 : vector<16xi32>
        %scatter3A_936 = arith.constant 0 : i32
        %scatter3A_937 = arith.constant 0 : i32
        %scatter3A_938 = tpu.memref_slice %arg7[%scan3A_713, %scatter3A_936, %scatter3A_937] : memref<2x4x4096xf32, #tpu.memory_space<vmem>> -> memref<1x4x4096xf32, #tpu.memory_space<vmem>>
        %scatter3A_939 = tpu.memref_squeeze %scatter3A_938 : memref<1x4x4096xf32, #tpu.memory_space<vmem>> -> memref<4x4096xf32, #tpu.memory_space<vmem>>
        tpu.vector_store_idx %scatter3A_939[%add3A_934, %add3A_935], %gather3A_931 : memref<4x4096xf32, #tpu.memory_space<vmem>>[vector<16xi32>, vector<16xi32>], vector<16xf32>,
        %add3A_940 = arith.constant 0 : i32
        %add3A_941 = vector.broadcast %add3A_940 : i32 to vector<16xi32>
        %add3A_942 = arith.addi %and3A_31, %add3A_941 : vector<16xi32>
        %gather3A_943 = arith.constant 0 : i32
        %gather3A_944 = arith.constant 0 : i32
        %gather3A_945 = tpu.memref_slice %arg6[%scan3A_712, %gather3A_943, %gather3A_944] : memref<4x512x32xf32, #tpu.memory_space<vmem>> -> memref<1x512x32xf32, #tpu.memory_space<vmem>>
        %gather3A_946 = tpu.memref_squeeze %gather3A_945 : memref<1x512x32xf32, #tpu.memory_space<vmem>> -> memref<512x32xf32, #tpu.memory_space<vmem>>
        %gather3A_947 = tpu.vector_load_idx %gather3A_946[%add3A_863, %add3A_942] : memref<512x32xf32, #tpu.memory_space<vmem>>[vector<16xi32>, vector<16xi32>], vector<16xf32>,
        %add3A_948 = arith.constant 0 : i32
        %add3A_949 = vector.broadcast %add3A_948 : i32 to vector<16xi32>
        %add3A_950 = arith.addi %shift_right_arithmetic3A_111, %add3A_949 : vector<16xi32>
        %add3A_951 = arith.addi %add3A_179, %add3A_877 : vector<16xi32>
        %scatter3A_952 = arith.constant 0 : i32
        %scatter3A_953 = arith.constant 0 : i32
        %scatter3A_954 = tpu.memref_slice %arg7[%scan3A_713, %scatter3A_952, %scatter3A_953] : memref<2x4x4096xf32, #tpu.memory_space<vmem>> -> memref<1x4x4096xf32, #tpu.memory_space<vmem>>
        %scatter3A_955 = tpu.memref_squeeze %scatter3A_954 : memref<1x4x4096xf32, #tpu.memory_space<vmem>> -> memref<4x4096xf32, #tpu.memory_space<vmem>>
        tpu.vector_store_idx %scatter3A_955[%add3A_950, %add3A_951], %gather3A_947 : memref<4x4096xf32, #tpu.memory_space<vmem>>[vector<16xi32>, vector<16xi32>], vector<16xf32>,
        %add3A_956 = arith.constant 0 : i32
        %add3A_957 = vector.broadcast %add3A_956 : i32 to vector<16xi32>
        %add3A_958 = arith.addi %and3A_37, %add3A_957 : vector<16xi32>
        %gather3A_959 = arith.constant 0 : i32
        %gather3A_960 = arith.constant 0 : i32
        %gather3A_961 = tpu.memref_slice %arg6[%scan3A_712, %gather3A_959, %gather3A_960] : memref<4x512x32xf32, #tpu.memory_space<vmem>> -> memref<1x512x32xf32, #tpu.memory_space<vmem>>
        %gather3A_962 = tpu.memref_squeeze %gather3A_961 : memref<1x512x32xf32, #tpu.memory_space<vmem>> -> memref<512x32xf32, #tpu.memory_space<vmem>>
        %gather3A_963 = tpu.vector_load_idx %gather3A_962[%add3A_863, %add3A_958] : memref<512x32xf32, #tpu.memory_space<vmem>>[vector<16xi32>, vector<16xi32>], vector<16xf32>,
        %add3A_964 = arith.constant 0 : i32
        %add3A_965 = vector.broadcast %add3A_964 : i32 to vector<16xi32>
        %add3A_966 = arith.addi %shift_right_arithmetic3A_114, %add3A_965 : vector<16xi32>
        %add3A_967 = arith.addi %add3A_186, %add3A_877 : vector<16xi32>
        %scatter3A_968 = arith.constant 0 : i32
        %scatter3A_969 = arith.constant 0 : i32
        %scatter3A_970 = tpu.memref_slice %arg7[%scan3A_713, %scatter3A_968, %scatter3A_969] : memref<2x4x4096xf32, #tpu.memory_space<vmem>> -> memref<1x4x4096xf32, #tpu.memory_space<vmem>>
        %scatter3A_971 = tpu.memref_squeeze %scatter3A_970 : memref<1x4x4096xf32, #tpu.memory_space<vmem>> -> memref<4x4096xf32, #tpu.memory_space<vmem>>
        tpu.vector_store_idx %scatter3A_971[%add3A_966, %add3A_967], %gather3A_963 : memref<4x4096xf32, #tpu.memory_space<vmem>>[vector<16xi32>, vector<16xi32>], vector<16xf32>,
        %add3A_972 = arith.constant 0 : i32
        %add3A_973 = vector.broadcast %add3A_972 : i32 to vector<16xi32>
        %add3A_974 = arith.addi %and3A_43, %add3A_973 : vector<16xi32>
        %gather3A_975 = arith.constant 0 : i32
        %gather3A_976 = arith.constant 0 : i32
        %gather3A_977 = tpu.memref_slice %arg6[%scan3A_712, %gather3A_975, %gather3A_976] : memref<4x512x32xf32, #tpu.memory_space<vmem>> -> memref<1x512x32xf32, #tpu.memory_space<vmem>>
        %gather3A_978 = tpu.memref_squeeze %gather3A_977 : memref<1x512x32xf32, #tpu.memory_space<vmem>> -> memref<512x32xf32, #tpu.memory_space<vmem>>
        %gather3A_979 = tpu.vector_load_idx %gather3A_978[%add3A_863, %add3A_974] : memref<512x32xf32, #tpu.memory_space<vmem>>[vector<16xi32>, vector<16xi32>], vector<16xf32>,
        %add3A_980 = arith.constant 0 : i32
        %add3A_981 = vector.broadcast %add3A_980 : i32 to vector<16xi32>
        %add3A_982 = arith.addi %shift_right_arithmetic3A_117, %add3A_981 : vector<16xi32>
        %add3A_983 = arith.addi %add3A_193, %add3A_877 : vector<16xi32>
        %scatter3A_984 = arith.constant 0 : i32
        %scatter3A_985 = arith.constant 0 : i32
        %scatter3A_986 = tpu.memref_slice %arg7[%scan3A_713, %scatter3A_984, %scatter3A_985] : memref<2x4x4096xf32, #tpu.memory_space<vmem>> -> memref<1x4x4096xf32, #tpu.memory_space<vmem>>
        %scatter3A_987 = tpu.memref_squeeze %scatter3A_986 : memref<1x4x4096xf32, #tpu.memory_space<vmem>> -> memref<4x4096xf32, #tpu.memory_space<vmem>>
        tpu.vector_store_idx %scatter3A_987[%add3A_982, %add3A_983], %gather3A_979 : memref<4x4096xf32, #tpu.memory_space<vmem>>[vector<16xi32>, vector<16xi32>], vector<16xf32>,
        %add3A_988 = arith.constant 0 : i32
        %add3A_989 = vector.broadcast %add3A_988 : i32 to vector<16xi32>
        %add3A_990 = arith.addi %and3A_49, %add3A_989 : vector<16xi32>
        %gather3A_991 = arith.constant 0 : i32
        %gather3A_992 = arith.constant 0 : i32
        %gather3A_993 = tpu.memref_slice %arg6[%scan3A_712, %gather3A_991, %gather3A_992] : memref<4x512x32xf32, #tpu.memory_space<vmem>> -> memref<1x512x32xf32, #tpu.memory_space<vmem>>
        %gather3A_994 = tpu.memref_squeeze %gather3A_993 : memref<1x512x32xf32, #tpu.memory_space<vmem>> -> memref<512x32xf32, #tpu.memory_space<vmem>>
        %gather3A_995 = tpu.vector_load_idx %gather3A_994[%add3A_863, %add3A_990] : memref<512x32xf32, #tpu.memory_space<vmem>>[vector<16xi32>, vector<16xi32>], vector<16xf32>,
        %add3A_996 = arith.constant 0 : i32
        %add3A_997 = vector.broadcast %add3A_996 : i32 to vector<16xi32>
        %add3A_998 = arith.addi %shift_right_arithmetic3A_120, %add3A_997 : vector<16xi32>
        %add3A_999 = arith.addi %add3A_200, %add3A_877 : vector<16xi32>
        %scatter3A_1000 = arith.constant 0 : i32
        %scatter3A_1001 = arith.constant 0 : i32
        %scatter3A_1002 = tpu.memref_slice %arg7[%scan3A_713, %scatter3A_1000, %scatter3A_1001] : memref<2x4x4096xf32, #tpu.memory_space<vmem>> -> memref<1x4x4096xf32, #tpu.memory_space<vmem>>
        %scatter3A_1003 = tpu.memref_squeeze %scatter3A_1002 : memref<1x4x4096xf32, #tpu.memory_space<vmem>> -> memref<4x4096xf32, #tpu.memory_space<vmem>>
        tpu.vector_store_idx %scatter3A_1003[%add3A_998, %add3A_999], %gather3A_995 : memref<4x4096xf32, #tpu.memory_space<vmem>>[vector<16xi32>, vector<16xi32>], vector<16xf32>,
        %add3A_1004 = arith.constant 0 : i32
        %add3A_1005 = vector.broadcast %add3A_1004 : i32 to vector<16xi32>
        %add3A_1006 = arith.addi %and3A_55, %add3A_1005 : vector<16xi32>
        %gather3A_1007 = arith.constant 0 : i32
        %gather3A_1008 = arith.constant 0 : i32
        %gather3A_1009 = tpu.memref_slice %arg6[%scan3A_712, %gather3A_1007, %gather3A_1008] : memref<4x512x32xf32, #tpu.memory_space<vmem>> -> memref<1x512x32xf32, #tpu.memory_space<vmem>>
        %gather3A_1010 = tpu.memref_squeeze %gather3A_1009 : memref<1x512x32xf32, #tpu.memory_space<vmem>> -> memref<512x32xf32, #tpu.memory_space<vmem>>
        %gather3A_1011 = tpu.vector_load_idx %gather3A_1010[%add3A_863, %add3A_1006] : memref<512x32xf32, #tpu.memory_space<vmem>>[vector<16xi32>, vector<16xi32>], vector<16xf32>,
        %add3A_1012 = arith.constant 0 : i32
        %add3A_1013 = vector.broadcast %add3A_1012 : i32 to vector<16xi32>
        %add3A_1014 = arith.addi %shift_right_arithmetic3A_123, %add3A_1013 : vector<16xi32>
        %add3A_1015 = arith.addi %add3A_207, %add3A_877 : vector<16xi32>
        %scatter3A_1016 = arith.constant 0 : i32
        %scatter3A_1017 = arith.constant 0 : i32
        %scatter3A_1018 = tpu.memref_slice %arg7[%scan3A_713, %scatter3A_1016, %scatter3A_1017] : memref<2x4x4096xf32, #tpu.memory_space<vmem>> -> memref<1x4x4096xf32, #tpu.memory_space<vmem>>
        %scatter3A_1019 = tpu.memref_squeeze %scatter3A_1018 : memref<1x4x4096xf32, #tpu.memory_space<vmem>> -> memref<4x4096xf32, #tpu.memory_space<vmem>>
        tpu.vector_store_idx %scatter3A_1019[%add3A_1014, %add3A_1015], %gather3A_1011 : memref<4x4096xf32, #tpu.memory_space<vmem>>[vector<16xi32>, vector<16xi32>], vector<16xf32>,
        %add3A_1020 = arith.constant 0 : i32
        %add3A_1021 = vector.broadcast %add3A_1020 : i32 to vector<16xi32>
        %add3A_1022 = arith.addi %and3A_61, %add3A_1021 : vector<16xi32>
        %gather3A_1023 = arith.constant 0 : i32
        %gather3A_1024 = arith.constant 0 : i32
        %gather3A_1025 = tpu.memref_slice %arg6[%scan3A_712, %gather3A_1023, %gather3A_1024] : memref<4x512x32xf32, #tpu.memory_space<vmem>> -> memref<1x512x32xf32, #tpu.memory_space<vmem>>
        %gather3A_1026 = tpu.memref_squeeze %gather3A_1025 : memref<1x512x32xf32, #tpu.memory_space<vmem>> -> memref<512x32xf32, #tpu.memory_space<vmem>>
        %gather3A_1027 = tpu.vector_load_idx %gather3A_1026[%add3A_863, %add3A_1022] : memref<512x32xf32, #tpu.memory_space<vmem>>[vector<16xi32>, vector<16xi32>], vector<16xf32>,
        %add3A_1028 = arith.constant 0 : i32
        %add3A_1029 = vector.broadcast %add3A_1028 : i32 to vector<16xi32>
        %add3A_1030 = arith.addi %shift_right_arithmetic3A_126, %add3A_1029 : vector<16xi32>
        %add3A_1031 = arith.addi %add3A_214, %add3A_877 : vector<16xi32>
        %scatter3A_1032 = arith.constant 0 : i32
        %scatter3A_1033 = arith.constant 0 : i32
        %scatter3A_1034 = tpu.memref_slice %arg7[%scan3A_713, %scatter3A_1032, %scatter3A_1033] : memref<2x4x4096xf32, #tpu.memory_space<vmem>> -> memref<1x4x4096xf32, #tpu.memory_space<vmem>>
        %scatter3A_1035 = tpu.memref_squeeze %scatter3A_1034 : memref<1x4x4096xf32, #tpu.memory_space<vmem>> -> memref<4x4096xf32, #tpu.memory_space<vmem>>
        tpu.vector_store_idx %scatter3A_1035[%add3A_1030, %add3A_1031], %gather3A_1027 : memref<4x4096xf32, #tpu.memory_space<vmem>>[vector<16xi32>, vector<16xi32>], vector<16xf32>,
        %add3A_1036 = arith.constant 0 : i32
        %add3A_1037 = vector.broadcast %add3A_1036 : i32 to vector<16xi32>
        %add3A_1038 = arith.addi %and3A_67, %add3A_1037 : vector<16xi32>
        %gather3A_1039 = arith.constant 0 : i32
        %gather3A_1040 = arith.constant 0 : i32
        %gather3A_1041 = tpu.memref_slice %arg6[%scan3A_712, %gather3A_1039, %gather3A_1040] : memref<4x512x32xf32, #tpu.memory_space<vmem>> -> memref<1x512x32xf32, #tpu.memory_space<vmem>>
        %gather3A_1042 = tpu.memref_squeeze %gather3A_1041 : memref<1x512x32xf32, #tpu.memory_space<vmem>> -> memref<512x32xf32, #tpu.memory_space<vmem>>
        %gather3A_1043 = tpu.vector_load_idx %gather3A_1042[%add3A_863, %add3A_1038] : memref<512x32xf32, #tpu.memory_space<vmem>>[vector<16xi32>, vector<16xi32>], vector<16xf32>,
        %add3A_1044 = arith.constant 0 : i32
        %add3A_1045 = vector.broadcast %add3A_1044 : i32 to vector<16xi32>
        %add3A_1046 = arith.addi %shift_right_arithmetic3A_129, %add3A_1045 : vector<16xi32>
        %add3A_1047 = arith.addi %add3A_221, %add3A_877 : vector<16xi32>
        %scatter3A_1048 = arith.constant 0 : i32
        %scatter3A_1049 = arith.constant 0 : i32
        %scatter3A_1050 = tpu.memref_slice %arg7[%scan3A_713, %scatter3A_1048, %scatter3A_1049] : memref<2x4x4096xf32, #tpu.memory_space<vmem>> -> memref<1x4x4096xf32, #tpu.memory_space<vmem>>
        %scatter3A_1051 = tpu.memref_squeeze %scatter3A_1050 : memref<1x4x4096xf32, #tpu.memory_space<vmem>> -> memref<4x4096xf32, #tpu.memory_space<vmem>>
        tpu.vector_store_idx %scatter3A_1051[%add3A_1046, %add3A_1047], %gather3A_1043 : memref<4x4096xf32, #tpu.memory_space<vmem>>[vector<16xi32>, vector<16xi32>], vector<16xf32>,
        %add3A_1052 = arith.constant 0 : i32
        %add3A_1053 = vector.broadcast %add3A_1052 : i32 to vector<16xi32>
        %add3A_1054 = arith.addi %and3A_73, %add3A_1053 : vector<16xi32>
        %gather3A_1055 = arith.constant 0 : i32
        %gather3A_1056 = arith.constant 0 : i32
        %gather3A_1057 = tpu.memref_slice %arg6[%scan3A_712, %gather3A_1055, %gather3A_1056] : memref<4x512x32xf32, #tpu.memory_space<vmem>> -> memref<1x512x32xf32, #tpu.memory_space<vmem>>
        %gather3A_1058 = tpu.memref_squeeze %gather3A_1057 : memref<1x512x32xf32, #tpu.memory_space<vmem>> -> memref<512x32xf32, #tpu.memory_space<vmem>>
        %gather3A_1059 = tpu.vector_load_idx %gather3A_1058[%add3A_863, %add3A_1054] : memref<512x32xf32, #tpu.memory_space<vmem>>[vector<16xi32>, vector<16xi32>], vector<16xf32>,
        %add3A_1060 = arith.constant 0 : i32
        %add3A_1061 = vector.broadcast %add3A_1060 : i32 to vector<16xi32>
        %add3A_1062 = arith.addi %shift_right_arithmetic3A_132, %add3A_1061 : vector<16xi32>
        %add3A_1063 = arith.addi %add3A_228, %add3A_877 : vector<16xi32>
        %scatter3A_1064 = arith.constant 0 : i32
        %scatter3A_1065 = arith.constant 0 : i32
        %scatter3A_1066 = tpu.memref_slice %arg7[%scan3A_713, %scatter3A_1064, %scatter3A_1065] : memref<2x4x4096xf32, #tpu.memory_space<vmem>> -> memref<1x4x4096xf32, #tpu.memory_space<vmem>>
        %scatter3A_1067 = tpu.memref_squeeze %scatter3A_1066 : memref<1x4x4096xf32, #tpu.memory_space<vmem>> -> memref<4x4096xf32, #tpu.memory_space<vmem>>
        tpu.vector_store_idx %scatter3A_1067[%add3A_1062, %add3A_1063], %gather3A_1059 : memref<4x4096xf32, #tpu.memory_space<vmem>>[vector<16xi32>, vector<16xi32>], vector<16xf32>,
        %add3A_1068 = arith.constant 0 : i32
        %add3A_1069 = vector.broadcast %add3A_1068 : i32 to vector<16xi32>
        %add3A_1070 = arith.addi %and3A_79, %add3A_1069 : vector<16xi32>
        %gather3A_1071 = arith.constant 0 : i32
        %gather3A_1072 = arith.constant 0 : i32
        %gather3A_1073 = tpu.memref_slice %arg6[%scan3A_712, %gather3A_1071, %gather3A_1072] : memref<4x512x32xf32, #tpu.memory_space<vmem>> -> memref<1x512x32xf32, #tpu.memory_space<vmem>>
        %gather3A_1074 = tpu.memref_squeeze %gather3A_1073 : memref<1x512x32xf32, #tpu.memory_space<vmem>> -> memref<512x32xf32, #tpu.memory_space<vmem>>
        %gather3A_1075 = tpu.vector_load_idx %gather3A_1074[%add3A_863, %add3A_1070] : memref<512x32xf32, #tpu.memory_space<vmem>>[vector<16xi32>, vector<16xi32>], vector<16xf32>,
        %add3A_1076 = arith.constant 0 : i32
        %add3A_1077 = vector.broadcast %add3A_1076 : i32 to vector<16xi32>
        %add3A_1078 = arith.addi %shift_right_arithmetic3A_135, %add3A_1077 : vector<16xi32>
        %add3A_1079 = arith.addi %add3A_235, %add3A_877 : vector<16xi32>
        %scatter3A_1080 = arith.constant 0 : i32
        %scatter3A_1081 = arith.constant 0 : i32
        %scatter3A_1082 = tpu.memref_slice %arg7[%scan3A_713, %scatter3A_1080, %scatter3A_1081] : memref<2x4x4096xf32, #tpu.memory_space<vmem>> -> memref<1x4x4096xf32, #tpu.memory_space<vmem>>
        %scatter3A_1083 = tpu.memref_squeeze %scatter3A_1082 : memref<1x4x4096xf32, #tpu.memory_space<vmem>> -> memref<4x4096xf32, #tpu.memory_space<vmem>>
        tpu.vector_store_idx %scatter3A_1083[%add3A_1078, %add3A_1079], %gather3A_1075 : memref<4x4096xf32, #tpu.memory_space<vmem>>[vector<16xi32>, vector<16xi32>], vector<16xf32>,
        %add3A_1084 = arith.constant 0 : i32
        %add3A_1085 = vector.broadcast %add3A_1084 : i32 to vector<16xi32>
        %add3A_1086 = arith.addi %and3A_85, %add3A_1085 : vector<16xi32>
        %gather3A_1087 = arith.constant 0 : i32
        %gather3A_1088 = arith.constant 0 : i32
        %gather3A_1089 = tpu.memref_slice %arg6[%scan3A_712, %gather3A_1087, %gather3A_1088] : memref<4x512x32xf32, #tpu.memory_space<vmem>> -> memref<1x512x32xf32, #tpu.memory_space<vmem>>
        %gather3A_1090 = tpu.memref_squeeze %gather3A_1089 : memref<1x512x32xf32, #tpu.memory_space<vmem>> -> memref<512x32xf32, #tpu.memory_space<vmem>>
        %gather3A_1091 = tpu.vector_load_idx %gather3A_1090[%add3A_863, %add3A_1086] : memref<512x32xf32, #tpu.memory_space<vmem>>[vector<16xi32>, vector<16xi32>], vector<16xf32>,
        %add3A_1092 = arith.constant 0 : i32
        %add3A_1093 = vector.broadcast %add3A_1092 : i32 to vector<16xi32>
        %add3A_1094 = arith.addi %shift_right_arithmetic3A_138, %add3A_1093 : vector<16xi32>
        %add3A_1095 = arith.addi %add3A_242, %add3A_877 : vector<16xi32>
        %scatter3A_1096 = arith.constant 0 : i32
        %scatter3A_1097 = arith.constant 0 : i32
        %scatter3A_1098 = tpu.memref_slice %arg7[%scan3A_713, %scatter3A_1096, %scatter3A_1097] : memref<2x4x4096xf32, #tpu.memory_space<vmem>> -> memref<1x4x4096xf32, #tpu.memory_space<vmem>>
        %scatter3A_1099 = tpu.memref_squeeze %scatter3A_1098 : memref<1x4x4096xf32, #tpu.memory_space<vmem>> -> memref<4x4096xf32, #tpu.memory_space<vmem>>
        tpu.vector_store_idx %scatter3A_1099[%add3A_1094, %add3A_1095], %gather3A_1091 : memref<4x4096xf32, #tpu.memory_space<vmem>>[vector<16xi32>, vector<16xi32>], vector<16xf32>,
        %add3A_1100 = arith.constant 0 : i32
        %add3A_1101 = vector.broadcast %add3A_1100 : i32 to vector<16xi32>
        %add3A_1102 = arith.addi %and3A_91, %add3A_1101 : vector<16xi32>
        %gather3A_1103 = arith.constant 0 : i32
        %gather3A_1104 = arith.constant 0 : i32
        %gather3A_1105 = tpu.memref_slice %arg6[%scan3A_712, %gather3A_1103, %gather3A_1104] : memref<4x512x32xf32, #tpu.memory_space<vmem>> -> memref<1x512x32xf32, #tpu.memory_space<vmem>>
        %gather3A_1106 = tpu.memref_squeeze %gather3A_1105 : memref<1x512x32xf32, #tpu.memory_space<vmem>> -> memref<512x32xf32, #tpu.memory_space<vmem>>
        %gather3A_1107 = tpu.vector_load_idx %gather3A_1106[%add3A_863, %add3A_1102] : memref<512x32xf32, #tpu.memory_space<vmem>>[vector<16xi32>, vector<16xi32>], vector<16xf32>,
        %add3A_1108 = arith.constant 0 : i32
        %add3A_1109 = vector.broadcast %add3A_1108 : i32 to vector<16xi32>
        %add3A_1110 = arith.addi %shift_right_arithmetic3A_141, %add3A_1109 : vector<16xi32>
        %add3A_1111 = arith.addi %add3A_249, %add3A_877 : vector<16xi32>
        %scatter3A_1112 = arith.constant 0 : i32
        %scatter3A_1113 = arith.constant 0 : i32
        %scatter3A_1114 = tpu.memref_slice %arg7[%scan3A_713, %scatter3A_1112, %scatter3A_1113] : memref<2x4x4096xf32, #tpu.memory_space<vmem>> -> memref<1x4x4096xf32, #tpu.memory_space<vmem>>
        %scatter3A_1115 = tpu.memref_squeeze %scatter3A_1114 : memref<1x4x4096xf32, #tpu.memory_space<vmem>> -> memref<4x4096xf32, #tpu.memory_space<vmem>>
        tpu.vector_store_idx %scatter3A_1115[%add3A_1110, %add3A_1111], %gather3A_1107 : memref<4x4096xf32, #tpu.memory_space<vmem>>[vector<16xi32>, vector<16xi32>], vector<16xf32>,
        %add3A_1116 = arith.constant 0 : i32
        %add3A_1117 = vector.broadcast %add3A_1116 : i32 to vector<16xi32>
        %add3A_1118 = arith.addi %and3A_97, %add3A_1117 : vector<16xi32>
        %gather3A_1119 = arith.constant 0 : i32
        %gather3A_1120 = arith.constant 0 : i32
        %gather3A_1121 = tpu.memref_slice %arg6[%scan3A_712, %gather3A_1119, %gather3A_1120] : memref<4x512x32xf32, #tpu.memory_space<vmem>> -> memref<1x512x32xf32, #tpu.memory_space<vmem>>
        %gather3A_1122 = tpu.memref_squeeze %gather3A_1121 : memref<1x512x32xf32, #tpu.memory_space<vmem>> -> memref<512x32xf32, #tpu.memory_space<vmem>>
        %gather3A_1123 = tpu.vector_load_idx %gather3A_1122[%add3A_863, %add3A_1118] : memref<512x32xf32, #tpu.memory_space<vmem>>[vector<16xi32>, vector<16xi32>], vector<16xf32>,
        %add3A_1124 = arith.constant 0 : i32
        %add3A_1125 = vector.broadcast %add3A_1124 : i32 to vector<16xi32>
        %add3A_1126 = arith.addi %shift_right_arithmetic3A_144, %add3A_1125 : vector<16xi32>
        %add3A_1127 = arith.addi %add3A_256, %add3A_877 : vector<16xi32>
        %scatter3A_1128 = arith.constant 0 : i32
        %scatter3A_1129 = arith.constant 0 : i32
        %scatter3A_1130 = tpu.memref_slice %arg7[%scan3A_713, %scatter3A_1128, %scatter3A_1129] : memref<2x4x4096xf32, #tpu.memory_space<vmem>> -> memref<1x4x4096xf32, #tpu.memory_space<vmem>>
        %scatter3A_1131 = tpu.memref_squeeze %scatter3A_1130 : memref<1x4x4096xf32, #tpu.memory_space<vmem>> -> memref<4x4096xf32, #tpu.memory_space<vmem>>
        tpu.vector_store_idx %scatter3A_1131[%add3A_1126, %add3A_1127], %gather3A_1123 : memref<4x4096xf32, #tpu.memory_space<vmem>>[vector<16xi32>, vector<16xi32>], vector<16xf32>,
        %add3A_1132 = arith.constant 16 : i32
        %add3A_1133 = vector.broadcast %add3A_1132 : i32 to vector<16xi32>
        %add3A_1134 = arith.addi %and3A_7, %add3A_1133 : vector<16xi32>
        %gather3A_1135 = arith.constant 0 : i32
        %gather3A_1136 = arith.constant 0 : i32
        %gather3A_1137 = tpu.memref_slice %arg6[%scan3A_712, %gather3A_1135, %gather3A_1136] : memref<4x512x32xf32, #tpu.memory_space<vmem>> -> memref<1x512x32xf32, #tpu.memory_space<vmem>>
        %gather3A_1138 = tpu.memref_squeeze %gather3A_1137 : memref<1x512x32xf32, #tpu.memory_space<vmem>> -> memref<512x32xf32, #tpu.memory_space<vmem>>
        %gather3A_1139 = tpu.vector_load_idx %gather3A_1138[%add3A_863, %add3A_1134] : memref<512x32xf32, #tpu.memory_space<vmem>>[vector<16xi32>, vector<16xi32>], vector<16xf32>,
        %add3A_1140 = arith.constant 2 : i32
        %add3A_1141 = vector.broadcast %add3A_1140 : i32 to vector<16xi32>
        %add3A_1142 = arith.addi %shift_right_arithmetic3A_99, %add3A_1141 : vector<16xi32>
        %add3A_1143 = arith.addi %add3A_151, %add3A_877 : vector<16xi32>
        %scatter3A_1144 = arith.constant 0 : i32
        %scatter3A_1145 = arith.constant 0 : i32
        %scatter3A_1146 = tpu.memref_slice %arg7[%scan3A_713, %scatter3A_1144, %scatter3A_1145] : memref<2x4x4096xf32, #tpu.memory_space<vmem>> -> memref<1x4x4096xf32, #tpu.memory_space<vmem>>
        %scatter3A_1147 = tpu.memref_squeeze %scatter3A_1146 : memref<1x4x4096xf32, #tpu.memory_space<vmem>> -> memref<4x4096xf32, #tpu.memory_space<vmem>>
        tpu.vector_store_idx %scatter3A_1147[%add3A_1142, %add3A_1143], %gather3A_1139 : memref<4x4096xf32, #tpu.memory_space<vmem>>[vector<16xi32>, vector<16xi32>], vector<16xf32>,
        %add3A_1148 = arith.constant 16 : i32
        %add3A_1149 = vector.broadcast %add3A_1148 : i32 to vector<16xi32>
        %add3A_1150 = arith.addi %and3A_13, %add3A_1149 : vector<16xi32>
        %gather3A_1151 = arith.constant 0 : i32
        %gather3A_1152 = arith.constant 0 : i32
        %gather3A_1153 = tpu.memref_slice %arg6[%scan3A_712, %gather3A_1151, %gather3A_1152] : memref<4x512x32xf32, #tpu.memory_space<vmem>> -> memref<1x512x32xf32, #tpu.memory_space<vmem>>
        %gather3A_1154 = tpu.memref_squeeze %gather3A_1153 : memref<1x512x32xf32, #tpu.memory_space<vmem>> -> memref<512x32xf32, #tpu.memory_space<vmem>>
        %gather3A_1155 = tpu.vector_load_idx %gather3A_1154[%add3A_863, %add3A_1150] : memref<512x32xf32, #tpu.memory_space<vmem>>[vector<16xi32>, vector<16xi32>], vector<16xf32>,
        %add3A_1156 = arith.constant 2 : i32
        %add3A_1157 = vector.broadcast %add3A_1156 : i32 to vector<16xi32>
        %add3A_1158 = arith.addi %shift_right_arithmetic3A_102, %add3A_1157 : vector<16xi32>
        %add3A_1159 = arith.addi %add3A_158, %add3A_877 : vector<16xi32>
        %scatter3A_1160 = arith.constant 0 : i32
        %scatter3A_1161 = arith.constant 0 : i32
        %scatter3A_1162 = tpu.memref_slice %arg7[%scan3A_713, %scatter3A_1160, %scatter3A_1161] : memref<2x4x4096xf32, #tpu.memory_space<vmem>> -> memref<1x4x4096xf32, #tpu.memory_space<vmem>>
        %scatter3A_1163 = tpu.memref_squeeze %scatter3A_1162 : memref<1x4x4096xf32, #tpu.memory_space<vmem>> -> memref<4x4096xf32, #tpu.memory_space<vmem>>
        tpu.vector_store_idx %scatter3A_1163[%add3A_1158, %add3A_1159], %gather3A_1155 : memref<4x4096xf32, #tpu.memory_space<vmem>>[vector<16xi32>, vector<16xi32>], vector<16xf32>,
        %add3A_1164 = arith.constant 16 : i32
        %add3A_1165 = vector.broadcast %add3A_1164 : i32 to vector<16xi32>
        %add3A_1166 = arith.addi %and3A_19, %add3A_1165 : vector<16xi32>
        %gather3A_1167 = arith.constant 0 : i32
        %gather3A_1168 = arith.constant 0 : i32
        %gather3A_1169 = tpu.memref_slice %arg6[%scan3A_712, %gather3A_1167, %gather3A_1168] : memref<4x512x32xf32, #tpu.memory_space<vmem>> -> memref<1x512x32xf32, #tpu.memory_space<vmem>>
        %gather3A_1170 = tpu.memref_squeeze %gather3A_1169 : memref<1x512x32xf32, #tpu.memory_space<vmem>> -> memref<512x32xf32, #tpu.memory_space<vmem>>
        %gather3A_1171 = tpu.vector_load_idx %gather3A_1170[%add3A_863, %add3A_1166] : memref<512x32xf32, #tpu.memory_space<vmem>>[vector<16xi32>, vector<16xi32>], vector<16xf32>,
        %add3A_1172 = arith.constant 2 : i32
        %add3A_1173 = vector.broadcast %add3A_1172 : i32 to vector<16xi32>
        %add3A_1174 = arith.addi %shift_right_arithmetic3A_105, %add3A_1173 : vector<16xi32>
        %add3A_1175 = arith.addi %add3A_165, %add3A_877 : vector<16xi32>
        %scatter3A_1176 = arith.constant 0 : i32
        %scatter3A_1177 = arith.constant 0 : i32
        %scatter3A_1178 = tpu.memref_slice %arg7[%scan3A_713, %scatter3A_1176, %scatter3A_1177] : memref<2x4x4096xf32, #tpu.memory_space<vmem>> -> memref<1x4x4096xf32, #tpu.memory_space<vmem>>
        %scatter3A_1179 = tpu.memref_squeeze %scatter3A_1178 : memref<1x4x4096xf32, #tpu.memory_space<vmem>> -> memref<4x4096xf32, #tpu.memory_space<vmem>>
        tpu.vector_store_idx %scatter3A_1179[%add3A_1174, %add3A_1175], %gather3A_1171 : memref<4x4096xf32, #tpu.memory_space<vmem>>[vector<16xi32>, vector<16xi32>], vector<16xf32>,
        %add3A_1180 = arith.constant 16 : i32
        %add3A_1181 = vector.broadcast %add3A_1180 : i32 to vector<16xi32>
        %add3A_1182 = arith.addi %and3A_25, %add3A_1181 : vector<16xi32>
        %gather3A_1183 = arith.constant 0 : i32
        %gather3A_1184 = arith.constant 0 : i32
        %gather3A_1185 = tpu.memref_slice %arg6[%scan3A_712, %gather3A_1183, %gather3A_1184] : memref<4x512x32xf32, #tpu.memory_space<vmem>> -> memref<1x512x32xf32, #tpu.memory_space<vmem>>
        %gather3A_1186 = tpu.memref_squeeze %gather3A_1185 : memref<1x512x32xf32, #tpu.memory_space<vmem>> -> memref<512x32xf32, #tpu.memory_space<vmem>>
        %gather3A_1187 = tpu.vector_load_idx %gather3A_1186[%add3A_863, %add3A_1182] : memref<512x32xf32, #tpu.memory_space<vmem>>[vector<16xi32>, vector<16xi32>], vector<16xf32>,
        %add3A_1188 = arith.constant 2 : i32
        %add3A_1189 = vector.broadcast %add3A_1188 : i32 to vector<16xi32>
        %add3A_1190 = arith.addi %shift_right_arithmetic3A_108, %add3A_1189 : vector<16xi32>
        %add3A_1191 = arith.addi %add3A_172, %add3A_877 : vector<16xi32>
        %scatter3A_1192 = arith.constant 0 : i32
        %scatter3A_1193 = arith.constant 0 : i32
        %scatter3A_1194 = tpu.memref_slice %arg7[%scan3A_713, %scatter3A_1192, %scatter3A_1193] : memref<2x4x4096xf32, #tpu.memory_space<vmem>> -> memref<1x4x4096xf32, #tpu.memory_space<vmem>>
        %scatter3A_1195 = tpu.memref_squeeze %scatter3A_1194 : memref<1x4x4096xf32, #tpu.memory_space<vmem>> -> memref<4x4096xf32, #tpu.memory_space<vmem>>
        tpu.vector_store_idx %scatter3A_1195[%add3A_1190, %add3A_1191], %gather3A_1187 : memref<4x4096xf32, #tpu.memory_space<vmem>>[vector<16xi32>, vector<16xi32>], vector<16xf32>,
        %add3A_1196 = arith.constant 16 : i32
        %add3A_1197 = vector.broadcast %add3A_1196 : i32 to vector<16xi32>
        %add3A_1198 = arith.addi %and3A_31, %add3A_1197 : vector<16xi32>
        %gather3A_1199 = arith.constant 0 : i32
        %gather3A_1200 = arith.constant 0 : i32
        %gather3A_1201 = tpu.memref_slice %arg6[%scan3A_712, %gather3A_1199, %gather3A_1200] : memref<4x512x32xf32, #tpu.memory_space<vmem>> -> memref<1x512x32xf32, #tpu.memory_space<vmem>>
        %gather3A_1202 = tpu.memref_squeeze %gather3A_1201 : memref<1x512x32xf32, #tpu.memory_space<vmem>> -> memref<512x32xf32, #tpu.memory_space<vmem>>
        %gather3A_1203 = tpu.vector_load_idx %gather3A_1202[%add3A_863, %add3A_1198] : memref<512x32xf32, #tpu.memory_space<vmem>>[vector<16xi32>, vector<16xi32>], vector<16xf32>,
        %add3A_1204 = arith.constant 2 : i32
        %add3A_1205 = vector.broadcast %add3A_1204 : i32 to vector<16xi32>
        %add3A_1206 = arith.addi %shift_right_arithmetic3A_111, %add3A_1205 : vector<16xi32>
        %add3A_1207 = arith.addi %add3A_179, %add3A_877 : vector<16xi32>
        %scatter3A_1208 = arith.constant 0 : i32
        %scatter3A_1209 = arith.constant 0 : i32
        %scatter3A_1210 = tpu.memref_slice %arg7[%scan3A_713, %scatter3A_1208, %scatter3A_1209] : memref<2x4x4096xf32, #tpu.memory_space<vmem>> -> memref<1x4x4096xf32, #tpu.memory_space<vmem>>
        %scatter3A_1211 = tpu.memref_squeeze %scatter3A_1210 : memref<1x4x4096xf32, #tpu.memory_space<vmem>> -> memref<4x4096xf32, #tpu.memory_space<vmem>>
        tpu.vector_store_idx %scatter3A_1211[%add3A_1206, %add3A_1207], %gather3A_1203 : memref<4x4096xf32, #tpu.memory_space<vmem>>[vector<16xi32>, vector<16xi32>], vector<16xf32>,
        %add3A_1212 = arith.constant 16 : i32
        %add3A_1213 = vector.broadcast %add3A_1212 : i32 to vector<16xi32>
        %add3A_1214 = arith.addi %and3A_37, %add3A_1213 : vector<16xi32>
        %gather3A_1215 = arith.constant 0 : i32
        %gather3A_1216 = arith.constant 0 : i32
        %gather3A_1217 = tpu.memref_slice %arg6[%scan3A_712, %gather3A_1215, %gather3A_1216] : memref<4x512x32xf32, #tpu.memory_space<vmem>> -> memref<1x512x32xf32, #tpu.memory_space<vmem>>
        %gather3A_1218 = tpu.memref_squeeze %gather3A_1217 : memref<1x512x32xf32, #tpu.memory_space<vmem>> -> memref<512x32xf32, #tpu.memory_space<vmem>>
        %gather3A_1219 = tpu.vector_load_idx %gather3A_1218[%add3A_863, %add3A_1214] : memref<512x32xf32, #tpu.memory_space<vmem>>[vector<16xi32>, vector<16xi32>], vector<16xf32>,
        %add3A_1220 = arith.constant 2 : i32
        %add3A_1221 = vector.broadcast %add3A_1220 : i32 to vector<16xi32>
        %add3A_1222 = arith.addi %shift_right_arithmetic3A_114, %add3A_1221 : vector<16xi32>
        %add3A_1223 = arith.addi %add3A_186, %add3A_877 : vector<16xi32>
        %scatter3A_1224 = arith.constant 0 : i32
        %scatter3A_1225 = arith.constant 0 : i32
        %scatter3A_1226 = tpu.memref_slice %arg7[%scan3A_713, %scatter3A_1224, %scatter3A_1225] : memref<2x4x4096xf32, #tpu.memory_space<vmem>> -> memref<1x4x4096xf32, #tpu.memory_space<vmem>>
        %scatter3A_1227 = tpu.memref_squeeze %scatter3A_1226 : memref<1x4x4096xf32, #tpu.memory_space<vmem>> -> memref<4x4096xf32, #tpu.memory_space<vmem>>
        tpu.vector_store_idx %scatter3A_1227[%add3A_1222, %add3A_1223], %gather3A_1219 : memref<4x4096xf32, #tpu.memory_space<vmem>>[vector<16xi32>, vector<16xi32>], vector<16xf32>,
        %add3A_1228 = arith.constant 16 : i32
        %add3A_1229 = vector.broadcast %add3A_1228 : i32 to vector<16xi32>
        %add3A_1230 = arith.addi %and3A_43, %add3A_1229 : vector<16xi32>
        %gather3A_1231 = arith.constant 0 : i32
        %gather3A_1232 = arith.constant 0 : i32
        %gather3A_1233 = tpu.memref_slice %arg6[%scan3A_712, %gather3A_1231, %gather3A_1232] : memref<4x512x32xf32, #tpu.memory_space<vmem>> -> memref<1x512x32xf32, #tpu.memory_space<vmem>>
        %gather3A_1234 = tpu.memref_squeeze %gather3A_1233 : memref<1x512x32xf32, #tpu.memory_space<vmem>> -> memref<512x32xf32, #tpu.memory_space<vmem>>
        %gather3A_1235 = tpu.vector_load_idx %gather3A_1234[%add3A_863, %add3A_1230] : memref<512x32xf32, #tpu.memory_space<vmem>>[vector<16xi32>, vector<16xi32>], vector<16xf32>,
        %add3A_1236 = arith.constant 2 : i32
        %add3A_1237 = vector.broadcast %add3A_1236 : i32 to vector<16xi32>
        %add3A_1238 = arith.addi %shift_right_arithmetic3A_117, %add3A_1237 : vector<16xi32>
        %add3A_1239 = arith.addi %add3A_193, %add3A_877 : vector<16xi32>
        %scatter3A_1240 = arith.constant 0 : i32
        %scatter3A_1241 = arith.constant 0 : i32
        %scatter3A_1242 = tpu.memref_slice %arg7[%scan3A_713, %scatter3A_1240, %scatter3A_1241] : memref<2x4x4096xf32, #tpu.memory_space<vmem>> -> memref<1x4x4096xf32, #tpu.memory_space<vmem>>
        %scatter3A_1243 = tpu.memref_squeeze %scatter3A_1242 : memref<1x4x4096xf32, #tpu.memory_space<vmem>> -> memref<4x4096xf32, #tpu.memory_space<vmem>>
        tpu.vector_store_idx %scatter3A_1243[%add3A_1238, %add3A_1239], %gather3A_1235 : memref<4x4096xf32, #tpu.memory_space<vmem>>[vector<16xi32>, vector<16xi32>], vector<16xf32>,
        %add3A_1244 = arith.constant 16 : i32
        %add3A_1245 = vector.broadcast %add3A_1244 : i32 to vector<16xi32>
        %add3A_1246 = arith.addi %and3A_49, %add3A_1245 : vector<16xi32>
        %gather3A_1247 = arith.constant 0 : i32
        %gather3A_1248 = arith.constant 0 : i32
        %gather3A_1249 = tpu.memref_slice %arg6[%scan3A_712, %gather3A_1247, %gather3A_1248] : memref<4x512x32xf32, #tpu.memory_space<vmem>> -> memref<1x512x32xf32, #tpu.memory_space<vmem>>
        %gather3A_1250 = tpu.memref_squeeze %gather3A_1249 : memref<1x512x32xf32, #tpu.memory_space<vmem>> -> memref<512x32xf32, #tpu.memory_space<vmem>>
        %gather3A_1251 = tpu.vector_load_idx %gather3A_1250[%add3A_863, %add3A_1246] : memref<512x32xf32, #tpu.memory_space<vmem>>[vector<16xi32>, vector<16xi32>], vector<16xf32>,
        %add3A_1252 = arith.constant 2 : i32
        %add3A_1253 = vector.broadcast %add3A_1252 : i32 to vector<16xi32>
        %add3A_1254 = arith.addi %shift_right_arithmetic3A_120, %add3A_1253 : vector<16xi32>
        %add3A_1255 = arith.addi %add3A_200, %add3A_877 : vector<16xi32>
        %scatter3A_1256 = arith.constant 0 : i32
        %scatter3A_1257 = arith.constant 0 : i32
        %scatter3A_1258 = tpu.memref_slice %arg7[%scan3A_713, %scatter3A_1256, %scatter3A_1257] : memref<2x4x4096xf32, #tpu.memory_space<vmem>> -> memref<1x4x4096xf32, #tpu.memory_space<vmem>>
        %scatter3A_1259 = tpu.memref_squeeze %scatter3A_1258 : memref<1x4x4096xf32, #tpu.memory_space<vmem>> -> memref<4x4096xf32, #tpu.memory_space<vmem>>
        tpu.vector_store_idx %scatter3A_1259[%add3A_1254, %add3A_1255], %gather3A_1251 : memref<4x4096xf32, #tpu.memory_space<vmem>>[vector<16xi32>, vector<16xi32>], vector<16xf32>,
        %add3A_1260 = arith.constant 16 : i32
        %add3A_1261 = vector.broadcast %add3A_1260 : i32 to vector<16xi32>
        %add3A_1262 = arith.addi %and3A_55, %add3A_1261 : vector<16xi32>
        %gather3A_1263 = arith.constant 0 : i32
        %gather3A_1264 = arith.constant 0 : i32
        %gather3A_1265 = tpu.memref_slice %arg6[%scan3A_712, %gather3A_1263, %gather3A_1264] : memref<4x512x32xf32, #tpu.memory_space<vmem>> -> memref<1x512x32xf32, #tpu.memory_space<vmem>>
        %gather3A_1266 = tpu.memref_squeeze %gather3A_1265 : memref<1x512x32xf32, #tpu.memory_space<vmem>> -> memref<512x32xf32, #tpu.memory_space<vmem>>
        %gather3A_1267 = tpu.vector_load_idx %gather3A_1266[%add3A_863, %add3A_1262] : memref<512x32xf32, #tpu.memory_space<vmem>>[vector<16xi32>, vector<16xi32>], vector<16xf32>,
        %add3A_1268 = arith.constant 2 : i32
        %add3A_1269 = vector.broadcast %add3A_1268 : i32 to vector<16xi32>
        %add3A_1270 = arith.addi %shift_right_arithmetic3A_123, %add3A_1269 : vector<16xi32>
        %add3A_1271 = arith.addi %add3A_207, %add3A_877 : vector<16xi32>
        %scatter3A_1272 = arith.constant 0 : i32
        %scatter3A_1273 = arith.constant 0 : i32
        %scatter3A_1274 = tpu.memref_slice %arg7[%scan3A_713, %scatter3A_1272, %scatter3A_1273] : memref<2x4x4096xf32, #tpu.memory_space<vmem>> -> memref<1x4x4096xf32, #tpu.memory_space<vmem>>
        %scatter3A_1275 = tpu.memref_squeeze %scatter3A_1274 : memref<1x4x4096xf32, #tpu.memory_space<vmem>> -> memref<4x4096xf32, #tpu.memory_space<vmem>>
        tpu.vector_store_idx %scatter3A_1275[%add3A_1270, %add3A_1271], %gather3A_1267 : memref<4x4096xf32, #tpu.memory_space<vmem>>[vector<16xi32>, vector<16xi32>], vector<16xf32>,
        %add3A_1276 = arith.constant 16 : i32
        %add3A_1277 = vector.broadcast %add3A_1276 : i32 to vector<16xi32>
        %add3A_1278 = arith.addi %and3A_61, %add3A_1277 : vector<16xi32>
        %gather3A_1279 = arith.constant 0 : i32
        %gather3A_1280 = arith.constant 0 : i32
        %gather3A_1281 = tpu.memref_slice %arg6[%scan3A_712, %gather3A_1279, %gather3A_1280] : memref<4x512x32xf32, #tpu.memory_space<vmem>> -> memref<1x512x32xf32, #tpu.memory_space<vmem>>
        %gather3A_1282 = tpu.memref_squeeze %gather3A_1281 : memref<1x512x32xf32, #tpu.memory_space<vmem>> -> memref<512x32xf32, #tpu.memory_space<vmem>>
        %gather3A_1283 = tpu.vector_load_idx %gather3A_1282[%add3A_863, %add3A_1278] : memref<512x32xf32, #tpu.memory_space<vmem>>[vector<16xi32>, vector<16xi32>], vector<16xf32>,
        %add3A_1284 = arith.constant 2 : i32
        %add3A_1285 = vector.broadcast %add3A_1284 : i32 to vector<16xi32>
        %add3A_1286 = arith.addi %shift_right_arithmetic3A_126, %add3A_1285 : vector<16xi32>
        %add3A_1287 = arith.addi %add3A_214, %add3A_877 : vector<16xi32>
        %scatter3A_1288 = arith.constant 0 : i32
        %scatter3A_1289 = arith.constant 0 : i32
        %scatter3A_1290 = tpu.memref_slice %arg7[%scan3A_713, %scatter3A_1288, %scatter3A_1289] : memref<2x4x4096xf32, #tpu.memory_space<vmem>> -> memref<1x4x4096xf32, #tpu.memory_space<vmem>>
        %scatter3A_1291 = tpu.memref_squeeze %scatter3A_1290 : memref<1x4x4096xf32, #tpu.memory_space<vmem>> -> memref<4x4096xf32, #tpu.memory_space<vmem>>
        tpu.vector_store_idx %scatter3A_1291[%add3A_1286, %add3A_1287], %gather3A_1283 : memref<4x4096xf32, #tpu.memory_space<vmem>>[vector<16xi32>, vector<16xi32>], vector<16xf32>,
        %add3A_1292 = arith.constant 16 : i32
        %add3A_1293 = vector.broadcast %add3A_1292 : i32 to vector<16xi32>
        %add3A_1294 = arith.addi %and3A_67, %add3A_1293 : vector<16xi32>
        %gather3A_1295 = arith.constant 0 : i32
        %gather3A_1296 = arith.constant 0 : i32
        %gather3A_1297 = tpu.memref_slice %arg6[%scan3A_712, %gather3A_1295, %gather3A_1296] : memref<4x512x32xf32, #tpu.memory_space<vmem>> -> memref<1x512x32xf32, #tpu.memory_space<vmem>>
        %gather3A_1298 = tpu.memref_squeeze %gather3A_1297 : memref<1x512x32xf32, #tpu.memory_space<vmem>> -> memref<512x32xf32, #tpu.memory_space<vmem>>
        %gather3A_1299 = tpu.vector_load_idx %gather3A_1298[%add3A_863, %add3A_1294] : memref<512x32xf32, #tpu.memory_space<vmem>>[vector<16xi32>, vector<16xi32>], vector<16xf32>,
        %add3A_1300 = arith.constant 2 : i32
        %add3A_1301 = vector.broadcast %add3A_1300 : i32 to vector<16xi32>
        %add3A_1302 = arith.addi %shift_right_arithmetic3A_129, %add3A_1301 : vector<16xi32>
        %add3A_1303 = arith.addi %add3A_221, %add3A_877 : vector<16xi32>
        %scatter3A_1304 = arith.constant 0 : i32
        %scatter3A_1305 = arith.constant 0 : i32
        %scatter3A_1306 = tpu.memref_slice %arg7[%scan3A_713, %scatter3A_1304, %scatter3A_1305] : memref<2x4x4096xf32, #tpu.memory_space<vmem>> -> memref<1x4x4096xf32, #tpu.memory_space<vmem>>
        %scatter3A_1307 = tpu.memref_squeeze %scatter3A_1306 : memref<1x4x4096xf32, #tpu.memory_space<vmem>> -> memref<4x4096xf32, #tpu.memory_space<vmem>>
        tpu.vector_store_idx %scatter3A_1307[%add3A_1302, %add3A_1303], %gather3A_1299 : memref<4x4096xf32, #tpu.memory_space<vmem>>[vector<16xi32>, vector<16xi32>], vector<16xf32>,
        %add3A_1308 = arith.constant 16 : i32
        %add3A_1309 = vector.broadcast %add3A_1308 : i32 to vector<16xi32>
        %add3A_1310 = arith.addi %and3A_73, %add3A_1309 : vector<16xi32>
        %gather3A_1311 = arith.constant 0 : i32
        %gather3A_1312 = arith.constant 0 : i32
        %gather3A_1313 = tpu.memref_slice %arg6[%scan3A_712, %gather3A_1311, %gather3A_1312] : memref<4x512x32xf32, #tpu.memory_space<vmem>> -> memref<1x512x32xf32, #tpu.memory_space<vmem>>
        %gather3A_1314 = tpu.memref_squeeze %gather3A_1313 : memref<1x512x32xf32, #tpu.memory_space<vmem>> -> memref<512x32xf32, #tpu.memory_space<vmem>>
        %gather3A_1315 = tpu.vector_load_idx %gather3A_1314[%add3A_863, %add3A_1310] : memref<512x32xf32, #tpu.memory_space<vmem>>[vector<16xi32>, vector<16xi32>], vector<16xf32>,
        %add3A_1316 = arith.constant 2 : i32
        %add3A_1317 = vector.broadcast %add3A_1316 : i32 to vector<16xi32>
        %add3A_1318 = arith.addi %shift_right_arithmetic3A_132, %add3A_1317 : vector<16xi32>
        %add3A_1319 = arith.addi %add3A_228, %add3A_877 : vector<16xi32>
        %scatter3A_1320 = arith.constant 0 : i32
        %scatter3A_1321 = arith.constant 0 : i32
        %scatter3A_1322 = tpu.memref_slice %arg7[%scan3A_713, %scatter3A_1320, %scatter3A_1321] : memref<2x4x4096xf32, #tpu.memory_space<vmem>> -> memref<1x4x4096xf32, #tpu.memory_space<vmem>>
        %scatter3A_1323 = tpu.memref_squeeze %scatter3A_1322 : memref<1x4x4096xf32, #tpu.memory_space<vmem>> -> memref<4x4096xf32, #tpu.memory_space<vmem>>
        tpu.vector_store_idx %scatter3A_1323[%add3A_1318, %add3A_1319], %gather3A_1315 : memref<4x4096xf32, #tpu.memory_space<vmem>>[vector<16xi32>, vector<16xi32>], vector<16xf32>,
        %add3A_1324 = arith.constant 16 : i32
        %add3A_1325 = vector.broadcast %add3A_1324 : i32 to vector<16xi32>
        %add3A_1326 = arith.addi %and3A_79, %add3A_1325 : vector<16xi32>
        %gather3A_1327 = arith.constant 0 : i32
        %gather3A_1328 = arith.constant 0 : i32
        %gather3A_1329 = tpu.memref_slice %arg6[%scan3A_712, %gather3A_1327, %gather3A_1328] : memref<4x512x32xf32, #tpu.memory_space<vmem>> -> memref<1x512x32xf32, #tpu.memory_space<vmem>>
        %gather3A_1330 = tpu.memref_squeeze %gather3A_1329 : memref<1x512x32xf32, #tpu.memory_space<vmem>> -> memref<512x32xf32, #tpu.memory_space<vmem>>
        %gather3A_1331 = tpu.vector_load_idx %gather3A_1330[%add3A_863, %add3A_1326] : memref<512x32xf32, #tpu.memory_space<vmem>>[vector<16xi32>, vector<16xi32>], vector<16xf32>,
        %add3A_1332 = arith.constant 2 : i32
        %add3A_1333 = vector.broadcast %add3A_1332 : i32 to vector<16xi32>
        %add3A_1334 = arith.addi %shift_right_arithmetic3A_135, %add3A_1333 : vector<16xi32>
        %add3A_1335 = arith.addi %add3A_235, %add3A_877 : vector<16xi32>
        %scatter3A_1336 = arith.constant 0 : i32
        %scatter3A_1337 = arith.constant 0 : i32
        %scatter3A_1338 = tpu.memref_slice %arg7[%scan3A_713, %scatter3A_1336, %scatter3A_1337] : memref<2x4x4096xf32, #tpu.memory_space<vmem>> -> memref<1x4x4096xf32, #tpu.memory_space<vmem>>
        %scatter3A_1339 = tpu.memref_squeeze %scatter3A_1338 : memref<1x4x4096xf32, #tpu.memory_space<vmem>> -> memref<4x4096xf32, #tpu.memory_space<vmem>>
        tpu.vector_store_idx %scatter3A_1339[%add3A_1334, %add3A_1335], %gather3A_1331 : memref<4x4096xf32, #tpu.memory_space<vmem>>[vector<16xi32>, vector<16xi32>], vector<16xf32>,
        %add3A_1340 = arith.constant 16 : i32
        %add3A_1341 = vector.broadcast %add3A_1340 : i32 to vector<16xi32>
        %add3A_1342 = arith.addi %and3A_85, %add3A_1341 : vector<16xi32>
        %gather3A_1343 = arith.constant 0 : i32
        %gather3A_1344 = arith.constant 0 : i32
        %gather3A_1345 = tpu.memref_slice %arg6[%scan3A_712, %gather3A_1343, %gather3A_1344] : memref<4x512x32xf32, #tpu.memory_space<vmem>> -> memref<1x512x32xf32, #tpu.memory_space<vmem>>
        %gather3A_1346 = tpu.memref_squeeze %gather3A_1345 : memref<1x512x32xf32, #tpu.memory_space<vmem>> -> memref<512x32xf32, #tpu.memory_space<vmem>>
        %gather3A_1347 = tpu.vector_load_idx %gather3A_1346[%add3A_863, %add3A_1342] : memref<512x32xf32, #tpu.memory_space<vmem>>[vector<16xi32>, vector<16xi32>], vector<16xf32>,
        %add3A_1348 = arith.constant 2 : i32
        %add3A_1349 = vector.broadcast %add3A_1348 : i32 to vector<16xi32>
        %add3A_1350 = arith.addi %shift_right_arithmetic3A_138, %add3A_1349 : vector<16xi32>
        %add3A_1351 = arith.addi %add3A_242, %add3A_877 : vector<16xi32>
        %scatter3A_1352 = arith.constant 0 : i32
        %scatter3A_1353 = arith.constant 0 : i32
        %scatter3A_1354 = tpu.memref_slice %arg7[%scan3A_713, %scatter3A_1352, %scatter3A_1353] : memref<2x4x4096xf32, #tpu.memory_space<vmem>> -> memref<1x4x4096xf32, #tpu.memory_space<vmem>>
        %scatter3A_1355 = tpu.memref_squeeze %scatter3A_1354 : memref<1x4x4096xf32, #tpu.memory_space<vmem>> -> memref<4x4096xf32, #tpu.memory_space<vmem>>
        tpu.vector_store_idx %scatter3A_1355[%add3A_1350, %add3A_1351], %gather3A_1347 : memref<4x4096xf32, #tpu.memory_space<vmem>>[vector<16xi32>, vector<16xi32>], vector<16xf32>,
        %add3A_1356 = arith.constant 16 : i32
        %add3A_1357 = vector.broadcast %add3A_1356 : i32 to vector<16xi32>
        %add3A_1358 = arith.addi %and3A_91, %add3A_1357 : vector<16xi32>
        %gather3A_1359 = arith.constant 0 : i32
        %gather3A_1360 = arith.constant 0 : i32
        %gather3A_1361 = tpu.memref_slice %arg6[%scan3A_712, %gather3A_1359, %gather3A_1360] : memref<4x512x32xf32, #tpu.memory_space<vmem>> -> memref<1x512x32xf32, #tpu.memory_space<vmem>>
        %gather3A_1362 = tpu.memref_squeeze %gather3A_1361 : memref<1x512x32xf32, #tpu.memory_space<vmem>> -> memref<512x32xf32, #tpu.memory_space<vmem>>
        %gather3A_1363 = tpu.vector_load_idx %gather3A_1362[%add3A_863, %add3A_1358] : memref<512x32xf32, #tpu.memory_space<vmem>>[vector<16xi32>, vector<16xi32>], vector<16xf32>,
        %add3A_1364 = arith.constant 2 : i32
        %add3A_1365 = vector.broadcast %add3A_1364 : i32 to vector<16xi32>
        %add3A_1366 = arith.addi %shift_right_arithmetic3A_141, %add3A_1365 : vector<16xi32>
        %add3A_1367 = arith.addi %add3A_249, %add3A_877 : vector<16xi32>
        %scatter3A_1368 = arith.constant 0 : i32
        %scatter3A_1369 = arith.constant 0 : i32
        %scatter3A_1370 = tpu.memref_slice %arg7[%scan3A_713, %scatter3A_1368, %scatter3A_1369] : memref<2x4x4096xf32, #tpu.memory_space<vmem>> -> memref<1x4x4096xf32, #tpu.memory_space<vmem>>
        %scatter3A_1371 = tpu.memref_squeeze %scatter3A_1370 : memref<1x4x4096xf32, #tpu.memory_space<vmem>> -> memref<4x4096xf32, #tpu.memory_space<vmem>>
        tpu.vector_store_idx %scatter3A_1371[%add3A_1366, %add3A_1367], %gather3A_1363 : memref<4x4096xf32, #tpu.memory_space<vmem>>[vector<16xi32>, vector<16xi32>], vector<16xf32>,
        %add3A_1372 = arith.constant 16 : i32
        %add3A_1373 = vector.broadcast %add3A_1372 : i32 to vector<16xi32>
        %add3A_1374 = arith.addi %and3A_97, %add3A_1373 : vector<16xi32>
        %gather3A_1375 = arith.constant 0 : i32
        %gather3A_1376 = arith.constant 0 : i32
        %gather3A_1377 = tpu.memref_slice %arg6[%scan3A_712, %gather3A_1375, %gather3A_1376] : memref<4x512x32xf32, #tpu.memory_space<vmem>> -> memref<1x512x32xf32, #tpu.memory_space<vmem>>
        %gather3A_1378 = tpu.memref_squeeze %gather3A_1377 : memref<1x512x32xf32, #tpu.memory_space<vmem>> -> memref<512x32xf32, #tpu.memory_space<vmem>>
        %gather3A_1379 = tpu.vector_load_idx %gather3A_1378[%add3A_863, %add3A_1374] : memref<512x32xf32, #tpu.memory_space<vmem>>[vector<16xi32>, vector<16xi32>], vector<16xf32>,
        %add3A_1380 = arith.constant 2 : i32
        %add3A_1381 = vector.broadcast %add3A_1380 : i32 to vector<16xi32>
        %add3A_1382 = arith.addi %shift_right_arithmetic3A_144, %add3A_1381 : vector<16xi32>
        %add3A_1383 = arith.addi %add3A_256, %add3A_877 : vector<16xi32>
        %scatter3A_1384 = arith.constant 0 : i32
        %scatter3A_1385 = arith.constant 0 : i32
        %scatter3A_1386 = tpu.memref_slice %arg7[%scan3A_713, %scatter3A_1384, %scatter3A_1385] : memref<2x4x4096xf32, #tpu.memory_space<vmem>> -> memref<1x4x4096xf32, #tpu.memory_space<vmem>>
        %scatter3A_1387 = tpu.memref_squeeze %scatter3A_1386 : memref<1x4x4096xf32, #tpu.memory_space<vmem>> -> memref<4x4096xf32, #tpu.memory_space<vmem>>
        tpu.vector_store_idx %scatter3A_1387[%add3A_1382, %add3A_1383], %gather3A_1379 : memref<4x4096xf32, #tpu.memory_space<vmem>>[vector<16xi32>, vector<16xi32>], vector<16xf32>,
      }
      %scan3A_718 = arith.constant 32 : i32
      %add3A_719 = arith.addi %mul3A_2, %add3A_686 : i32
      %jit3A_720 = arith.constant 32 : i32
      %div3A_721 = arith.divsi %add3A_719, %jit3A_720 : i32
      %sign3A_722 = arith.constant 0 : i32
      %sign3A_723 = arith.cmpi sgt, %add3A_719, %sign3A_722 : i32
      %sign3A_724 = arith.extui %sign3A_723 : i1 to i32
      %sign3A_725 = arith.constant 0 : i32
      %sign3A_726 = arith.cmpi slt, %add3A_719, %sign3A_725 : i32
      %sign3A_727 = arith.extui %sign3A_726 : i1 to i32
      %sign3A_728 = arith.subi %sign3A_724, %sign3A_727 : i32
      %sign3A_729 = arith.constant 0 : i32
      %sign3A_730 = arith.cmpi sgt, %jit3A_720, %sign3A_729 : i32
      %sign3A_731 = arith.extui %sign3A_730 : i1 to i32
      %sign3A_732 = arith.constant 0 : i32
      %sign3A_733 = arith.cmpi slt, %jit3A_720, %sign3A_732 : i32
      %sign3A_734 = arith.extui %sign3A_733 : i1 to i32
      %sign3A_735 = arith.subi %sign3A_731, %sign3A_734 : i32
      %ne3A_736 = arith.cmpi ne, %sign3A_728, %sign3A_735 : i32
      %rem3A_737 = arith.remsi %add3A_719, %jit3A_720 : i32
      %ne3A_738 = arith.constant 0 : i32
      %ne3A_739 = arith.cmpi ne, %rem3A_737, %ne3A_738 : i32
      %and3A_740 = arith.andi %ne3A_736, %ne3A_739 : i1
      %sub3A_741 = arith.constant 1 : i32
      %sub3A_742 = arith.subi %div3A_721, %sub3A_741 : i32
      %select_n3A_743 = arith.select %and3A_740, %sub3A_742, %div3A_721 : i32
      %mul3A_744 = arith.constant 32 : i32
      %mul3A_745 = arith.muli %select_n3A_743, %mul3A_744 : i32
      %sub3A_746 = arith.subi %add3A_719, %mul3A_745 : i32
      %mul3A_747 = arith.constant 4096 : i32
      %mul3A_748 = arith.muli %sub3A_746, %mul3A_747 : i32
      %dma_start3A_749 = arith.constant 0 : i32
      %dma_start3A_750 = arith.constant 0 : i32
      %dma_start3A_751 = arith.constant 0 : i32
      %dma_start3A_752 = tpu.memref_slice %arg7[%dma_start3A_749, %dma_start3A_750, %dma_start3A_751] : memref<2x4x4096xf32, #tpu.memory_space<vmem>> -> memref<1x4x4096xf32, #tpu.memory_space<vmem>>
      %dma_start3A_753 = tpu.memref_squeeze %dma_start3A_752 : memref<1x4x4096xf32, #tpu.memory_space<vmem>> -> memref<4x4096xf32, #tpu.memory_space<vmem>>
      %dma_start3A_754 = arith.constant 0 : i32
      %dma_start3A_755 = tpu.memref_slice %arg4[%select_n3A_743, %dma_start3A_754, %mul3A_748] : memref<200x4x131072xf32, #tpu.memory_space<hbm>> -> memref<1x4x4096xf32, #tpu.memory_space<hbm>>
      %dma_start3A_756 = tpu.memref_squeeze %dma_start3A_755 : memref<1x4x4096xf32, #tpu.memory_space<hbm>> -> memref<4x4096xf32, #tpu.memory_space<hbm>>
      %dma_start3A_757 = arith.constant 0 : i32
      %dma_start3A_758 = tpu.memref_slice %arg4[%select_n3A_743, %dma_start3A_757, %mul3A_748] : memref<200x4x131072xf32, #tpu.memory_space<hbm>> -> memref<1x4x4096xf32, #tpu.memory_space<hbm>>
      %dma_start3A_759 = tpu.memref_squeeze %dma_start3A_758 : memref<1x4x4096xf32, #tpu.memory_space<hbm>> -> memref<4x4096xf32, #tpu.memory_space<hbm>>
      %dma_start3A_760 = arith.constant 0 : i32
      %dma_start3A_761 = arith.constant 0 : i32
      %dma_start3A_762 = tpu.memref_slice %arg7[%dma_start3A_749, %dma_start3A_760, %dma_start3A_761] : memref<2x4x4096xf32, #tpu.memory_space<vmem>> -> memref<1x4x4096xf32, #tpu.memory_space<vmem>>
      %dma_start3A_763 = tpu.memref_squeeze %dma_start3A_762 : memref<1x4x4096xf32, #tpu.memory_space<vmem>> -> memref<4x4096xf32, #tpu.memory_space<vmem>>
      tpu.enqueue_dma source(%dma_start3A_763 : memref<4x4096xf32, #tpu.memory_space<vmem>>) target(%dma_start3A_759 : memref<4x4096xf32, #tpu.memory_space<hbm>>) target_semaphore(%arg16 : memref<!tpu.dma_semaphore, #tpu.memory_space<semaphore_mem>>)
      %add3A_764 = arith.constant 4 : i32
      %add3A_765 = arith.addi %add3A_686, %add3A_764 : i32
      %lt3A_766 = arith.constant 200 : i32
      %lt3A_767 = arith.cmpi slt, %add3A_765, %lt3A_766 : i32
      %convert_element_type3A_768 = arith.extui %lt3A_767 : i1 to i32
      %cond3A_769 = arith.constant 0 : i32
      %cond3A_770 = arith.cmpi ne, %convert_element_type3A_768, %cond3A_769 : i32
      scf.if %cond3A_770 {
        %add3A_859 = arith.addi %mul3A_2, %add3A_686 : i32
        %add3A_860 = arith.constant 4 : i32
        %add3A_861 = arith.addi %add3A_859, %add3A_860 : i32
        %jit3A_862 = arith.constant 32 : i32
        %div3A_863 = arith.divsi %add3A_861, %jit3A_862 : i32
        %sign3A_864 = arith.constant 0 : i32
        %sign3A_865 = arith.cmpi sgt, %add3A_861, %sign3A_864 : i32
        %sign3A_866 = arith.extui %sign3A_865 : i1 to i32
        %sign3A_867 = arith.constant 0 : i32
        %sign3A_868 = arith.cmpi slt, %add3A_861, %sign3A_867 : i32
        %sign3A_869 = arith.extui %sign3A_868 : i1 to i32
        %sign3A_870 = arith.subi %sign3A_866, %sign3A_869 : i32
        %sign3A_871 = arith.constant 0 : i32
        %sign3A_872 = arith.cmpi sgt, %jit3A_862, %sign3A_871 : i32
        %sign3A_873 = arith.extui %sign3A_872 : i1 to i32
        %sign3A_874 = arith.constant 0 : i32
        %sign3A_875 = arith.cmpi slt, %jit3A_862, %sign3A_874 : i32
        %sign3A_876 = arith.extui %sign3A_875 : i1 to i32
        %sign3A_877 = arith.subi %sign3A_873, %sign3A_876 : i32
        %ne3A_878 = arith.cmpi ne, %sign3A_870, %sign3A_877 : i32
        %rem3A_879 = arith.remsi %add3A_861, %jit3A_862 : i32
        %ne3A_880 = arith.constant 0 : i32
        %ne3A_881 = arith.cmpi ne, %rem3A_879, %ne3A_880 : i32
        %and3A_882 = arith.andi %ne3A_878, %ne3A_881 : i1
        %sub3A_883 = arith.constant 1 : i32
        %sub3A_884 = arith.subi %div3A_863, %sub3A_883 : i32
        %select_n3A_885 = arith.select %and3A_882, %sub3A_884, %div3A_863 : i32
        %mul3A_886 = arith.constant 32 : i32
        %mul3A_887 = arith.muli %select_n3A_885, %mul3A_886 : i32
        %sub3A_888 = arith.subi %add3A_861, %mul3A_887 : i32
        %mul3A_889 = arith.constant 16384 : i32
        %mul3A_890 = arith.muli %select_n3A_885, %mul3A_889 : i32
        %mul3A_891 = arith.constant 512 : i32
        %mul3A_892 = arith.muli %sub3A_888, %mul3A_891 : i32
        %add3A_893 = arith.addi %mul3A_890, %mul3A_892 : i32
        %multiple_of3A_894 = tpu.assume_multiple %add3A_893, 8 : i32
        %dma_start3A_895 = arith.constant 2 : i32
        %dma_start3A_896 = arith.constant 0 : i32
        %dma_start3A_897 = tpu.memref_slice %arg5[%dma_start3A_895, %dma_start3A_896] : memref<4x512xi32, #tpu.memory_space<vmem>> -> memref<1x512xi32, #tpu.memory_space<vmem>>
        %dma_start3A_898 = tpu.memref_squeeze %dma_start3A_897 : memref<1x512xi32, #tpu.memory_space<vmem>> -> memref<512xi32, #tpu.memory_space<vmem>>
        %dma_start3A_899 = tpu.memref_slice %arg2[%multiple_of3A_894] : memref<3276800xi32, #tpu.memory_space<hbm>> -> memref<512xi32, #tpu.memory_space<hbm>>
        %dma_start3A_900 = arith.constant 0 : i32
        %dma_start3A_901 = tpu.memref_slice %arg5[%dma_start3A_895, %dma_start3A_900] : memref<4x512xi32, #tpu.memory_space<vmem>> -> memref<1x512xi32, #tpu.memory_space<vmem>>
        %dma_start3A_902 = tpu.memref_squeeze %dma_start3A_901 : memref<1x512xi32, #tpu.memory_space<vmem>> -> memref<512xi32, #tpu.memory_space<vmem>>
        %dma_start3A_903 = tpu.memref_slice %arg2[%multiple_of3A_894] : memref<3276800xi32, #tpu.memory_space<hbm>> -> memref<512xi32, #tpu.memory_space<hbm>>
        tpu.enqueue_dma source(%dma_start3A_903 : memref<512xi32, #tpu.memory_space<hbm>>) target(%dma_start3A_902 : memref<512xi32, #tpu.memory_space<vmem>>) target_semaphore(%arg10 : memref<!tpu.dma_semaphore, #tpu.memory_space<semaphore_mem>>)
      } else {
      }
      %mul3A_771 = arith.constant 4 : i32
      %mul3A_772 = arith.muli %scan3A_510, %mul3A_771 : i32
      %add3A_773 = arith.constant 3 : i32
      %add3A_774 = arith.addi %mul3A_772, %add3A_773 : i32
      %dma_wait3A_775 = arith.constant 3 : i32
      %dma_wait3A_776 = arith.constant 3 : i32
      %dma_wait3A_777 = arith.constant 0 : i32
      %dma_wait3A_778 = arith.constant 0 : i32
      %dma_wait3A_779 = tpu.memref_slice %arg6[%dma_wait3A_776, %dma_wait3A_777, %dma_wait3A_778] : memref<4x512x32xf32, #tpu.memory_space<vmem>> -> memref<1x512x32xf32, #tpu.memory_space<vmem>>
      %dma_wait3A_780 = tpu.memref_squeeze %dma_wait3A_779 : memref<1x512x32xf32, #tpu.memory_space<vmem>> -> memref<512x32xf32, #tpu.memory_space<vmem>>
      %dma_wait3A_781 = arith.constant 0 : i32
      %dma_wait3A_782 = tpu.memref_slice %arg5[%dma_wait3A_775, %dma_wait3A_781] : memref<4x512xi32, #tpu.memory_space<vmem>> -> memref<1x512xi32, #tpu.memory_space<vmem>>
      %dma_wait3A_783 = tpu.memref_squeeze %dma_wait3A_782 : memref<1x512xi32, #tpu.memory_space<vmem>> -> memref<512xi32, #tpu.memory_space<vmem>>
      %dma_wait3A_784 = arith.constant 0 : i32
      %dma_wait3A_785 = arith.constant 0 : i32
      %dma_wait3A_786 = tpu.memref_slice %arg3[%dma_wait3A_784, %dma_wait3A_785] : memref<1000000x32xf32, #tpu.memory_space<hbm>> -> memref<1000000x32xf32, #tpu.memory_space<hbm>>
      tpu.wait_indirect_dma semaphore(%arg15 : memref<!tpu.dma_semaphore, #tpu.memory_space<semaphore_mem>>) src(%dma_wait3A_786 : memref<1000000x32xf32, #tpu.memory_space<hbm>>) dst(%dma_wait3A_780 : memref<512x32xf32, #tpu.memory_space<vmem>>)
      %add3A_787 = arith.constant 2 : i32
      %add3A_788 = arith.addi %add3A_774, %add3A_787 : i32
      %lt3A_789 = arith.constant 200 : i32
      %lt3A_790 = arith.cmpi slt, %add3A_788, %lt3A_789 : i32
      %convert_element_type3A_791 = arith.extui %lt3A_790 : i1 to i32
      %cond3A_792 = arith.constant 0 : i32
      %cond3A_793 = arith.cmpi ne, %convert_element_type3A_791, %cond3A_792 : i32
      scf.if %cond3A_793 {
        %dma_wait3A_859 = arith.constant 1 : i32
        %dma_wait3A_860 = arith.constant 0 : i32
        %dma_wait3A_861 = tpu.memref_slice %arg5[%dma_wait3A_859, %dma_wait3A_860] : memref<4x512xi32, #tpu.memory_space<vmem>> -> memref<1x512xi32, #tpu.memory_space<vmem>>
        %dma_wait3A_862 = tpu.memref_squeeze %dma_wait3A_861 : memref<1x512xi32, #tpu.memory_space<vmem>> -> memref<512xi32, #tpu.memory_space<vmem>>
        %dma_wait3A_863 = arith.constant 0 : i32
        %dma_wait3A_864 = tpu.memref_slice %arg2[%dma_wait3A_863] : memref<3276800xi32, #tpu.memory_space<hbm>> -> memref<512xi32, #tpu.memory_space<hbm>>
        %dma_wait3A_865 = arith.constant 0 : i32
        %dma_wait3A_866 = tpu.memref_slice %arg5[%dma_wait3A_859, %dma_wait3A_865] : memref<4x512xi32, #tpu.memory_space<vmem>> -> memref<1x512xi32, #tpu.memory_space<vmem>>
        %dma_wait3A_867 = tpu.memref_squeeze %dma_wait3A_866 : memref<1x512xi32, #tpu.memory_space<vmem>> -> memref<512xi32, #tpu.memory_space<vmem>>
        %dma_wait3A_868 = arith.constant 0 : i32
        %dma_wait3A_869 = tpu.memref_slice %arg2[%dma_wait3A_868] : memref<3276800xi32, #tpu.memory_space<hbm>> -> memref<512xi32, #tpu.memory_space<hbm>>
        tpu.wait_dma2 semaphore(%arg9 : memref<!tpu.dma_semaphore, #tpu.memory_space<semaphore_mem>>) src(%dma_wait3A_869 : memref<512xi32, #tpu.memory_space<hbm>>) dst(%dma_wait3A_867 : memref<512xi32, #tpu.memory_space<vmem>>)
        %dma_start3A_870 = arith.constant 1 : i32
        %dma_start3A_871 = arith.constant 1 : i32
        %dma_start3A_872 = arith.constant 0 : i32
        %dma_start3A_873 = arith.constant 0 : i32
        %dma_start3A_874 = tpu.memref_slice %arg6[%dma_start3A_871, %dma_start3A_872, %dma_start3A_873] : memref<4x512x32xf32, #tpu.memory_space<vmem>> -> memref<1x512x32xf32, #tpu.memory_space<vmem>>
        %dma_start3A_875 = tpu.memref_squeeze %dma_start3A_874 : memref<1x512x32xf32, #tpu.memory_space<vmem>> -> memref<512x32xf32, #tpu.memory_space<vmem>>
        %dma_start3A_876 = arith.constant 0 : i32
        %dma_start3A_877 = tpu.memref_slice %arg5[%dma_start3A_870, %dma_start3A_876] : memref<4x512xi32, #tpu.memory_space<vmem>> -> memref<1x512xi32, #tpu.memory_space<vmem>>
        %dma_start3A_878 = tpu.memref_squeeze %dma_start3A_877 : memref<1x512xi32, #tpu.memory_space<vmem>> -> memref<512xi32, #tpu.memory_space<vmem>>
        %dma_start3A_879 = arith.constant 0 : i32
        %dma_start3A_880 = arith.constant 0 : i32
        %dma_start3A_881 = tpu.memref_slice %arg3[%dma_start3A_879, %dma_start3A_880] : memref<1000000x32xf32, #tpu.memory_space<hbm>> -> memref<1000000x32xf32, #tpu.memory_space<hbm>>
        tpu.enqueue_indirect_dma source(%dma_start3A_881 : memref<1000000x32xf32, #tpu.memory_space<hbm>>) target(%dma_start3A_875 : memref<512x32xf32, #tpu.memory_space<vmem>>) offsets(%dma_start3A_878 : memref<512xi32, #tpu.memory_space<vmem>>) semaphore(%arg13 : memref<!tpu.dma_semaphore, #tpu.memory_space<semaphore_mem>>)
      } else {
      }
      %ge3A_794 = arith.constant 2 : i32
      %ge3A_795 = arith.cmpi sge, %add3A_774, %ge3A_794 : i32
      %convert_element_type3A_796 = arith.extui %ge3A_795 : i1 to i32
      %cond3A_797 = arith.constant 0 : i32
      %cond3A_798 = arith.cmpi ne, %convert_element_type3A_796, %cond3A_797 : i32
      scf.if %cond3A_798 {
        %dma_wait3A_859 = arith.constant 1 : i32
        %dma_wait3A_860 = arith.constant 0 : i32
        %dma_wait3A_861 = arith.constant 0 : i32
        %dma_wait3A_862 = arith.constant 0 : i32
        %dma_wait3A_863 = tpu.memref_slice %arg7[%dma_wait3A_859, %dma_wait3A_861, %dma_wait3A_862] : memref<2x4x4096xf32, #tpu.memory_space<vmem>> -> memref<1x4x4096xf32, #tpu.memory_space<vmem>>
        %dma_wait3A_864 = tpu.memref_squeeze %dma_wait3A_863 : memref<1x4x4096xf32, #tpu.memory_space<vmem>> -> memref<4x4096xf32, #tpu.memory_space<vmem>>
        %dma_wait3A_865 = arith.constant 0 : i32
        %dma_wait3A_866 = arith.constant 0 : i32
        %dma_wait3A_867 = tpu.memref_slice %arg4[%dma_wait3A_860, %dma_wait3A_865, %dma_wait3A_866] : memref<200x4x131072xf32, #tpu.memory_space<hbm>> -> memref<1x4x4096xf32, #tpu.memory_space<hbm>>
        %dma_wait3A_868 = tpu.memref_squeeze %dma_wait3A_867 : memref<1x4x4096xf32, #tpu.memory_space<hbm>> -> memref<4x4096xf32, #tpu.memory_space<hbm>>
        %dma_wait3A_869 = arith.constant 0 : i32
        %dma_wait3A_870 = arith.constant 0 : i32
        %dma_wait3A_871 = tpu.memref_slice %arg4[%dma_wait3A_860, %dma_wait3A_869, %dma_wait3A_870] : memref<200x4x131072xf32, #tpu.memory_space<hbm>> -> memref<1x4x4096xf32, #tpu.memory_space<hbm>>
        %dma_wait3A_872 = tpu.memref_squeeze %dma_wait3A_871 : memref<1x4x4096xf32, #tpu.memory_space<hbm>> -> memref<4x4096xf32, #tpu.memory_space<hbm>>
        %dma_wait3A_873 = arith.constant 0 : i32
        %dma_wait3A_874 = arith.constant 0 : i32
        %dma_wait3A_875 = tpu.memref_slice %arg7[%dma_wait3A_859, %dma_wait3A_873, %dma_wait3A_874] : memref<2x4x4096xf32, #tpu.memory_space<vmem>> -> memref<1x4x4096xf32, #tpu.memory_space<vmem>>
        %dma_wait3A_876 = tpu.memref_squeeze %dma_wait3A_875 : memref<1x4x4096xf32, #tpu.memory_space<vmem>> -> memref<4x4096xf32, #tpu.memory_space<vmem>>
        tpu.wait_dma2 semaphore(%arg17 : memref<!tpu.dma_semaphore, #tpu.memory_space<semaphore_mem>>) src(%dma_wait3A_876 : memref<4x4096xf32, #tpu.memory_space<vmem>>) dst(%dma_wait3A_872 : memref<4x4096xf32, #tpu.memory_space<hbm>>)
      } else {
      }
      %scan3A_799 = arith.constant 0 : i32
      %scan3A_800 = arith.constant 3 : i32
      %scan3A_801 = arith.constant 1 : i32
      %scan3A_802 = arith.constant 0 : i32
      %scan3A_803 = arith.constant 32 : i32
      %scan3A_804 = arith.addi %scan3A_802, %scan3A_803 : i32
      %scan3A_805 = arith.constant 1 : i32
      scf.for %scan3A_859 = %scan3A_802 to %scan3A_804 step %scan3A_805  : i32 {
        %mul3A_860 = arith.constant 16 : i32
        %mul3A_861 = arith.muli %scan3A_859, %mul3A_860 : i32
        %add3A_862 = vector.broadcast %mul3A_861 : i32 to vector<16xi32>
        %add3A_863 = arith.addi %iota3A, %add3A_862 : vector<16xi32>
        %mul3A_864 = arith.constant 0 : i32
        %mul3A_865 = vector.broadcast %mul3A_864 : i32 to vector<16xi32>
        %mul3A_866 = arith.muli %iota3A, %mul3A_865 : vector<16xi32>
        %shift_right_arithmetic3A_867 = arith.constant 3 : i32
        %shift_right_arithmetic3A_868 = arith.shrsi %scan3A_859, %shift_right_arithmetic3A_867 : i32
        %mul3A_869 = arith.constant 1024 : i32
        %mul3A_870 = arith.muli %shift_right_arithmetic3A_868, %mul3A_869 : i32
        %and3A_871 = arith.constant 7 : i32
        %and3A_872 = arith.andi %scan3A_859, %and3A_871 : i32
        %mul3A_873 = arith.constant 16 : i32
        %mul3A_874 = arith.muli %and3A_872, %mul3A_873 : i32
        %add3A_875 = arith.addi %mul3A_870, %mul3A_874 : i32
        %add3A_876 = vector.broadcast %add3A_875 : i32 to vector<16xi32>
        %add3A_877 = arith.addi %mul3A_866, %add3A_876 : vector<16xi32>
        %add3A_878 = arith.constant 0 : i32
        %add3A_879 = vector.broadcast %add3A_878 : i32 to vector<16xi32>
        %add3A_880 = arith.addi %and3A_7, %add3A_879 : vector<16xi32>
        %gather3A = arith.constant 0 : i32
        %gather3A_881 = arith.constant 0 : i32
        %gather3A_882 = tpu.memref_slice %arg6[%scan3A_800, %gather3A, %gather3A_881] : memref<4x512x32xf32, #tpu.memory_space<vmem>> -> memref<1x512x32xf32, #tpu.memory_space<vmem>>
        %gather3A_883 = tpu.memref_squeeze %gather3A_882 : memref<1x512x32xf32, #tpu.memory_space<vmem>> -> memref<512x32xf32, #tpu.memory_space<vmem>>
        %gather3A_884 = tpu.vector_load_idx %gather3A_883[%add3A_863, %add3A_880] : memref<512x32xf32, #tpu.memory_space<vmem>>[vector<16xi32>, vector<16xi32>], vector<16xf32>,
        %add3A_885 = arith.constant 0 : i32
        %add3A_886 = vector.broadcast %add3A_885 : i32 to vector<16xi32>
        %add3A_887 = arith.addi %shift_right_arithmetic3A_99, %add3A_886 : vector<16xi32>
        %add3A_888 = arith.addi %add3A_151, %add3A_877 : vector<16xi32>
        %scatter3A = arith.constant 0 : i32
        %scatter3A_889 = arith.constant 0 : i32
        %scatter3A_890 = tpu.memref_slice %arg7[%scan3A_801, %scatter3A, %scatter3A_889] : memref<2x4x4096xf32, #tpu.memory_space<vmem>> -> memref<1x4x4096xf32, #tpu.memory_space<vmem>>
        %scatter3A_891 = tpu.memref_squeeze %scatter3A_890 : memref<1x4x4096xf32, #tpu.memory_space<vmem>> -> memref<4x4096xf32, #tpu.memory_space<vmem>>
        tpu.vector_store_idx %scatter3A_891[%add3A_887, %add3A_888], %gather3A_884 : memref<4x4096xf32, #tpu.memory_space<vmem>>[vector<16xi32>, vector<16xi32>], vector<16xf32>,
        %add3A_892 = arith.constant 0 : i32
        %add3A_893 = vector.broadcast %add3A_892 : i32 to vector<16xi32>
        %add3A_894 = arith.addi %and3A_13, %add3A_893 : vector<16xi32>
        %gather3A_895 = arith.constant 0 : i32
        %gather3A_896 = arith.constant 0 : i32
        %gather3A_897 = tpu.memref_slice %arg6[%scan3A_800, %gather3A_895, %gather3A_896] : memref<4x512x32xf32, #tpu.memory_space<vmem>> -> memref<1x512x32xf32, #tpu.memory_space<vmem>>
        %gather3A_898 = tpu.memref_squeeze %gather3A_897 : memref<1x512x32xf32, #tpu.memory_space<vmem>> -> memref<512x32xf32, #tpu.memory_space<vmem>>
        %gather3A_899 = tpu.vector_load_idx %gather3A_898[%add3A_863, %add3A_894] : memref<512x32xf32, #tpu.memory_space<vmem>>[vector<16xi32>, vector<16xi32>], vector<16xf32>,
        %add3A_900 = arith.constant 0 : i32
        %add3A_901 = vector.broadcast %add3A_900 : i32 to vector<16xi32>
        %add3A_902 = arith.addi %shift_right_arithmetic3A_102, %add3A_901 : vector<16xi32>
        %add3A_903 = arith.addi %add3A_158, %add3A_877 : vector<16xi32>
        %scatter3A_904 = arith.constant 0 : i32
        %scatter3A_905 = arith.constant 0 : i32
        %scatter3A_906 = tpu.memref_slice %arg7[%scan3A_801, %scatter3A_904, %scatter3A_905] : memref<2x4x4096xf32, #tpu.memory_space<vmem>> -> memref<1x4x4096xf32, #tpu.memory_space<vmem>>
        %scatter3A_907 = tpu.memref_squeeze %scatter3A_906 : memref<1x4x4096xf32, #tpu.memory_space<vmem>> -> memref<4x4096xf32, #tpu.memory_space<vmem>>
        tpu.vector_store_idx %scatter3A_907[%add3A_902, %add3A_903], %gather3A_899 : memref<4x4096xf32, #tpu.memory_space<vmem>>[vector<16xi32>, vector<16xi32>], vector<16xf32>,
        %add3A_908 = arith.constant 0 : i32
        %add3A_909 = vector.broadcast %add3A_908 : i32 to vector<16xi32>
        %add3A_910 = arith.addi %and3A_19, %add3A_909 : vector<16xi32>
        %gather3A_911 = arith.constant 0 : i32
        %gather3A_912 = arith.constant 0 : i32
        %gather3A_913 = tpu.memref_slice %arg6[%scan3A_800, %gather3A_911, %gather3A_912] : memref<4x512x32xf32, #tpu.memory_space<vmem>> -> memref<1x512x32xf32, #tpu.memory_space<vmem>>
        %gather3A_914 = tpu.memref_squeeze %gather3A_913 : memref<1x512x32xf32, #tpu.memory_space<vmem>> -> memref<512x32xf32, #tpu.memory_space<vmem>>
        %gather3A_915 = tpu.vector_load_idx %gather3A_914[%add3A_863, %add3A_910] : memref<512x32xf32, #tpu.memory_space<vmem>>[vector<16xi32>, vector<16xi32>], vector<16xf32>,
        %add3A_916 = arith.constant 0 : i32
        %add3A_917 = vector.broadcast %add3A_916 : i32 to vector<16xi32>
        %add3A_918 = arith.addi %shift_right_arithmetic3A_105, %add3A_917 : vector<16xi32>
        %add3A_919 = arith.addi %add3A_165, %add3A_877 : vector<16xi32>
        %scatter3A_920 = arith.constant 0 : i32
        %scatter3A_921 = arith.constant 0 : i32
        %scatter3A_922 = tpu.memref_slice %arg7[%scan3A_801, %scatter3A_920, %scatter3A_921] : memref<2x4x4096xf32, #tpu.memory_space<vmem>> -> memref<1x4x4096xf32, #tpu.memory_space<vmem>>
        %scatter3A_923 = tpu.memref_squeeze %scatter3A_922 : memref<1x4x4096xf32, #tpu.memory_space<vmem>> -> memref<4x4096xf32, #tpu.memory_space<vmem>>
        tpu.vector_store_idx %scatter3A_923[%add3A_918, %add3A_919], %gather3A_915 : memref<4x4096xf32, #tpu.memory_space<vmem>>[vector<16xi32>, vector<16xi32>], vector<16xf32>,
        %add3A_924 = arith.constant 0 : i32
        %add3A_925 = vector.broadcast %add3A_924 : i32 to vector<16xi32>
        %add3A_926 = arith.addi %and3A_25, %add3A_925 : vector<16xi32>
        %gather3A_927 = arith.constant 0 : i32
        %gather3A_928 = arith.constant 0 : i32
        %gather3A_929 = tpu.memref_slice %arg6[%scan3A_800, %gather3A_927, %gather3A_928] : memref<4x512x32xf32, #tpu.memory_space<vmem>> -> memref<1x512x32xf32, #tpu.memory_space<vmem>>
        %gather3A_930 = tpu.memref_squeeze %gather3A_929 : memref<1x512x32xf32, #tpu.memory_space<vmem>> -> memref<512x32xf32, #tpu.memory_space<vmem>>
        %gather3A_931 = tpu.vector_load_idx %gather3A_930[%add3A_863, %add3A_926] : memref<512x32xf32, #tpu.memory_space<vmem>>[vector<16xi32>, vector<16xi32>], vector<16xf32>,
        %add3A_932 = arith.constant 0 : i32
        %add3A_933 = vector.broadcast %add3A_932 : i32 to vector<16xi32>
        %add3A_934 = arith.addi %shift_right_arithmetic3A_108, %add3A_933 : vector<16xi32>
        %add3A_935 = arith.addi %add3A_172, %add3A_877 : vector<16xi32>
        %scatter3A_936 = arith.constant 0 : i32
        %scatter3A_937 = arith.constant 0 : i32
        %scatter3A_938 = tpu.memref_slice %arg7[%scan3A_801, %scatter3A_936, %scatter3A_937] : memref<2x4x4096xf32, #tpu.memory_space<vmem>> -> memref<1x4x4096xf32, #tpu.memory_space<vmem>>
        %scatter3A_939 = tpu.memref_squeeze %scatter3A_938 : memref<1x4x4096xf32, #tpu.memory_space<vmem>> -> memref<4x4096xf32, #tpu.memory_space<vmem>>
        tpu.vector_store_idx %scatter3A_939[%add3A_934, %add3A_935], %gather3A_931 : memref<4x4096xf32, #tpu.memory_space<vmem>>[vector<16xi32>, vector<16xi32>], vector<16xf32>,
        %add3A_940 = arith.constant 0 : i32
        %add3A_941 = vector.broadcast %add3A_940 : i32 to vector<16xi32>
        %add3A_942 = arith.addi %and3A_31, %add3A_941 : vector<16xi32>
        %gather3A_943 = arith.constant 0 : i32
        %gather3A_944 = arith.constant 0 : i32
        %gather3A_945 = tpu.memref_slice %arg6[%scan3A_800, %gather3A_943, %gather3A_944] : memref<4x512x32xf32, #tpu.memory_space<vmem>> -> memref<1x512x32xf32, #tpu.memory_space<vmem>>
        %gather3A_946 = tpu.memref_squeeze %gather3A_945 : memref<1x512x32xf32, #tpu.memory_space<vmem>> -> memref<512x32xf32, #tpu.memory_space<vmem>>
        %gather3A_947 = tpu.vector_load_idx %gather3A_946[%add3A_863, %add3A_942] : memref<512x32xf32, #tpu.memory_space<vmem>>[vector<16xi32>, vector<16xi32>], vector<16xf32>,
        %add3A_948 = arith.constant 0 : i32
        %add3A_949 = vector.broadcast %add3A_948 : i32 to vector<16xi32>
        %add3A_950 = arith.addi %shift_right_arithmetic3A_111, %add3A_949 : vector<16xi32>
        %add3A_951 = arith.addi %add3A_179, %add3A_877 : vector<16xi32>
        %scatter3A_952 = arith.constant 0 : i32
        %scatter3A_953 = arith.constant 0 : i32
        %scatter3A_954 = tpu.memref_slice %arg7[%scan3A_801, %scatter3A_952, %scatter3A_953] : memref<2x4x4096xf32, #tpu.memory_space<vmem>> -> memref<1x4x4096xf32, #tpu.memory_space<vmem>>
        %scatter3A_955 = tpu.memref_squeeze %scatter3A_954 : memref<1x4x4096xf32, #tpu.memory_space<vmem>> -> memref<4x4096xf32, #tpu.memory_space<vmem>>
        tpu.vector_store_idx %scatter3A_955[%add3A_950, %add3A_951], %gather3A_947 : memref<4x4096xf32, #tpu.memory_space<vmem>>[vector<16xi32>, vector<16xi32>], vector<16xf32>,
        %add3A_956 = arith.constant 0 : i32
        %add3A_957 = vector.broadcast %add3A_956 : i32 to vector<16xi32>
        %add3A_958 = arith.addi %and3A_37, %add3A_957 : vector<16xi32>
        %gather3A_959 = arith.constant 0 : i32
        %gather3A_960 = arith.constant 0 : i32
        %gather3A_961 = tpu.memref_slice %arg6[%scan3A_800, %gather3A_959, %gather3A_960] : memref<4x512x32xf32, #tpu.memory_space<vmem>> -> memref<1x512x32xf32, #tpu.memory_space<vmem>>
        %gather3A_962 = tpu.memref_squeeze %gather3A_961 : memref<1x512x32xf32, #tpu.memory_space<vmem>> -> memref<512x32xf32, #tpu.memory_space<vmem>>
        %gather3A_963 = tpu.vector_load_idx %gather3A_962[%add3A_863, %add3A_958] : memref<512x32xf32, #tpu.memory_space<vmem>>[vector<16xi32>, vector<16xi32>], vector<16xf32>,
        %add3A_964 = arith.constant 0 : i32
        %add3A_965 = vector.broadcast %add3A_964 : i32 to vector<16xi32>
        %add3A_966 = arith.addi %shift_right_arithmetic3A_114, %add3A_965 : vector<16xi32>
        %add3A_967 = arith.addi %add3A_186, %add3A_877 : vector<16xi32>
        %scatter3A_968 = arith.constant 0 : i32
        %scatter3A_969 = arith.constant 0 : i32
        %scatter3A_970 = tpu.memref_slice %arg7[%scan3A_801, %scatter3A_968, %scatter3A_969] : memref<2x4x4096xf32, #tpu.memory_space<vmem>> -> memref<1x4x4096xf32, #tpu.memory_space<vmem>>
        %scatter3A_971 = tpu.memref_squeeze %scatter3A_970 : memref<1x4x4096xf32, #tpu.memory_space<vmem>> -> memref<4x4096xf32, #tpu.memory_space<vmem>>
        tpu.vector_store_idx %scatter3A_971[%add3A_966, %add3A_967], %gather3A_963 : memref<4x4096xf32, #tpu.memory_space<vmem>>[vector<16xi32>, vector<16xi32>], vector<16xf32>,
        %add3A_972 = arith.constant 0 : i32
        %add3A_973 = vector.broadcast %add3A_972 : i32 to vector<16xi32>
        %add3A_974 = arith.addi %and3A_43, %add3A_973 : vector<16xi32>
        %gather3A_975 = arith.constant 0 : i32
        %gather3A_976 = arith.constant 0 : i32
        %gather3A_977 = tpu.memref_slice %arg6[%scan3A_800, %gather3A_975, %gather3A_976] : memref<4x512x32xf32, #tpu.memory_space<vmem>> -> memref<1x512x32xf32, #tpu.memory_space<vmem>>
        %gather3A_978 = tpu.memref_squeeze %gather3A_977 : memref<1x512x32xf32, #tpu.memory_space<vmem>> -> memref<512x32xf32, #tpu.memory_space<vmem>>
        %gather3A_979 = tpu.vector_load_idx %gather3A_978[%add3A_863, %add3A_974] : memref<512x32xf32, #tpu.memory_space<vmem>>[vector<16xi32>, vector<16xi32>], vector<16xf32>,
        %add3A_980 = arith.constant 0 : i32
        %add3A_981 = vector.broadcast %add3A_980 : i32 to vector<16xi32>
        %add3A_982 = arith.addi %shift_right_arithmetic3A_117, %add3A_981 : vector<16xi32>
        %add3A_983 = arith.addi %add3A_193, %add3A_877 : vector<16xi32>
        %scatter3A_984 = arith.constant 0 : i32
        %scatter3A_985 = arith.constant 0 : i32
        %scatter3A_986 = tpu.memref_slice %arg7[%scan3A_801, %scatter3A_984, %scatter3A_985] : memref<2x4x4096xf32, #tpu.memory_space<vmem>> -> memref<1x4x4096xf32, #tpu.memory_space<vmem>>
        %scatter3A_987 = tpu.memref_squeeze %scatter3A_986 : memref<1x4x4096xf32, #tpu.memory_space<vmem>> -> memref<4x4096xf32, #tpu.memory_space<vmem>>
        tpu.vector_store_idx %scatter3A_987[%add3A_982, %add3A_983], %gather3A_979 : memref<4x4096xf32, #tpu.memory_space<vmem>>[vector<16xi32>, vector<16xi32>], vector<16xf32>,
        %add3A_988 = arith.constant 0 : i32
        %add3A_989 = vector.broadcast %add3A_988 : i32 to vector<16xi32>
        %add3A_990 = arith.addi %and3A_49, %add3A_989 : vector<16xi32>
        %gather3A_991 = arith.constant 0 : i32
        %gather3A_992 = arith.constant 0 : i32
        %gather3A_993 = tpu.memref_slice %arg6[%scan3A_800, %gather3A_991, %gather3A_992] : memref<4x512x32xf32, #tpu.memory_space<vmem>> -> memref<1x512x32xf32, #tpu.memory_space<vmem>>
        %gather3A_994 = tpu.memref_squeeze %gather3A_993 : memref<1x512x32xf32, #tpu.memory_space<vmem>> -> memref<512x32xf32, #tpu.memory_space<vmem>>
        %gather3A_995 = tpu.vector_load_idx %gather3A_994[%add3A_863, %add3A_990] : memref<512x32xf32, #tpu.memory_space<vmem>>[vector<16xi32>, vector<16xi32>], vector<16xf32>,
        %add3A_996 = arith.constant 0 : i32
        %add3A_997 = vector.broadcast %add3A_996 : i32 to vector<16xi32>
        %add3A_998 = arith.addi %shift_right_arithmetic3A_120, %add3A_997 : vector<16xi32>
        %add3A_999 = arith.addi %add3A_200, %add3A_877 : vector<16xi32>
        %scatter3A_1000 = arith.constant 0 : i32
        %scatter3A_1001 = arith.constant 0 : i32
        %scatter3A_1002 = tpu.memref_slice %arg7[%scan3A_801, %scatter3A_1000, %scatter3A_1001] : memref<2x4x4096xf32, #tpu.memory_space<vmem>> -> memref<1x4x4096xf32, #tpu.memory_space<vmem>>
        %scatter3A_1003 = tpu.memref_squeeze %scatter3A_1002 : memref<1x4x4096xf32, #tpu.memory_space<vmem>> -> memref<4x4096xf32, #tpu.memory_space<vmem>>
        tpu.vector_store_idx %scatter3A_1003[%add3A_998, %add3A_999], %gather3A_995 : memref<4x4096xf32, #tpu.memory_space<vmem>>[vector<16xi32>, vector<16xi32>], vector<16xf32>,
        %add3A_1004 = arith.constant 0 : i32
        %add3A_1005 = vector.broadcast %add3A_1004 : i32 to vector<16xi32>
        %add3A_1006 = arith.addi %and3A_55, %add3A_1005 : vector<16xi32>
        %gather3A_1007 = arith.constant 0 : i32
        %gather3A_1008 = arith.constant 0 : i32
        %gather3A_1009 = tpu.memref_slice %arg6[%scan3A_800, %gather3A_1007, %gather3A_1008] : memref<4x512x32xf32, #tpu.memory_space<vmem>> -> memref<1x512x32xf32, #tpu.memory_space<vmem>>
        %gather3A_1010 = tpu.memref_squeeze %gather3A_1009 : memref<1x512x32xf32, #tpu.memory_space<vmem>> -> memref<512x32xf32, #tpu.memory_space<vmem>>
        %gather3A_1011 = tpu.vector_load_idx %gather3A_1010[%add3A_863, %add3A_1006] : memref<512x32xf32, #tpu.memory_space<vmem>>[vector<16xi32>, vector<16xi32>], vector<16xf32>,
        %add3A_1012 = arith.constant 0 : i32
        %add3A_1013 = vector.broadcast %add3A_1012 : i32 to vector<16xi32>
        %add3A_1014 = arith.addi %shift_right_arithmetic3A_123, %add3A_1013 : vector<16xi32>
        %add3A_1015 = arith.addi %add3A_207, %add3A_877 : vector<16xi32>
        %scatter3A_1016 = arith.constant 0 : i32
        %scatter3A_1017 = arith.constant 0 : i32
        %scatter3A_1018 = tpu.memref_slice %arg7[%scan3A_801, %scatter3A_1016, %scatter3A_1017] : memref<2x4x4096xf32, #tpu.memory_space<vmem>> -> memref<1x4x4096xf32, #tpu.memory_space<vmem>>
        %scatter3A_1019 = tpu.memref_squeeze %scatter3A_1018 : memref<1x4x4096xf32, #tpu.memory_space<vmem>> -> memref<4x4096xf32, #tpu.memory_space<vmem>>
        tpu.vector_store_idx %scatter3A_1019[%add3A_1014, %add3A_1015], %gather3A_1011 : memref<4x4096xf32, #tpu.memory_space<vmem>>[vector<16xi32>, vector<16xi32>], vector<16xf32>,
        %add3A_1020 = arith.constant 0 : i32
        %add3A_1021 = vector.broadcast %add3A_1020 : i32 to vector<16xi32>
        %add3A_1022 = arith.addi %and3A_61, %add3A_1021 : vector<16xi32>
        %gather3A_1023 = arith.constant 0 : i32
        %gather3A_1024 = arith.constant 0 : i32
        %gather3A_1025 = tpu.memref_slice %arg6[%scan3A_800, %gather3A_1023, %gather3A_1024] : memref<4x512x32xf32, #tpu.memory_space<vmem>> -> memref<1x512x32xf32, #tpu.memory_space<vmem>>
        %gather3A_1026 = tpu.memref_squeeze %gather3A_1025 : memref<1x512x32xf32, #tpu.memory_space<vmem>> -> memref<512x32xf32, #tpu.memory_space<vmem>>
        %gather3A_1027 = tpu.vector_load_idx %gather3A_1026[%add3A_863, %add3A_1022] : memref<512x32xf32, #tpu.memory_space<vmem>>[vector<16xi32>, vector<16xi32>], vector<16xf32>,
        %add3A_1028 = arith.constant 0 : i32
        %add3A_1029 = vector.broadcast %add3A_1028 : i32 to vector<16xi32>
        %add3A_1030 = arith.addi %shift_right_arithmetic3A_126, %add3A_1029 : vector<16xi32>
        %add3A_1031 = arith.addi %add3A_214, %add3A_877 : vector<16xi32>
        %scatter3A_1032 = arith.constant 0 : i32
        %scatter3A_1033 = arith.constant 0 : i32
        %scatter3A_1034 = tpu.memref_slice %arg7[%scan3A_801, %scatter3A_1032, %scatter3A_1033] : memref<2x4x4096xf32, #tpu.memory_space<vmem>> -> memref<1x4x4096xf32, #tpu.memory_space<vmem>>
        %scatter3A_1035 = tpu.memref_squeeze %scatter3A_1034 : memref<1x4x4096xf32, #tpu.memory_space<vmem>> -> memref<4x4096xf32, #tpu.memory_space<vmem>>
        tpu.vector_store_idx %scatter3A_1035[%add3A_1030, %add3A_1031], %gather3A_1027 : memref<4x4096xf32, #tpu.memory_space<vmem>>[vector<16xi32>, vector<16xi32>], vector<16xf32>,
        %add3A_1036 = arith.constant 0 : i32
        %add3A_1037 = vector.broadcast %add3A_1036 : i32 to vector<16xi32>
        %add3A_1038 = arith.addi %and3A_67, %add3A_1037 : vector<16xi32>
        %gather3A_1039 = arith.constant 0 : i32
        %gather3A_1040 = arith.constant 0 : i32
        %gather3A_1041 = tpu.memref_slice %arg6[%scan3A_800, %gather3A_1039, %gather3A_1040] : memref<4x512x32xf32, #tpu.memory_space<vmem>> -> memref<1x512x32xf32, #tpu.memory_space<vmem>>
        %gather3A_1042 = tpu.memref_squeeze %gather3A_1041 : memref<1x512x32xf32, #tpu.memory_space<vmem>> -> memref<512x32xf32, #tpu.memory_space<vmem>>
        %gather3A_1043 = tpu.vector_load_idx %gather3A_1042[%add3A_863, %add3A_1038] : memref<512x32xf32, #tpu.memory_space<vmem>>[vector<16xi32>, vector<16xi32>], vector<16xf32>,
        %add3A_1044 = arith.constant 0 : i32
        %add3A_1045 = vector.broadcast %add3A_1044 : i32 to vector<16xi32>
        %add3A_1046 = arith.addi %shift_right_arithmetic3A_129, %add3A_1045 : vector<16xi32>
        %add3A_1047 = arith.addi %add3A_221, %add3A_877 : vector<16xi32>
        %scatter3A_1048 = arith.constant 0 : i32
        %scatter3A_1049 = arith.constant 0 : i32
        %scatter3A_1050 = tpu.memref_slice %arg7[%scan3A_801, %scatter3A_1048, %scatter3A_1049] : memref<2x4x4096xf32, #tpu.memory_space<vmem>> -> memref<1x4x4096xf32, #tpu.memory_space<vmem>>
        %scatter3A_1051 = tpu.memref_squeeze %scatter3A_1050 : memref<1x4x4096xf32, #tpu.memory_space<vmem>> -> memref<4x4096xf32, #tpu.memory_space<vmem>>
        tpu.vector_store_idx %scatter3A_1051[%add3A_1046, %add3A_1047], %gather3A_1043 : memref<4x4096xf32, #tpu.memory_space<vmem>>[vector<16xi32>, vector<16xi32>], vector<16xf32>,
        %add3A_1052 = arith.constant 0 : i32
        %add3A_1053 = vector.broadcast %add3A_1052 : i32 to vector<16xi32>
        %add3A_1054 = arith.addi %and3A_73, %add3A_1053 : vector<16xi32>
        %gather3A_1055 = arith.constant 0 : i32
        %gather3A_1056 = arith.constant 0 : i32
        %gather3A_1057 = tpu.memref_slice %arg6[%scan3A_800, %gather3A_1055, %gather3A_1056] : memref<4x512x32xf32, #tpu.memory_space<vmem>> -> memref<1x512x32xf32, #tpu.memory_space<vmem>>
        %gather3A_1058 = tpu.memref_squeeze %gather3A_1057 : memref<1x512x32xf32, #tpu.memory_space<vmem>> -> memref<512x32xf32, #tpu.memory_space<vmem>>
        %gather3A_1059 = tpu.vector_load_idx %gather3A_1058[%add3A_863, %add3A_1054] : memref<512x32xf32, #tpu.memory_space<vmem>>[vector<16xi32>, vector<16xi32>], vector<16xf32>,
        %add3A_1060 = arith.constant 0 : i32
        %add3A_1061 = vector.broadcast %add3A_1060 : i32 to vector<16xi32>
        %add3A_1062 = arith.addi %shift_right_arithmetic3A_132, %add3A_1061 : vector<16xi32>
        %add3A_1063 = arith.addi %add3A_228, %add3A_877 : vector<16xi32>
        %scatter3A_1064 = arith.constant 0 : i32
        %scatter3A_1065 = arith.constant 0 : i32
        %scatter3A_1066 = tpu.memref_slice %arg7[%scan3A_801, %scatter3A_1064, %scatter3A_1065] : memref<2x4x4096xf32, #tpu.memory_space<vmem>> -> memref<1x4x4096xf32, #tpu.memory_space<vmem>>
        %scatter3A_1067 = tpu.memref_squeeze %scatter3A_1066 : memref<1x4x4096xf32, #tpu.memory_space<vmem>> -> memref<4x4096xf32, #tpu.memory_space<vmem>>
        tpu.vector_store_idx %scatter3A_1067[%add3A_1062, %add3A_1063], %gather3A_1059 : memref<4x4096xf32, #tpu.memory_space<vmem>>[vector<16xi32>, vector<16xi32>], vector<16xf32>,
        %add3A_1068 = arith.constant 0 : i32
        %add3A_1069 = vector.broadcast %add3A_1068 : i32 to vector<16xi32>
        %add3A_1070 = arith.addi %and3A_79, %add3A_1069 : vector<16xi32>
        %gather3A_1071 = arith.constant 0 : i32
        %gather3A_1072 = arith.constant 0 : i32
        %gather3A_1073 = tpu.memref_slice %arg6[%scan3A_800, %gather3A_1071, %gather3A_1072] : memref<4x512x32xf32, #tpu.memory_space<vmem>> -> memref<1x512x32xf32, #tpu.memory_space<vmem>>
        %gather3A_1074 = tpu.memref_squeeze %gather3A_1073 : memref<1x512x32xf32, #tpu.memory_space<vmem>> -> memref<512x32xf32, #tpu.memory_space<vmem>>
        %gather3A_1075 = tpu.vector_load_idx %gather3A_1074[%add3A_863, %add3A_1070] : memref<512x32xf32, #tpu.memory_space<vmem>>[vector<16xi32>, vector<16xi32>], vector<16xf32>,
        %add3A_1076 = arith.constant 0 : i32
        %add3A_1077 = vector.broadcast %add3A_1076 : i32 to vector<16xi32>
        %add3A_1078 = arith.addi %shift_right_arithmetic3A_135, %add3A_1077 : vector<16xi32>
        %add3A_1079 = arith.addi %add3A_235, %add3A_877 : vector<16xi32>
        %scatter3A_1080 = arith.constant 0 : i32
        %scatter3A_1081 = arith.constant 0 : i32
        %scatter3A_1082 = tpu.memref_slice %arg7[%scan3A_801, %scatter3A_1080, %scatter3A_1081] : memref<2x4x4096xf32, #tpu.memory_space<vmem>> -> memref<1x4x4096xf32, #tpu.memory_space<vmem>>
        %scatter3A_1083 = tpu.memref_squeeze %scatter3A_1082 : memref<1x4x4096xf32, #tpu.memory_space<vmem>> -> memref<4x4096xf32, #tpu.memory_space<vmem>>
        tpu.vector_store_idx %scatter3A_1083[%add3A_1078, %add3A_1079], %gather3A_1075 : memref<4x4096xf32, #tpu.memory_space<vmem>>[vector<16xi32>, vector<16xi32>], vector<16xf32>,
        %add3A_1084 = arith.constant 0 : i32
        %add3A_1085 = vector.broadcast %add3A_1084 : i32 to vector<16xi32>
        %add3A_1086 = arith.addi %and3A_85, %add3A_1085 : vector<16xi32>
        %gather3A_1087 = arith.constant 0 : i32
        %gather3A_1088 = arith.constant 0 : i32
        %gather3A_1089 = tpu.memref_slice %arg6[%scan3A_800, %gather3A_1087, %gather3A_1088] : memref<4x512x32xf32, #tpu.memory_space<vmem>> -> memref<1x512x32xf32, #tpu.memory_space<vmem>>
        %gather3A_1090 = tpu.memref_squeeze %gather3A_1089 : memref<1x512x32xf32, #tpu.memory_space<vmem>> -> memref<512x32xf32, #tpu.memory_space<vmem>>
        %gather3A_1091 = tpu.vector_load_idx %gather3A_1090[%add3A_863, %add3A_1086] : memref<512x32xf32, #tpu.memory_space<vmem>>[vector<16xi32>, vector<16xi32>], vector<16xf32>,
        %add3A_1092 = arith.constant 0 : i32
        %add3A_1093 = vector.broadcast %add3A_1092 : i32 to vector<16xi32>
        %add3A_1094 = arith.addi %shift_right_arithmetic3A_138, %add3A_1093 : vector<16xi32>
        %add3A_1095 = arith.addi %add3A_242, %add3A_877 : vector<16xi32>
        %scatter3A_1096 = arith.constant 0 : i32
        %scatter3A_1097 = arith.constant 0 : i32
        %scatter3A_1098 = tpu.memref_slice %arg7[%scan3A_801, %scatter3A_1096, %scatter3A_1097] : memref<2x4x4096xf32, #tpu.memory_space<vmem>> -> memref<1x4x4096xf32, #tpu.memory_space<vmem>>
        %scatter3A_1099 = tpu.memref_squeeze %scatter3A_1098 : memref<1x4x4096xf32, #tpu.memory_space<vmem>> -> memref<4x4096xf32, #tpu.memory_space<vmem>>
        tpu.vector_store_idx %scatter3A_1099[%add3A_1094, %add3A_1095], %gather3A_1091 : memref<4x4096xf32, #tpu.memory_space<vmem>>[vector<16xi32>, vector<16xi32>], vector<16xf32>,
        %add3A_1100 = arith.constant 0 : i32
        %add3A_1101 = vector.broadcast %add3A_1100 : i32 to vector<16xi32>
        %add3A_1102 = arith.addi %and3A_91, %add3A_1101 : vector<16xi32>
        %gather3A_1103 = arith.constant 0 : i32
        %gather3A_1104 = arith.constant 0 : i32
        %gather3A_1105 = tpu.memref_slice %arg6[%scan3A_800, %gather3A_1103, %gather3A_1104] : memref<4x512x32xf32, #tpu.memory_space<vmem>> -> memref<1x512x32xf32, #tpu.memory_space<vmem>>
        %gather3A_1106 = tpu.memref_squeeze %gather3A_1105 : memref<1x512x32xf32, #tpu.memory_space<vmem>> -> memref<512x32xf32, #tpu.memory_space<vmem>>
        %gather3A_1107 = tpu.vector_load_idx %gather3A_1106[%add3A_863, %add3A_1102] : memref<512x32xf32, #tpu.memory_space<vmem>>[vector<16xi32>, vector<16xi32>], vector<16xf32>,
        %add3A_1108 = arith.constant 0 : i32
        %add3A_1109 = vector.broadcast %add3A_1108 : i32 to vector<16xi32>
        %add3A_1110 = arith.addi %shift_right_arithmetic3A_141, %add3A_1109 : vector<16xi32>
        %add3A_1111 = arith.addi %add3A_249, %add3A_877 : vector<16xi32>
        %scatter3A_1112 = arith.constant 0 : i32
        %scatter3A_1113 = arith.constant 0 : i32
        %scatter3A_1114 = tpu.memref_slice %arg7[%scan3A_801, %scatter3A_1112, %scatter3A_1113] : memref<2x4x4096xf32, #tpu.memory_space<vmem>> -> memref<1x4x4096xf32, #tpu.memory_space<vmem>>
        %scatter3A_1115 = tpu.memref_squeeze %scatter3A_1114 : memref<1x4x4096xf32, #tpu.memory_space<vmem>> -> memref<4x4096xf32, #tpu.memory_space<vmem>>
        tpu.vector_store_idx %scatter3A_1115[%add3A_1110, %add3A_1111], %gather3A_1107 : memref<4x4096xf32, #tpu.memory_space<vmem>>[vector<16xi32>, vector<16xi32>], vector<16xf32>,
        %add3A_1116 = arith.constant 0 : i32
        %add3A_1117 = vector.broadcast %add3A_1116 : i32 to vector<16xi32>
        %add3A_1118 = arith.addi %and3A_97, %add3A_1117 : vector<16xi32>
        %gather3A_1119 = arith.constant 0 : i32
        %gather3A_1120 = arith.constant 0 : i32
        %gather3A_1121 = tpu.memref_slice %arg6[%scan3A_800, %gather3A_1119, %gather3A_1120] : memref<4x512x32xf32, #tpu.memory_space<vmem>> -> memref<1x512x32xf32, #tpu.memory_space<vmem>>
        %gather3A_1122 = tpu.memref_squeeze %gather3A_1121 : memref<1x512x32xf32, #tpu.memory_space<vmem>> -> memref<512x32xf32, #tpu.memory_space<vmem>>
        %gather3A_1123 = tpu.vector_load_idx %gather3A_1122[%add3A_863, %add3A_1118] : memref<512x32xf32, #tpu.memory_space<vmem>>[vector<16xi32>, vector<16xi32>], vector<16xf32>,
        %add3A_1124 = arith.constant 0 : i32
        %add3A_1125 = vector.broadcast %add3A_1124 : i32 to vector<16xi32>
        %add3A_1126 = arith.addi %shift_right_arithmetic3A_144, %add3A_1125 : vector<16xi32>
        %add3A_1127 = arith.addi %add3A_256, %add3A_877 : vector<16xi32>
        %scatter3A_1128 = arith.constant 0 : i32
        %scatter3A_1129 = arith.constant 0 : i32
        %scatter3A_1130 = tpu.memref_slice %arg7[%scan3A_801, %scatter3A_1128, %scatter3A_1129] : memref<2x4x4096xf32, #tpu.memory_space<vmem>> -> memref<1x4x4096xf32, #tpu.memory_space<vmem>>
        %scatter3A_1131 = tpu.memref_squeeze %scatter3A_1130 : memref<1x4x4096xf32, #tpu.memory_space<vmem>> -> memref<4x4096xf32, #tpu.memory_space<vmem>>
        tpu.vector_store_idx %scatter3A_1131[%add3A_1126, %add3A_1127], %gather3A_1123 : memref<4x4096xf32, #tpu.memory_space<vmem>>[vector<16xi32>, vector<16xi32>], vector<16xf32>,
        %add3A_1132 = arith.constant 16 : i32
        %add3A_1133 = vector.broadcast %add3A_1132 : i32 to vector<16xi32>
        %add3A_1134 = arith.addi %and3A_7, %add3A_1133 : vector<16xi32>
        %gather3A_1135 = arith.constant 0 : i32
        %gather3A_1136 = arith.constant 0 : i32
        %gather3A_1137 = tpu.memref_slice %arg6[%scan3A_800, %gather3A_1135, %gather3A_1136] : memref<4x512x32xf32, #tpu.memory_space<vmem>> -> memref<1x512x32xf32, #tpu.memory_space<vmem>>
        %gather3A_1138 = tpu.memref_squeeze %gather3A_1137 : memref<1x512x32xf32, #tpu.memory_space<vmem>> -> memref<512x32xf32, #tpu.memory_space<vmem>>
        %gather3A_1139 = tpu.vector_load_idx %gather3A_1138[%add3A_863, %add3A_1134] : memref<512x32xf32, #tpu.memory_space<vmem>>[vector<16xi32>, vector<16xi32>], vector<16xf32>,
        %add3A_1140 = arith.constant 2 : i32
        %add3A_1141 = vector.broadcast %add3A_1140 : i32 to vector<16xi32>
        %add3A_1142 = arith.addi %shift_right_arithmetic3A_99, %add3A_1141 : vector<16xi32>
        %add3A_1143 = arith.addi %add3A_151, %add3A_877 : vector<16xi32>
        %scatter3A_1144 = arith.constant 0 : i32
        %scatter3A_1145 = arith.constant 0 : i32
        %scatter3A_1146 = tpu.memref_slice %arg7[%scan3A_801, %scatter3A_1144, %scatter3A_1145] : memref<2x4x4096xf32, #tpu.memory_space<vmem>> -> memref<1x4x4096xf32, #tpu.memory_space<vmem>>
        %scatter3A_1147 = tpu.memref_squeeze %scatter3A_1146 : memref<1x4x4096xf32, #tpu.memory_space<vmem>> -> memref<4x4096xf32, #tpu.memory_space<vmem>>
        tpu.vector_store_idx %scatter3A_1147[%add3A_1142, %add3A_1143], %gather3A_1139 : memref<4x4096xf32, #tpu.memory_space<vmem>>[vector<16xi32>, vector<16xi32>], vector<16xf32>,
        %add3A_1148 = arith.constant 16 : i32
        %add3A_1149 = vector.broadcast %add3A_1148 : i32 to vector<16xi32>
        %add3A_1150 = arith.addi %and3A_13, %add3A_1149 : vector<16xi32>
        %gather3A_1151 = arith.constant 0 : i32
        %gather3A_1152 = arith.constant 0 : i32
        %gather3A_1153 = tpu.memref_slice %arg6[%scan3A_800, %gather3A_1151, %gather3A_1152] : memref<4x512x32xf32, #tpu.memory_space<vmem>> -> memref<1x512x32xf32, #tpu.memory_space<vmem>>
        %gather3A_1154 = tpu.memref_squeeze %gather3A_1153 : memref<1x512x32xf32, #tpu.memory_space<vmem>> -> memref<512x32xf32, #tpu.memory_space<vmem>>
        %gather3A_1155 = tpu.vector_load_idx %gather3A_1154[%add3A_863, %add3A_1150] : memref<512x32xf32, #tpu.memory_space<vmem>>[vector<16xi32>, vector<16xi32>], vector<16xf32>,
        %add3A_1156 = arith.constant 2 : i32
        %add3A_1157 = vector.broadcast %add3A_1156 : i32 to vector<16xi32>
        %add3A_1158 = arith.addi %shift_right_arithmetic3A_102, %add3A_1157 : vector<16xi32>
        %add3A_1159 = arith.addi %add3A_158, %add3A_877 : vector<16xi32>
        %scatter3A_1160 = arith.constant 0 : i32
        %scatter3A_1161 = arith.constant 0 : i32
        %scatter3A_1162 = tpu.memref_slice %arg7[%scan3A_801, %scatter3A_1160, %scatter3A_1161] : memref<2x4x4096xf32, #tpu.memory_space<vmem>> -> memref<1x4x4096xf32, #tpu.memory_space<vmem>>
        %scatter3A_1163 = tpu.memref_squeeze %scatter3A_1162 : memref<1x4x4096xf32, #tpu.memory_space<vmem>> -> memref<4x4096xf32, #tpu.memory_space<vmem>>
        tpu.vector_store_idx %scatter3A_1163[%add3A_1158, %add3A_1159], %gather3A_1155 : memref<4x4096xf32, #tpu.memory_space<vmem>>[vector<16xi32>, vector<16xi32>], vector<16xf32>,
        %add3A_1164 = arith.constant 16 : i32
        %add3A_1165 = vector.broadcast %add3A_1164 : i32 to vector<16xi32>
        %add3A_1166 = arith.addi %and3A_19, %add3A_1165 : vector<16xi32>
        %gather3A_1167 = arith.constant 0 : i32
        %gather3A_1168 = arith.constant 0 : i32
        %gather3A_1169 = tpu.memref_slice %arg6[%scan3A_800, %gather3A_1167, %gather3A_1168] : memref<4x512x32xf32, #tpu.memory_space<vmem>> -> memref<1x512x32xf32, #tpu.memory_space<vmem>>
        %gather3A_1170 = tpu.memref_squeeze %gather3A_1169 : memref<1x512x32xf32, #tpu.memory_space<vmem>> -> memref<512x32xf32, #tpu.memory_space<vmem>>
        %gather3A_1171 = tpu.vector_load_idx %gather3A_1170[%add3A_863, %add3A_1166] : memref<512x32xf32, #tpu.memory_space<vmem>>[vector<16xi32>, vector<16xi32>], vector<16xf32>,
        %add3A_1172 = arith.constant 2 : i32
        %add3A_1173 = vector.broadcast %add3A_1172 : i32 to vector<16xi32>
        %add3A_1174 = arith.addi %shift_right_arithmetic3A_105, %add3A_1173 : vector<16xi32>
        %add3A_1175 = arith.addi %add3A_165, %add3A_877 : vector<16xi32>
        %scatter3A_1176 = arith.constant 0 : i32
        %scatter3A_1177 = arith.constant 0 : i32
        %scatter3A_1178 = tpu.memref_slice %arg7[%scan3A_801, %scatter3A_1176, %scatter3A_1177] : memref<2x4x4096xf32, #tpu.memory_space<vmem>> -> memref<1x4x4096xf32, #tpu.memory_space<vmem>>
        %scatter3A_1179 = tpu.memref_squeeze %scatter3A_1178 : memref<1x4x4096xf32, #tpu.memory_space<vmem>> -> memref<4x4096xf32, #tpu.memory_space<vmem>>
        tpu.vector_store_idx %scatter3A_1179[%add3A_1174, %add3A_1175], %gather3A_1171 : memref<4x4096xf32, #tpu.memory_space<vmem>>[vector<16xi32>, vector<16xi32>], vector<16xf32>,
        %add3A_1180 = arith.constant 16 : i32
        %add3A_1181 = vector.broadcast %add3A_1180 : i32 to vector<16xi32>
        %add3A_1182 = arith.addi %and3A_25, %add3A_1181 : vector<16xi32>
        %gather3A_1183 = arith.constant 0 : i32
        %gather3A_1184 = arith.constant 0 : i32
        %gather3A_1185 = tpu.memref_slice %arg6[%scan3A_800, %gather3A_1183, %gather3A_1184] : memref<4x512x32xf32, #tpu.memory_space<vmem>> -> memref<1x512x32xf32, #tpu.memory_space<vmem>>
        %gather3A_1186 = tpu.memref_squeeze %gather3A_1185 : memref<1x512x32xf32, #tpu.memory_space<vmem>> -> memref<512x32xf32, #tpu.memory_space<vmem>>
        %gather3A_1187 = tpu.vector_load_idx %gather3A_1186[%add3A_863, %add3A_1182] : memref<512x32xf32, #tpu.memory_space<vmem>>[vector<16xi32>, vector<16xi32>], vector<16xf32>,
        %add3A_1188 = arith.constant 2 : i32
        %add3A_1189 = vector.broadcast %add3A_1188 : i32 to vector<16xi32>
        %add3A_1190 = arith.addi %shift_right_arithmetic3A_108, %add3A_1189 : vector<16xi32>
        %add3A_1191 = arith.addi %add3A_172, %add3A_877 : vector<16xi32>
        %scatter3A_1192 = arith.constant 0 : i32
        %scatter3A_1193 = arith.constant 0 : i32
        %scatter3A_1194 = tpu.memref_slice %arg7[%scan3A_801, %scatter3A_1192, %scatter3A_1193] : memref<2x4x4096xf32, #tpu.memory_space<vmem>> -> memref<1x4x4096xf32, #tpu.memory_space<vmem>>
        %scatter3A_1195 = tpu.memref_squeeze %scatter3A_1194 : memref<1x4x4096xf32, #tpu.memory_space<vmem>> -> memref<4x4096xf32, #tpu.memory_space<vmem>>
        tpu.vector_store_idx %scatter3A_1195[%add3A_1190, %add3A_1191], %gather3A_1187 : memref<4x4096xf32, #tpu.memory_space<vmem>>[vector<16xi32>, vector<16xi32>], vector<16xf32>,
        %add3A_1196 = arith.constant 16 : i32
        %add3A_1197 = vector.broadcast %add3A_1196 : i32 to vector<16xi32>
        %add3A_1198 = arith.addi %and3A_31, %add3A_1197 : vector<16xi32>
        %gather3A_1199 = arith.constant 0 : i32
        %gather3A_1200 = arith.constant 0 : i32
        %gather3A_1201 = tpu.memref_slice %arg6[%scan3A_800, %gather3A_1199, %gather3A_1200] : memref<4x512x32xf32, #tpu.memory_space<vmem>> -> memref<1x512x32xf32, #tpu.memory_space<vmem>>
        %gather3A_1202 = tpu.memref_squeeze %gather3A_1201 : memref<1x512x32xf32, #tpu.memory_space<vmem>> -> memref<512x32xf32, #tpu.memory_space<vmem>>
        %gather3A_1203 = tpu.vector_load_idx %gather3A_1202[%add3A_863, %add3A_1198] : memref<512x32xf32, #tpu.memory_space<vmem>>[vector<16xi32>, vector<16xi32>], vector<16xf32>,
        %add3A_1204 = arith.constant 2 : i32
        %add3A_1205 = vector.broadcast %add3A_1204 : i32 to vector<16xi32>
        %add3A_1206 = arith.addi %shift_right_arithmetic3A_111, %add3A_1205 : vector<16xi32>
        %add3A_1207 = arith.addi %add3A_179, %add3A_877 : vector<16xi32>
        %scatter3A_1208 = arith.constant 0 : i32
        %scatter3A_1209 = arith.constant 0 : i32
        %scatter3A_1210 = tpu.memref_slice %arg7[%scan3A_801, %scatter3A_1208, %scatter3A_1209] : memref<2x4x4096xf32, #tpu.memory_space<vmem>> -> memref<1x4x4096xf32, #tpu.memory_space<vmem>>
        %scatter3A_1211 = tpu.memref_squeeze %scatter3A_1210 : memref<1x4x4096xf32, #tpu.memory_space<vmem>> -> memref<4x4096xf32, #tpu.memory_space<vmem>>
        tpu.vector_store_idx %scatter3A_1211[%add3A_1206, %add3A_1207], %gather3A_1203 : memref<4x4096xf32, #tpu.memory_space<vmem>>[vector<16xi32>, vector<16xi32>], vector<16xf32>,
        %add3A_1212 = arith.constant 16 : i32
        %add3A_1213 = vector.broadcast %add3A_1212 : i32 to vector<16xi32>
        %add3A_1214 = arith.addi %and3A_37, %add3A_1213 : vector<16xi32>
        %gather3A_1215 = arith.constant 0 : i32
        %gather3A_1216 = arith.constant 0 : i32
        %gather3A_1217 = tpu.memref_slice %arg6[%scan3A_800, %gather3A_1215, %gather3A_1216] : memref<4x512x32xf32, #tpu.memory_space<vmem>> -> memref<1x512x32xf32, #tpu.memory_space<vmem>>
        %gather3A_1218 = tpu.memref_squeeze %gather3A_1217 : memref<1x512x32xf32, #tpu.memory_space<vmem>> -> memref<512x32xf32, #tpu.memory_space<vmem>>
        %gather3A_1219 = tpu.vector_load_idx %gather3A_1218[%add3A_863, %add3A_1214] : memref<512x32xf32, #tpu.memory_space<vmem>>[vector<16xi32>, vector<16xi32>], vector<16xf32>,
        %add3A_1220 = arith.constant 2 : i32
        %add3A_1221 = vector.broadcast %add3A_1220 : i32 to vector<16xi32>
        %add3A_1222 = arith.addi %shift_right_arithmetic3A_114, %add3A_1221 : vector<16xi32>
        %add3A_1223 = arith.addi %add3A_186, %add3A_877 : vector<16xi32>
        %scatter3A_1224 = arith.constant 0 : i32
        %scatter3A_1225 = arith.constant 0 : i32
        %scatter3A_1226 = tpu.memref_slice %arg7[%scan3A_801, %scatter3A_1224, %scatter3A_1225] : memref<2x4x4096xf32, #tpu.memory_space<vmem>> -> memref<1x4x4096xf32, #tpu.memory_space<vmem>>
        %scatter3A_1227 = tpu.memref_squeeze %scatter3A_1226 : memref<1x4x4096xf32, #tpu.memory_space<vmem>> -> memref<4x4096xf32, #tpu.memory_space<vmem>>
        tpu.vector_store_idx %scatter3A_1227[%add3A_1222, %add3A_1223], %gather3A_1219 : memref<4x4096xf32, #tpu.memory_space<vmem>>[vector<16xi32>, vector<16xi32>], vector<16xf32>,
        %add3A_1228 = arith.constant 16 : i32
        %add3A_1229 = vector.broadcast %add3A_1228 : i32 to vector<16xi32>
        %add3A_1230 = arith.addi %and3A_43, %add3A_1229 : vector<16xi32>
        %gather3A_1231 = arith.constant 0 : i32
        %gather3A_1232 = arith.constant 0 : i32
        %gather3A_1233 = tpu.memref_slice %arg6[%scan3A_800, %gather3A_1231, %gather3A_1232] : memref<4x512x32xf32, #tpu.memory_space<vmem>> -> memref<1x512x32xf32, #tpu.memory_space<vmem>>
        %gather3A_1234 = tpu.memref_squeeze %gather3A_1233 : memref<1x512x32xf32, #tpu.memory_space<vmem>> -> memref<512x32xf32, #tpu.memory_space<vmem>>
        %gather3A_1235 = tpu.vector_load_idx %gather3A_1234[%add3A_863, %add3A_1230] : memref<512x32xf32, #tpu.memory_space<vmem>>[vector<16xi32>, vector<16xi32>], vector<16xf32>,
        %add3A_1236 = arith.constant 2 : i32
        %add3A_1237 = vector.broadcast %add3A_1236 : i32 to vector<16xi32>
        %add3A_1238 = arith.addi %shift_right_arithmetic3A_117, %add3A_1237 : vector<16xi32>
        %add3A_1239 = arith.addi %add3A_193, %add3A_877 : vector<16xi32>
        %scatter3A_1240 = arith.constant 0 : i32
        %scatter3A_1241 = arith.constant 0 : i32
        %scatter3A_1242 = tpu.memref_slice %arg7[%scan3A_801, %scatter3A_1240, %scatter3A_1241] : memref<2x4x4096xf32, #tpu.memory_space<vmem>> -> memref<1x4x4096xf32, #tpu.memory_space<vmem>>
        %scatter3A_1243 = tpu.memref_squeeze %scatter3A_1242 : memref<1x4x4096xf32, #tpu.memory_space<vmem>> -> memref<4x4096xf32, #tpu.memory_space<vmem>>
        tpu.vector_store_idx %scatter3A_1243[%add3A_1238, %add3A_1239], %gather3A_1235 : memref<4x4096xf32, #tpu.memory_space<vmem>>[vector<16xi32>, vector<16xi32>], vector<16xf32>,
        %add3A_1244 = arith.constant 16 : i32
        %add3A_1245 = vector.broadcast %add3A_1244 : i32 to vector<16xi32>
        %add3A_1246 = arith.addi %and3A_49, %add3A_1245 : vector<16xi32>
        %gather3A_1247 = arith.constant 0 : i32
        %gather3A_1248 = arith.constant 0 : i32
        %gather3A_1249 = tpu.memref_slice %arg6[%scan3A_800, %gather3A_1247, %gather3A_1248] : memref<4x512x32xf32, #tpu.memory_space<vmem>> -> memref<1x512x32xf32, #tpu.memory_space<vmem>>
        %gather3A_1250 = tpu.memref_squeeze %gather3A_1249 : memref<1x512x32xf32, #tpu.memory_space<vmem>> -> memref<512x32xf32, #tpu.memory_space<vmem>>
        %gather3A_1251 = tpu.vector_load_idx %gather3A_1250[%add3A_863, %add3A_1246] : memref<512x32xf32, #tpu.memory_space<vmem>>[vector<16xi32>, vector<16xi32>], vector<16xf32>,
        %add3A_1252 = arith.constant 2 : i32
        %add3A_1253 = vector.broadcast %add3A_1252 : i32 to vector<16xi32>
        %add3A_1254 = arith.addi %shift_right_arithmetic3A_120, %add3A_1253 : vector<16xi32>
        %add3A_1255 = arith.addi %add3A_200, %add3A_877 : vector<16xi32>
        %scatter3A_1256 = arith.constant 0 : i32
        %scatter3A_1257 = arith.constant 0 : i32
        %scatter3A_1258 = tpu.memref_slice %arg7[%scan3A_801, %scatter3A_1256, %scatter3A_1257] : memref<2x4x4096xf32, #tpu.memory_space<vmem>> -> memref<1x4x4096xf32, #tpu.memory_space<vmem>>
        %scatter3A_1259 = tpu.memref_squeeze %scatter3A_1258 : memref<1x4x4096xf32, #tpu.memory_space<vmem>> -> memref<4x4096xf32, #tpu.memory_space<vmem>>
        tpu.vector_store_idx %scatter3A_1259[%add3A_1254, %add3A_1255], %gather3A_1251 : memref<4x4096xf32, #tpu.memory_space<vmem>>[vector<16xi32>, vector<16xi32>], vector<16xf32>,
        %add3A_1260 = arith.constant 16 : i32
        %add3A_1261 = vector.broadcast %add3A_1260 : i32 to vector<16xi32>
        %add3A_1262 = arith.addi %and3A_55, %add3A_1261 : vector<16xi32>
        %gather3A_1263 = arith.constant 0 : i32
        %gather3A_1264 = arith.constant 0 : i32
        %gather3A_1265 = tpu.memref_slice %arg6[%scan3A_800, %gather3A_1263, %gather3A_1264] : memref<4x512x32xf32, #tpu.memory_space<vmem>> -> memref<1x512x32xf32, #tpu.memory_space<vmem>>
        %gather3A_1266 = tpu.memref_squeeze %gather3A_1265 : memref<1x512x32xf32, #tpu.memory_space<vmem>> -> memref<512x32xf32, #tpu.memory_space<vmem>>
        %gather3A_1267 = tpu.vector_load_idx %gather3A_1266[%add3A_863, %add3A_1262] : memref<512x32xf32, #tpu.memory_space<vmem>>[vector<16xi32>, vector<16xi32>], vector<16xf32>,
        %add3A_1268 = arith.constant 2 : i32
        %add3A_1269 = vector.broadcast %add3A_1268 : i32 to vector<16xi32>
        %add3A_1270 = arith.addi %shift_right_arithmetic3A_123, %add3A_1269 : vector<16xi32>
        %add3A_1271 = arith.addi %add3A_207, %add3A_877 : vector<16xi32>
        %scatter3A_1272 = arith.constant 0 : i32
        %scatter3A_1273 = arith.constant 0 : i32
        %scatter3A_1274 = tpu.memref_slice %arg7[%scan3A_801, %scatter3A_1272, %scatter3A_1273] : memref<2x4x4096xf32, #tpu.memory_space<vmem>> -> memref<1x4x4096xf32, #tpu.memory_space<vmem>>
        %scatter3A_1275 = tpu.memref_squeeze %scatter3A_1274 : memref<1x4x4096xf32, #tpu.memory_space<vmem>> -> memref<4x4096xf32, #tpu.memory_space<vmem>>
        tpu.vector_store_idx %scatter3A_1275[%add3A_1270, %add3A_1271], %gather3A_1267 : memref<4x4096xf32, #tpu.memory_space<vmem>>[vector<16xi32>, vector<16xi32>], vector<16xf32>,
        %add3A_1276 = arith.constant 16 : i32
        %add3A_1277 = vector.broadcast %add3A_1276 : i32 to vector<16xi32>
        %add3A_1278 = arith.addi %and3A_61, %add3A_1277 : vector<16xi32>
        %gather3A_1279 = arith.constant 0 : i32
        %gather3A_1280 = arith.constant 0 : i32
        %gather3A_1281 = tpu.memref_slice %arg6[%scan3A_800, %gather3A_1279, %gather3A_1280] : memref<4x512x32xf32, #tpu.memory_space<vmem>> -> memref<1x512x32xf32, #tpu.memory_space<vmem>>
        %gather3A_1282 = tpu.memref_squeeze %gather3A_1281 : memref<1x512x32xf32, #tpu.memory_space<vmem>> -> memref<512x32xf32, #tpu.memory_space<vmem>>
        %gather3A_1283 = tpu.vector_load_idx %gather3A_1282[%add3A_863, %add3A_1278] : memref<512x32xf32, #tpu.memory_space<vmem>>[vector<16xi32>, vector<16xi32>], vector<16xf32>,
        %add3A_1284 = arith.constant 2 : i32
        %add3A_1285 = vector.broadcast %add3A_1284 : i32 to vector<16xi32>
        %add3A_1286 = arith.addi %shift_right_arithmetic3A_126, %add3A_1285 : vector<16xi32>
        %add3A_1287 = arith.addi %add3A_214, %add3A_877 : vector<16xi32>
        %scatter3A_1288 = arith.constant 0 : i32
        %scatter3A_1289 = arith.constant 0 : i32
        %scatter3A_1290 = tpu.memref_slice %arg7[%scan3A_801, %scatter3A_1288, %scatter3A_1289] : memref<2x4x4096xf32, #tpu.memory_space<vmem>> -> memref<1x4x4096xf32, #tpu.memory_space<vmem>>
        %scatter3A_1291 = tpu.memref_squeeze %scatter3A_1290 : memref<1x4x4096xf32, #tpu.memory_space<vmem>> -> memref<4x4096xf32, #tpu.memory_space<vmem>>
        tpu.vector_store_idx %scatter3A_1291[%add3A_1286, %add3A_1287], %gather3A_1283 : memref<4x4096xf32, #tpu.memory_space<vmem>>[vector<16xi32>, vector<16xi32>], vector<16xf32>,
        %add3A_1292 = arith.constant 16 : i32
        %add3A_1293 = vector.broadcast %add3A_1292 : i32 to vector<16xi32>
        %add3A_1294 = arith.addi %and3A_67, %add3A_1293 : vector<16xi32>
        %gather3A_1295 = arith.constant 0 : i32
        %gather3A_1296 = arith.constant 0 : i32
        %gather3A_1297 = tpu.memref_slice %arg6[%scan3A_800, %gather3A_1295, %gather3A_1296] : memref<4x512x32xf32, #tpu.memory_space<vmem>> -> memref<1x512x32xf32, #tpu.memory_space<vmem>>
        %gather3A_1298 = tpu.memref_squeeze %gather3A_1297 : memref<1x512x32xf32, #tpu.memory_space<vmem>> -> memref<512x32xf32, #tpu.memory_space<vmem>>
        %gather3A_1299 = tpu.vector_load_idx %gather3A_1298[%add3A_863, %add3A_1294] : memref<512x32xf32, #tpu.memory_space<vmem>>[vector<16xi32>, vector<16xi32>], vector<16xf32>,
        %add3A_1300 = arith.constant 2 : i32
        %add3A_1301 = vector.broadcast %add3A_1300 : i32 to vector<16xi32>
        %add3A_1302 = arith.addi %shift_right_arithmetic3A_129, %add3A_1301 : vector<16xi32>
        %add3A_1303 = arith.addi %add3A_221, %add3A_877 : vector<16xi32>
        %scatter3A_1304 = arith.constant 0 : i32
        %scatter3A_1305 = arith.constant 0 : i32
        %scatter3A_1306 = tpu.memref_slice %arg7[%scan3A_801, %scatter3A_1304, %scatter3A_1305] : memref<2x4x4096xf32, #tpu.memory_space<vmem>> -> memref<1x4x4096xf32, #tpu.memory_space<vmem>>
        %scatter3A_1307 = tpu.memref_squeeze %scatter3A_1306 : memref<1x4x4096xf32, #tpu.memory_space<vmem>> -> memref<4x4096xf32, #tpu.memory_space<vmem>>
        tpu.vector_store_idx %scatter3A_1307[%add3A_1302, %add3A_1303], %gather3A_1299 : memref<4x4096xf32, #tpu.memory_space<vmem>>[vector<16xi32>, vector<16xi32>], vector<16xf32>,
        %add3A_1308 = arith.constant 16 : i32
        %add3A_1309 = vector.broadcast %add3A_1308 : i32 to vector<16xi32>
        %add3A_1310 = arith.addi %and3A_73, %add3A_1309 : vector<16xi32>
        %gather3A_1311 = arith.constant 0 : i32
        %gather3A_1312 = arith.constant 0 : i32
        %gather3A_1313 = tpu.memref_slice %arg6[%scan3A_800, %gather3A_1311, %gather3A_1312] : memref<4x512x32xf32, #tpu.memory_space<vmem>> -> memref<1x512x32xf32, #tpu.memory_space<vmem>>
        %gather3A_1314 = tpu.memref_squeeze %gather3A_1313 : memref<1x512x32xf32, #tpu.memory_space<vmem>> -> memref<512x32xf32, #tpu.memory_space<vmem>>
        %gather3A_1315 = tpu.vector_load_idx %gather3A_1314[%add3A_863, %add3A_1310] : memref<512x32xf32, #tpu.memory_space<vmem>>[vector<16xi32>, vector<16xi32>], vector<16xf32>,
        %add3A_1316 = arith.constant 2 : i32
        %add3A_1317 = vector.broadcast %add3A_1316 : i32 to vector<16xi32>
        %add3A_1318 = arith.addi %shift_right_arithmetic3A_132, %add3A_1317 : vector<16xi32>
        %add3A_1319 = arith.addi %add3A_228, %add3A_877 : vector<16xi32>
        %scatter3A_1320 = arith.constant 0 : i32
        %scatter3A_1321 = arith.constant 0 : i32
        %scatter3A_1322 = tpu.memref_slice %arg7[%scan3A_801, %scatter3A_1320, %scatter3A_1321] : memref<2x4x4096xf32, #tpu.memory_space<vmem>> -> memref<1x4x4096xf32, #tpu.memory_space<vmem>>
        %scatter3A_1323 = tpu.memref_squeeze %scatter3A_1322 : memref<1x4x4096xf32, #tpu.memory_space<vmem>> -> memref<4x4096xf32, #tpu.memory_space<vmem>>
        tpu.vector_store_idx %scatter3A_1323[%add3A_1318, %add3A_1319], %gather3A_1315 : memref<4x4096xf32, #tpu.memory_space<vmem>>[vector<16xi32>, vector<16xi32>], vector<16xf32>,
        %add3A_1324 = arith.constant 16 : i32
        %add3A_1325 = vector.broadcast %add3A_1324 : i32 to vector<16xi32>
        %add3A_1326 = arith.addi %and3A_79, %add3A_1325 : vector<16xi32>
        %gather3A_1327 = arith.constant 0 : i32
        %gather3A_1328 = arith.constant 0 : i32
        %gather3A_1329 = tpu.memref_slice %arg6[%scan3A_800, %gather3A_1327, %gather3A_1328] : memref<4x512x32xf32, #tpu.memory_space<vmem>> -> memref<1x512x32xf32, #tpu.memory_space<vmem>>
        %gather3A_1330 = tpu.memref_squeeze %gather3A_1329 : memref<1x512x32xf32, #tpu.memory_space<vmem>> -> memref<512x32xf32, #tpu.memory_space<vmem>>
        %gather3A_1331 = tpu.vector_load_idx %gather3A_1330[%add3A_863, %add3A_1326] : memref<512x32xf32, #tpu.memory_space<vmem>>[vector<16xi32>, vector<16xi32>], vector<16xf32>,
        %add3A_1332 = arith.constant 2 : i32
        %add3A_1333 = vector.broadcast %add3A_1332 : i32 to vector<16xi32>
        %add3A_1334 = arith.addi %shift_right_arithmetic3A_135, %add3A_1333 : vector<16xi32>
        %add3A_1335 = arith.addi %add3A_235, %add3A_877 : vector<16xi32>
        %scatter3A_1336 = arith.constant 0 : i32
        %scatter3A_1337 = arith.constant 0 : i32
        %scatter3A_1338 = tpu.memref_slice %arg7[%scan3A_801, %scatter3A_1336, %scatter3A_1337] : memref<2x4x4096xf32, #tpu.memory_space<vmem>> -> memref<1x4x4096xf32, #tpu.memory_space<vmem>>
        %scatter3A_1339 = tpu.memref_squeeze %scatter3A_1338 : memref<1x4x4096xf32, #tpu.memory_space<vmem>> -> memref<4x4096xf32, #tpu.memory_space<vmem>>
        tpu.vector_store_idx %scatter3A_1339[%add3A_1334, %add3A_1335], %gather3A_1331 : memref<4x4096xf32, #tpu.memory_space<vmem>>[vector<16xi32>, vector<16xi32>], vector<16xf32>,
        %add3A_1340 = arith.constant 16 : i32
        %add3A_1341 = vector.broadcast %add3A_1340 : i32 to vector<16xi32>
        %add3A_1342 = arith.addi %and3A_85, %add3A_1341 : vector<16xi32>
        %gather3A_1343 = arith.constant 0 : i32
        %gather3A_1344 = arith.constant 0 : i32
        %gather3A_1345 = tpu.memref_slice %arg6[%scan3A_800, %gather3A_1343, %gather3A_1344] : memref<4x512x32xf32, #tpu.memory_space<vmem>> -> memref<1x512x32xf32, #tpu.memory_space<vmem>>
        %gather3A_1346 = tpu.memref_squeeze %gather3A_1345 : memref<1x512x32xf32, #tpu.memory_space<vmem>> -> memref<512x32xf32, #tpu.memory_space<vmem>>
        %gather3A_1347 = tpu.vector_load_idx %gather3A_1346[%add3A_863, %add3A_1342] : memref<512x32xf32, #tpu.memory_space<vmem>>[vector<16xi32>, vector<16xi32>], vector<16xf32>,
        %add3A_1348 = arith.constant 2 : i32
        %add3A_1349 = vector.broadcast %add3A_1348 : i32 to vector<16xi32>
        %add3A_1350 = arith.addi %shift_right_arithmetic3A_138, %add3A_1349 : vector<16xi32>
        %add3A_1351 = arith.addi %add3A_242, %add3A_877 : vector<16xi32>
        %scatter3A_1352 = arith.constant 0 : i32
        %scatter3A_1353 = arith.constant 0 : i32
        %scatter3A_1354 = tpu.memref_slice %arg7[%scan3A_801, %scatter3A_1352, %scatter3A_1353] : memref<2x4x4096xf32, #tpu.memory_space<vmem>> -> memref<1x4x4096xf32, #tpu.memory_space<vmem>>
        %scatter3A_1355 = tpu.memref_squeeze %scatter3A_1354 : memref<1x4x4096xf32, #tpu.memory_space<vmem>> -> memref<4x4096xf32, #tpu.memory_space<vmem>>
        tpu.vector_store_idx %scatter3A_1355[%add3A_1350, %add3A_1351], %gather3A_1347 : memref<4x4096xf32, #tpu.memory_space<vmem>>[vector<16xi32>, vector<16xi32>], vector<16xf32>,
        %add3A_1356 = arith.constant 16 : i32
        %add3A_1357 = vector.broadcast %add3A_1356 : i32 to vector<16xi32>
        %add3A_1358 = arith.addi %and3A_91, %add3A_1357 : vector<16xi32>
        %gather3A_1359 = arith.constant 0 : i32
        %gather3A_1360 = arith.constant 0 : i32
        %gather3A_1361 = tpu.memref_slice %arg6[%scan3A_800, %gather3A_1359, %gather3A_1360] : memref<4x512x32xf32, #tpu.memory_space<vmem>> -> memref<1x512x32xf32, #tpu.memory_space<vmem>>
        %gather3A_1362 = tpu.memref_squeeze %gather3A_1361 : memref<1x512x32xf32, #tpu.memory_space<vmem>> -> memref<512x32xf32, #tpu.memory_space<vmem>>
        %gather3A_1363 = tpu.vector_load_idx %gather3A_1362[%add3A_863, %add3A_1358] : memref<512x32xf32, #tpu.memory_space<vmem>>[vector<16xi32>, vector<16xi32>], vector<16xf32>,
        %add3A_1364 = arith.constant 2 : i32
        %add3A_1365 = vector.broadcast %add3A_1364 : i32 to vector<16xi32>
        %add3A_1366 = arith.addi %shift_right_arithmetic3A_141, %add3A_1365 : vector<16xi32>
        %add3A_1367 = arith.addi %add3A_249, %add3A_877 : vector<16xi32>
        %scatter3A_1368 = arith.constant 0 : i32
        %scatter3A_1369 = arith.constant 0 : i32
        %scatter3A_1370 = tpu.memref_slice %arg7[%scan3A_801, %scatter3A_1368, %scatter3A_1369] : memref<2x4x4096xf32, #tpu.memory_space<vmem>> -> memref<1x4x4096xf32, #tpu.memory_space<vmem>>
        %scatter3A_1371 = tpu.memref_squeeze %scatter3A_1370 : memref<1x4x4096xf32, #tpu.memory_space<vmem>> -> memref<4x4096xf32, #tpu.memory_space<vmem>>
        tpu.vector_store_idx %scatter3A_1371[%add3A_1366, %add3A_1367], %gather3A_1363 : memref<4x4096xf32, #tpu.memory_space<vmem>>[vector<16xi32>, vector<16xi32>], vector<16xf32>,
        %add3A_1372 = arith.constant 16 : i32
        %add3A_1373 = vector.broadcast %add3A_1372 : i32 to vector<16xi32>
        %add3A_1374 = arith.addi %and3A_97, %add3A_1373 : vector<16xi32>
        %gather3A_1375 = arith.constant 0 : i32
        %gather3A_1376 = arith.constant 0 : i32
        %gather3A_1377 = tpu.memref_slice %arg6[%scan3A_800, %gather3A_1375, %gather3A_1376] : memref<4x512x32xf32, #tpu.memory_space<vmem>> -> memref<1x512x32xf32, #tpu.memory_space<vmem>>
        %gather3A_1378 = tpu.memref_squeeze %gather3A_1377 : memref<1x512x32xf32, #tpu.memory_space<vmem>> -> memref<512x32xf32, #tpu.memory_space<vmem>>
        %gather3A_1379 = tpu.vector_load_idx %gather3A_1378[%add3A_863, %add3A_1374] : memref<512x32xf32, #tpu.memory_space<vmem>>[vector<16xi32>, vector<16xi32>], vector<16xf32>,
        %add3A_1380 = arith.constant 2 : i32
        %add3A_1381 = vector.broadcast %add3A_1380 : i32 to vector<16xi32>
        %add3A_1382 = arith.addi %shift_right_arithmetic3A_144, %add3A_1381 : vector<16xi32>
        %add3A_1383 = arith.addi %add3A_256, %add3A_877 : vector<16xi32>
        %scatter3A_1384 = arith.constant 0 : i32
        %scatter3A_1385 = arith.constant 0 : i32
        %scatter3A_1386 = tpu.memref_slice %arg7[%scan3A_801, %scatter3A_1384, %scatter3A_1385] : memref<2x4x4096xf32, #tpu.memory_space<vmem>> -> memref<1x4x4096xf32, #tpu.memory_space<vmem>>
        %scatter3A_1387 = tpu.memref_squeeze %scatter3A_1386 : memref<1x4x4096xf32, #tpu.memory_space<vmem>> -> memref<4x4096xf32, #tpu.memory_space<vmem>>
        tpu.vector_store_idx %scatter3A_1387[%add3A_1382, %add3A_1383], %gather3A_1379 : memref<4x4096xf32, #tpu.memory_space<vmem>>[vector<16xi32>, vector<16xi32>], vector<16xf32>,
      }
      %scan3A_806 = arith.constant 32 : i32
      %add3A_807 = arith.addi %mul3A_2, %add3A_774 : i32
      %jit3A_808 = arith.constant 32 : i32
      %div3A_809 = arith.divsi %add3A_807, %jit3A_808 : i32
      %sign3A_810 = arith.constant 0 : i32
      %sign3A_811 = arith.cmpi sgt, %add3A_807, %sign3A_810 : i32
      %sign3A_812 = arith.extui %sign3A_811 : i1 to i32
      %sign3A_813 = arith.constant 0 : i32
      %sign3A_814 = arith.cmpi slt, %add3A_807, %sign3A_813 : i32
      %sign3A_815 = arith.extui %sign3A_814 : i1 to i32
      %sign3A_816 = arith.subi %sign3A_812, %sign3A_815 : i32
      %sign3A_817 = arith.constant 0 : i32
      %sign3A_818 = arith.cmpi sgt, %jit3A_808, %sign3A_817 : i32
      %sign3A_819 = arith.extui %sign3A_818 : i1 to i32
      %sign3A_820 = arith.constant 0 : i32
      %sign3A_821 = arith.cmpi slt, %jit3A_808, %sign3A_820 : i32
      %sign3A_822 = arith.extui %sign3A_821 : i1 to i32
      %sign3A_823 = arith.subi %sign3A_819, %sign3A_822 : i32
      %ne3A_824 = arith.cmpi ne, %sign3A_816, %sign3A_823 : i32
      %rem3A_825 = arith.remsi %add3A_807, %jit3A_808 : i32
      %ne3A_826 = arith.constant 0 : i32
      %ne3A_827 = arith.cmpi ne, %rem3A_825, %ne3A_826 : i32
      %and3A_828 = arith.andi %ne3A_824, %ne3A_827 : i1
      %sub3A_829 = arith.constant 1 : i32
      %sub3A_830 = arith.subi %div3A_809, %sub3A_829 : i32
      %select_n3A_831 = arith.select %and3A_828, %sub3A_830, %div3A_809 : i32
      %mul3A_832 = arith.constant 32 : i32
      %mul3A_833 = arith.muli %select_n3A_831, %mul3A_832 : i32
      %sub3A_834 = arith.subi %add3A_807, %mul3A_833 : i32
      %mul3A_835 = arith.constant 4096 : i32
      %mul3A_836 = arith.muli %sub3A_834, %mul3A_835 : i32
      %dma_start3A_837 = arith.constant 1 : i32
      %dma_start3A_838 = arith.constant 0 : i32
      %dma_start3A_839 = arith.constant 0 : i32
      %dma_start3A_840 = tpu.memref_slice %arg7[%dma_start3A_837, %dma_start3A_838, %dma_start3A_839] : memref<2x4x4096xf32, #tpu.memory_space<vmem>> -> memref<1x4x4096xf32, #tpu.memory_space<vmem>>
      %dma_start3A_841 = tpu.memref_squeeze %dma_start3A_840 : memref<1x4x4096xf32, #tpu.memory_space<vmem>> -> memref<4x4096xf32, #tpu.memory_space<vmem>>
      %dma_start3A_842 = arith.constant 0 : i32
      %dma_start3A_843 = tpu.memref_slice %arg4[%select_n3A_831, %dma_start3A_842, %mul3A_836] : memref<200x4x131072xf32, #tpu.memory_space<hbm>> -> memref<1x4x4096xf32, #tpu.memory_space<hbm>>
      %dma_start3A_844 = tpu.memref_squeeze %dma_start3A_843 : memref<1x4x4096xf32, #tpu.memory_space<hbm>> -> memref<4x4096xf32, #tpu.memory_space<hbm>>
      %dma_start3A_845 = arith.constant 0 : i32
      %dma_start3A_846 = tpu.memref_slice %arg4[%select_n3A_831, %dma_start3A_845, %mul3A_836] : memref<200x4x131072xf32, #tpu.memory_space<hbm>> -> memref<1x4x4096xf32, #tpu.memory_space<hbm>>
      %dma_start3A_847 = tpu.memref_squeeze %dma_start3A_846 : memref<1x4x4096xf32, #tpu.memory_space<hbm>> -> memref<4x4096xf32, #tpu.memory_space<hbm>>
      %dma_start3A_848 = arith.constant 0 : i32
      %dma_start3A_849 = arith.constant 0 : i32
      %dma_start3A_850 = tpu.memref_slice %arg7[%dma_start3A_837, %dma_start3A_848, %dma_start3A_849] : memref<2x4x4096xf32, #tpu.memory_space<vmem>> -> memref<1x4x4096xf32, #tpu.memory_space<vmem>>
      %dma_start3A_851 = tpu.memref_squeeze %dma_start3A_850 : memref<1x4x4096xf32, #tpu.memory_space<vmem>> -> memref<4x4096xf32, #tpu.memory_space<vmem>>
      tpu.enqueue_dma source(%dma_start3A_851 : memref<4x4096xf32, #tpu.memory_space<vmem>>) target(%dma_start3A_847 : memref<4x4096xf32, #tpu.memory_space<hbm>>) target_semaphore(%arg17 : memref<!tpu.dma_semaphore, #tpu.memory_space<semaphore_mem>>)
      %add3A_852 = arith.constant 4 : i32
      %add3A_853 = arith.addi %add3A_774, %add3A_852 : i32
      %lt3A_854 = arith.constant 200 : i32
      %lt3A_855 = arith.cmpi slt, %add3A_853, %lt3A_854 : i32
      %convert_element_type3A_856 = arith.extui %lt3A_855 : i1 to i32
      %cond3A_857 = arith.constant 0 : i32
      %cond3A_858 = arith.cmpi ne, %convert_element_type3A_856, %cond3A_857 : i32
      scf.if %cond3A_858 {
        %add3A_859 = arith.addi %mul3A_2, %add3A_774 : i32
        %add3A_860 = arith.constant 4 : i32
        %add3A_861 = arith.addi %add3A_859, %add3A_860 : i32
        %jit3A_862 = arith.constant 32 : i32
        %div3A_863 = arith.divsi %add3A_861, %jit3A_862 : i32
        %sign3A_864 = arith.constant 0 : i32
        %sign3A_865 = arith.cmpi sgt, %add3A_861, %sign3A_864 : i32
        %sign3A_866 = arith.extui %sign3A_865 : i1 to i32
        %sign3A_867 = arith.constant 0 : i32
        %sign3A_868 = arith.cmpi slt, %add3A_861, %sign3A_867 : i32
        %sign3A_869 = arith.extui %sign3A_868 : i1 to i32
        %sign3A_870 = arith.subi %sign3A_866, %sign3A_869 : i32
        %sign3A_871 = arith.constant 0 : i32
        %sign3A_872 = arith.cmpi sgt, %jit3A_862, %sign3A_871 : i32
        %sign3A_873 = arith.extui %sign3A_872 : i1 to i32
        %sign3A_874 = arith.constant 0 : i32
        %sign3A_875 = arith.cmpi slt, %jit3A_862, %sign3A_874 : i32
        %sign3A_876 = arith.extui %sign3A_875 : i1 to i32
        %sign3A_877 = arith.subi %sign3A_873, %sign3A_876 : i32
        %ne3A_878 = arith.cmpi ne, %sign3A_870, %sign3A_877 : i32
        %rem3A_879 = arith.remsi %add3A_861, %jit3A_862 : i32
        %ne3A_880 = arith.constant 0 : i32
        %ne3A_881 = arith.cmpi ne, %rem3A_879, %ne3A_880 : i32
        %and3A_882 = arith.andi %ne3A_878, %ne3A_881 : i1
        %sub3A_883 = arith.constant 1 : i32
        %sub3A_884 = arith.subi %div3A_863, %sub3A_883 : i32
        %select_n3A_885 = arith.select %and3A_882, %sub3A_884, %div3A_863 : i32
        %mul3A_886 = arith.constant 32 : i32
        %mul3A_887 = arith.muli %select_n3A_885, %mul3A_886 : i32
        %sub3A_888 = arith.subi %add3A_861, %mul3A_887 : i32
        %mul3A_889 = arith.constant 16384 : i32
        %mul3A_890 = arith.muli %select_n3A_885, %mul3A_889 : i32
        %mul3A_891 = arith.constant 512 : i32
        %mul3A_892 = arith.muli %sub3A_888, %mul3A_891 : i32
        %add3A_893 = arith.addi %mul3A_890, %mul3A_892 : i32
        %multiple_of3A_894 = tpu.assume_multiple %add3A_893, 8 : i32
        %dma_start3A_895 = arith.constant 3 : i32
        %dma_start3A_896 = arith.constant 0 : i32
        %dma_start3A_897 = tpu.memref_slice %arg5[%dma_start3A_895, %dma_start3A_896] : memref<4x512xi32, #tpu.memory_space<vmem>> -> memref<1x512xi32, #tpu.memory_space<vmem>>
        %dma_start3A_898 = tpu.memref_squeeze %dma_start3A_897 : memref<1x512xi32, #tpu.memory_space<vmem>> -> memref<512xi32, #tpu.memory_space<vmem>>
        %dma_start3A_899 = tpu.memref_slice %arg2[%multiple_of3A_894] : memref<3276800xi32, #tpu.memory_space<hbm>> -> memref<512xi32, #tpu.memory_space<hbm>>
        %dma_start3A_900 = arith.constant 0 : i32
        %dma_start3A_901 = tpu.memref_slice %arg5[%dma_start3A_895, %dma_start3A_900] : memref<4x512xi32, #tpu.memory_space<vmem>> -> memref<1x512xi32, #tpu.memory_space<vmem>>
        %dma_start3A_902 = tpu.memref_squeeze %dma_start3A_901 : memref<1x512xi32, #tpu.memory_space<vmem>> -> memref<512xi32, #tpu.memory_space<vmem>>
        %dma_start3A_903 = tpu.memref_slice %arg2[%multiple_of3A_894] : memref<3276800xi32, #tpu.memory_space<hbm>> -> memref<512xi32, #tpu.memory_space<hbm>>
        tpu.enqueue_dma source(%dma_start3A_903 : memref<512xi32, #tpu.memory_space<hbm>>) target(%dma_start3A_902 : memref<512xi32, #tpu.memory_space<vmem>>) target_semaphore(%arg11 : memref<!tpu.dma_semaphore, #tpu.memory_space<semaphore_mem>>)
      } else {
      }
    }
    %scan3A_473 = arith.constant 50 : i32
    %dma_wait3A_474 = arith.constant 0 : i32
    %dma_wait3A_475 = arith.constant 0 : i32
    %dma_wait3A_476 = arith.constant 0 : i32
    %dma_wait3A_477 = arith.constant 0 : i32
    %dma_wait3A_478 = tpu.memref_slice %arg7[%dma_wait3A_474, %dma_wait3A_476, %dma_wait3A_477] : memref<2x4x4096xf32, #tpu.memory_space<vmem>> -> memref<1x4x4096xf32, #tpu.memory_space<vmem>>
    %dma_wait3A_479 = tpu.memref_squeeze %dma_wait3A_478 : memref<1x4x4096xf32, #tpu.memory_space<vmem>> -> memref<4x4096xf32, #tpu.memory_space<vmem>>
    %dma_wait3A_480 = arith.constant 0 : i32
    %dma_wait3A_481 = arith.constant 0 : i32
    %dma_wait3A_482 = tpu.memref_slice %arg4[%dma_wait3A_475, %dma_wait3A_480, %dma_wait3A_481] : memref<200x4x131072xf32, #tpu.memory_space<hbm>> -> memref<1x4x4096xf32, #tpu.memory_space<hbm>>
    %dma_wait3A_483 = tpu.memref_squeeze %dma_wait3A_482 : memref<1x4x4096xf32, #tpu.memory_space<hbm>> -> memref<4x4096xf32, #tpu.memory_space<hbm>>
    %dma_wait3A_484 = arith.constant 0 : i32
    %dma_wait3A_485 = arith.constant 0 : i32
    %dma_wait3A_486 = tpu.memref_slice %arg4[%dma_wait3A_475, %dma_wait3A_484, %dma_wait3A_485] : memref<200x4x131072xf32, #tpu.memory_space<hbm>> -> memref<1x4x4096xf32, #tpu.memory_space<hbm>>
    %dma_wait3A_487 = tpu.memref_squeeze %dma_wait3A_486 : memref<1x4x4096xf32, #tpu.memory_space<hbm>> -> memref<4x4096xf32, #tpu.memory_space<hbm>>
    %dma_wait3A_488 = arith.constant 0 : i32
    %dma_wait3A_489 = arith.constant 0 : i32
    %dma_wait3A_490 = tpu.memref_slice %arg7[%dma_wait3A_474, %dma_wait3A_488, %dma_wait3A_489] : memref<2x4x4096xf32, #tpu.memory_space<vmem>> -> memref<1x4x4096xf32, #tpu.memory_space<vmem>>
    %dma_wait3A_491 = tpu.memref_squeeze %dma_wait3A_490 : memref<1x4x4096xf32, #tpu.memory_space<vmem>> -> memref<4x4096xf32, #tpu.memory_space<vmem>>
    tpu.wait_dma2 semaphore(%arg16 : memref<!tpu.dma_semaphore, #tpu.memory_space<semaphore_mem>>) src(%dma_wait3A_491 : memref<4x4096xf32, #tpu.memory_space<vmem>>) dst(%dma_wait3A_487 : memref<4x4096xf32, #tpu.memory_space<hbm>>)
    %dma_wait3A_492 = arith.constant 1 : i32
    %dma_wait3A_493 = arith.constant 0 : i32
    %dma_wait3A_494 = arith.constant 0 : i32
    %dma_wait3A_495 = arith.constant 0 : i32
    %dma_wait3A_496 = tpu.memref_slice %arg7[%dma_wait3A_492, %dma_wait3A_494, %dma_wait3A_495] : memref<2x4x4096xf32, #tpu.memory_space<vmem>> -> memref<1x4x4096xf32, #tpu.memory_space<vmem>>
    %dma_wait3A_497 = tpu.memref_squeeze %dma_wait3A_496 : memref<1x4x4096xf32, #tpu.memory_space<vmem>> -> memref<4x4096xf32, #tpu.memory_space<vmem>>
    %dma_wait3A_498 = arith.constant 0 : i32
    %dma_wait3A_499 = arith.constant 0 : i32
    %dma_wait3A_500 = tpu.memref_slice %arg4[%dma_wait3A_493, %dma_wait3A_498, %dma_wait3A_499] : memref<200x4x131072xf32, #tpu.memory_space<hbm>> -> memref<1x4x4096xf32, #tpu.memory_space<hbm>>
    %dma_wait3A_501 = tpu.memref_squeeze %dma_wait3A_500 : memref<1x4x4096xf32, #tpu.memory_space<hbm>> -> memref<4x4096xf32, #tpu.memory_space<hbm>>
    %dma_wait3A_502 = arith.constant 0 : i32
    %dma_wait3A_503 = arith.constant 0 : i32
    %dma_wait3A_504 = tpu.memref_slice %arg4[%dma_wait3A_493, %dma_wait3A_502, %dma_wait3A_503] : memref<200x4x131072xf32, #tpu.memory_space<hbm>> -> memref<1x4x4096xf32, #tpu.memory_space<hbm>>
    %dma_wait3A_505 = tpu.memref_squeeze %dma_wait3A_504 : memref<1x4x4096xf32, #tpu.memory_space<hbm>> -> memref<4x4096xf32, #tpu.memory_space<hbm>>
    %dma_wait3A_506 = arith.constant 0 : i32
    %dma_wait3A_507 = arith.constant 0 : i32
    %dma_wait3A_508 = tpu.memref_slice %arg7[%dma_wait3A_492, %dma_wait3A_506, %dma_wait3A_507] : memref<2x4x4096xf32, #tpu.memory_space<vmem>> -> memref<1x4x4096xf32, #tpu.memory_space<vmem>>
    %dma_wait3A_509 = tpu.memref_squeeze %dma_wait3A_508 : memref<1x4x4096xf32, #tpu.memory_space<vmem>> -> memref<4x4096xf32, #tpu.memory_space<vmem>>
    tpu.wait_dma2 semaphore(%arg17 : memref<!tpu.dma_semaphore, #tpu.memory_space<semaphore_mem>>) src(%dma_wait3A_509 : memref<4x4096xf32, #tpu.memory_space<vmem>>) dst(%dma_wait3A_505 : memref<4x4096xf32, #tpu.memory_space<hbm>>)
    return
  }
}

</mosaic_0001>

<sc_bundles>
// kernel: kernel.3.cloned.1.call-start
scs
__scs_entry_jumppad:
0x0: {  	(pc) =	sbr.rel $0x88, $3  }
0x1: {  	(tag) =	ssettag $0x0;
	lr =	simm.s32 $0x1  }
0x2: {  	[smem:$0x3F9F] =	sst lr;
	_ =	strace $0xD0000000  }
0x3: {  	_ = 	snop  }
0x4: {  	_ = 	snop  }
0x5: {  	_ = 	snop  }
0x6: {  	_ = 	snop  }
0x7: {  	_ = 	snop  }
__scs_overlays_trampoline_lowered:
0x8: {  	[smem:$0x3FAE] =	sst s0  }
0x9: {  	[smem:$0x3FAF] =	sst s1  }
0xa: {  	[smem:$0x3FB0] =	sst s2  }
0xb: {  	[smem:$0x3FB1] =	sst s3  }
0xc: {  	[smem:$0x3FB2] =	sst s4  }
0xd: {  	[smem:$0x3FB3] =	sst s5  }
0xe: {  	[smem:$0x3FB4] =	sst s6  }
0xf: {  	[smem:$0x3FB5] =	sst s7  }
0x10: {  	[smem:$0x3FB6] =	sst s8  }
0x11: {  	[smem:$0x3FB7] =	sst s9;
	s0 =	simm.s32 @!p0 $0x0  }
0x12: {  	s1 =	sld [smem:$0x3F9D];
	s0 =	simm.s32 @p0 $0x1  }
0x13: {  	[smem:$0x3FB8] =	sst s0;
	s0 =	simm.s32 @!p1 $0x0  }
0x14: {  	s2 =	sld [smem:$0x3F9C];
	s0 =	simm.s32 @p1 $0x1  }
0x15: {  	[smem:$0x3FB9] =	sst s0;
	s0 =	simm.s32 @!p2 $0x0  }
0x16: {  	s3 =	sld [smem:$0x3FDB];
	s0 =	simm.s32 @p2 $0x1  }
0x17: {  	s4 =	simm.s32 $0x1BF5;
	[smem:$0x3FBB] =	sst s0  }
0x18: {  	s0 =	sld [smem:$0x3F9E];
	_ =	swait.ge [sflag:s4], $0x0  }
0x19: {  	s7 =	sld [smem:$0x3F9F]  }
0x1a: {  	s8 =	sadd.s32 $0xFFFFE003, lr  }
0x1b: {  	s9 =	sadd.s32 $0xFFFFFEF7, lr;
	s5 =	simm.s32 $0xFFFFFFFF;
	p2 =	slt.u32 s8, $0xFFFFF086  }
0x1c: {  	p1 =	slt.u32 s9, $0xF7A;
	s5 =	simm.s32 @!p2 $0x0  }
0x1d: {  	s5 =	simm.s32 @p1 $0x1;
	p0 =	seq.s32 s7, s2  }
0x1e: {  	s7 =	smul.u32 @!p0 $0xF7A, s2;
	p2 =	seq.s32 @!p0 s5, $0x0  }
0x1f: {  	s9 =	smul.u32 $0xF7A, s1;
	s8 =	simm.s32 @!p0 $0x1BF5;
	p2 =	por !p2, p0  }
0x20: {  	[sflag:s8] =	ssyncset.s32 @!p0 $0xFFFFF086;
	s6 =	sadd.s32 @!p0 s3, s7;
	s7 =	simm.s32 @!p0 $0x108  }
0x21: {  	s3 =	sadd.s32 s3, s9;
	s6 =	sadd.s32 @!p0 $0x88, s6;
	s7 =	simm.s32 @p2 $0x1082  }
0x22: {  	[simem:s7], [sflag:s8] =	dma.local @!p0 [hbm:s6], $0xF7A  }
0x23: {  	s9 =	sor.u32 $0xD0000000, s2;
	s6 =	simm.s32 $0x108;
	_ =	swait.ge @!p0 [sflag:s8], $0x0  }
0x24: {  	s3 =	sadd.s32 $0x88, s3;
	s6 =	simm.s32 @!p1 $0x1082;
	[sflag:s4] =	ssyncset.s32 $0xFFFFF086  }
0x25: {  	[simem:s6], [sflag:s4] =	dma.local [hbm:s3], $0xF7A  }
0x26: {  	[smem:$0x3F9F] =	sst s1;
	(tag) =	ssettag s2;
	_ =	strace s9  }
0x27: {  	s1 =	sld [smem:$0x3FAF]  }
0x28: {  	s2 =	sld [smem:$0x3FB0]  }
0x29: {  	s4 =	sld [smem:$0x3FB2]  }
0x2a: {  	p0 =	seq.s32 s5, $0x0;
	s5 =	sld [smem:$0x3FB3]  }
0x2b: {  	s6 =	sld [smem:$0x3FB4]  }
0x2c: {  	s7 =	sld [smem:$0x3FB5]  }
0x2d: {  	s3 =	simm.s32 $0x108;
	s8 =	sld [smem:$0x3FB6]  }
0x2e: {  	s3 =	simm.s32 @!p0 $0x1082;
	s9 =	sld [smem:$0x3FB7]  }
0x2f: {  	lr =	sadd.s32 s0, s3;
	s0 =	sld [smem:$0x3FAE]  }
0x30: {  	s3 =	sld [smem:$0x3FB1]  }
0x31: {  	[smem:$0x3FBA] =	sst s10  }
0x32: {  	s10 =	sld [smem:$0x3FB8];
	_ =	sdelay $0x3  }
0x33: {  	p0 =	seq.s32 s10, $0x1;
	s10 =	sld [smem:$0x3FBA];
	_ =	sdelay $0x3  }
0x34: {  	[smem:$0x3FBA] =	sst s10  }
0x35: {  	s10 =	sld [smem:$0x3FB9];
	_ =	sdelay $0x3  }
0x36: {  	p1 =	seq.s32 s10, $0x1;
	s10 =	sld [smem:$0x3FBA];
	_ =	sdelay $0x3  }
0x37: {  	[smem:$0x3FBA] =	sst s10  }
0x38: {  	s10 =	sld [smem:$0x3FBB]  }
0x39: {  	_ = 	snop;
	(pc) =	sbr.ind lr, $3  }
0x3a: {  	_ = 	snop  }
0x3b: {  	_ = 	snop  }
0x3c: {  	p2 =	seq.s32 s10, $0x1;
	s10 =	sld [smem:$0x3FBA]  }
0x3d: {  	_ =	shalt  }
0x3e: {  	_ =	shalt  }
0x3f: {  	_ =	shalt  }
0x40: {  	_ =	shalt  }
0x41: {  	_ =	shalt  }
0x42: {  	_ =	shalt  }
0x43: {  	_ =	shalt  }
0x44: {  	_ =	shalt  }
0x45: {  	_ =	shalt  }
0x46: {  	_ =	shalt  }
0x47: {  	_ =	shalt  }
0x48: {  	_ =	shalt  }
0x49: {  	_ =	shalt  }
0x4a: {  	_ =	shalt  }
0x4b: {  	_ =	shalt  }
0x4c: {  	_ =	shalt  }
0x4d: {  	_ =	shalt  }
0x4e: {  	_ =	shalt  }
0x4f: {  	_ =	shalt  }
0x50: {  	_ =	shalt  }
0x51: {  	_ =	shalt  }
0x52: {  	_ =	shalt  }
0x53: {  	_ =	shalt  }
0x54: {  	_ =	shalt  }
0x55: {  	_ =	shalt  }
0x56: {  	_ =	shalt  }
0x57: {  	_ =	shalt  }
0x58: {  	_ =	shalt  }
0x59: {  	_ =	shalt  }
0x5a: {  	_ =	shalt  }
0x5b: {  	_ =	shalt  }
0x5c: {  	_ =	shalt  }
0x5d: {  	_ =	shalt  }
0x5e: {  	_ =	shalt  }
0x5f: {  	_ =	shalt  }
0x60: {  	_ =	shalt  }
0x61: {  	_ =	shalt  }
0x62: {  	_ =	shalt  }
0x63: {  	_ =	shalt  }
0x64: {  	_ =	shalt  }
0x65: {  	_ =	shalt  }
0x66: {  	_ =	shalt  }
0x67: {  	_ =	shalt  }
0x68: {  	_ =	shalt  }
0x69: {  	_ =	shalt  }
0x6a: {  	_ =	shalt  }
0x6b: {  	_ =	shalt  }
0x6c: {  	_ =	shalt  }
0x6d: {  	_ =	shalt  }
0x6e: {  	_ =	shalt  }
0x6f: {  	_ =	shalt  }
0x70: {  	_ =	shalt  }
0x71: {  	_ =	shalt  }
0x72: {  	_ =	shalt  }
0x73: {  	_ =	shalt  }
0x74: {  	_ =	shalt  }
0x75: {  	_ =	shalt  }
0x76: {  	_ =	shalt  }
0x77: {  	_ =	shalt  }
0x78: {  	_ =	shalt  }
0x79: {  	_ =	shalt  }
0x7a: {  	_ =	shalt  }
0x7b: {  	_ =	shalt  }
0x7c: {  	_ =	shalt  }
0x7d: {  	_ =	shalt  }
0x7e: {  	_ =	shalt  }
0x7f: {  	_ =	shalt  }
0x80: {  	_ =	shalt  }
0x81: {  	_ =	shalt  }
0x82: {  	_ =	shalt  }
0x83: {  	_ =	shalt  }
0x84: {  	_ =	shalt  }
0x85: {  	_ =	shalt  }
0x86: {  	_ =	shalt  }
0x87: {  	_ =	shalt  }
.Lfunc_end0:
.L_simem_size_0:
called_computation_lowered:
.L_overlay_start_0:
0x88: {  	s2 =	sld [smem:$0x3FD9]  }
0x89: {  	s3 =	sld [smem:$0x3FFE];
	_ =	sdelay $0x1  }
0x8a: {  	s1 =	srdreg.scid  }
0x8b: {  	s0 =	sand.u32 $0x1, s1  }
0x8c: {  	s17 =	sshll.u32 s0, $0xA;
	s2 =	sadd.s32 s3, s2  }
0x8d: {  	s2 =	sadd.s32 s2, s17  }
0x8e: {  	[smem:$0x3FC6] =	sst s2  }
0x8f: {  	_ = 	snop  }
0x90: {  	s2 =	sld [smem:$0x3FD0];
	(tm) =	ssettm $0x1  }
0x91: {  	s18 =	sld [smem:$0x3FFB];
	_ =	sdelay $0x3  }
0x92: {  	_ =	strace s18  }
0x93: {  	s3 =	sld [smem:$0x3FFC];
	_ =	sdelay $0x3  }
0x94: {  	_ =	strace s3  }
0x95: {  	s3 =	sld [smem:$0x3FFD];
	_ =	sdelay $0x3  }
0x96: {  	_ =	strace s3  }
0x97: {  	_ =	strace $0x8FFFFFFF  }
0x98: {  	s19 =	sld [smem:$0x3FDB];
	_ =	sdelay $0x1  }
0x99: {  	s4 =	simm.s32 $_scs_section_size  }
0x9a: {  	s5 =	simm.s32 $_size__tile_overlayer_lowered;
	s6 =	simm.s32 $_tile_overlayer_lowered  }
0x9b: {  	s22 =	simm.s32 $0x1BFF;
	s21 =	sshll.u32 s6, $0x1;
	s3 =	sadd.s32 s4, s19  }
0x9c: {  	s7 =	simm.s32 $0x0;
	s20 =	sshll.u32 s5, $0x1;
	s5 =	sadd.s32 s21, s3  }
0x9d: {  	[timem:s7], [sflag:s22] =	dma.local [hbm:s5], s20  }
0x9e: {  	_ =	swait.ge [sflag:s22], s20  }
0x9f: {  	s4 =	ssub.s32 $0x0, s20;
	[sflag:s22] =	ssyncset.done $0x0  }
0xa0: {  	[sflag:s22] =	ssyncadd.s32 s4;
	_ =	sdelay $0x1  }
0xa1: {  	s23 =	simm.s32 $0x1B8B  }
0xa2: {  	_ =	swait.ge [sflag:s23], $0x1  }
0xa3: {  	[sflag:s23] =	ssyncset.done $0x0  }
0xa4: {  	s25 =	simm.s32 $0x1B8E;
	s24 =	sld [smem:$0x3FFE];
	[sflag:s23] =	ssyncadd.s32 $0xFFFFFFFF  }
0xa5: {  	s26 =	simm.s32 $execute0_lowered;
	[smem:$0x3FD2] =	sst s25  }
0xa6: {  	s5 =	sshll.u32 s26, $0x1;
	_ =	strace $0x80000046;
	[dreg:$0x1] =	wrdreg $0xFFFFFFFF  }
0xa7: {  	s28 =	simm.s32 $_size_execute0_lowered;
	s3 =	sadd.s32 s3, s5;
	[dreg:$0x0] =	wrdreg $0x0  }
0xa8: {  	s5 =	sshll.u32 s28, $0x1;
	[dreg:$0x2] =	wrdreg s3  }
0xa9: {  	[dreg:$0x3] =	wrdreg s5  }
0xaa: {  	[dreg:$0x4] =	wrdreg $0xC0  }
0xab: {  	_ =	task [dreg:s7], $0x5FFFF  }
0xac: {  	[dreg:$0x1] =	wrdreg $0xFFFFFFFF  }
0xad: {  	[dreg:$0x0] =	wrdreg $0x60  }
0xae: {  	[dreg:$0x2] =	wrdreg s24  }
0xaf: {  	[dreg:$0x3] =	wrdreg s2  }
0xb0: {  	[dreg:$0x4] =	wrdreg $0x9  }
0xb1: {  	_ =	task.clear_ibuf [dreg:s7], $0x5FFFF;
	_ =	strace $0x90000046  }
0xb2: {  	s29 =	simm.s32 $0x9;
	_ =	strace $0x80000048  }
0xb3: {  	_ =	swait.ge [sflag:s29], $0x1  }
0xb4: {  	[sflag:s29] =	ssyncadd.s32 $0xFFFFFFFF  }
0xb5: {  	_ =	strace $0x90000048  }
0xb6: {  	_ =	sfence  }
0xb7: {  	s30 =	sld [smem:$0x0];
	_ =	sdelay $0x2  }
0xb8: {  	s31 =	sshll.u32 s1, $0xD;
	s1 =	sshrl.u32 s1, $0x2  }
0xb9: {  	s3 =	sand.u32 $0x4000, s31;
	s1 =	sadd.s32 s1, s30  }
0xba: {  	s0 =	sor.u32 s3, s0;
	s1 =	sshll.u32 s1, $0x11  }
0xbb: {  	s0 =	sor.u32 s1, s0  }
0xbc: {  	s0 =	sadd.s32 $0x8F2B, s0  }
0xbd: {  	[sflag:s0] =	ssyncadd.remote.s32 $0x1  }
0xbe: {  	_ =	sfence.sel $0xFFFF  }
0xbf: {  	[dreg:$0x0] =	wrdreg $0xFFFFFFFF;
	(pc) =	sbr.abs _section_cstart, $3  }
0xc0: {  	[dreg:$0x1] =	wrdreg $0xFFFFFFFF  }
0xc1: {  	_ =	task.clear_ibuf [dreg:s7], $0x2FFFF;
	_ =	strace $0x9FFFFFFF  }
0xc2: {  	(tm) =	ssettm $0x7FFFFFFF  }
0xc3: {  	_ =	shalt  }
tec
execute0_lowered:
.L_overlay_start_1:
0x0: {  	(tag) =	ssettag $0x1  }
0x1: {  	v0 =	vimm.s32 $0x138F;
	vm15 =	vcmask $0x300  }
0x2: {  	vm14 =	vcmask $0x704;
	vm13 =	vcmask $0xB08;
	vm12 =	vcmask $0xF0C  }
0x3: {  	vm11 =	vcmask $0x1310;
	vm10 =	vcmask $0x1714;
	v0 =	vsel vm15, $0x0, v0  }
0x4: {  	vm9 =	vcmask $0x1B18;
	vm8 =	vcmask $0x1F1C;
	v0 =	vsel vm14, $0x81, v0  }
0x5: {  	vm7 =	vcmask $0x2320;
	vm5 =	vcmask $0x2724;
	v0 =	vsel vm13, $0x102, v0  }
0x6: {  	vm4 =	vcmask $0x2B28;
	v1 =	vimm.s32 $0xF;
	v0 =	vsel vm12, $0x183, v0  }
0x7: {  	vm3 =	vcmask $0x2F2C;
	vm2 =	vcmask $0x3330;
	v0 =	vsel vm11, $0x204, v0  }
0x8: {  	vm1 =	vcmask $0x3734;
	v2 =	vimm.s32 $0xFEDCBA9;
	v0 =	vsel vm10, $0x285, v0  }
0x9: {  	v3 =	vimm.s32 $0x87654321;
	v5 =	vimm.s32 $0x8F;
	v0 =	vsel vm9, $0x306, v0  }
0xa: {  	vm6 =	vcmask $0x3B38;
	v6 =	vimm.s32 $0x210FEDCB;
	v0 =	vsel vm8, $0x387, v0  }
0xb: {  	v7 =	vimm.s32 $0xA9876543;
	v1 =	vsel vm15, $0x80, v1;
	v0 =	vsel vm7, $0x1008, v0  }
0xc: {  	v2 =	vunpack.c.l.s4.s8 v2;
	v1 =	vsel vm14, $0x101, v1;
	v0 =	vsel vm5, $0x1089, v0  }
0xd: {  	v3 =	vunpack.c.l.s4.s8 v3;
	v1 =	vsel vm13, $0x182, v1;
	v0 =	vsel vm4, $0x110A, v0  }
0xe: {  	v6 =	vunpack.c.l.s4.s8 v6;
	v1 =	vsel vm12, $0x203, v1;
	v0 =	vsel vm3, $0x118B, v0  }
0xf: {  	v7 =	vunpack.c.l.s4.s8 v7;
	v1 =	vsel vm11, $0x284, v1;
	v0 =	vsel vm2, $0x120C, v0  }
0x10: {  	v1 =	vsel vm10, $0x305, v1;
	v4 =	vsel vm1, $0x128D, v0;
	v0 =	vunpack.c.0.s8.s32 v2  }
0x11: {  	v2 =	vsel vm9, $0x386, v1;
	v1 =	vunpack.c.0.s8.s32 v3;
	v3 =	vsel vm15, $0x100, v5  }
0x12: {  	v2 =	vsel vm8, $0x1007, v2;
	v3 =	vsel vm14, $0x181, v3;
	v35 =	vsel vm6, $0x130E, v4  }
0x13: {  	v4 =	vimm.s32 $0x10FEDCBA;
	v2 =	vsel vm7, $0x1088, v2;
	v5 =	vcombine.low v1, v0  }
0x14: {  	v3 =	vsel vm13, $0x202, v3;
	v4 =	vunpack.c.l.s4.s8 v4;
	v2 =	vsel vm5, $0x1109, v2  }
0x15: {  	v3 =	vsel vm12, $0x283, v3;
	v2 =	vsel vm4, $0x118A, v2;
	v9 =	vand.u32 $0xF, v5  }
0x16: {  	v3 =	vsel vm11, $0x304, v3;
	v5 =	vimm.s32 $0x98765432;
	v19 =	vunpack.c.0.s8.s32 v4  }
0x17: {  	v4 =	vimm.s32 $0x10F;
	v2 =	vsel vm3, $0x120B, v2;
	v3 =	vsel vm10, $0x385, v3  }
0x18: {  	v5 =	vunpack.c.l.s4.s8 v5;
	v4 =	vsel vm15, $0x180, v4;
	v3 =	vsel vm9, $0x1006, v3  }
0x19: {  	v2 =	vsel vm2, $0x128C, v2;
	v4 =	vsel vm14, $0x201, v4;
	v3 =	vsel vm8, $0x1087, v3  }
0x1a: {  	v20 =	vunpack.c.0.s8.s32 v5;
	v4 =	vsel vm13, $0x282, v4;
	v3 =	vsel vm7, $0x1108, v3  }
0x1b: {  	v2 =	vsel vm1, $0x130D, v2;
	v4 =	vsel vm12, $0x303, v4;
	v5 =	vsel vm5, $0x1189, v3  }
0x1c: {  	v3 =	vsel vm6, $0x138E, v2;
	v2 =	vsel vm4, $0x120A, v5;
	v5 =	vcombine.low v20, v19  }
0x1d: {  	v21 =	vunpack.c.0.s8.s32 v6;
	v8 =	vsel vm11, $0x384, v4  }
0x1e: {  	v22 =	vunpack.c.0.s8.s32 v7;
	v38 =	vand.u32 $0xF, v5;
	v5 =	vsel vm10, $0x1005, v8  }
0x1f: {  	v6 =	vimm.s32 $0x18F;
	v2 =	vsel vm3, $0x128B, v2;
	v5 =	vsel vm9, $0x1086, v5  }
0x20: {  	v6 =	vsel vm15, $0x200, v6;
	v2 =	vsel vm2, $0x130C, v2;
	v5 =	vsel vm8, $0x1107, v5  }
0x21: {  	v7 =	vcombine.low v22, v21;
	v2 =	vsel vm1, $0x138D, v2;
	v8 =	vsel vm7, $0x1188, v5  }
0x22: {  	v54 =	vsel vm6, $0xE, v2;
	v2 =	vsel vm5, $0x1209, v8;
	v8 =	vsel vm14, $0x281, v6  }
0x23: {  	v43 =	vand.u32 $0xF, v7;
	v4 =	vmovc v3;
	v3 =	vmovc v9;
	v9 =	vimm.s32 $0xBA987654;
	v7 =	vsel vm13, $0x302, v8  }
0x24: {  	v9 =	vunpack.c.l.s4.s8 v9;
	v8 =	vimm.s32 $0x3210FEDC;
	v7 =	vsel vm12, $0x383, v7  }
0x25: {  	v2 =	vsel vm4, $0x128A, v2;
	v8 =	vunpack.c.l.s4.s8 v8;
	v7 =	vsel vm11, $0x1004, v7  }
0x26: {  	v24 =	vunpack.c.0.s8.s32 v9;
	v2 =	vsel vm3, $0x130B, v2;
	v7 =	vsel vm10, $0x1085, v7  }
0x27: {  	v23 =	vunpack.c.0.s8.s32 v8;
	v8 =	vimm.s32 $0x20F;
	v7 =	vsel vm9, $0x1106, v7  }
0x28: {  	v2 =	vsel vm2, $0x138C, v2;
	v8 =	vsel vm15, $0x280, v8;
	v7 =	vsel vm8, $0x1187, v7  }
0x29: {  	v2 =	vsel vm1, $0xD, v2;
	v8 =	vsel vm14, $0x301, v8;
	v7 =	vsel vm7, $0x1208, v7  }
0x2a: {  	v9 =	vcombine.low v24, v23;
	v8 =	vsel vm13, $0x382, v8;
	v10 =	vsel vm5, $0x1289, v7  }
0x2b: {  	v6 =	vsel vm6, $0x8E, v2;
	v2 =	vsel vm4, $0x130A, v10;
	v10 =	vsel vm12, $0x1003, v8  }
0x2c: {  	v7 =	vand.u32 $0xF, v9;
	v9 =	vsel vm11, $0x1084, v10  }
0x2d: {  	v10 =	vimm.s32 $0x43210FED;
	v9 =	vsel vm10, $0x1105, v9  }
0x2e: {  	v12 =	vimm.s32 $0x28F;
	v10 =	vunpack.c.l.s4.s8 v10;
	v9 =	vsel vm9, $0x1186, v9  }
0x2f: {  	v13 =	vimm.s32 $0x30F;
	v14 =	vimm.s32 $0xDCBA9876;
	v9 =	vsel vm8, $0x1207, v9  }
0x30: {  	v26 =	vunpack.c.0.s8.s32 v10;
	v10 =	vsel vm15, $0x300, v12;
	v9 =	vsel vm7, $0x1288, v9  }
0x31: {  	v2 =	vsel vm3, $0x138B, v2;
	v10 =	vsel vm14, $0x381, v10;
	v9 =	vsel vm5, $0x1309, v9  }
0x32: {  	v2 =	vsel vm2, $0xC, v2;
	v10 =	vsel vm13, $0x1002, v10;
	v9 =	vsel vm4, $0x138A, v9  }
0x33: {  	v2 =	vsel vm1, $0x8D, v2;
	v10 =	vsel vm12, $0x1083, v10;
	v12 =	vsel vm3, $0xB, v9  }
0x34: {  	v8 =	vsel vm6, $0x10E, v2;
	v2 =	vsel vm2, $0x8C, v12;
	v12 =	vsel vm11, $0x1104, v10  }
0x35: {  	v16 =	vimm.s32 $0x38F;
	v17 =	vimm.s32 $0x76543210;
	v12 =	vsel vm10, $0x1185, v12  }
0x36: {  	v13 =	vsel vm15, $0x380, v13;
	v2 =	vsel vm1, $0x10D, v2;
	v12 =	vsel vm9, $0x1206, v12  }
0x37: {  	v44 =	vsel vm6, $0x18E, v2;
	v2 =	vimm.s32 $0x543210FE;
	v12 =	vsel vm8, $0x1287, v12  }
0x38: {  	v14 =	vunpack.c.l.s4.s8 v14;
	v2 =	vunpack.c.l.s4.s8 v2;
	v12 =	vsel vm7, $0x1308, v12  }
0x39: {  	v17 =	vunpack.c.l.s4.s8 v17;
	v13 =	vsel vm14, $0x1001, v13;
	v12 =	vsel vm5, $0x1389, v12  }
0x3a: {  	v28 =	vunpack.c.0.s8.s32 v2;
	v2 =	vsel vm4, $0xA, v12;
	v12 =	vsel vm13, $0x1082, v13  }
0x3b: {  	v31 =	vunpack.c.0.s8.s32 v14;
	v14 =	vimm.s32 $0xEDCBA987;
	v12 =	vsel vm12, $0x1103, v12  }
0x3c: {  	v14 =	vunpack.c.l.s4.s8 v14;
	v13 =	vimm.s32 $0x6543210F;
	v12 =	vsel vm11, $0x1184, v12  }
0x3d: {  	v17 =	vunpack.c.0.s8.s32 v17;
	v13 =	vunpack.c.l.s4.s8 v13;
	v12 =	vsel vm10, $0x1205, v12  }
0x3e: {  	v30 =	vunpack.c.0.s8.s32 v14;
	v2 =	vsel vm3, $0x8B, v2;
	v12 =	vsel vm9, $0x1286, v12  }
0x3f: {  	v15 =	vcombine.low v31, v28;
	v29 =	vunpack.c.0.s8.s32 v13;
	v13 =	vsel vm8, $0x1307, v12  }
0x40: {  	v0 =	vcombine.low v0, v1;
	v2 =	vsel vm2, $0x10C, v2;
	v13 =	vsel vm7, $0x1388, v13  }
0x41: {  	v5 =	vand.u32 $0xF, v15;
	v2 =	vsel vm1, $0x18D, v2;
	v15 =	vsel vm5, $0x9, v13  }
0x42: {  	v45 =	vsel vm6, $0x20E, v2;
	v2 =	vsel vm4, $0x8A, v15;
	v15 =	vsel vm15, $0x1000, v16  }
0x43: {  	v16 =	vimm.s32 $0xFEDCBA98;
	v2 =	vsel vm3, $0x10B, v2;
	v15 =	vsel vm14, $0x1081, v15  }
0x44: {  	v16 =	vunpack.c.l.s4.s8 v16;
	v2 =	vsel vm2, $0x18C, v2;
	v15 =	vsel vm13, $0x1102, v15  }
0x45: {  	v14 =	vcombine.low v30, v29;
	v15 =	vsel vm12, $0x1183, v15;
	v2 =	vsel vm1, $0x20D, v2  }
0x46: {  	v18 =	vsel vm11, $0x1204, v15;
	v13 =	vsel vm6, $0x28E, v2;
	v2 =	vunpack.c.0.s8.s32 v16  }
0x47: {  	v12 =	vand.u32 $0xF, v14;
	v16 =	vsel vm10, $0x1285, v18;
	v18 =	vimm.s32 $0x100F  }
0x48: {  	v16 =	vsel vm9, $0x1306, v16;
	v2 =	vand.u32 $0xF, v2;
	v18 =	vsel vm15, $0x1080, v18  }
0x49: {  	v25 =	vsel vm8, $0x1387, v16;
	v14 =	vcombine.low v2, v17;
	v17 =	vsel vm14, $0x1101, v18  }
0x4a: {  	v18 =	vimm.s32 $0x108F;
	v2 =	vsel vm7, $0x8, v25;
	v17 =	vsel vm13, $0x1182, v17  }
0x4b: {  	v18 =	vsel vm15, $0x1100, v18;
	v2 =	vsel vm5, $0x89, v2;
	v17 =	vsel vm12, $0x1203, v17  }
0x4c: {  	v18 =	vsel vm14, $0x1181, v18;
	v2 =	vsel vm4, $0x10A, v2;
	v17 =	vsel vm11, $0x1284, v17  }
0x4d: {  	v18 =	vsel vm13, $0x1202, v18;
	v2 =	vsel vm3, $0x18B, v2;
	v17 =	vsel vm10, $0x1305, v17  }
0x4e: {  	v18 =	vsel vm12, $0x1283, v18;
	v2 =	vsel vm2, $0x20C, v2;
	v17 =	vsel vm9, $0x1386, v17  }
0x4f: {  	v18 =	vsel vm11, $0x1304, v18;
	v2 =	vsel vm1, $0x28D, v2;
	v1 =	vsel vm8, $0x7, v17  }
0x50: {  	v15 =	vsel vm6, $0x30E, v2;
	v1 =	vsel vm7, $0x88, v1;
	v2 =	vsel vm10, $0x1385, v18  }
0x51: {  	v17 =	vand.u32 $0xF, v0;
	v0 =	vsel vm5, $0x109, v1;
	v1 =	vsel vm9, $0x6, v2  }
0x52: {  	v2 =	vimm.s32 $0x110F;
	v1 =	vsel vm8, $0x87, v1  }
0x53: {  	v0 =	vsel vm4, $0x18A, v0;
	v2 =	vsel vm15, $0x1180, v2;
	v1 =	vsel vm7, $0x108, v1  }
0x54: {  	v0 =	vsel vm3, $0x20B, v0;
	v2 =	vsel vm14, $0x1201, v2;
	v1 =	vsel vm5, $0x189, v1  }
0x55: {  	v0 =	vsel vm2, $0x28C, v0;
	v2 =	vsel vm13, $0x1282, v2;
	v1 =	vsel vm4, $0x20A, v1  }
0x56: {  	v0 =	vsel vm1, $0x30D, v0;
	v2 =	vsel vm12, $0x1303, v2;
	v1 =	vsel vm3, $0x28B, v1  }
0x57: {  	v49 =	vsel vm6, $0x38E, v0;
	v0 =	vsel vm2, $0x30C, v1;
	v1 =	vsel vm11, $0x1384, v2  }
0x58: {  	v11 =	vimm.s32 $0xCBA98765;
	v2 =	vcombine.low v21, v22;
	v1 =	vsel vm10, $0x5, v1  }
0x59: {  	v22 =	vimm.s32 $0x118F;
	v0 =	vsel vm1, $0x38D, v0;
	v1 =	vsel vm9, $0x86, v1  }
0x5a: {  	v52 =	vsel vm6, $0x100E, v0;
	v0 =	vsel vm8, $0x107, v1;
	v1 =	vsel vm15, $0x1200, v22  }
0x5b: {  	v11 =	vunpack.c.l.s4.s8 v11;
	v20 =	vcombine.low v19, v20;
	v1 =	vsel vm14, $0x1281, v1  }
0x5c: {  	v50 =	vand.u32 $0xF, v2;
	v0 =	vsel vm7, $0x188, v0;
	v1 =	vsel vm13, $0x1302, v1  }
0x5d: {  	v2 =	vimm.s32 $0x120F;
	v0 =	vsel vm5, $0x209, v0;
	v1 =	vsel vm12, $0x1383, v1  }
0x5e: {  	v2 =	vsel vm15, $0x1280, v2;
	v0 =	vsel vm4, $0x28A, v0;
	v1 =	vsel vm11, $0x4, v1  }
0x5f: {  	v2 =	vsel vm14, $0x1301, v2;
	v0 =	vsel vm3, $0x30B, v0;
	v1 =	vsel vm10, $0x85, v1  }
0x60: {  	v2 =	vsel vm13, $0x1382, v2;
	v0 =	vsel vm2, $0x38C, v0;
	v1 =	vsel vm9, $0x106, v1  }
0x61: {  	v2 =	vsel vm12, $0x3, v2;
	v0 =	vsel vm1, $0x100D, v0;
	v1 =	vsel vm8, $0x187, v1  }
0x62: {  	v2 =	vsel vm11, $0x84, v2;
	v19 =	vsel vm6, $0x108E, v0;
	v0 =	vsel vm7, $0x208, v1  }
0x63: {  	v27 =	vunpack.c.0.s8.s32 v11;
	v1 =	vsel vm10, $0x105, v2;
	v0 =	vsel vm5, $0x289, v0  }
0x64: {  	v24 =	vcombine.low v23, v24;
	v1 =	vsel vm9, $0x186, v1;
	v0 =	vsel vm4, $0x30A, v0  }
0x65: {  	v2 =	vimm.s32 $0x128F;
	v1 =	vsel vm8, $0x207, v1;
	v0 =	vsel vm3, $0x38B, v0  }
0x66: {  	v2 =	vsel vm15, $0x1300, v2;
	v1 =	vsel vm7, $0x288, v1;
	v0 =	vsel vm2, $0x100C, v0  }
0x67: {  	v2 =	vsel vm14, $0x1381, v2;
	v1 =	vsel vm5, $0x309, v1;
	v0 =	vsel vm1, $0x108D, v0  }
0x68: {  	v2 =	vsel vm13, $0x2, v2;
	v1 =	vsel vm4, $0x38A, v1;
	v51 =	vsel vm6, $0x110E, v0  }
0x69: {  	v0 =	vsel vm3, $0x100B, v1;
	v1 =	vsel vm12, $0x83, v2;
	v2 =	vcombine.low v26, v27  }
0x6a: {  	v28 =	vcombine.low v28, v31;
	v0 =	vsel vm2, $0x108C, v0;
	v1 =	vsel vm11, $0x104, v1  }
0x6b: {  	v0 =	vsel vm1, $0x110D, v0;
	v1 =	vsel vm10, $0x185, v1;
	v22 =	vand.u32 $0xF, v2  }
0x6c: {  	v31 =	vsel vm6, $0x118E, v0;
	v0 =	vsel vm9, $0x206, v1;
	v1 =	vimm.s32 $0x130F  }
0x6d: {  	v2 =	vimm.s32 $0x338F;
	v0 =	vsel vm8, $0x287, v0;
	v1 =	vsel vm15, $0x1380, v1  }
0x6e: {  	v2 =	vsel vm15, $0x2000, v2;
	v0 =	vsel vm7, $0x308, v0;
	v1 =	vsel vm14, $0x1, v1  }
0x6f: {  	v2 =	vsel vm14, $0x2081, v2;
	v0 =	vsel vm5, $0x389, v0;
	v1 =	vsel vm13, $0x82, v1  }
0x70: {  	v2 =	vsel vm13, $0x2102, v2;
	v0 =	vsel vm4, $0x100A, v0;
	v1 =	vsel vm12, $0x103, v1  }
0x71: {  	v2 =	vsel vm12, $0x2183, v2;
	v0 =	vsel vm3, $0x108B, v0;
	v1 =	vsel vm11, $0x184, v1  }
0x72: {  	v2 =	vsel vm11, $0x2204, v2;
	v0 =	vsel vm2, $0x110C, v0;
	v1 =	vsel vm10, $0x205, v1  }
0x73: {  	v2 =	vsel vm10, $0x2285, v2;
	v0 =	vsel vm1, $0x118D, v0;
	v1 =	vsel vm9, $0x286, v1  }
0x74: {  	v37 =	vsel vm6, $0x120E, v0;
	v0 =	vsel vm8, $0x307, v1;
	v1 =	vsel vm9, $0x2306, v2  }
0x75: {  	v11 =	vcombine.low v27, v26;
	v0 =	vsel vm7, $0x388, v0;
	v1 =	vsel vm8, $0x2387, v1  }
0x76: {  	v2 =	vimm.s32 $0x200F;
	v0 =	vsel vm5, $0x1009, v0;
	v1 =	vsel vm7, $0x3008, v1  }
0x77: {  	v2 =	vsel vm15, $0x2080, v2;
	v0 =	vsel vm4, $0x108A, v0;
	v1 =	vsel vm5, $0x3089, v1  }
0x78: {  	v2 =	vsel vm14, $0x2101, v2;
	v0 =	vsel vm3, $0x110B, v0;
	v1 =	vsel vm4, $0x310A, v1  }
0x79: {  	v2 =	vsel vm13, $0x2182, v2;
	v0 =	vsel vm2, $0x118C, v0;
	v1 =	vsel vm3, $0x318B, v1  }
0x7a: {  	v2 =	vsel vm12, $0x2203, v2;
	v0 =	vsel vm1, $0x120D, v0;
	v1 =	vsel vm2, $0x320C, v1  }
0x7b: {  	v42 =	vsel vm6, $0x128E, v0;
	v0 =	vsel vm1, $0x328D, v1;
	v1 =	vsel vm11, $0x2284, v2  }
0x7c: {  	v10 =	vand.u32 $0xF, v11;
	v36 =	vsel vm6, $0x330E, v0;
	v0 =	vsel vm10, $0x2305, v1  }
0x7d: {  	v2 =	vimm.s32 $0x101F1E1D;
	v1 =	vimm.s32 $0x1C1B1A19;
	v0 =	vsel vm9, $0x2386, v0  }
0x7e: {  	v16 =	vunpack.c.0.s8.s32 v2;
	v2 =	vimm.s32 $0x208F;
	v0 =	vsel vm8, $0x3007, v0  }
0x7f: {  	v11 =	vunpack.c.0.s8.s32 v1;
	v1 =	vimm.s32 $0x14131211;
	v0 =	vsel vm7, $0x3088, v0  }
0x80: {  	v23 =	vunpack.c.0.s8.s32 v1;
	v1 =	vsel vm15, $0x2100, v2;
	v0 =	vsel vm5, $0x3109, v0  }
0x81: {  	v1 =	vsel vm14, $0x2181, v1;
	v0 =	vsel vm4, $0x318A, v0  }
0x82: {  	v1 =	vsel vm13, $0x2202, v1;
	v0 =	vsel vm3, $0x320B, v0  }
0x83: {  	v1 =	vsel vm12, $0x2283, v1;
	v0 =	vsel vm2, $0x328C, v0  }
0x84: {  	v1 =	vsel vm11, $0x2304, v1;
	v0 =	vsel vm1, $0x330D, v0  }
0x85: {  	v21 =	vsel vm6, $0x338E, v0;
	v0 =	vsel vm10, $0x2385, v1  }
0x86: {  	v0 =	vsel vm9, $0x3006, v0  }
0x87: {  	v0 =	vsel vm8, $0x3087, v0  }
0x88: {  	v0 =	vsel vm7, $0x3108, v0  }
0x89: {  	v0 =	vsel vm5, $0x3189, v0  }
0x8a: {  	v0 =	vsel vm4, $0x320A, v0  }
0x8b: {  	v0 =	vsel vm3, $0x328B, v0  }
0x8c: {  	v0 =	vsel vm2, $0x330C, v0  }
0x8d: {  	v0 =	vsel vm1, $0x338D, v0  }
0x8e: {  	v53 =	vsel vm6, $0x200E, v0;
	v0 =	vimm.s32 $0x1E1D1C1B  }
0x8f: {  	v2 =	vimm.s32 $0x18171615;
	v0 =	vunpack.c.0.s8.s32 v0  }
0x90: {  	v26 =	vunpack.c.0.s8.s32 v2;
	v2 =	vimm.s32 $0x210F  }
0x91: {  	v2 =	vsel vm15, $0x2180, v2;
	[tilespmem:$0x1FC20] =	vst v0;
	v0 =	vimm.s32 $0x1211101F  }
0x92: {  	v1 =	vsel vm14, $0x2201, v2;
	v0 =	vunpack.c.0.s8.s32 v0  }
0x93: {  	v1 =	vsel vm13, $0x2282, v1  }
0x94: {  	v1 =	vsel vm12, $0x2303, v1;
	[tilespmem:$0x1FC30] =	vst v0;
	v0 =	vimm.s32 $0x16151413  }
0x95: {  	v1 =	vsel vm11, $0x2384, v1;
	v0 =	vunpack.c.0.s8.s32 v0  }
0x96: {  	v1 =	vsel vm10, $0x3005, v1  }
0x97: {  	v1 =	vsel vm9, $0x3086, v1;
	[tilespmem:$0x1FC40] =	vst v0;
	v0 =	vimm.s32 $0x1A191817  }
0x98: {  	v1 =	vsel vm8, $0x3107, v1;
	v0 =	vunpack.c.0.s8.s32 v0  }
0x99: {  	v1 =	vsel vm7, $0x3188, v1  }
0x9a: {  	v1 =	vsel vm5, $0x3209, v1;
	[tilespmem:$0x1FC50] =	vst v0;
	v0 =	vimm.s32 $0x1F1E1D1C  }
0x9b: {  	v1 =	vsel vm4, $0x328A, v1;
	v0 =	vunpack.c.0.s8.s32 v0  }
0x9c: {  	v46 =	vlaneseq.u32;
	v1 =	vsel vm3, $0x330B, v1  }
0x9d: {  	v9 =	vand.u32 $0xF, v20;
	v1 =	vsel vm2, $0x338C, v1;
	[tilespmem:$0x1FC60] =	vst v0;
	v0 =	vimm.s32 $0x13121110  }
0x9e: {  	v20 =	vand.u32 $0xF, v24;
	v1 =	vsel vm1, $0x200D, v1;
	v0 =	vunpack.c.0.s8.s32 v0  }
0x9f: {  	v2 =	vimm.s32 $0x1D1C1B1A;
	v25 =	vsel vm6, $0x208E, v1;
	v1 =	vimm.s32 $0x17161514  }
0xa0: {  	v27 =	vunpack.c.0.s8.s32 v2;
	v2 =	vimm.s32 $0x11101F1E;
	[tilespmem:$0x1FC70] =	vst v0;
	v0 =	vunpack.c.0.s8.s32 v1  }
0xa1: {  	v48 =	vand.u32 $0xF, v28;
	v28 =	vunpack.c.0.s8.s32 v2;
	v2 =	vimm.s32 $0x15141312  }
0xa2: {  	v30 =	vcombine.low v29, v30;
	v29 =	vunpack.c.0.s8.s32 v2;
	[tilespmem:$0x1FC80] =	vst v0;
	v0 =	vimm.s32 $0x1B1A1918  }
0xa3: {  	v2 =	vimm.s32 $0x19181716;
	v1 =	vimm.s32 $0x220F;
	v0 =	vunpack.c.0.s8.s32 v0  }
0xa4: {  	v32 =	vand.u32 $0xF, v30;
	v30 =	vunpack.c.0.s8.s32 v2;
	v1 =	vsel vm15, $0x2280, v1  }
0xa5: {  	v2 =	vimm.s32 $0x228F;
	v1 =	vsel vm14, $0x2301, v1;
	[tilespmem:$0x1FC90] =	vst v0;
	v0 =	vimm.s32 $0x218F  }
0xa6: {  	v2 =	vsel vm15, $0x2300, v2;
	v1 =	vsel vm13, $0x2382, v1;
	v0 =	vsel vm15, $0x2200, v0  }
0xa7: {  	v2 =	vsel vm14, $0x2381, v2;
	v1 =	vsel vm12, $0x3003, v1;
	v0 =	vsel vm14, $0x2281, v0  }
0xa8: {  	v2 =	vsel vm13, $0x3002, v2;
	v1 =	vsel vm11, $0x3084, v1;
	v0 =	vsel vm13, $0x2302, v0  }
0xa9: {  	v2 =	vsel vm12, $0x3083, v2;
	v1 =	vsel vm10, $0x3105, v1;
	v0 =	vsel vm12, $0x2383, v0  }
0xaa: {  	v2 =	vsel vm11, $0x3104, v2;
	v1 =	vsel vm9, $0x3186, v1;
	v0 =	vsel vm11, $0x3004, v0  }
0xab: {  	v2 =	vsel vm10, $0x3185, v2;
	v1 =	vsel vm8, $0x3207, v1;
	v0 =	vsel vm10, $0x3085, v0  }
0xac: {  	v2 =	vsel vm9, $0x3206, v2;
	v1 =	vsel vm7, $0x3288, v1;
	v0 =	vsel vm9, $0x3106, v0  }
0xad: {  	v2 =	vsel vm8, $0x3287, v2;
	v1 =	vsel vm5, $0x3309, v1;
	v0 =	vsel vm8, $0x3187, v0  }
0xae: {  	v2 =	vsel vm7, $0x3308, v2;
	v1 =	vsel vm4, $0x338A, v1;
	v0 =	vsel vm7, $0x3208, v0  }
0xaf: {  	v2 =	vsel vm5, $0x3389, v2;
	v1 =	vsel vm3, $0x200B, v1;
	v0 =	vsel vm5, $0x3289, v0  }
0xb0: {  	v2 =	vsel vm4, $0x200A, v2;
	v1 =	vsel vm2, $0x208C, v1;
	v0 =	vsel vm4, $0x330A, v0  }
0xb1: {  	v2 =	vsel vm3, $0x208B, v2;
	v1 =	vsel vm1, $0x210D, v1;
	v0 =	vsel vm3, $0x338B, v0  }
0xb2: {  	s3 =	stileid.u32;
	v57 =	vsel vm6, $0x218E, v1;
	v1 =	vimm.s32 $0x238F;
	v0 =	vsel vm2, $0x200C, v0  }
0xb3: {  	s0 =	rddreg [dreg:$0x0];
	s4 =	sshll.u32 s3, $0x1;
	s3 =	simm.s32 $0x0;
	v2 =	vsel vm2, $0x210C, v2;
	v1 =	vsel vm15, $0x3000, v1;
	v0 =	vsel vm1, $0x208D, v0  }
0xb4: {  	[smem:$0x7FF] =	sst s3;
	v1 =	vsel vm14, $0x3081, v1;
	v34 =	vsel vm6, $0x210E, v0;
	v0 =	vsel vm1, $0x218D, v2  }
0xb5: {  	s2 =	rddreg [dreg:$0x1];
	_ =	strace $0x80000047;
	[tilespmem:$0x1FCA0] =	vst v11;
	v1 =	vsel vm13, $0x3102, v1;
	v58 =	vsel vm6, $0x220E, v0;
	v0 =	vimm.s32 $0x230F  }
0xb6: {  	[tilespmem:$0x1FCB0] =	vst v16;
	v1 =	vsel vm12, $0x3183, v1;
	v2 =	vimm.s32 $0x300F;
	v0 =	vsel vm15, $0x2380, v0  }
0xb7: {  	[tilespmem:$0x1FCC0] =	vst v23;
	v1 =	vsel vm11, $0x3204, v1;
	v2 =	vsel vm15, $0x3080, v2;
	v0 =	vsel vm14, $0x3001, v0  }
0xb8: {  	[tilespmem:$0x1FCD0] =	vst v26;
	v1 =	vsel vm10, $0x3285, v1;
	v2 =	vsel vm14, $0x3101, v2;
	v0 =	vsel vm13, $0x3082, v0  }
0xb9: {  	[tilespmem:$0x1FCE0] =	vst v27;
	v1 =	vsel vm9, $0x3306, v1;
	v2 =	vsel vm13, $0x3182, v2;
	v0 =	vsel vm12, $0x3103, v0  }
0xba: {  	[tilespmem:$0x1FCF0] =	vst v28;
	v1 =	vsel vm8, $0x3387, v1;
	v2 =	vsel vm12, $0x3203, v2;
	v0 =	vsel vm11, $0x3184, v0  }
0xbb: {  	[tilespmem:$0x1FD00] =	vst v29;
	v1 =	vsel vm7, $0x2008, v1;
	v2 =	vsel vm11, $0x3284, v2;
	v0 =	vsel vm10, $0x3205, v0  }
0xbc: {  	[tilespmem:$0x1FD10] =	vst v30;
	v1 =	vsel vm5, $0x2089, v1;
	v2 =	vsel vm10, $0x3305, v2;
	v0 =	vsel vm9, $0x3286, v0  }
0xbd: {  	[tilespmem:$0x1FD60] =	vst v35;
	v1 =	vsel vm4, $0x210A, v1;
	v2 =	vsel vm9, $0x3386, v2;
	v0 =	vsel vm8, $0x3307, v0  }
0xbe: {  	[tilespmem:$0x1FD70] =	vst v54;
	v1 =	vsel vm3, $0x218B, v1;
	v2 =	vsel vm8, $0x2007, v2;
	v0 =	vsel vm7, $0x3388, v0  }
0xbf: {  	[tilespmem:$0x1FD80] =	vst v6;
	v1 =	vsel vm2, $0x220C, v1;
	v2 =	vsel vm7, $0x2088, v2;
	v0 =	vsel vm5, $0x2009, v0  }
0xc0: {  	[tilespmem:$0x1FE60] =	vst v21;
	v1 =	vsel vm1, $0x228D, v1;
	v2 =	vsel vm5, $0x2109, v2;
	v0 =	vsel vm4, $0x208A, v0  }
0xc1: {  	[tilespmem:$0x1FE70] =	vst v36;
	v60 =	vsel vm6, $0x230E, v1;
	v2 =	vsel vm4, $0x218A, v2;
	v0 =	vsel vm3, $0x210B, v0  }
0xc2: {  	[tilespmem:$0x1FE80] =	vst v42;
	v1 =	vimm.s32 $0x310F;
	v2 =	vsel vm3, $0x220B, v2;
	v0 =	vsel vm2, $0x218C, v0  }
0xc3: {  	[tilespmem:$0x1FE90] =	vst v51;
	v1 =	vsel vm15, $0x3180, v1;
	v2 =	vsel vm2, $0x228C, v2;
	v0 =	vsel vm1, $0x220D, v0  }
0xc4: {  	[tilespmem:$0x1FEA0] =	vst v31;
	v1 =	vsel vm14, $0x3201, v1;
	v59 =	vsel vm6, $0x228E, v0;
	v0 =	vsel vm1, $0x230D, v2  }
0xc5: {  	[tilespmem:$0x1FEB0] =	vst v37;
	v1 =	vsel vm13, $0x3282, v1;
	v61 =	vsel vm6, $0x238E, v0;
	v0 =	vimm.s32 $0x308F  }
0xc6: {  	[tilespmem:$0x1FEC0] =	vst v13;
	v1 =	vsel vm12, $0x3303, v1;
	v2 =	vimm.s32 $0x318F;
	v0 =	vsel vm15, $0x3100, v0  }
0xc7: {  	[tilespmem:$0x1FED0] =	vst v15;
	v1 =	vsel vm11, $0x3384, v1;
	v2 =	vsel vm15, $0x3200, v2;
	v0 =	vsel vm14, $0x3181, v0  }
0xc8: {  	[tilespmem:$0x1FEE0] =	vst v8;
	v1 =	vsel vm10, $0x2005, v1;
	v2 =	vsel vm14, $0x3281, v2;
	v0 =	vsel vm13, $0x3202, v0  }
0xc9: {  	[tilespmem:$0x1FEF0] =	vst v4;
	v1 =	vsel vm9, $0x2086, v1;
	v2 =	vsel vm13, $0x3302, v2;
	v0 =	vsel vm12, $0x3283, v0  }
0xca: {  	[tilespmem:$0x1FF00] =	vst v52;
	v1 =	vsel vm8, $0x2107, v1;
	v2 =	vsel vm12, $0x3383, v2;
	v0 =	vsel vm11, $0x3304, v0  }
0xcb: {  	[tilespmem:$0x1FF10] =	vst v20;
	v1 =	vsel vm7, $0x2188, v1;
	v2 =	vsel vm11, $0x2004, v2;
	v0 =	vsel vm10, $0x3385, v0  }
0xcc: {  	[tilespmem:$0x1FF20] =	vst v22;
	v1 =	vsel vm5, $0x2209, v1;
	v2 =	vsel vm10, $0x2085, v2;
	v0 =	vsel vm9, $0x2006, v0  }
0xcd: {  	[tilespmem:$0x1FF30] =	vst v48;
	v1 =	vsel vm4, $0x228A, v1;
	v2 =	vsel vm9, $0x2106, v2;
	v0 =	vsel vm8, $0x2087, v0  }
0xce: {  	[tilespmem:$0x1FF40] =	vst v32;
	v1 =	vsel vm3, $0x230B, v1;
	v2 =	vsel vm8, $0x2187, v2;
	v0 =	vsel vm7, $0x2108, v0  }
0xcf: {  	[tilespmem:$0x1FF50] =	vst v14;
	v1 =	vsel vm2, $0x238C, v1;
	v2 =	vsel vm7, $0x2208, v2;
	v0 =	vsel vm5, $0x2189, v0  }
0xd0: {  	[tilespmem:$0x1FF60] =	vst v17;
	v1 =	vsel vm1, $0x300D, v1;
	v2 =	vsel vm5, $0x2289, v2;
	v0 =	vsel vm4, $0x220A, v0  }
0xd1: {  	[tilespmem:$0x1FF70] =	vst v49;
	v63 =	vsel vm6, $0x308E, v1;
	v2 =	vsel vm4, $0x230A, v2;
	v0 =	vsel vm3, $0x228B, v0  }
0xd2: {  	[tilespmem:$0x1FF80] =	vst v7;
	v1 =	vimm.s32 $0x328F;
	v2 =	vsel vm3, $0x238B, v2;
	v0 =	vsel vm2, $0x230C, v0  }
0xd3: {  	[tilespmem:$0x1FF90] =	vst v10;
	v1 =	vsel vm15, $0x3300, v1;
	v2 =	vsel vm2, $0x300C, v2;
	v0 =	vsel vm1, $0x238D, v0  }
0xd4: {  	[tilespmem:$0x1FFA0] =	vst v44;
	v1 =	vsel vm14, $0x3381, v1;
	v62 =	vsel vm6, $0x300E, v0;
	v0 =	vsel vm1, $0x308D, v2  }
0xd5: {  	[tilespmem:$0x1FFB0] =	vst v45;
	v1 =	vsel vm13, $0x2002, v1;
	v33 =	vsel vm6, $0x310E, v0;
	v0 =	vimm.s32 $0x320F  }
0xd6: {  	[tilespmem:$0x1FFC0] =	vst v3;
	v1 =	vsel vm12, $0x2083, v1;
	v2 =	vimm.s32 $0x330F;
	v0 =	vsel vm15, $0x3280, v0  }
0xd7: {  	[tilespmem:$0x1FFD0] =	vst v38;
	v1 =	vsel vm11, $0x2104, v1;
	v2 =	vsel vm15, $0x3380, v2;
	v0 =	vsel vm14, $0x3301, v0  }
0xd8: {  	[tilespmem:$0x1FFE0] =	vst v50;
	v1 =	vsel vm10, $0x2185, v1;
	v2 =	vsel vm14, $0x2001, v2;
	v0 =	vsel vm13, $0x3382, v0  }
0xd9: {  	[tilespmem:$0x1FFF0] =	vst v43;
	v1 =	vsel vm9, $0x2206, v1;
	v2 =	vsel vm13, $0x2082, v2;
	v0 =	vsel vm12, $0x2003, v0  }
0xda: {  	[tilespmem:$0x1FDA0] =	vst v57;
	v1 =	vsel vm8, $0x2287, v1;
	v2 =	vsel vm12, $0x2103, v2;
	v0 =	vsel vm11, $0x2084, v0  }
0xdb: {  	[tilespmem:$0x1FD90] =	vst v34;
	v1 =	vsel vm7, $0x2308, v1;
	v2 =	vsel vm11, $0x2184, v2;
	v0 =	vsel vm10, $0x2105, v0  }
0xdc: {  	[tilespmem:$0x1FDB0] =	vst v58;
	v1 =	vsel vm5, $0x2389, v1;
	v2 =	vsel vm10, $0x2205, v2;
	v0 =	vsel vm9, $0x2186, v0  }
0xdd: {  	s12 =	simm.s32 $0x200;
	[tilespmem:$0x1FDD0] =	vst v60;
	v1 =	vsel vm4, $0x300A, v1;
	v2 =	vsel vm9, $0x2286, v2;
	v0 =	vsel vm8, $0x2207, v0  }
0xde: {  	s1 =	srdreg.scid;
	s13 =	simm.s32 $0x400;
	s14 =	simm.s32 $0x600;
	[tilespmem:$0x1FDC0] =	vst v59;
	v1 =	vsel vm3, $0x308B, v1;
	v2 =	vsel vm8, $0x2307, v2;
	v0 =	vsel vm7, $0x2288, v0  }
0xdf: {  	s16 =	simm.s32 $0x800;
	s18 =	simm.s32 $0x4800;
	s1 =	sand.u32 $0x1, s1;
	[tilespmem:$0x1FDE0] =	vst v61;
	v1 =	vsel vm2, $0x310C, v1;
	v2 =	vsel vm7, $0x2388, v2;
	v0 =	vsel vm5, $0x2309, v0  }
0xe0: {  	s21 =	simm.s32 $0x8800;
	s28 =	simm.s32 $0xC800;
	s5 =	sor.u32 s1, s4;
	[tilespmem:$0x1FE00] =	vst v63;
	v1 =	vsel vm1, $0x318D, v1;
	v2 =	vsel vm5, $0x3009, v2;
	v0 =	vsel vm4, $0x238A, v0  }
0xe1: {  	s19 =	simm.s32 $0x5;
	s29 =	simm.s32 $0x14800;
	s4 =	smul.u32 $0x3200, s5;
	[tilespmem:$0x1FDF0] =	vst v62;
	v40 =	vsel vm6, $0x320E, v1;
	v2 =	vsel vm4, $0x308A, v2;
	v0 =	vsel vm3, $0x300B, v0  }
0xe2: {  	s20 =	simm.s32 $0x3;
	s30 =	simm.s32 $0x9;
	s31 =	simm.s32 $0xA;
	[tilespmem:$0x1FE10] =	vst v33;
	v1 =	vmul.u32 $0x20, v46;
	v2 =	vsel vm3, $0x310B, v2;
	v0 =	vsel vm2, $0x308C, v0  }
0xe3: {  	vm0 =	vcmask $0x1F10;
	s10 =	sadd.s32 $0x700, s0;
	s1 =	ssub.s32 $0x2, s1;
	s7 =	sadd.s32 s4, s0;
	[tilespmem:$0x1FE30] =	vst v40;
	v2 =	vsel vm2, $0x318C, v2;
	v0 =	vsel vm1, $0x310D, v0  }
0xe4: {  	s6 =	sshrl.u32 s1, $0x1;
	s5 =	smul.u32 $0xC8, s5;
	s22 =	sadd.s32 $0x600, s7;
	[tilespmem:$0x1FE50] =	vst v1;
	v39 =	vsel vm6, $0x318E, v0;
	v0 =	vsel vm1, $0x320D, v2;
	v2 =	vsel vm0, v26, v23  }
0xe5: {  	s1 =	ssub.s32 s1, s6;
	s23 =	sadd.s32 $0x640, s7;
	[dreg:$0x3] =	wrdreg s22;
	[tilespmem:$0x1FD30] =	vst v2  }
.Ltmp0:
0xe6: {  	s24 =	sadd.s32 $0x680, s7;
	[dreg:$0x4] =	wrdreg s23;
	v41 =	vsel vm6, $0x328E, v0;
	v0 =	vsel vm0, v16, v11;
	[tilespmem:$0x1FE20] =	vst v39;
	(pc) =	sbr.rel .LBB2_1-.Ltmp0, $4  }
0xe7: {  	s4 =	sadd.s32 $0xF42A00, s0;
	s25 =	sadd.s32 $0x6C0, s7;
	[dreg:$0x5] =	wrdreg s24;
	v11 =	vsel vm0, v28, v27;
	[tilespmem:$0x1FD20] =	vst v0  }
0xe8: {  	s26 =	smax.u32 s1, $0x1;
	s1 =	simm.s32 $0x0;
	[dreg:$0x6] =	wrdreg s25;
	v16 =	vsel vm0, v30, v29;
	[tilespmem:$0x1FD40] =	vst v11  }
0xe9: {  	[dreg:$0x7] =	wrdreg s26;
	s22 =	simm.s32 $0x10800;
	s23 =	simm.s32 $0x1000;
	[tilespmem:$0x1FD50] =	vst v16  }
0xea: {  	s24 =	simm.s32 $0x20000;
	s25 =	simm.s32 $0x6;
	s26 =	simm.s32 $0x4;
	v26 =	vor.u32 $0x10, v46;
	v29 =	vcombine.low v2, v0;
	v24 =	vcombine.low v16, v11;
	[tilespmem:$0x1FE40] =	vst v41  }
.LBB2_12:
0xeb: {  	_ =	swait.ge [sflag:s30], $0x4000  }
0xec: {  	[sflag:s30] =	ssyncset.done $0x0  }
0xed: {  	[sflag:s30] =	ssyncadd.s32 $0xFFFFC000  }
0xee: {  	_ =	swait.ge [sflag:s31], $0x4000  }
0xef: {  	s1 =	rddreg [dreg:$0x8]  }
0xf0: {  	s0 =	rddreg [dreg:$0x7];
	s1 =	sadd.s32 $0x1, s1  }
0xf1: {  	p0 =	sne.s32 s1, s0  }
.Ltmp1:
0xf2: {  	_ = 	snop;
	(pc) =	sbr.rel @!p0 .LBB2_13-.Ltmp1, $4  }
0xf3: {  	v35 =	vld [tilespmem:$0x1FD60]  }
0xf4: {  	v54 =	vld [tilespmem:$0x1FD70]  }
0xf5: {  	v46 =	vlaneseq.u32;
	v5 =	vmov v56;
	[sflag:s31] =	ssyncset.done $0x0;
	v6 =	vld [tilespmem:$0x1FD80]  }
0xf6: {  	v12 =	vmovc v11;
	v19 =	vmovc v16;
	v53 =	vmov v27;
	v25 =	vmov v28;
	v29 =	vmov v18;
	v1 =	vld [tilespmem:$0x1FE50];
	[sflag:s31] =	ssyncadd.s32 $0xFFFFC000  }
.LBB2_1:
0xf7: {  	[dreg:$0x8] =	wrdreg s1  }
0xf8: {  	s0 =	rddreg [dreg:$0x3]  }
0xf9: {  	[tilespmem:s3], [sflag:$0x1] =	stream.linear.gather [hbm4b:s0+s3], $0x200, $0x38;
	[tilespmem:$0x18800] =	vst v63  }
0xfa: {  	s8 =	rddreg [dreg:$0x4]  }
0xfb: {  	[tilespmem:s12], [sflag:$0x2] =	stream.linear.gather [hbm4b:s8+s3], $0x200, $0x38;
	[tilespmem:$0x18800] =	vst v63  }
0xfc: {  	s9 =	rddreg [dreg:$0x5]  }
0xfd: {  	[tilespmem:s13], [sflag:$0x3] =	stream.linear.gather [hbm4b:s9+s3], $0x200, $0x38;
	[tilespmem:$0x18800] =	vst v63  }
0xfe: {  	s11 =	rddreg [dreg:$0x6];
	s15 =	simm.s32 $0x1  }
0xff: {  	[tilespmem:s14], [sflag:$0x4] =	stream.linear.gather [hbm4b:s11+s3], $0x200, $0x38;
	[tilespmem:$0x18800] =	vst v63  }
0x100: {  	_ =	swait.ge [sflag:s15], $0x200  }
0x101: {  	[sflag:s15] =	ssyncset.done $0x0  }
0x102: {  	s17 =	simm.s32 $0x2;
	[sflag:s15] =	ssyncadd.s32 $0xFFFFFE00  }
0x103: {  	[tilespmem:s16], [sflag:$0x5] =	stream.indirect.gather [hbm4b:s4+s12], $0x20, s3, s12, $0xb8;
	[tilespmem:$0x18800] =	vst v63  }
0x104: {  	_ =	swait.ge [sflag:s17], $0x200  }
0x105: {  	[sflag:s17] =	ssyncset.done $0x0  }
0x106: {  	s0 =	simm.s32 $0x0;
	[sflag:s17] =	ssyncadd.s32 $0xFFFFFE00  }
0x107: {  	v57 =	vmov v25;
	[tilespmem:s18], [sflag:$0x6] =	stream.indirect.gather [hbm4b:s4+s12], $0x20, s12, s12, $0xb8;
	[tilespmem:$0x18800] =	vst v63  }
.LBB2_2:
0x108: {  	_ =	swait.ge [sflag:s19], $0x4000  }
0x109: {  	s8 =	simm.s32 $0x0;
	[sflag:s19] =	ssyncset.done $0x0  }
0x10a: {  	v0 =	vmov s8;
	[sflag:s19] =	ssyncadd.s32 $0xFFFFC000  }
0x10b: {  	v0 =	vshll.u32 v0, $0x5;
	_ =	swait.ge [sflag:s20], $0x200  }
0x10c: {  	p1 =	seq.s32 s0, $0x0;
	v1 =	vor.u32 v1, v0;
	[sflag:s20] =	ssyncset.done $0x0  }
0x10d: {  	s6 =	simm.s32 @!p1 $0x9;
	v0 =	vor.u32 v46, v1;
	[sflag:s20] =	ssyncadd.s32 $0xFFFFFE00  }
0x10e: {  	[tilespmem:s21], [sflag:$0x7] =	stream.indirect.gather [hbm4b:s4+s12], $0x20, s13, s12, $0xb8;
	[tilespmem:$0x18800] =	vst v63  }
0x10f: {  	_ =	swait.ge @!p1 [sflag:s6], $0x4000  }
0x110: {  	s7 =	sand.u32 $0xC00, s8;
	s9 =	sand.u32 $0x70, s8;
	[sflag:s6] =	ssyncset.done @!p1 $0x0  }
0x111: {  	s9 =	sor.u32 s9, s7;
	[sflag:s6] =	ssyncadd.s32 @!p1 $0xFFFFC000  }
0x112: {  	v2 =	vor.u32 s9, v35;
	v0 =	vld.idx.msk [tilespmem:v0+s16+$0x0], $0xffff  }
0x113: {  	v34 =	vor.u32 v3, v1;
	_ =	sdelay $0x3  }
0x114: {  	[tilespmem:v2+s22+$0x0] =	vst.idx.msk $0xffff, v0  }
0x115: {  	v2 =	vor.u32 s9, v4;
	v0 =	vld.idx.msk [tilespmem:v34+s16+$0x0], $0xffff  }
0x116: {  	v47 =	vor.u32 v38, v1;
	_ =	sdelay $0x3  }
0x117: {  	[tilespmem:v2+s22+$0x0] =	vst.idx.msk $0xffff, v0  }
0x118: {  	v2 =	vor.u32 s9, v54;
	v0 =	vld.idx.msk [tilespmem:v47+s16+$0x0], $0xffff  }
0x119: {  	v55 =	vor.u32 v43, v1;
	_ =	sdelay $0x3  }
0x11a: {  	[tilespmem:v2+s22+$0x0] =	vst.idx.msk $0xffff, v0  }
0x11b: {  	v2 =	vor.u32 s9, v6;
	v0 =	vld.idx.msk [tilespmem:v55+s16+$0x0], $0xffff  }
0x11c: {  	v56 =	vor.u32 v7, v1;
	_ =	sdelay $0x3  }
0x11d: {  	[tilespmem:v2+s22+$0x0] =	vst.idx.msk $0xffff, v0  }
0x11e: {  	v2 =	vor.u32 s9, v8;
	v0 =	vld.idx.msk [tilespmem:v56+s16+$0x0], $0xffff  }
0x11f: {  	v58 =	vor.u32 v10, v1;
	_ =	sdelay $0x3  }
0x120: {  	[tilespmem:v2+s22+$0x0] =	vst.idx.msk $0xffff, v0  }
0x121: {  	v2 =	vor.u32 s9, v44;
	v0 =	vld.idx.msk [tilespmem:v58+s16+$0x0], $0xffff  }
0x122: {  	v59 =	vor.u32 v5, v1;
	_ =	sdelay $0x3  }
0x123: {  	[tilespmem:v2+s22+$0x0] =	vst.idx.msk $0xffff, v0  }
0x124: {  	v2 =	vor.u32 s9, v45;
	v0 =	vld.idx.msk [tilespmem:v59+s16+$0x0], $0xffff  }
0x125: {  	v60 =	vor.u32 v12, v1;
	_ =	sdelay $0x3  }
0x126: {  	[tilespmem:v2+s22+$0x0] =	vst.idx.msk $0xffff, v0  }
0x127: {  	v2 =	vor.u32 s9, v13;
	v0 =	vld.idx.msk [tilespmem:v60+s16+$0x0], $0xffff  }
0x128: {  	v61 =	vor.u32 v14, v1;
	_ =	sdelay $0x3  }
0x129: {  	[tilespmem:v2+s22+$0x0] =	vst.idx.msk $0xffff, v0  }
0x12a: {  	v2 =	vor.u32 s9, v15;
	v0 =	vld.idx.msk [tilespmem:v61+s16+$0x0], $0xffff  }
0x12b: {  	v62 =	vor.u32 v17, v1;
	_ =	sdelay $0x3  }
0x12c: {  	[tilespmem:v2+s22+$0x0] =	vst.idx.msk $0xffff, v0  }
0x12d: {  	v2 =	vor.u32 s9, v49;
	v0 =	vld.idx.msk [tilespmem:v62+s16+$0x0], $0xffff  }
0x12e: {  	v63 =	vor.u32 v9, v1;
	_ =	sdelay $0x3  }
0x12f: {  	[tilespmem:v2+s22+$0x0] =	vst.idx.msk $0xffff, v0  }
0x130: {  	v2 =	vor.u32 s9, v52;
	v0 =	vld.idx.msk [tilespmem:v63+s16+$0x0], $0xffff  }
0x131: {  	v39 =	vor.u32 v50, v1;
	_ =	sdelay $0x3  }
0x132: {  	[tilespmem:v2+s22+$0x0] =	vst.idx.msk $0xffff, v0  }
0x133: {  	v2 =	vor.u32 s9, v19;
	v0 =	vld.idx.msk [tilespmem:v39+s16+$0x0], $0xffff  }
0x134: {  	v40 =	vor.u32 v20, v1;
	_ =	sdelay $0x3  }
0x135: {  	[tilespmem:v2+s22+$0x0] =	vst.idx.msk $0xffff, v0  }
0x136: {  	v2 =	vor.u32 s9, v51;
	v0 =	vld.idx.msk [tilespmem:v40+s16+$0x0], $0xffff  }
0x137: {  	v41 =	vor.u32 v22, v1;
	_ =	sdelay $0x3  }
0x138: {  	[tilespmem:v2+s22+$0x0] =	vst.idx.msk $0xffff, v0  }
0x139: {  	v2 =	vor.u32 s9, v31;
	v0 =	vld.idx.msk [tilespmem:v41+s16+$0x0], $0xffff  }
0x13a: {  	v46 =	vor.u32 v48, v1;
	_ =	sdelay $0x3  }
0x13b: {  	[tilespmem:v2+s22+$0x0] =	vst.idx.msk $0xffff, v0  }
0x13c: {  	v2 =	vor.u32 s9, v37;
	v0 =	vld.idx.msk [tilespmem:v46+s16+$0x0], $0xffff  }
0x13d: {  	v47 =	vor.u32 v32, v1;
	_ =	sdelay $0x3  }
0x13e: {  	[tilespmem:v2+s22+$0x0] =	vst.idx.msk $0xffff, v0  }
0x13f: {  	v2 =	vor.u32 s9, v42;
	v0 =	vld.idx.msk [tilespmem:v47+s16+$0x0], $0xffff  }
0x140: {  	v55 =	vor.u32 v26, v1;
	_ =	sdelay $0x3  }
0x141: {  	[tilespmem:v2+s22+$0x0] =	vst.idx.msk $0xffff, v0  }
0x142: {  	v2 =	vor.u32 s9, v36;
	v0 =	vld.idx.msk [tilespmem:v55+s16+$0x0], $0xffff  }
0x143: {  	v33 =	vld [tilespmem:$0x1FC20];
	v56 =	vor.u32 v29, v1  }
0x144: {  	v25 =	vld [tilespmem:$0x1FC50]  }
0x145: {  	v23 =	vld [tilespmem:$0x1FC70]  }
0x146: {  	v27 =	vmov v19;
	v19 =	vld [tilespmem:$0x1FC40]  }
0x147: {  	v40 =	vld [tilespmem:$0x1FC30];
	[tilespmem:v2+s22+$0x0] =	vst.idx.msk $0xffff, v0  }
0x148: {  	v2 =	vor.u32 s9, v21;
	v0 =	vld.idx.msk [tilespmem:v56+s16+$0x0], $0xffff  }
0x149: {  	v58 =	vor.u32 v24, v1;
	v59 =	vld [tilespmem:$0x1FC80]  }
0x14a: {  	v41 =	vld [tilespmem:$0x1FC60]  }
0x14b: {  	v55 =	vld [tilespmem:$0x1FC90]  }
0x14c: {  	v36 =	vsel vm0, v25, v19;
	v21 =	vsel vm0, v40, v33  }
0x14d: {  	v28 =	vmov v26;
	v26 =	vmov v3;
	v3 =	vcombine.low v36, v21;
	[tilespmem:v2+s22+$0x0] =	vst.idx.msk $0xffff, v0  }
0x14e: {  	v2 =	vor.u32 s9, v53;
	v0 =	vld.idx.msk [tilespmem:v58+s16+$0x0], $0xffff  }
0x14f: {  	v16 =	vmovc v5;
	v5 =	vmov v35;
	v35 =	vmov v3;
	v3 =	vor.u32 v3, v1  }
0x150: {  	v63 =	vsel vm0, v55, v59;
	v58 =	vsel vm0, v23, v41  }
0x151: {  	v56 =	vmov v4;
	v4 =	vcombine.low v63, v58;
	_ =	sdelay $0x1  }
0x152: {  	v18 =	vmovc v12;
	v34 =	vmov v29;
	v12 =	vmov v4;
	v29 =	vor.u32 v4, v1;
	v4 =	vld [tilespmem:$0x1FCC0];
	[tilespmem:v2+s22+$0x0] =	vst.idx.msk $0xffff, v0  }
0x153: {  	v0 =	vld.idx.msk [tilespmem:v3+s16+$0x0], $0xffff  }
0x154: {  	v3 =	vld [tilespmem:$0x1FCB0];
	_ =	sdelay $0x2  }
0x155: {  	v2 =	vor.u32 s9, v57;
	_ =	sdelay $0x1  }
0x156: {  	v11 =	vmov v6;
	v6 =	vsel vm0, v4, v3;
	v3 =	vld [tilespmem:$0x1FCA0]  }
0x157: {  	v4 =	vld [tilespmem:$0x1FCD0];
	_ =	sdelay $0x1  }
0x158: {  	[tilespmem:v2+s22+$0x0] =	vst.idx.msk $0xffff, v0;
	v2 =	vld [tilespmem:$0x1FD90];
	_ =	sdelay $0x2  }
0x159: {  	v3 =	vsel vm0, v3, v4  }
0x15a: {  	v0 =	vld.idx.msk [tilespmem:v29+s16+$0x0], $0xffff;
	[tilespmem:$0x1FBC0] =	vst v3;
	v3 =	vcombine.low v3, v6  }
0x15b: {  	v29 =	vmov v2;
	v2 =	vor.u32 s9, v2;
	v4 =	vld [tilespmem:$0x1FD00]  }
0x15c: {  	[tilespmem:$0x1FBD0] =	vst v6;
	v6 =	vmov v3;
	v30 =	vor.u32 v3, v1;
	v3 =	vld [tilespmem:$0x1FCF0];
	_ =	sdelay $0x3  }
0x15d: {  	[tilespmem:v2+s22+$0x0] =	vst.idx.msk $0xffff, v0;
	v2 =	vld [tilespmem:$0x1FDA0]  }
0x15e: {  	v39 =	vsel vm0, v4, v3;
	v3 =	vld [tilespmem:$0x1FCE0]  }
0x15f: {  	v4 =	vld [tilespmem:$0x1FD10];
	_ =	sdelay $0x2  }
0x160: {  	v0 =	vld.idx.msk [tilespmem:v30+s16+$0x0], $0xffff;
	v30 =	vmov v2;
	v2 =	vor.u32 s9, v2;
	_ =	sdelay $0x1  }
0x161: {  	v3 =	vsel vm0, v3, v4  }
0x162: {  	[tilespmem:$0x1FBE0] =	vst v3;
	v3 =	vcombine.low v3, v39;
	_ =	sdelay $0x1  }
0x163: {  	[tilespmem:v2+s22+$0x0] =	vst.idx.msk $0xffff, v0;
	v2 =	vld [tilespmem:$0x1FDB0];
	v46 =	vmov v3;
	v3 =	vor.u32 v3, v1;
	_ =	sdelay $0x4  }
0x164: {  	v4 =	vsel vm0, v33, v25;
	v25 =	vmov v2;
	v2 =	vor.u32 s9, v2;
	v0 =	vld.idx.msk [tilespmem:v3+s16+$0x0], $0xffff;
	_ =	sdelay $0x1  }
0x165: {  	v19 =	vsel vm0, v19, v40  }
0x166: {  	[tilespmem:$0x1FC00] =	vst v4;
	v4 =	vcombine.low v4, v19  }
0x167: {  	[tilespmem:$0x1FBF0] =	vst v39  }
0x168: {  	v39 =	vmov v4;
	v4 =	vor.u32 v4, v1;
	[tilespmem:v2+s22+$0x0] =	vst.idx.msk $0xffff, v0;
	v2 =	vld [tilespmem:$0x1FDC0];
	_ =	sdelay $0x4  }
0x169: {  	v3 =	vsel vm0, v59, v23;
	v0 =	vld.idx.msk [tilespmem:v4+s16+$0x0], $0xffff;
	v59 =	vmov v2;
	v2 =	vor.u32 s9, v2;
	_ =	sdelay $0x4  }
0x16a: {  	[tilespmem:v2+s22+$0x0] =	vst.idx.msk $0xffff, v0;
	v0 =	vld [tilespmem:$0x1FD20]  }
0x16b: {  	v2 =	vld [tilespmem:$0x1FD30];
	_ =	sdelay $0x1  }
0x16c: {  	[tilespmem:$0x1FC10] =	vst v19;
	v19 =	vsel vm0, v41, v55  }
0x16d: {  	v3 =	vcombine.low v19, v3  }
0x16e: {  	v47 =	vmov v32;
	v32 =	vmov v24;
	v24 =	vmov v9  }
0x16f: {  	v9 =	vmovc v54;
	v54 =	vmovc v53;
	v53 =	vmov v3;
	v3 =	vor.u32 v3, v1;
	v4 =	vcombine.low v0, v2;
	v2 =	vld [tilespmem:$0x1FDD0];
	_ =	sdelay $0x4  }
0x170: {  	v0 =	vld.idx.msk [tilespmem:v3+s16+$0x0], $0xffff;
	v60 =	vmov v2;
	v2 =	vor.u32 s9, v2;
	_ =	sdelay $0x4  }
0x171: {  	[tilespmem:v2+s22+$0x0] =	vst.idx.msk $0xffff, v0;
	v0 =	vld [tilespmem:$0x1FD40]  }
0x172: {  	v2 =	vld [tilespmem:$0x1FD50];
	_ =	sdelay $0x4  }
0x173: {  	v41 =	vmov v4;
	v3 =	vor.u32 v4, v1;
	v4 =	vcombine.low v0, v2;
	v2 =	vld [tilespmem:$0x1FDE0];
	_ =	sdelay $0x4  }
0x174: {  	v0 =	vld.idx.msk [tilespmem:v3+s16+$0x0], $0xffff;
	v61 =	vmov v2;
	v2 =	vor.u32 s9, v2;
	_ =	sdelay $0x4  }
0x175: {  	v3 =	vor.u32 v4, v1;
	[tilespmem:v2+s22+$0x0] =	vst.idx.msk $0xffff, v0;
	v2 =	vld [tilespmem:$0x1FDF0];
	_ =	sdelay $0x4  }
0x176: {  	v0 =	vld.idx.msk [tilespmem:v3+s16+$0x0], $0xffff;
	v62 =	vmov v2;
	v2 =	vor.u32 s9, v2;
	_ =	sdelay $0x2  }
0x177: {  	v42 =	vmov v4;
	v4 =	vcombine.low v21, v36;
	_ =	sdelay $0x1  }
0x178: {  	v3 =	vor.u32 v4, v1;
	[tilespmem:v2+s22+$0x0] =	vst.idx.msk $0xffff, v0;
	v2 =	vld [tilespmem:$0x1FE00];
	_ =	sdelay $0x4  }
0x179: {  	v55 =	vmovc v57;
	v57 =	vmovc v4;
	v4 =	vcombine.low v58, v63;
	v0 =	vld.idx.msk [tilespmem:v3+s16+$0x0], $0xffff;
	v63 =	vmov v2;
	v2 =	vor.u32 s9, v2;
	_ =	sdelay $0x4  }
0x17a: {  	[tilespmem:v2+s22+$0x0] =	vst.idx.msk $0xffff, v0;
	v0 =	vld [tilespmem:$0x1FBC0]  }
0x17b: {  	v2 =	vld [tilespmem:$0x1FBD0];
	_ =	sdelay $0x4  }
0x17c: {  	v58 =	vmov v4;
	v3 =	vor.u32 v4, v1;
	v4 =	vcombine.low v2, v0;
	v2 =	vld [tilespmem:$0x1FE10];
	_ =	sdelay $0x4  }
0x17d: {  	v0 =	vld.idx.msk [tilespmem:v3+s16+$0x0], $0xffff;
	v33 =	vmov v2;
	v2 =	vor.u32 s9, v2;
	_ =	sdelay $0x4  }
0x17e: {  	[tilespmem:v2+s22+$0x0] =	vst.idx.msk $0xffff, v0;
	v0 =	vld [tilespmem:$0x1FBE0]  }
0x17f: {  	v2 =	vld [tilespmem:$0x1FBF0];
	_ =	sdelay $0x4  }
0x180: {  	v23 =	vmov v4;
	v4 =	vor.u32 v4, v1;
	v3 =	vcombine.low v2, v0;
	v0 =	vld [tilespmem:$0x1FE20];
	_ =	sdelay $0x4  }
0x181: {  	v4 =	vld.idx.msk [tilespmem:v4+s16+$0x0], $0xffff;
	v2 =	vor.u32 s9, v0;
	_ =	sdelay $0x1  }
0x182: {  	v19 =	vmov v0;
	v0 =	vmov v3;
	v3 =	vor.u32 v3, v1;
	_ =	sdelay $0x2  }
0x183: {  	[tilespmem:v2+s22+$0x0] =	vst.idx.msk $0xffff, v4;
	v2 =	vld [tilespmem:$0x1FE30]  }
0x184: {  	v4 =	vld [tilespmem:$0x1FC10]  }
0x185: {  	v21 =	vld.idx.msk [tilespmem:v3+s16+$0x0], $0xffff  }
0x186: {  	v3 =	vld [tilespmem:$0x1FC00];
	_ =	sdelay $0x1  }
0x187: {  	v40 =	vmov v2;
	v2 =	vor.u32 s9, v2;
	_ =	sdelay $0x2  }
0x188: {  	v3 =	vcombine.low v4, v3  }
0x189: {  	s11 =	simm.s32 $0x10;
	s6 =	sshll.u32 s0, $0x2  }
0x18a: {  	s15 =	simm.s32 $0x20;
	s7 =	sor.u32 $0x2, s6;
	v36 =	vmov v3;
	v1 =	vor.u32 v3, v1;
	[tilespmem:v2+s22+$0x0] =	vst.idx.msk $0xffff, v21;
	v2 =	vmov s11;
	v21 =	vld [tilespmem:$0x1FE40]  }
.LBB2_3:
0x18b: {  	_ =	sdelay $0x3  }
0x18c: {  	v3 =	vld.idx.msk [tilespmem:v1+s16+$0x0], $0xffff  }
0x18d: {  	v1 =	vld [tilespmem:$0x1FE50];
	_ =	sdelay $0x3  }
0x18e: {  	v2 =	vshll.u32 v2, $0x5  }
0x18f: {  	v4 =	vlaneseq.u32;
	v1 =	vor.u32 v1, v2;
	v2 =	vor.u32 s9, v21  }
0x190: {  	v4 =	vor.u32 v4, v1;
	_ =	sdelay $0x1  }
0x191: {  	s8 =	sadd.s32 $0x80, s8  }
0x192: {  	s17 =	sand.u32 $0x70, s11;
	s1 =	sand.u32 $0xC00, s8  }
0x193: {  	s9 =	sor.u32 s17, s1;
	[tilespmem:v2+s22+$0x0] =	vst.idx.msk $0xffff, v3  }
0x194: {  	v3 =	vor.u32 s9, v5;
	v2 =	vld.idx.msk [tilespmem:v4+s16+$0x0], $0xffff  }
0x195: {  	v4 =	vor.u32 v26, v1;
	_ =	sdelay $0x3  }
0x196: {  	[tilespmem:v3+s22+$0x0] =	vst.idx.msk $0xffff, v2  }
0x197: {  	v3 =	vor.u32 s9, v56;
	v2 =	vld.idx.msk [tilespmem:v4+s16+$0x0], $0xffff  }
0x198: {  	v4 =	vor.u32 v38, v1;
	_ =	sdelay $0x3  }
0x199: {  	[tilespmem:v3+s22+$0x0] =	vst.idx.msk $0xffff, v2  }
0x19a: {  	v3 =	vor.u32 s9, v9;
	v2 =	vld.idx.msk [tilespmem:v4+s16+$0x0], $0xffff  }
0x19b: {  	v4 =	vor.u32 v43, v1;
	_ =	sdelay $0x3  }
0x19c: {  	[tilespmem:v3+s22+$0x0] =	vst.idx.msk $0xffff, v2  }
0x19d: {  	v3 =	vor.u32 s9, v11;
	v2 =	vld.idx.msk [tilespmem:v4+s16+$0x0], $0xffff  }
0x19e: {  	v4 =	vor.u32 v7, v1;
	_ =	sdelay $0x3  }
0x19f: {  	[tilespmem:v3+s22+$0x0] =	vst.idx.msk $0xffff, v2  }
0x1a0: {  	v3 =	vor.u32 s9, v8;
	v2 =	vld.idx.msk [tilespmem:v4+s16+$0x0], $0xffff  }
0x1a1: {  	v4 =	vor.u32 v10, v1;
	_ =	sdelay $0x3  }
0x1a2: {  	[tilespmem:v3+s22+$0x0] =	vst.idx.msk $0xffff, v2  }
0x1a3: {  	v3 =	vor.u32 s9, v44;
	v2 =	vld.idx.msk [tilespmem:v4+s16+$0x0], $0xffff  }
0x1a4: {  	v4 =	vor.u32 v16, v1;
	_ =	sdelay $0x3  }
0x1a5: {  	[tilespmem:v3+s22+$0x0] =	vst.idx.msk $0xffff, v2  }
0x1a6: {  	v3 =	vor.u32 s9, v45;
	v2 =	vld.idx.msk [tilespmem:v4+s16+$0x0], $0xffff  }
0x1a7: {  	v4 =	vor.u32 v18, v1;
	_ =	sdelay $0x3  }
0x1a8: {  	[tilespmem:v3+s22+$0x0] =	vst.idx.msk $0xffff, v2  }
0x1a9: {  	v3 =	vor.u32 s9, v13;
	v2 =	vld.idx.msk [tilespmem:v4+s16+$0x0], $0xffff  }
0x1aa: {  	v4 =	vor.u32 v14, v1;
	_ =	sdelay $0x3  }
0x1ab: {  	[tilespmem:v3+s22+$0x0] =	vst.idx.msk $0xffff, v2  }
0x1ac: {  	v3 =	vor.u32 s9, v15;
	v2 =	vld.idx.msk [tilespmem:v4+s16+$0x0], $0xffff  }
0x1ad: {  	v4 =	vor.u32 v17, v1;
	_ =	sdelay $0x3  }
0x1ae: {  	[tilespmem:v3+s22+$0x0] =	vst.idx.msk $0xffff, v2  }
0x1af: {  	v3 =	vor.u32 s9, v49;
	v2 =	vld.idx.msk [tilespmem:v4+s16+$0x0], $0xffff  }
0x1b0: {  	v4 =	vor.u32 v24, v1;
	_ =	sdelay $0x3  }
0x1b1: {  	[tilespmem:v3+s22+$0x0] =	vst.idx.msk $0xffff, v2  }
0x1b2: {  	v3 =	vor.u32 s9, v52;
	v2 =	vld.idx.msk [tilespmem:v4+s16+$0x0], $0xffff  }
0x1b3: {  	v4 =	vor.u32 v50, v1;
	_ =	sdelay $0x3  }
0x1b4: {  	[tilespmem:v3+s22+$0x0] =	vst.idx.msk $0xffff, v2  }
0x1b5: {  	v3 =	vor.u32 s9, v27;
	v2 =	vld.idx.msk [tilespmem:v4+s16+$0x0], $0xffff  }
0x1b6: {  	v4 =	vor.u32 v20, v1;
	_ =	sdelay $0x3  }
0x1b7: {  	[tilespmem:v3+s22+$0x0] =	vst.idx.msk $0xffff, v2  }
0x1b8: {  	v3 =	vor.u32 s9, v51;
	v2 =	vld.idx.msk [tilespmem:v4+s16+$0x0], $0xffff  }
0x1b9: {  	v4 =	vor.u32 v22, v1;
	_ =	sdelay $0x3  }
0x1ba: {  	[tilespmem:v3+s22+$0x0] =	vst.idx.msk $0xffff, v2  }
0x1bb: {  	v3 =	vor.u32 s9, v31;
	v2 =	vld.idx.msk [tilespmem:v4+s16+$0x0], $0xffff  }
0x1bc: {  	v4 =	vor.u32 v48, v1;
	_ =	sdelay $0x3  }
0x1bd: {  	[tilespmem:v3+s22+$0x0] =	vst.idx.msk $0xffff, v2  }
0x1be: {  	v3 =	vor.u32 s9, v37;
	v2 =	vld.idx.msk [tilespmem:v4+s16+$0x0], $0xffff;
	_ =	sdelay $0x4  }
0x1bf: {  	v4 =	vor.u32 v47, v1;
	[tilespmem:v3+s22+$0x0] =	vst.idx.msk $0xffff, v2;
	v3 =	vld [tilespmem:$0x1FE80];
	_ =	sdelay $0x4  }
0x1c0: {  	v2 =	vld.idx.msk [tilespmem:v4+s16+$0x0], $0xffff;
	v3 =	vor.u32 s9, v3;
	_ =	sdelay $0x4  }
0x1c1: {  	v4 =	vor.u32 v28, v1;
	[tilespmem:v3+s22+$0x0] =	vst.idx.msk $0xffff, v2;
	v3 =	vld [tilespmem:$0x1FE70];
	_ =	sdelay $0x4  }
0x1c2: {  	v2 =	vld.idx.msk [tilespmem:v4+s16+$0x0], $0xffff;
	v3 =	vor.u32 s9, v3;
	_ =	sdelay $0x4  }
0x1c3: {  	v4 =	vor.u32 v34, v1;
	[tilespmem:v3+s22+$0x0] =	vst.idx.msk $0xffff, v2;
	v3 =	vld [tilespmem:$0x1FE60];
	_ =	sdelay $0x4  }
0x1c4: {  	v2 =	vld.idx.msk [tilespmem:v4+s16+$0x0], $0xffff;
	v3 =	vor.u32 s9, v3  }
0x1c5: {  	v4 =	vor.u32 v32, v1;
	_ =	sdelay $0x3  }
0x1c6: {  	[tilespmem:v3+s22+$0x0] =	vst.idx.msk $0xffff, v2  }
0x1c7: {  	v3 =	vor.u32 s9, v54;
	v2 =	vld.idx.msk [tilespmem:v4+s16+$0x0], $0xffff  }
0x1c8: {  	v4 =	vor.u32 v35, v1;
	_ =	sdelay $0x3  }
0x1c9: {  	[tilespmem:v3+s22+$0x0] =	vst.idx.msk $0xffff, v2  }
0x1ca: {  	v3 =	vor.u32 s9, v55;
	v2 =	vld.idx.msk [tilespmem:v4+s16+$0x0], $0xffff  }
0x1cb: {  	v4 =	vor.u32 v12, v1;
	_ =	sdelay $0x3  }
0x1cc: {  	[tilespmem:v3+s22+$0x0] =	vst.idx.msk $0xffff, v2  }
0x1cd: {  	v3 =	vor.u32 s9, v29;
	v2 =	vld.idx.msk [tilespmem:v4+s16+$0x0], $0xffff  }
0x1ce: {  	v4 =	vor.u32 v6, v1;
	_ =	sdelay $0x3  }
0x1cf: {  	[tilespmem:v3+s22+$0x0] =	vst.idx.msk $0xffff, v2  }
0x1d0: {  	v3 =	vor.u32 s9, v30;
	v2 =	vld.idx.msk [tilespmem:v4+s16+$0x0], $0xffff  }
0x1d1: {  	v4 =	vor.u32 v46, v1;
	_ =	sdelay $0x3  }
0x1d2: {  	[tilespmem:v3+s22+$0x0] =	vst.idx.msk $0xffff, v2  }
0x1d3: {  	v3 =	vor.u32 s9, v25;
	v2 =	vld.idx.msk [tilespmem:v4+s16+$0x0], $0xffff  }
0x1d4: {  	v4 =	vor.u32 v39, v1;
	_ =	sdelay $0x3  }
0x1d5: {  	[tilespmem:v3+s22+$0x0] =	vst.idx.msk $0xffff, v2  }
0x1d6: {  	v3 =	vor.u32 s9, v59;
	v2 =	vld.idx.msk [tilespmem:v4+s16+$0x0], $0xffff  }
0x1d7: {  	v4 =	vor.u32 v53, v1;
	_ =	sdelay $0x3  }
0x1d8: {  	[tilespmem:v3+s22+$0x0] =	vst.idx.msk $0xffff, v2  }
0x1d9: {  	v3 =	vor.u32 s9, v60;
	v2 =	vld.idx.msk [tilespmem:v4+s16+$0x0], $0xffff  }
0x1da: {  	v4 =	vor.u32 v41, v1;
	_ =	sdelay $0x3  }
0x1db: {  	[tilespmem:v3+s22+$0x0] =	vst.idx.msk $0xffff, v2  }
0x1dc: {  	v3 =	vor.u32 s9, v61;
	v2 =	vld.idx.msk [tilespmem:v4+s16+$0x0], $0xffff  }
0x1dd: {  	v4 =	vor.u32 v42, v1;
	_ =	sdelay $0x3  }
0x1de: {  	[tilespmem:v3+s22+$0x0] =	vst.idx.msk $0xffff, v2  }
0x1df: {  	v3 =	vor.u32 s9, v62;
	v2 =	vld.idx.msk [tilespmem:v4+s16+$0x0], $0xffff  }
0x1e0: {  	v4 =	vor.u32 v57, v1;
	_ =	sdelay $0x3  }
0x1e1: {  	[tilespmem:v3+s22+$0x0] =	vst.idx.msk $0xffff, v2  }
0x1e2: {  	v3 =	vor.u32 s9, v63;
	v2 =	vld.idx.msk [tilespmem:v4+s16+$0x0], $0xffff  }
0x1e3: {  	v4 =	vor.u32 v58, v1;
	_ =	sdelay $0x3  }
0x1e4: {  	[tilespmem:v3+s22+$0x0] =	vst.idx.msk $0xffff, v2  }
0x1e5: {  	v3 =	vor.u32 s9, v33;
	v2 =	vld.idx.msk [tilespmem:v4+s16+$0x0], $0xffff  }
0x1e6: {  	v4 =	vor.u32 v23, v1;
	_ =	sdelay $0x3  }
0x1e7: {  	[tilespmem:v3+s22+$0x0] =	vst.idx.msk $0xffff, v2  }
0x1e8: {  	v3 =	vor.u32 s9, v19;
	v2 =	vld.idx.msk [tilespmem:v4+s16+$0x0], $0xffff  }
0x1e9: {  	v4 =	vor.u32 v0, v1;
	_ =	sdelay $0x3  }
0x1ea: {  	[tilespmem:v3+s22+$0x0] =	vst.idx.msk $0xffff, v2  }
0x1eb: {  	p0 =	sne.s32 s15, $0x1F0;
	v3 =	vld.idx.msk [tilespmem:v4+s16+$0x0], $0xffff;
	v4 =	vor.u32 s9, v40  }
.Ltmp2:
0x1ec: {  	_ = 	snop;
	(pc) =	sbr.rel @p0 .LBB2_3-.Ltmp2, $3  }
0x1ed: {  	_ =	sdelay $0x1  }
0x1ee: {  	s11 =	smov.u32 s15  }
0x1ef: {  	s15 =	sadd.s32 $0x10, s15;
	v1 =	vor.u32 v36, v1;
	v2 =	vmov s11;
	[tilespmem:v4+s22+$0x0] =	vst.idx.msk $0xffff, v3  }
0x1f0: {  	_ =	sdelay $0x3  }
0x1f1: {  	v3 =	vld.idx.msk [tilespmem:v1+s16+$0x0], $0xffff  }
0x1f2: {  	v1 =	vld [tilespmem:$0x1FE50];
	_ =	sdelay $0x3  }
0x1f3: {  	v2 =	vshll.u32 v2, $0x5  }
0x1f4: {  	v4 =	vlaneseq.u32;
	v1 =	vor.u32 v1, v2;
	v2 =	vor.u32 s9, v21  }
0x1f5: {  	v4 =	vor.u32 v4, v1;
	_ =	sdelay $0x3  }
0x1f6: {  	[tilespmem:v2+s22+$0x0] =	vst.idx.msk $0xffff, v3  }
0x1f7: {  	v2 =	vld.idx.msk [tilespmem:v4+s16+$0x0], $0xffff;
	_ =	sdelay $0x2  }
0x1f8: {  	s8 =	sadd.s32 $0x80, s8  }
0x1f9: {  	s15 =	sand.u32 $0x70, s11;
	s8 =	sand.u32 $0xC00, s8  }
0x1fa: {  	s8 =	sor.u32 s15, s8;
	[tilespmem:$0x1F970] =	vst v2  }
0x1fb: {  	v3 =	vor.u32 s8, v5;
	v2 =	vld [tilespmem:$0x1F970]  }
0x1fc: {  	v4 =	vor.u32 v26, v1;
	_ =	sdelay $0x3  }
0x1fd: {  	[tilespmem:v3+s22+$0x0] =	vst.idx.msk $0xffff, v2  }
0x1fe: {  	v2 =	vld.idx.msk [tilespmem:v4+s16+$0x0], $0xffff;
	_ =	sdelay $0x4  }
0x1ff: {  	[tilespmem:$0x1F980] =	vst v2  }
0x200: {  	v3 =	vor.u32 s8, v56;
	v2 =	vld [tilespmem:$0x1F980]  }
0x201: {  	v4 =	vor.u32 v38, v1;
	_ =	sdelay $0x3  }
0x202: {  	[tilespmem:v3+s22+$0x0] =	vst.idx.msk $0xffff, v2  }
0x203: {  	v2 =	vld.idx.msk [tilespmem:v4+s16+$0x0], $0xffff;
	_ =	sdelay $0x4  }
0x204: {  	[tilespmem:$0x1F990] =	vst v2  }
0x205: {  	v3 =	vor.u32 s8, v9;
	v2 =	vld [tilespmem:$0x1F990]  }
0x206: {  	v4 =	vor.u32 v43, v1;
	_ =	sdelay $0x3  }
0x207: {  	[tilespmem:v3+s22+$0x0] =	vst.idx.msk $0xffff, v2  }
0x208: {  	v2 =	vld.idx.msk [tilespmem:v4+s16+$0x0], $0xffff;
	_ =	sdelay $0x4  }
0x209: {  	[tilespmem:$0x1F9A0] =	vst v2  }
0x20a: {  	v3 =	vor.u32 s8, v11;
	v2 =	vld [tilespmem:$0x1F9A0]  }
0x20b: {  	v4 =	vor.u32 v7, v1;
	_ =	sdelay $0x3  }
0x20c: {  	[tilespmem:v3+s22+$0x0] =	vst.idx.msk $0xffff, v2  }
0x20d: {  	v2 =	vld.idx.msk [tilespmem:v4+s16+$0x0], $0xffff;
	_ =	sdelay $0x4  }
0x20e: {  	[tilespmem:$0x1F9B0] =	vst v2  }
0x20f: {  	v3 =	vor.u32 s8, v8;
	v2 =	vld [tilespmem:$0x1F9B0]  }
0x210: {  	v4 =	vor.u32 v10, v1;
	_ =	sdelay $0x3  }
0x211: {  	[tilespmem:v3+s22+$0x0] =	vst.idx.msk $0xffff, v2  }
0x212: {  	v3 =	vor.u32 s8, v44;
	v2 =	vld.idx.msk [tilespmem:v4+s16+$0x0], $0xffff  }
0x213: {  	v4 =	vor.u32 v16, v1;
	_ =	sdelay $0x3  }
0x214: {  	[tilespmem:v3+s22+$0x0] =	vst.idx.msk $0xffff, v2  }
0x215: {  	v3 =	vor.u32 s8, v45;
	v2 =	vld.idx.msk [tilespmem:v4+s16+$0x0], $0xffff  }
0x216: {  	v4 =	vor.u32 v18, v1;
	_ =	sdelay $0x3  }
0x217: {  	[tilespmem:v3+s22+$0x0] =	vst.idx.msk $0xffff, v2  }
0x218: {  	v2 =	vld.idx.msk [tilespmem:v4+s16+$0x0], $0xffff;
	_ =	sdelay $0x4  }
0x219: {  	[tilespmem:$0x1F9C0] =	vst v2  }
0x21a: {  	v3 =	vor.u32 s8, v13;
	v2 =	vld [tilespmem:$0x1F9C0]  }
0x21b: {  	v4 =	vor.u32 v14, v1;
	_ =	sdelay $0x3  }
0x21c: {  	[tilespmem:v3+s22+$0x0] =	vst.idx.msk $0xffff, v2  }
0x21d: {  	v2 =	vld.idx.msk [tilespmem:v4+s16+$0x0], $0xffff;
	_ =	sdelay $0x4  }
0x21e: {  	[tilespmem:$0x1F9D0] =	vst v2  }
0x21f: {  	v3 =	vor.u32 s8, v15;
	v2 =	vld [tilespmem:$0x1F9D0]  }
0x220: {  	v4 =	vor.u32 v17, v1;
	_ =	sdelay $0x3  }
0x221: {  	[tilespmem:v3+s22+$0x0] =	vst.idx.msk $0xffff, v2  }
0x222: {  	v3 =	vor.u32 s8, v49;
	v2 =	vld.idx.msk [tilespmem:v4+s16+$0x0], $0xffff  }
0x223: {  	v4 =	vor.u32 v24, v1;
	_ =	sdelay $0x3  }
0x224: {  	[tilespmem:v3+s22+$0x0] =	vst.idx.msk $0xffff, v2  }
0x225: {  	v2 =	vld.idx.msk [tilespmem:v4+s16+$0x0], $0xffff;
	_ =	sdelay $0x4  }
0x226: {  	[tilespmem:$0x1F9E0] =	vst v2  }
0x227: {  	v3 =	vor.u32 s8, v52;
	v2 =	vld [tilespmem:$0x1F9E0]  }
0x228: {  	v4 =	vor.u32 v50, v1;
	_ =	sdelay $0x3  }
0x229: {  	[tilespmem:v3+s22+$0x0] =	vst.idx.msk $0xffff, v2  }
0x22a: {  	v2 =	vld.idx.msk [tilespmem:v4+s16+$0x0], $0xffff;
	_ =	sdelay $0x4  }
0x22b: {  	[tilespmem:$0x1F9F0] =	vst v2  }
0x22c: {  	v3 =	vor.u32 s8, v27;
	v2 =	vld [tilespmem:$0x1F9F0]  }
0x22d: {  	v4 =	vor.u32 v20, v1;
	_ =	sdelay $0x3  }
0x22e: {  	[tilespmem:v3+s22+$0x0] =	vst.idx.msk $0xffff, v2  }
0x22f: {  	v2 =	vld.idx.msk [tilespmem:v4+s16+$0x0], $0xffff;
	_ =	sdelay $0x4  }
0x230: {  	[tilespmem:$0x1FA00] =	vst v2  }
0x231: {  	v3 =	vor.u32 s8, v51;
	v2 =	vld [tilespmem:$0x1FA00]  }
0x232: {  	v4 =	vor.u32 v22, v1;
	_ =	sdelay $0x3  }
0x233: {  	[tilespmem:v3+s22+$0x0] =	vst.idx.msk $0xffff, v2  }
0x234: {  	v2 =	vld.idx.msk [tilespmem:v4+s16+$0x0], $0xffff;
	_ =	sdelay $0x4  }
0x235: {  	[tilespmem:$0x1FA10] =	vst v2  }
0x236: {  	v3 =	vor.u32 s8, v31;
	v2 =	vld [tilespmem:$0x1FA10]  }
0x237: {  	v4 =	vor.u32 v48, v1;
	_ =	sdelay $0x3  }
0x238: {  	[tilespmem:v3+s22+$0x0] =	vst.idx.msk $0xffff, v2  }
0x239: {  	v2 =	vld.idx.msk [tilespmem:v4+s16+$0x0], $0xffff;
	_ =	sdelay $0x4  }
0x23a: {  	[tilespmem:$0x1FA20] =	vst v2  }
0x23b: {  	v3 =	vor.u32 s8, v37;
	v2 =	vld [tilespmem:$0x1FA20];
	_ =	sdelay $0x4  }
0x23c: {  	v4 =	vor.u32 v47, v1;
	[tilespmem:v3+s22+$0x0] =	vst.idx.msk $0xffff, v2;
	v3 =	vld [tilespmem:$0x1FE80];
	_ =	sdelay $0x4  }
0x23d: {  	v2 =	vld.idx.msk [tilespmem:v4+s16+$0x0], $0xffff;
	v3 =	vor.u32 s8, v3;
	_ =	sdelay $0x4  }
0x23e: {  	v4 =	vor.u32 v28, v1;
	[tilespmem:v3+s22+$0x0] =	vst.idx.msk $0xffff, v2;
	v3 =	vld [tilespmem:$0x1FE70];
	_ =	sdelay $0x4  }
0x23f: {  	v2 =	vld.idx.msk [tilespmem:v4+s16+$0x0], $0xffff;
	v3 =	vor.u32 s8, v3;
	_ =	sdelay $0x4  }
0x240: {  	v4 =	vor.u32 v34, v1;
	[tilespmem:v3+s22+$0x0] =	vst.idx.msk $0xffff, v2;
	v3 =	vld [tilespmem:$0x1FE60];
	_ =	sdelay $0x4  }
0x241: {  	v2 =	vld.idx.msk [tilespmem:v4+s16+$0x0], $0xffff;
	v3 =	vor.u32 s8, v3  }
0x242: {  	v4 =	vor.u32 v32, v1;
	_ =	sdelay $0x3  }
0x243: {  	[tilespmem:v3+s22+$0x0] =	vst.idx.msk $0xffff, v2  }
0x244: {  	v2 =	vld.idx.msk [tilespmem:v4+s16+$0x0], $0xffff;
	_ =	sdelay $0x4  }
0x245: {  	[tilespmem:$0x1FA30] =	vst v2  }
0x246: {  	v3 =	vor.u32 s8, v54;
	v2 =	vld [tilespmem:$0x1FA30]  }
0x247: {  	v4 =	vor.u32 v35, v1;
	_ =	sdelay $0x3  }
0x248: {  	[tilespmem:v3+s22+$0x0] =	vst.idx.msk $0xffff, v2  }
0x249: {  	v2 =	vld.idx.msk [tilespmem:v4+s16+$0x0], $0xffff;
	_ =	sdelay $0x4  }
0x24a: {  	[tilespmem:$0x1FA40] =	vst v2  }
0x24b: {  	v3 =	vor.u32 s8, v55;
	v2 =	vld [tilespmem:$0x1FA40]  }
0x24c: {  	v4 =	vor.u32 v12, v1;
	_ =	sdelay $0x3  }
0x24d: {  	[tilespmem:v3+s22+$0x0] =	vst.idx.msk $0xffff, v2  }
0x24e: {  	v2 =	vld.idx.msk [tilespmem:v4+s16+$0x0], $0xffff;
	_ =	sdelay $0x4  }
0x24f: {  	[tilespmem:$0x1FA50] =	vst v2  }
0x250: {  	v3 =	vor.u32 s8, v29;
	v2 =	vld [tilespmem:$0x1FA50]  }
0x251: {  	v4 =	vor.u32 v6, v1;
	_ =	sdelay $0x3  }
0x252: {  	[tilespmem:v3+s22+$0x0] =	vst.idx.msk $0xffff, v2  }
0x253: {  	v2 =	vld.idx.msk [tilespmem:v4+s16+$0x0], $0xffff;
	_ =	sdelay $0x4  }
0x254: {  	[tilespmem:$0x1FA60] =	vst v2  }
0x255: {  	v3 =	vor.u32 s8, v30;
	v2 =	vld [tilespmem:$0x1FA60]  }
0x256: {  	v4 =	vor.u32 v46, v1;
	_ =	sdelay $0x3  }
0x257: {  	[tilespmem:v3+s22+$0x0] =	vst.idx.msk $0xffff, v2  }
0x258: {  	v2 =	vld.idx.msk [tilespmem:v4+s16+$0x0], $0xffff;
	_ =	sdelay $0x4  }
0x259: {  	[tilespmem:$0x1FA70] =	vst v2  }
0x25a: {  	v3 =	vor.u32 s8, v25;
	v2 =	vld [tilespmem:$0x1FA70]  }
0x25b: {  	v4 =	vor.u32 v39, v1;
	_ =	sdelay $0x3  }
0x25c: {  	[tilespmem:v3+s22+$0x0] =	vst.idx.msk $0xffff, v2  }
0x25d: {  	v2 =	vld.idx.msk [tilespmem:v4+s16+$0x0], $0xffff;
	_ =	sdelay $0x4  }
0x25e: {  	[tilespmem:$0x1FA80] =	vst v2  }
0x25f: {  	v3 =	vor.u32 s8, v59;
	v2 =	vld [tilespmem:$0x1FA80]  }
0x260: {  	v4 =	vor.u32 v53, v1;
	_ =	sdelay $0x3  }
0x261: {  	[tilespmem:v3+s22+$0x0] =	vst.idx.msk $0xffff, v2  }
0x262: {  	v2 =	vld.idx.msk [tilespmem:v4+s16+$0x0], $0xffff;
	_ =	sdelay $0x4  }
0x263: {  	[tilespmem:$0x1FA90] =	vst v2  }
0x264: {  	v3 =	vor.u32 s8, v60;
	v2 =	vld [tilespmem:$0x1FA90]  }
0x265: {  	v4 =	vor.u32 v41, v1;
	_ =	sdelay $0x3  }
0x266: {  	[tilespmem:v3+s22+$0x0] =	vst.idx.msk $0xffff, v2  }
0x267: {  	v2 =	vld.idx.msk [tilespmem:v4+s16+$0x0], $0xffff;
	_ =	sdelay $0x4  }
0x268: {  	[tilespmem:$0x1FAA0] =	vst v2  }
0x269: {  	v3 =	vor.u32 s8, v61;
	v2 =	vld [tilespmem:$0x1FAA0]  }
0x26a: {  	v4 =	vor.u32 v42, v1;
	_ =	sdelay $0x3  }
0x26b: {  	[tilespmem:v3+s22+$0x0] =	vst.idx.msk $0xffff, v2  }
0x26c: {  	v2 =	vld.idx.msk [tilespmem:v4+s16+$0x0], $0xffff;
	_ =	sdelay $0x4  }
0x26d: {  	[tilespmem:$0x1FAB0] =	vst v2  }
0x26e: {  	v3 =	vor.u32 s8, v62;
	v2 =	vld [tilespmem:$0x1FAB0]  }
0x26f: {  	v4 =	vor.u32 v57, v1;
	_ =	sdelay $0x3  }
0x270: {  	[tilespmem:v3+s22+$0x0] =	vst.idx.msk $0xffff, v2  }
0x271: {  	v2 =	vld.idx.msk [tilespmem:v4+s16+$0x0], $0xffff;
	_ =	sdelay $0x4  }
0x272: {  	[tilespmem:$0x1FAC0] =	vst v2  }
0x273: {  	v3 =	vor.u32 s8, v63;
	v2 =	vld [tilespmem:$0x1FAC0]  }
0x274: {  	v4 =	vor.u32 v58, v1;
	_ =	sdelay $0x3  }
0x275: {  	[tilespmem:v3+s22+$0x0] =	vst.idx.msk $0xffff, v2  }
0x276: {  	v2 =	vld.idx.msk [tilespmem:v4+s16+$0x0], $0xffff;
	_ =	sdelay $0x4  }
0x277: {  	[tilespmem:$0x1FAD0] =	vst v2  }
0x278: {  	v3 =	vor.u32 s8, v33;
	v2 =	vld [tilespmem:$0x1FAD0]  }
0x279: {  	v4 =	vor.u32 v23, v1;
	_ =	sdelay $0x3  }
0x27a: {  	[tilespmem:v3+s22+$0x0] =	vst.idx.msk $0xffff, v2  }
0x27b: {  	v2 =	vld.idx.msk [tilespmem:v4+s16+$0x0], $0xffff;
	_ =	sdelay $0x4  }
0x27c: {  	[tilespmem:$0x1FAE0] =	vst v2  }
0x27d: {  	v3 =	vor.u32 s8, v19;
	v2 =	vld [tilespmem:$0x1FAE0]  }
0x27e: {  	v4 =	vor.u32 v0, v1;
	_ =	sdelay $0x3  }
0x27f: {  	[tilespmem:v3+s22+$0x0] =	vst.idx.msk $0xffff, v2  }
0x280: {  	v3 =	vor.u32 s8, v40;
	v2 =	vld.idx.msk [tilespmem:v4+s16+$0x0], $0xffff;
	_ =	sdelay $0x2  }
0x281: {  	[tilespmem:$0x1FAF0] =	vst v35  }
0x282: {  	[tilespmem:$0x1FB00] =	vst v12  }
0x283: {  	v1 =	vor.u32 v36, v1;
	[tilespmem:v3+s22+$0x0] =	vst.idx.msk $0xffff, v2;
	v2 =	vld [tilespmem:$0x1FE40]  }
0x284: {  	[tilespmem:$0x1FB10] =	vst v6  }
0x285: {  	[tilespmem:$0x1FB20] =	vst v46  }
0x286: {  	[tilespmem:$0x1FB30] =	vst v39  }
0x287: {  	[tilespmem:$0x1FB40] =	vst v53;
	s9 =	sadd.s32 s5, s6  }
0x288: {  	[tilespmem:$0x1FB50] =	vst v41;
	s17 =	sshrl.u32 s9, $0x5;
	v1 =	vld.idx.msk [tilespmem:v1+s16+$0x0], $0xffff;
	v2 =	vor.u32 s8, v2  }
0x289: {  	[tilespmem:$0x1FB60] =	vst v42;
	s1 =	sshll.u32 s9, $0xC;
	s15 =	sshll.u32 s17, $0x11  }
0x28a: {  	[tilespmem:$0x1FB70] =	vst v57;
	s11 =	ssub.s32 s1, s15;
	s8 =	sshll.u32 s17, $0x13  }
0x28b: {  	[tilespmem:$0x1FB80] =	vst v58;
	s8 =	sadd.s32 s8, s11  }
0x28c: {  	[tilespmem:$0x1FB90] =	vst v23;
	s8 =	sshrl.u32 s8, $0x3  }
0x28d: {  	p0 =	seq.s32 s0, $0x31;
	s8 =	sadd.s32 s2, s8;
	[tilespmem:v2+s22+$0x0] =	vst.idx.msk $0xffff, v1  }
0x28e: {  	[hbm4b:s8+s23] =	stream.strided.scatter [tilespmem:s22], [sflag:$0x9], $0x4000, s24, s23, $0x38;
	[tilespmem:$0x18800] =	vst v63  }
0x28f: {  	[tilespmem:$0x1FBA0] =	vst v0;
	s8 =	sshll.u32 @!p0 s9, $0x6  }
0x290: {  	[tilespmem:$0x1FBB0] =	vst v36;
	s9 =	simm.s32 @!p0 $0x0;
	s8 =	sadd.s32 @!p0 s8, s10  }
0x291: {  	[tilespmem:s9], [sflag:$0x1] =	stream.linear.gather @!p0 [hbm4b:s8+s9], $0x200, $0x38;
	[tilespmem:$0x18800] =	vst v63  }
0x292: {  	_ =	swait.ge [sflag:s25], $0x4000  }
0x293: {  	[sflag:s25] =	ssyncset.done $0x0  }
0x294: {  	[sflag:s25] =	ssyncadd.s32 $0xFFFFC000  }
0x295: {  	_ =	swait.ge [sflag:s26], $0x200  }
0x296: {  	v2 =	vld [tilespmem:$0x1FE50];
	_ =	sdelay $0x1  }
0x297: {  	s8 =	simm.s32 $0x0  }
0x298: {  	v1 =	vmov s8;
	[sflag:s26] =	ssyncset.done $0x0  }
0x299: {  	s9 =	simm.s32 @!p1 $0xA;
	v1 =	vshll.u32 v1, $0x5;
	[sflag:s26] =	ssyncadd.s32 $0xFFFFFE00  }
0x29a: {  	[tilespmem:s28], [sflag:$0x8] =	stream.indirect.gather [hbm4b:s4+s12], $0x20, s14, s12, $0xb8;
	v1 =	vor.u32 v2, v1;
	v2 =	vlaneseq.u32;
	[tilespmem:$0x18800] =	vst v63  }
0x29b: {  	_ =	swait.ge @!p1 [sflag:s9], $0x4000;
	v2 =	vor.u32 v2, v1  }
0x29c: {  	v4 =	vld [tilespmem:$0x1FFC0];
	_ =	sdelay $0x1  }
0x29d: {  	s15 =	sand.u32 $0xC00, s8;
	s17 =	sand.u32 $0x70, s8;
	[sflag:s9] =	ssyncset.done @!p1 $0x0  }
0x29e: {  	s11 =	sor.u32 s17, s15;
	[sflag:s9] =	ssyncadd.s32 @!p1 $0xFFFFC000  }
0x29f: {  	v3 =	vor.u32 s11, v5;
	v2 =	vld.idx.msk [tilespmem:v2+s18+$0x0], $0xffff  }
0x2a0: {  	v4 =	vor.u32 v4, v1;
	_ =	sdelay $0x3  }
0x2a1: {  	[tilespmem:v3+s29+$0x0] =	vst.idx.msk $0xffff, v2;
	v3 =	vld [tilespmem:$0x1FEF0]  }
0x2a2: {  	v2 =	vld.idx.msk [tilespmem:v4+s18+$0x0], $0xffff  }
0x2a3: {  	v4 =	vld [tilespmem:$0x1FFD0];
	_ =	sdelay $0x3  }
0x2a4: {  	v3 =	vor.u32 s11, v3  }
0x2a5: {  	v4 =	vor.u32 v4, v1;
	_ =	sdelay $0x3  }
0x2a6: {  	[tilespmem:v3+s29+$0x0] =	vst.idx.msk $0xffff, v2  }
0x2a7: {  	v2 =	vld.idx.msk [tilespmem:v4+s18+$0x0], $0xffff  }
0x2a8: {  	v4 =	vld [tilespmem:$0x1FFF0];
	_ =	sdelay $0x3  }
0x2a9: {  	v3 =	vor.u32 s11, v9  }
0x2aa: {  	v4 =	vor.u32 v4, v1;
	_ =	sdelay $0x3  }
0x2ab: {  	[tilespmem:v3+s29+$0x0] =	vst.idx.msk $0xffff, v2  }
0x2ac: {  	v2 =	vld.idx.msk [tilespmem:v4+s18+$0x0], $0xffff  }
0x2ad: {  	v4 =	vld [tilespmem:$0x1FF80]  }
0x2ae: {  	v3 =	vor.u32 s11, v11;
	_ =	sdelay $0x3  }
0x2af: {  	v4 =	vor.u32 v4, v1  }
0x2b0: {  	[tilespmem:v3+s29+$0x0] =	vst.idx.msk $0xffff, v2;
	v3 =	vld [tilespmem:$0x1FEE0];
	_ =	sdelay $0x3  }
0x2b1: {  	v2 =	vld.idx.msk [tilespmem:v4+s18+$0x0], $0xffff  }
0x2b2: {  	v3 =	vor.u32 s11, v3;
	v4 =	vld [tilespmem:$0x1FF90];
	_ =	sdelay $0x4  }
0x2b3: {  	v4 =	vor.u32 v4, v1;
	[tilespmem:v3+s29+$0x0] =	vst.idx.msk $0xffff, v2;
	v3 =	vld [tilespmem:$0x1FFA0];
	_ =	sdelay $0x4  }
0x2b4: {  	v2 =	vld.idx.msk [tilespmem:v4+s18+$0x0], $0xffff;
	v3 =	vor.u32 s11, v3;
	_ =	sdelay $0x4  }
0x2b5: {  	v4 =	vor.u32 v16, v1;
	[tilespmem:v3+s29+$0x0] =	vst.idx.msk $0xffff, v2;
	v3 =	vld [tilespmem:$0x1FFB0];
	_ =	sdelay $0x4  }
0x2b6: {  	v2 =	vld.idx.msk [tilespmem:v4+s18+$0x0], $0xffff;
	v3 =	vor.u32 s11, v3;
	_ =	sdelay $0x2  }
0x2b7: {  	v4 =	vor.u32 v18, v1;
	_ =	sdelay $0x1  }
0x2b8: {  	[tilespmem:v3+s29+$0x0] =	vst.idx.msk $0xffff, v2;
	v3 =	vld [tilespmem:$0x1FEC0];
	_ =	sdelay $0x2  }
0x2b9: {  	v2 =	vld.idx.msk [tilespmem:v4+s18+$0x0], $0xffff  }
0x2ba: {  	v4 =	vld [tilespmem:$0x1FF50]  }
0x2bb: {  	v3 =	vor.u32 s11, v3;
	_ =	sdelay $0x3  }
0x2bc: {  	v4 =	vor.u32 v4, v1  }
0x2bd: {  	[tilespmem:v3+s29+$0x0] =	vst.idx.msk $0xffff, v2;
	v3 =	vld [tilespmem:$0x1FED0];
	_ =	sdelay $0x3  }
0x2be: {  	v2 =	vld.idx.msk [tilespmem:v4+s18+$0x0], $0xffff  }
0x2bf: {  	v4 =	vld [tilespmem:$0x1FF60];
	v3 =	vor.u32 s11, v3;
	_ =	sdelay $0x4  }
0x2c0: {  	v4 =	vor.u32 v4, v1;
	[tilespmem:v3+s29+$0x0] =	vst.idx.msk $0xffff, v2;
	v3 =	vld [tilespmem:$0x1FF70];
	_ =	sdelay $0x4  }
0x2c1: {  	v2 =	vld.idx.msk [tilespmem:v4+s18+$0x0], $0xffff;
	v3 =	vor.u32 s11, v3  }
0x2c2: {  	v4 =	vor.u32 v24, v1;
	_ =	sdelay $0x3  }
0x2c3: {  	[tilespmem:v3+s29+$0x0] =	vst.idx.msk $0xffff, v2;
	v3 =	vld [tilespmem:$0x1FF00]  }
0x2c4: {  	v2 =	vld.idx.msk [tilespmem:v4+s18+$0x0], $0xffff  }
0x2c5: {  	v4 =	vld [tilespmem:$0x1FFE0];
	_ =	sdelay $0x3  }
0x2c6: {  	v3 =	vor.u32 s11, v3  }
0x2c7: {  	v4 =	vor.u32 v4, v1;
	_ =	sdelay $0x3  }
0x2c8: {  	[tilespmem:v3+s29+$0x0] =	vst.idx.msk $0xffff, v2  }
0x2c9: {  	v2 =	vld.idx.msk [tilespmem:v4+s18+$0x0], $0xffff  }
0x2ca: {  	v4 =	vld [tilespmem:$0x1FF10];
	_ =	sdelay $0x2  }
0x2cb: {  	v3 =	vor.u32 s11, v27;
	_ =	sdelay $0x1  }
0x2cc: {  	v4 =	vor.u32 v4, v1;
	_ =	sdelay $0x2  }
0x2cd: {  	[tilespmem:v3+s29+$0x0] =	vst.idx.msk $0xffff, v2;
	v3 =	vld [tilespmem:$0x1FE90];
	_ =	sdelay $0x1  }
0x2ce: {  	v2 =	vld.idx.msk [tilespmem:v4+s18+$0x0], $0xffff  }
0x2cf: {  	v4 =	vld [tilespmem:$0x1FF20];
	_ =	sdelay $0x1  }
0x2d0: {  	v3 =	vor.u32 s11, v3;
	_ =	sdelay $0x2  }
0x2d1: {  	v4 =	vor.u32 v4, v1;
	_ =	sdelay $0x1  }
0x2d2: {  	[tilespmem:v3+s29+$0x0] =	vst.idx.msk $0xffff, v2;
	v3 =	vld [tilespmem:$0x1FEA0];
	_ =	sdelay $0x2  }
0x2d3: {  	v2 =	vld.idx.msk [tilespmem:v4+s18+$0x0], $0xffff  }
0x2d4: {  	v4 =	vld [tilespmem:$0x1FF30]  }
0x2d5: {  	v3 =	vor.u32 s11, v3;
	_ =	sdelay $0x3  }
0x2d6: {  	v4 =	vor.u32 v4, v1  }
0x2d7: {  	[tilespmem:v3+s29+$0x0] =	vst.idx.msk $0xffff, v2;
	v3 =	vld [tilespmem:$0x1FEB0];
	_ =	sdelay $0x3  }
0x2d8: {  	v2 =	vld.idx.msk [tilespmem:v4+s18+$0x0], $0xffff  }
0x2d9: {  	v3 =	vor.u32 s11, v3;
	v4 =	vld [tilespmem:$0x1FF40];
	_ =	sdelay $0x4  }
0x2da: {  	v4 =	vor.u32 v4, v1;
	[tilespmem:v3+s29+$0x0] =	vst.idx.msk $0xffff, v2;
	v3 =	vld [tilespmem:$0x1FE80];
	_ =	sdelay $0x4  }
0x2db: {  	v2 =	vld.idx.msk [tilespmem:v4+s18+$0x0], $0xffff;
	v3 =	vor.u32 s11, v3;
	_ =	sdelay $0x4  }
0x2dc: {  	v4 =	vor.u32 v28, v1;
	[tilespmem:v3+s29+$0x0] =	vst.idx.msk $0xffff, v2;
	v3 =	vld [tilespmem:$0x1FE70];
	_ =	sdelay $0x4  }
0x2dd: {  	v2 =	vld.idx.msk [tilespmem:v4+s18+$0x0], $0xffff;
	v3 =	vor.u32 s11, v3;
	_ =	sdelay $0x4  }
0x2de: {  	v4 =	vor.u32 v34, v1;
	[tilespmem:v3+s29+$0x0] =	vst.idx.msk $0xffff, v2;
	v3 =	vld [tilespmem:$0x1FE60];
	_ =	sdelay $0x4  }
0x2df: {  	v2 =	vld.idx.msk [tilespmem:v4+s18+$0x0], $0xffff;
	v3 =	vor.u32 s11, v3  }
0x2e0: {  	v4 =	vor.u32 v32, v1;
	_ =	sdelay $0x3  }
0x2e1: {  	[tilespmem:v3+s29+$0x0] =	vst.idx.msk $0xffff, v2  }
0x2e2: {  	v2 =	vld.idx.msk [tilespmem:v4+s18+$0x0], $0xffff  }
0x2e3: {  	v4 =	vld [tilespmem:$0x1FAF0];
	_ =	sdelay $0x3  }
0x2e4: {  	v3 =	vor.u32 s11, v54  }
0x2e5: {  	v4 =	vor.u32 v4, v1;
	_ =	sdelay $0x3  }
0x2e6: {  	[tilespmem:v3+s29+$0x0] =	vst.idx.msk $0xffff, v2  }
0x2e7: {  	v2 =	vld.idx.msk [tilespmem:v4+s18+$0x0], $0xffff  }
0x2e8: {  	v4 =	vld [tilespmem:$0x1FB00];
	_ =	sdelay $0x3  }
0x2e9: {  	v3 =	vor.u32 s11, v55  }
0x2ea: {  	v4 =	vor.u32 v4, v1;
	_ =	sdelay $0x3  }
0x2eb: {  	[tilespmem:v3+s29+$0x0] =	vst.idx.msk $0xffff, v2;
	v3 =	vld [tilespmem:$0x1FD90]  }
0x2ec: {  	v2 =	vld.idx.msk [tilespmem:v4+s18+$0x0], $0xffff  }
0x2ed: {  	v4 =	vld [tilespmem:$0x1FB10];
	_ =	sdelay $0x3  }
0x2ee: {  	v3 =	vor.u32 s11, v3  }
0x2ef: {  	v4 =	vor.u32 v4, v1;
	_ =	sdelay $0x3  }
0x2f0: {  	[tilespmem:v3+s29+$0x0] =	vst.idx.msk $0xffff, v2;
	v3 =	vld [tilespmem:$0x1FDA0]  }
0x2f1: {  	v2 =	vld.idx.msk [tilespmem:v4+s18+$0x0], $0xffff  }
0x2f2: {  	v4 =	vld [tilespmem:$0x1FB20];
	_ =	sdelay $0x3  }
0x2f3: {  	v3 =	vor.u32 s11, v3  }
0x2f4: {  	v4 =	vor.u32 v4, v1;
	_ =	sdelay $0x3  }
0x2f5: {  	[tilespmem:v3+s29+$0x0] =	vst.idx.msk $0xffff, v2;
	v3 =	vld [tilespmem:$0x1FDB0]  }
0x2f6: {  	v2 =	vld.idx.msk [tilespmem:v4+s18+$0x0], $0xffff  }
0x2f7: {  	v4 =	vld [tilespmem:$0x1FB30];
	_ =	sdelay $0x3  }
0x2f8: {  	v3 =	vor.u32 s11, v3  }
0x2f9: {  	v4 =	vor.u32 v4, v1;
	_ =	sdelay $0x3  }
0x2fa: {  	[tilespmem:v3+s29+$0x0] =	vst.idx.msk $0xffff, v2;
	v3 =	vld [tilespmem:$0x1FDC0]  }
0x2fb: {  	v2 =	vld.idx.msk [tilespmem:v4+s18+$0x0], $0xffff  }
0x2fc: {  	v4 =	vld [tilespmem:$0x1FB40];
	_ =	sdelay $0x3  }
0x2fd: {  	v3 =	vor.u32 s11, v3  }
0x2fe: {  	v4 =	vor.u32 v4, v1;
	_ =	sdelay $0x3  }
0x2ff: {  	[tilespmem:v3+s29+$0x0] =	vst.idx.msk $0xffff, v2;
	v3 =	vld [tilespmem:$0x1FDD0]  }
0x300: {  	v2 =	vld.idx.msk [tilespmem:v4+s18+$0x0], $0xffff  }
0x301: {  	v4 =	vld [tilespmem:$0x1FB50];
	_ =	sdelay $0x3  }
0x302: {  	v3 =	vor.u32 s11, v3  }
0x303: {  	v4 =	vor.u32 v4, v1;
	_ =	sdelay $0x3  }
0x304: {  	[tilespmem:v3+s29+$0x0] =	vst.idx.msk $0xffff, v2;
	v3 =	vld [tilespmem:$0x1FDE0]  }
0x305: {  	v2 =	vld.idx.msk [tilespmem:v4+s18+$0x0], $0xffff  }
0x306: {  	v4 =	vld [tilespmem:$0x1FB60];
	_ =	sdelay $0x3  }
0x307: {  	v3 =	vor.u32 s11, v3  }
0x308: {  	v4 =	vor.u32 v4, v1;
	_ =	sdelay $0x3  }
0x309: {  	[tilespmem:v3+s29+$0x0] =	vst.idx.msk $0xffff, v2;
	v3 =	vld [tilespmem:$0x1FDF0]  }
0x30a: {  	v2 =	vld.idx.msk [tilespmem:v4+s18+$0x0], $0xffff  }
0x30b: {  	v4 =	vld [tilespmem:$0x1FB70];
	_ =	sdelay $0x2  }
0x30c: {  	v3 =	vor.u32 s11, v3;
	_ =	sdelay $0x1  }
0x30d: {  	v4 =	vor.u32 v4, v1;
	_ =	sdelay $0x2  }
0x30e: {  	[tilespmem:v3+s29+$0x0] =	vst.idx.msk $0xffff, v2;
	v3 =	vld [tilespmem:$0x1FE00];
	_ =	sdelay $0x1  }
0x30f: {  	v2 =	vld.idx.msk [tilespmem:v4+s18+$0x0], $0xffff  }
0x310: {  	v4 =	vld [tilespmem:$0x1FB80];
	_ =	sdelay $0x1  }
0x311: {  	v3 =	vor.u32 s11, v3;
	_ =	sdelay $0x2  }
0x312: {  	v4 =	vor.u32 v4, v1;
	_ =	sdelay $0x1  }
0x313: {  	[tilespmem:v3+s29+$0x0] =	vst.idx.msk $0xffff, v2;
	v3 =	vld [tilespmem:$0x1FE10];
	_ =	sdelay $0x2  }
0x314: {  	v2 =	vld.idx.msk [tilespmem:v4+s18+$0x0], $0xffff  }
0x315: {  	v4 =	vld [tilespmem:$0x1FB90]  }
0x316: {  	v3 =	vor.u32 s11, v3;
	_ =	sdelay $0x3  }
0x317: {  	v4 =	vor.u32 v4, v1  }
0x318: {  	[tilespmem:v3+s29+$0x0] =	vst.idx.msk $0xffff, v2;
	v3 =	vld [tilespmem:$0x1FE20];
	_ =	sdelay $0x3  }
0x319: {  	v2 =	vld.idx.msk [tilespmem:v4+s18+$0x0], $0xffff  }
0x31a: {  	v3 =	vor.u32 s11, v3;
	v4 =	vld [tilespmem:$0x1FBA0];
	_ =	sdelay $0x4  }
0x31b: {  	v4 =	vor.u32 v4, v1;
	[tilespmem:v3+s29+$0x0] =	vst.idx.msk $0xffff, v2;
	v3 =	vld [tilespmem:$0x1FE30];
	_ =	sdelay $0x4  }
0x31c: {  	v2 =	vld.idx.msk [tilespmem:v4+s18+$0x0], $0xffff;
	v3 =	vor.u32 s11, v3;
	_ =	sdelay $0x4  }
0x31d: {  	[tilespmem:v3+s29+$0x0] =	vst.idx.msk $0xffff, v2;
	v2 =	vld [tilespmem:$0x1FBB0];
	_ =	sdelay $0x3  }
0x31e: {  	s15 =	simm.s32 $0x10  }
0x31f: {  	s17 =	simm.s32 $0x20;
	s9 =	sor.u32 $0x1, s6;
	s6 =	sor.u32 $0x3, s6;
	v1 =	vor.u32 v2, v1;
	v2 =	vmov s15  }
.LBB2_5:
0x320: {  	_ =	sdelay $0x3  }
0x321: {  	v3 =	vld.idx.msk [tilespmem:v1+s18+$0x0], $0xffff  }
0x322: {  	v1 =	vld [tilespmem:$0x1FE50];
	_ =	sdelay $0x3  }
0x323: {  	v2 =	vshll.u32 v2, $0x5  }
0x324: {  	v4 =	vlaneseq.u32;
	v1 =	vor.u32 v1, v2;
	v2 =	vor.u32 s11, v21  }
0x325: {  	v4 =	vor.u32 v4, v1;
	_ =	sdelay $0x1  }
0x326: {  	s8 =	sadd.s32 $0x80, s8  }
0x327: {  	s1 =	sand.u32 $0x70, s15;
	s11 =	sand.u32 $0xC00, s8  }
0x328: {  	s11 =	sor.u32 s1, s11;
	[tilespmem:v2+s29+$0x0] =	vst.idx.msk $0xffff, v3  }
0x329: {  	v3 =	vor.u32 s11, v5;
	v2 =	vld.idx.msk [tilespmem:v4+s18+$0x0], $0xffff  }
0x32a: {  	v4 =	vor.u32 v26, v1;
	_ =	sdelay $0x3  }
0x32b: {  	[tilespmem:v3+s29+$0x0] =	vst.idx.msk $0xffff, v2  }
0x32c: {  	v3 =	vor.u32 s11, v56;
	v2 =	vld.idx.msk [tilespmem:v4+s18+$0x0], $0xffff  }
0x32d: {  	v4 =	vor.u32 v38, v1;
	_ =	sdelay $0x3  }
0x32e: {  	[tilespmem:v3+s29+$0x0] =	vst.idx.msk $0xffff, v2  }
0x32f: {  	v3 =	vor.u32 s11, v9;
	v2 =	vld.idx.msk [tilespmem:v4+s18+$0x0], $0xffff  }
0x330: {  	v4 =	vor.u32 v43, v1;
	_ =	sdelay $0x3  }
0x331: {  	[tilespmem:v3+s29+$0x0] =	vst.idx.msk $0xffff, v2  }
0x332: {  	v3 =	vor.u32 s11, v11;
	v2 =	vld.idx.msk [tilespmem:v4+s18+$0x0], $0xffff  }
0x333: {  	v4 =	vor.u32 v7, v1;
	_ =	sdelay $0x3  }
0x334: {  	[tilespmem:v3+s29+$0x0] =	vst.idx.msk $0xffff, v2  }
0x335: {  	v3 =	vor.u32 s11, v8;
	v2 =	vld.idx.msk [tilespmem:v4+s18+$0x0], $0xffff  }
0x336: {  	v4 =	vor.u32 v10, v1;
	_ =	sdelay $0x3  }
0x337: {  	[tilespmem:v3+s29+$0x0] =	vst.idx.msk $0xffff, v2  }
0x338: {  	v3 =	vor.u32 s11, v44;
	v2 =	vld.idx.msk [tilespmem:v4+s18+$0x0], $0xffff  }
0x339: {  	v4 =	vor.u32 v16, v1;
	_ =	sdelay $0x3  }
0x33a: {  	[tilespmem:v3+s29+$0x0] =	vst.idx.msk $0xffff, v2  }
0x33b: {  	v3 =	vor.u32 s11, v45;
	v2 =	vld.idx.msk [tilespmem:v4+s18+$0x0], $0xffff  }
0x33c: {  	v4 =	vor.u32 v18, v1;
	_ =	sdelay $0x3  }
0x33d: {  	[tilespmem:v3+s29+$0x0] =	vst.idx.msk $0xffff, v2  }
0x33e: {  	v3 =	vor.u32 s11, v13;
	v2 =	vld.idx.msk [tilespmem:v4+s18+$0x0], $0xffff  }
0x33f: {  	v4 =	vor.u32 v14, v1;
	_ =	sdelay $0x3  }
0x340: {  	[tilespmem:v3+s29+$0x0] =	vst.idx.msk $0xffff, v2  }
0x341: {  	v3 =	vor.u32 s11, v15;
	v2 =	vld.idx.msk [tilespmem:v4+s18+$0x0], $0xffff  }
0x342: {  	v4 =	vor.u32 v17, v1;
	_ =	sdelay $0x3  }
0x343: {  	[tilespmem:v3+s29+$0x0] =	vst.idx.msk $0xffff, v2  }
0x344: {  	v3 =	vor.u32 s11, v49;
	v2 =	vld.idx.msk [tilespmem:v4+s18+$0x0], $0xffff  }
0x345: {  	v4 =	vor.u32 v24, v1;
	_ =	sdelay $0x3  }
0x346: {  	[tilespmem:v3+s29+$0x0] =	vst.idx.msk $0xffff, v2  }
0x347: {  	v3 =	vor.u32 s11, v52;
	v2 =	vld.idx.msk [tilespmem:v4+s18+$0x0], $0xffff  }
0x348: {  	v4 =	vor.u32 v50, v1;
	_ =	sdelay $0x3  }
0x349: {  	[tilespmem:v3+s29+$0x0] =	vst.idx.msk $0xffff, v2  }
0x34a: {  	v3 =	vor.u32 s11, v27;
	v2 =	vld.idx.msk [tilespmem:v4+s18+$0x0], $0xffff  }
0x34b: {  	v4 =	vor.u32 v20, v1;
	_ =	sdelay $0x3  }
0x34c: {  	[tilespmem:v3+s29+$0x0] =	vst.idx.msk $0xffff, v2  }
0x34d: {  	v3 =	vor.u32 s11, v51;
	v2 =	vld.idx.msk [tilespmem:v4+s18+$0x0], $0xffff  }
0x34e: {  	v4 =	vor.u32 v22, v1;
	_ =	sdelay $0x3  }
0x34f: {  	[tilespmem:v3+s29+$0x0] =	vst.idx.msk $0xffff, v2  }
0x350: {  	v3 =	vor.u32 s11, v31;
	v2 =	vld.idx.msk [tilespmem:v4+s18+$0x0], $0xffff  }
0x351: {  	v4 =	vor.u32 v48, v1;
	_ =	sdelay $0x3  }
0x352: {  	[tilespmem:v3+s29+$0x0] =	vst.idx.msk $0xffff, v2  }
0x353: {  	v3 =	vor.u32 s11, v37;
	v2 =	vld.idx.msk [tilespmem:v4+s18+$0x0], $0xffff;
	_ =	sdelay $0x4  }
0x354: {  	v4 =	vor.u32 v47, v1;
	[tilespmem:v3+s29+$0x0] =	vst.idx.msk $0xffff, v2;
	v3 =	vld [tilespmem:$0x1FE80];
	_ =	sdelay $0x4  }
0x355: {  	v2 =	vld.idx.msk [tilespmem:v4+s18+$0x0], $0xffff;
	v3 =	vor.u32 s11, v3;
	_ =	sdelay $0x4  }
0x356: {  	v4 =	vor.u32 v28, v1;
	[tilespmem:v3+s29+$0x0] =	vst.idx.msk $0xffff, v2;
	v3 =	vld [tilespmem:$0x1FE70];
	_ =	sdelay $0x4  }
0x357: {  	v2 =	vld.idx.msk [tilespmem:v4+s18+$0x0], $0xffff;
	v3 =	vor.u32 s11, v3;
	_ =	sdelay $0x4  }
0x358: {  	v4 =	vor.u32 v34, v1;
	[tilespmem:v3+s29+$0x0] =	vst.idx.msk $0xffff, v2;
	v3 =	vld [tilespmem:$0x1FE60];
	_ =	sdelay $0x4  }
0x359: {  	v2 =	vld.idx.msk [tilespmem:v4+s18+$0x0], $0xffff;
	v3 =	vor.u32 s11, v3  }
0x35a: {  	v4 =	vor.u32 v32, v1;
	_ =	sdelay $0x3  }
0x35b: {  	[tilespmem:v3+s29+$0x0] =	vst.idx.msk $0xffff, v2  }
0x35c: {  	v3 =	vor.u32 s11, v54;
	v2 =	vld.idx.msk [tilespmem:v4+s18+$0x0], $0xffff  }
0x35d: {  	v4 =	vor.u32 v35, v1;
	_ =	sdelay $0x3  }
0x35e: {  	[tilespmem:v3+s29+$0x0] =	vst.idx.msk $0xffff, v2  }
0x35f: {  	v3 =	vor.u32 s11, v55;
	v2 =	vld.idx.msk [tilespmem:v4+s18+$0x0], $0xffff  }
0x360: {  	v4 =	vor.u32 v12, v1;
	_ =	sdelay $0x3  }
0x361: {  	[tilespmem:v3+s29+$0x0] =	vst.idx.msk $0xffff, v2  }
0x362: {  	v3 =	vor.u32 s11, v29;
	v2 =	vld.idx.msk [tilespmem:v4+s18+$0x0], $0xffff  }
0x363: {  	v4 =	vor.u32 v6, v1;
	_ =	sdelay $0x3  }
0x364: {  	[tilespmem:v3+s29+$0x0] =	vst.idx.msk $0xffff, v2  }
0x365: {  	v3 =	vor.u32 s11, v30;
	v2 =	vld.idx.msk [tilespmem:v4+s18+$0x0], $0xffff  }
0x366: {  	v4 =	vor.u32 v46, v1;
	_ =	sdelay $0x3  }
0x367: {  	[tilespmem:v3+s29+$0x0] =	vst.idx.msk $0xffff, v2  }
0x368: {  	v3 =	vor.u32 s11, v25;
	v2 =	vld.idx.msk [tilespmem:v4+s18+$0x0], $0xffff  }
0x369: {  	v4 =	vor.u32 v39, v1;
	_ =	sdelay $0x3  }
0x36a: {  	[tilespmem:v3+s29+$0x0] =	vst.idx.msk $0xffff, v2  }
0x36b: {  	v3 =	vor.u32 s11, v59;
	v2 =	vld.idx.msk [tilespmem:v4+s18+$0x0], $0xffff  }
0x36c: {  	v4 =	vor.u32 v53, v1;
	_ =	sdelay $0x3  }
0x36d: {  	[tilespmem:v3+s29+$0x0] =	vst.idx.msk $0xffff, v2  }
0x36e: {  	v3 =	vor.u32 s11, v60;
	v2 =	vld.idx.msk [tilespmem:v4+s18+$0x0], $0xffff  }
0x36f: {  	v4 =	vor.u32 v41, v1;
	_ =	sdelay $0x3  }
0x370: {  	[tilespmem:v3+s29+$0x0] =	vst.idx.msk $0xffff, v2  }
0x371: {  	v3 =	vor.u32 s11, v61;
	v2 =	vld.idx.msk [tilespmem:v4+s18+$0x0], $0xffff  }
0x372: {  	v4 =	vor.u32 v42, v1;
	_ =	sdelay $0x3  }
0x373: {  	[tilespmem:v3+s29+$0x0] =	vst.idx.msk $0xffff, v2  }
0x374: {  	v3 =	vor.u32 s11, v62;
	v2 =	vld.idx.msk [tilespmem:v4+s18+$0x0], $0xffff  }
0x375: {  	v4 =	vor.u32 v57, v1;
	_ =	sdelay $0x3  }
0x376: {  	[tilespmem:v3+s29+$0x0] =	vst.idx.msk $0xffff, v2  }
0x377: {  	v3 =	vor.u32 s11, v63;
	v2 =	vld.idx.msk [tilespmem:v4+s18+$0x0], $0xffff  }
0x378: {  	v4 =	vor.u32 v58, v1;
	_ =	sdelay $0x3  }
0x379: {  	[tilespmem:v3+s29+$0x0] =	vst.idx.msk $0xffff, v2  }
0x37a: {  	v3 =	vor.u32 s11, v33;
	v2 =	vld.idx.msk [tilespmem:v4+s18+$0x0], $0xffff  }
0x37b: {  	v4 =	vor.u32 v23, v1;
	_ =	sdelay $0x3  }
0x37c: {  	[tilespmem:v3+s29+$0x0] =	vst.idx.msk $0xffff, v2  }
0x37d: {  	v3 =	vor.u32 s11, v19;
	v2 =	vld.idx.msk [tilespmem:v4+s18+$0x0], $0xffff  }
0x37e: {  	v4 =	vor.u32 v0, v1;
	_ =	sdelay $0x3  }
0x37f: {  	[tilespmem:v3+s29+$0x0] =	vst.idx.msk $0xffff, v2  }
0x380: {  	p1 =	sne.s32 s17, $0x1F0;
	v3 =	vld.idx.msk [tilespmem:v4+s18+$0x0], $0xffff;
	v4 =	vor.u32 s11, v40  }
.Ltmp3:
0x381: {  	_ = 	snop;
	(pc) =	sbr.rel @p1 .LBB2_5-.Ltmp3, $3  }
0x382: {  	_ =	sdelay $0x1  }
0x383: {  	s15 =	smov.u32 s17  }
0x384: {  	s17 =	sadd.s32 $0x10, s17;
	v1 =	vor.u32 v36, v1;
	v2 =	vmov s15;
	[tilespmem:v4+s29+$0x0] =	vst.idx.msk $0xffff, v3  }
0x385: {  	_ =	sdelay $0x3  }
0x386: {  	v3 =	vld.idx.msk [tilespmem:v1+s18+$0x0], $0xffff  }
0x387: {  	v1 =	vld [tilespmem:$0x1FE50];
	_ =	sdelay $0x3  }
0x388: {  	v2 =	vshll.u32 v2, $0x5  }
0x389: {  	v4 =	vlaneseq.u32;
	v1 =	vor.u32 v1, v2;
	v2 =	vor.u32 s11, v21  }
0x38a: {  	v4 =	vor.u32 v4, v1;
	_ =	sdelay $0x3  }
0x38b: {  	[tilespmem:v2+s29+$0x0] =	vst.idx.msk $0xffff, v3  }
0x38c: {  	v2 =	vld.idx.msk [tilespmem:v4+s18+$0x0], $0xffff;
	_ =	sdelay $0x2  }
0x38d: {  	s1 =	sadd.s32 $0x80, s8  }
0x38e: {  	s1 =	sand.u32 $0xC00, s1;
	s11 =	sand.u32 $0x70, s15  }
0x38f: {  	s8 =	sor.u32 s11, s1;
	[tilespmem:$0x1F7F0] =	vst v2  }
0x390: {  	v3 =	vor.u32 s8, v5;
	v2 =	vld [tilespmem:$0x1F7F0]  }
0x391: {  	v4 =	vor.u32 v26, v1;
	_ =	sdelay $0x3  }
0x392: {  	[tilespmem:v3+s29+$0x0] =	vst.idx.msk $0xffff, v2  }
0x393: {  	v2 =	vld.idx.msk [tilespmem:v4+s18+$0x0], $0xffff;
	_ =	sdelay $0x4  }
0x394: {  	[tilespmem:$0x1F800] =	vst v2  }
0x395: {  	v3 =	vor.u32 s8, v56;
	v2 =	vld [tilespmem:$0x1F800]  }
0x396: {  	v4 =	vor.u32 v38, v1;
	_ =	sdelay $0x3  }
0x397: {  	[tilespmem:v3+s29+$0x0] =	vst.idx.msk $0xffff, v2  }
0x398: {  	v2 =	vld.idx.msk [tilespmem:v4+s18+$0x0], $0xffff;
	_ =	sdelay $0x4  }
0x399: {  	[tilespmem:$0x1F810] =	vst v2  }
0x39a: {  	v3 =	vor.u32 s8, v9;
	v2 =	vld [tilespmem:$0x1F810]  }
0x39b: {  	v4 =	vor.u32 v43, v1;
	_ =	sdelay $0x3  }
0x39c: {  	[tilespmem:v3+s29+$0x0] =	vst.idx.msk $0xffff, v2  }
0x39d: {  	v2 =	vld.idx.msk [tilespmem:v4+s18+$0x0], $0xffff;
	_ =	sdelay $0x4  }
0x39e: {  	[tilespmem:$0x1F820] =	vst v2  }
0x39f: {  	v3 =	vor.u32 s8, v11;
	v2 =	vld [tilespmem:$0x1F820]  }
0x3a0: {  	v4 =	vor.u32 v7, v1;
	_ =	sdelay $0x3  }
0x3a1: {  	[tilespmem:v3+s29+$0x0] =	vst.idx.msk $0xffff, v2  }
0x3a2: {  	v2 =	vld.idx.msk [tilespmem:v4+s18+$0x0], $0xffff;
	_ =	sdelay $0x4  }
0x3a3: {  	[tilespmem:$0x1F830] =	vst v2  }
0x3a4: {  	v3 =	vor.u32 s8, v8;
	v2 =	vld [tilespmem:$0x1F830]  }
0x3a5: {  	v4 =	vor.u32 v10, v1;
	_ =	sdelay $0x3  }
0x3a6: {  	[tilespmem:v3+s29+$0x0] =	vst.idx.msk $0xffff, v2  }
0x3a7: {  	v3 =	vor.u32 s8, v44;
	v2 =	vld.idx.msk [tilespmem:v4+s18+$0x0], $0xffff  }
0x3a8: {  	v4 =	vor.u32 v16, v1;
	_ =	sdelay $0x3  }
0x3a9: {  	[tilespmem:v3+s29+$0x0] =	vst.idx.msk $0xffff, v2  }
0x3aa: {  	v3 =	vor.u32 s8, v45;
	v2 =	vld.idx.msk [tilespmem:v4+s18+$0x0], $0xffff  }
0x3ab: {  	v4 =	vor.u32 v18, v1;
	_ =	sdelay $0x3  }
0x3ac: {  	[tilespmem:v3+s29+$0x0] =	vst.idx.msk $0xffff, v2  }
0x3ad: {  	v2 =	vld.idx.msk [tilespmem:v4+s18+$0x0], $0xffff;
	_ =	sdelay $0x4  }
0x3ae: {  	[tilespmem:$0x1F840] =	vst v2  }
0x3af: {  	v3 =	vor.u32 s8, v13;
	v2 =	vld [tilespmem:$0x1F840]  }
0x3b0: {  	v4 =	vor.u32 v14, v1;
	_ =	sdelay $0x3  }
0x3b1: {  	[tilespmem:v3+s29+$0x0] =	vst.idx.msk $0xffff, v2  }
0x3b2: {  	v2 =	vld.idx.msk [tilespmem:v4+s18+$0x0], $0xffff;
	_ =	sdelay $0x4  }
0x3b3: {  	[tilespmem:$0x1F850] =	vst v2  }
0x3b4: {  	v3 =	vor.u32 s8, v15;
	v2 =	vld [tilespmem:$0x1F850]  }
0x3b5: {  	v4 =	vor.u32 v17, v1;
	_ =	sdelay $0x3  }
0x3b6: {  	[tilespmem:v3+s29+$0x0] =	vst.idx.msk $0xffff, v2  }
0x3b7: {  	v3 =	vor.u32 s8, v49;
	v2 =	vld.idx.msk [tilespmem:v4+s18+$0x0], $0xffff  }
0x3b8: {  	v4 =	vor.u32 v24, v1;
	_ =	sdelay $0x3  }
0x3b9: {  	[tilespmem:v3+s29+$0x0] =	vst.idx.msk $0xffff, v2  }
0x3ba: {  	v2 =	vld.idx.msk [tilespmem:v4+s18+$0x0], $0xffff;
	_ =	sdelay $0x4  }
0x3bb: {  	[tilespmem:$0x1F860] =	vst v2  }
0x3bc: {  	v3 =	vor.u32 s8, v52;
	v2 =	vld [tilespmem:$0x1F860]  }
0x3bd: {  	v4 =	vor.u32 v50, v1;
	_ =	sdelay $0x3  }
0x3be: {  	[tilespmem:v3+s29+$0x0] =	vst.idx.msk $0xffff, v2  }
0x3bf: {  	v2 =	vld.idx.msk [tilespmem:v4+s18+$0x0], $0xffff;
	_ =	sdelay $0x4  }
0x3c0: {  	[tilespmem:$0x1F870] =	vst v2  }
0x3c1: {  	v3 =	vor.u32 s8, v27;
	v2 =	vld [tilespmem:$0x1F870]  }
0x3c2: {  	v4 =	vor.u32 v20, v1;
	_ =	sdelay $0x3  }
0x3c3: {  	[tilespmem:v3+s29+$0x0] =	vst.idx.msk $0xffff, v2  }
0x3c4: {  	v2 =	vld.idx.msk [tilespmem:v4+s18+$0x0], $0xffff;
	_ =	sdelay $0x4  }
0x3c5: {  	[tilespmem:$0x1F880] =	vst v2  }
0x3c6: {  	v3 =	vor.u32 s8, v51;
	v2 =	vld [tilespmem:$0x1F880]  }
0x3c7: {  	v4 =	vor.u32 v22, v1;
	_ =	sdelay $0x3  }
0x3c8: {  	[tilespmem:v3+s29+$0x0] =	vst.idx.msk $0xffff, v2  }
0x3c9: {  	v2 =	vld.idx.msk [tilespmem:v4+s18+$0x0], $0xffff;
	_ =	sdelay $0x4  }
0x3ca: {  	[tilespmem:$0x1F890] =	vst v2  }
0x3cb: {  	v3 =	vor.u32 s8, v31;
	v2 =	vld [tilespmem:$0x1F890]  }
0x3cc: {  	v4 =	vor.u32 v48, v1;
	_ =	sdelay $0x3  }
0x3cd: {  	[tilespmem:v3+s29+$0x0] =	vst.idx.msk $0xffff, v2  }
0x3ce: {  	v2 =	vld.idx.msk [tilespmem:v4+s18+$0x0], $0xffff;
	_ =	sdelay $0x4  }
0x3cf: {  	[tilespmem:$0x1F8A0] =	vst v2  }
0x3d0: {  	v3 =	vor.u32 s8, v37;
	v2 =	vld [tilespmem:$0x1F8A0];
	_ =	sdelay $0x4  }
0x3d1: {  	v4 =	vor.u32 v47, v1;
	[tilespmem:v3+s29+$0x0] =	vst.idx.msk $0xffff, v2;
	v3 =	vld [tilespmem:$0x1FE80];
	_ =	sdelay $0x4  }
0x3d2: {  	v2 =	vld.idx.msk [tilespmem:v4+s18+$0x0], $0xffff;
	v3 =	vor.u32 s8, v3;
	_ =	sdelay $0x4  }
0x3d3: {  	v4 =	vor.u32 v28, v1;
	[tilespmem:v3+s29+$0x0] =	vst.idx.msk $0xffff, v2;
	v3 =	vld [tilespmem:$0x1FE70];
	_ =	sdelay $0x4  }
0x3d4: {  	v2 =	vld.idx.msk [tilespmem:v4+s18+$0x0], $0xffff;
	v3 =	vor.u32 s8, v3;
	_ =	sdelay $0x4  }
0x3d5: {  	v4 =	vor.u32 v34, v1;
	[tilespmem:v3+s29+$0x0] =	vst.idx.msk $0xffff, v2;
	v3 =	vld [tilespmem:$0x1FE60];
	_ =	sdelay $0x4  }
0x3d6: {  	v2 =	vld.idx.msk [tilespmem:v4+s18+$0x0], $0xffff;
	v3 =	vor.u32 s8, v3  }
0x3d7: {  	v4 =	vor.u32 v32, v1;
	_ =	sdelay $0x3  }
0x3d8: {  	[tilespmem:v3+s29+$0x0] =	vst.idx.msk $0xffff, v2  }
0x3d9: {  	v2 =	vld.idx.msk [tilespmem:v4+s18+$0x0], $0xffff;
	_ =	sdelay $0x4  }
0x3da: {  	[tilespmem:$0x1F8B0] =	vst v2  }
0x3db: {  	v3 =	vor.u32 s8, v54;
	v2 =	vld [tilespmem:$0x1F8B0]  }
0x3dc: {  	v4 =	vor.u32 v35, v1;
	_ =	sdelay $0x3  }
0x3dd: {  	[tilespmem:v3+s29+$0x0] =	vst.idx.msk $0xffff, v2  }
0x3de: {  	v2 =	vld.idx.msk [tilespmem:v4+s18+$0x0], $0xffff;
	_ =	sdelay $0x4  }
0x3df: {  	[tilespmem:$0x1F8C0] =	vst v2  }
0x3e0: {  	v3 =	vor.u32 s8, v55;
	v2 =	vld [tilespmem:$0x1F8C0]  }
0x3e1: {  	v4 =	vor.u32 v12, v1;
	_ =	sdelay $0x3  }
0x3e2: {  	[tilespmem:v3+s29+$0x0] =	vst.idx.msk $0xffff, v2  }
0x3e3: {  	v2 =	vld.idx.msk [tilespmem:v4+s18+$0x0], $0xffff;
	_ =	sdelay $0x4  }
0x3e4: {  	[tilespmem:$0x1F8D0] =	vst v2  }
0x3e5: {  	v3 =	vor.u32 s8, v29;
	v2 =	vld [tilespmem:$0x1F8D0]  }
0x3e6: {  	v4 =	vor.u32 v6, v1;
	_ =	sdelay $0x3  }
0x3e7: {  	[tilespmem:v3+s29+$0x0] =	vst.idx.msk $0xffff, v2  }
0x3e8: {  	v2 =	vld.idx.msk [tilespmem:v4+s18+$0x0], $0xffff;
	_ =	sdelay $0x4  }
0x3e9: {  	[tilespmem:$0x1F8E0] =	vst v2  }
0x3ea: {  	v3 =	vor.u32 s8, v30;
	v2 =	vld [tilespmem:$0x1F8E0]  }
0x3eb: {  	v4 =	vor.u32 v46, v1;
	_ =	sdelay $0x3  }
0x3ec: {  	[tilespmem:v3+s29+$0x0] =	vst.idx.msk $0xffff, v2  }
0x3ed: {  	v2 =	vld.idx.msk [tilespmem:v4+s18+$0x0], $0xffff;
	_ =	sdelay $0x4  }
0x3ee: {  	[tilespmem:$0x1F8F0] =	vst v2  }
0x3ef: {  	v3 =	vor.u32 s8, v25;
	v2 =	vld [tilespmem:$0x1F8F0]  }
0x3f0: {  	v4 =	vor.u32 v39, v1;
	_ =	sdelay $0x3  }
0x3f1: {  	[tilespmem:v3+s29+$0x0] =	vst.idx.msk $0xffff, v2  }
0x3f2: {  	v2 =	vld.idx.msk [tilespmem:v4+s18+$0x0], $0xffff;
	_ =	sdelay $0x4  }
0x3f3: {  	[tilespmem:$0x1F900] =	vst v2  }
0x3f4: {  	v3 =	vor.u32 s8, v59;
	v2 =	vld [tilespmem:$0x1F900]  }
0x3f5: {  	v4 =	vor.u32 v53, v1;
	_ =	sdelay $0x3  }
0x3f6: {  	[tilespmem:v3+s29+$0x0] =	vst.idx.msk $0xffff, v2  }
0x3f7: {  	v2 =	vld.idx.msk [tilespmem:v4+s18+$0x0], $0xffff;
	_ =	sdelay $0x4  }
0x3f8: {  	[tilespmem:$0x1F910] =	vst v2  }
0x3f9: {  	v3 =	vor.u32 s8, v60;
	v2 =	vld [tilespmem:$0x1F910]  }
0x3fa: {  	v4 =	vor.u32 v41, v1;
	_ =	sdelay $0x3  }
0x3fb: {  	[tilespmem:v3+s29+$0x0] =	vst.idx.msk $0xffff, v2  }
0x3fc: {  	v2 =	vld.idx.msk [tilespmem:v4+s18+$0x0], $0xffff;
	_ =	sdelay $0x4  }
0x3fd: {  	[tilespmem:$0x1F920] =	vst v2  }
0x3fe: {  	v3 =	vor.u32 s8, v61;
	v2 =	vld [tilespmem:$0x1F920]  }
0x3ff: {  	v4 =	vor.u32 v42, v1;
	_ =	sdelay $0x3  }
0x400: {  	[tilespmem:v3+s29+$0x0] =	vst.idx.msk $0xffff, v2  }
0x401: {  	v2 =	vld.idx.msk [tilespmem:v4+s18+$0x0], $0xffff;
	_ =	sdelay $0x4  }
0x402: {  	[tilespmem:$0x1F930] =	vst v2  }
0x403: {  	v3 =	vor.u32 s8, v62;
	v2 =	vld [tilespmem:$0x1F930]  }
0x404: {  	v4 =	vor.u32 v57, v1;
	_ =	sdelay $0x3  }
0x405: {  	[tilespmem:v3+s29+$0x0] =	vst.idx.msk $0xffff, v2  }
0x406: {  	v2 =	vld.idx.msk [tilespmem:v4+s18+$0x0], $0xffff;
	_ =	sdelay $0x4  }
0x407: {  	[tilespmem:$0x1F940] =	vst v2  }
0x408: {  	v3 =	vor.u32 s8, v63;
	v2 =	vld [tilespmem:$0x1F940]  }
0x409: {  	v4 =	vor.u32 v58, v1;
	_ =	sdelay $0x3  }
0x40a: {  	[tilespmem:v3+s29+$0x0] =	vst.idx.msk $0xffff, v2  }
0x40b: {  	v2 =	vld.idx.msk [tilespmem:v4+s18+$0x0], $0xffff;
	_ =	sdelay $0x4  }
0x40c: {  	[tilespmem:$0x1F950] =	vst v2  }
0x40d: {  	v3 =	vor.u32 s8, v33;
	v2 =	vld [tilespmem:$0x1F950]  }
0x40e: {  	v4 =	vor.u32 v23, v1;
	_ =	sdelay $0x3  }
0x40f: {  	[tilespmem:v3+s29+$0x0] =	vst.idx.msk $0xffff, v2  }
0x410: {  	v2 =	vld.idx.msk [tilespmem:v4+s18+$0x0], $0xffff;
	_ =	sdelay $0x4  }
0x411: {  	[tilespmem:$0x1F960] =	vst v2  }
0x412: {  	v3 =	vor.u32 s8, v19;
	v2 =	vld [tilespmem:$0x1F960]  }
0x413: {  	v4 =	vor.u32 v0, v1;
	_ =	sdelay $0x3  }
0x414: {  	[tilespmem:v3+s29+$0x0] =	vst.idx.msk $0xffff, v2  }
0x415: {  	v3 =	vor.u32 s8, v40;
	v2 =	vld.idx.msk [tilespmem:v4+s18+$0x0], $0xffff;
	_ =	sdelay $0x4  }
0x416: {  	v1 =	vor.u32 v36, v1;
	[tilespmem:v3+s29+$0x0] =	vst.idx.msk $0xffff, v2;
	v2 =	vld [tilespmem:$0x1FE40];
	_ =	sdelay $0x3  }
0x417: {  	s1 =	sadd.s32 s5, s9  }
0x418: {  	s15 =	sshrl.u32 s1, $0x5;
	v1 =	vld.idx.msk [tilespmem:v1+s18+$0x0], $0xffff;
	v2 =	vor.u32 s8, v2  }
0x419: {  	s9 =	sshll.u32 s1, $0xC;
	s17 =	sshll.u32 s15, $0x11  }
0x41a: {  	s9 =	ssub.s32 s9, s17;
	s8 =	sshll.u32 s15, $0x13  }
0x41b: {  	s8 =	sadd.s32 s8, s9  }
0x41c: {  	p1 =	sne.s32 s0, $0x31;
	s8 =	sshrl.u32 s8, $0x3  }
0x41d: {  	s1 =	sshll.u32 @p1 s1, $0x6;
	s8 =	sadd.s32 s2, s8;
	[tilespmem:v2+s29+$0x0] =	vst.idx.msk $0xffff, v1  }
0x41e: {  	[hbm4b:s8+s23] =	stream.strided.scatter [tilespmem:s29], [sflag:$0xA], $0x4000, s24, s23, $0x38;
	[tilespmem:$0x18800] =	vst v63  }
0x41f: {  	s11 =	simm.s32 @p1 $0x200;
	s1 =	sadd.s32 @p1 s1, s10;
	s9 =	simm.s32 @p1 $0x0  }
0x420: {  	[tilespmem:s11], [sflag:$0x2] =	stream.linear.gather @p1 [hbm4b:s1+s9], $0x200, $0x38;
	[tilespmem:$0x18800] =	vst v63  }
0x421: {  	s1 =	simm.s32 @p1 $0x7  }
0x422: {  	_ =	swait.ge @p1 [sflag:s1], $0x4000  }
0x423: {  	[sflag:s1] =	ssyncset.done @p1 $0x0  }
0x424: {  	[sflag:s1] =	ssyncadd.s32 @p1 $0xFFFFC000;
	s1 =	simm.s32 @p1 $0x1  }
0x425: {  	_ =	swait.ge @p1 [sflag:s1], $0x200  }
0x426: {  	[sflag:s1] =	ssyncset.done @p1 $0x0  }
0x427: {  	[sflag:s1] =	ssyncadd.s32 @p1 $0xFFFFFE00;
	s1 =	simm.s32 @p1 $0x800  }
0x428: {  	[tilespmem:s1], [sflag:$0x5] =	stream.indirect.gather @p1 [hbm4b:s4+s11], $0x20, s9, s11, $0xb8;
	[tilespmem:$0x18800] =	vst v63  }
0x429: {  	s1 =	simm.s32 @!p1 $0x7  }
0x42a: {  	_ =	swait.ge @!p1 [sflag:s1], $0x4000  }
0x42b: {  	v2 =	vld [tilespmem:$0x1FE50];
	_ =	sdelay $0x1  }
0x42c: {  	s8 =	simm.s32 $0x0  }
0x42d: {  	v1 =	vmov s8  }
0x42e: {  	v1 =	vshll.u32 v1, $0x5;
	[sflag:s1] =	ssyncset.done @!p1 $0x0  }
0x42f: {  	[sflag:s1] =	ssyncadd.s32 @!p1 $0xFFFFC000;
	v1 =	vor.u32 v2, v1;
	v2 =	vlaneseq.u32  }
0x430: {  	_ =	swait.ge [sflag:s30], $0x4000;
	v2 =	vor.u32 v2, v1  }
0x431: {  	v4 =	vld [tilespmem:$0x1FFC0];
	_ =	sdelay $0x1  }
0x432: {  	s15 =	sand.u32 $0xC00, s8;
	s17 =	sand.u32 $0x70, s8;
	[sflag:s30] =	ssyncset.done $0x0  }
0x433: {  	s9 =	sor.u32 s17, s15;
	[sflag:s30] =	ssyncadd.s32 $0xFFFFC000  }
0x434: {  	v3 =	vor.u32 s9, v5;
	v2 =	vld.idx.msk [tilespmem:v2+s21+$0x0], $0xffff  }
0x435: {  	v4 =	vor.u32 v4, v1;
	_ =	sdelay $0x3  }
0x436: {  	[tilespmem:v3+s22+$0x0] =	vst.idx.msk $0xffff, v2;
	v3 =	vld [tilespmem:$0x1FEF0]  }
0x437: {  	v2 =	vld.idx.msk [tilespmem:v4+s21+$0x0], $0xffff  }
0x438: {  	v4 =	vld [tilespmem:$0x1FFD0];
	_ =	sdelay $0x3  }
0x439: {  	v3 =	vor.u32 s9, v3  }
0x43a: {  	v4 =	vor.u32 v4, v1;
	_ =	sdelay $0x3  }
0x43b: {  	[tilespmem:v3+s22+$0x0] =	vst.idx.msk $0xffff, v2  }
0x43c: {  	v2 =	vld.idx.msk [tilespmem:v4+s21+$0x0], $0xffff  }
0x43d: {  	v4 =	vld [tilespmem:$0x1FFF0];
	_ =	sdelay $0x3  }
0x43e: {  	v3 =	vor.u32 s9, v9  }
0x43f: {  	v4 =	vor.u32 v4, v1;
	_ =	sdelay $0x3  }
0x440: {  	[tilespmem:v3+s22+$0x0] =	vst.idx.msk $0xffff, v2  }
0x441: {  	v2 =	vld.idx.msk [tilespmem:v4+s21+$0x0], $0xffff  }
0x442: {  	v4 =	vld [tilespmem:$0x1FF80]  }
0x443: {  	v3 =	vor.u32 s9, v11;
	_ =	sdelay $0x3  }
0x444: {  	v4 =	vor.u32 v4, v1  }
0x445: {  	[tilespmem:v3+s22+$0x0] =	vst.idx.msk $0xffff, v2;
	v3 =	vld [tilespmem:$0x1FEE0];
	_ =	sdelay $0x3  }
0x446: {  	v2 =	vld.idx.msk [tilespmem:v4+s21+$0x0], $0xffff  }
0x447: {  	v3 =	vor.u32 s9, v3;
	v4 =	vld [tilespmem:$0x1FF90];
	_ =	sdelay $0x4  }
0x448: {  	v4 =	vor.u32 v4, v1;
	[tilespmem:v3+s22+$0x0] =	vst.idx.msk $0xffff, v2;
	v3 =	vld [tilespmem:$0x1FFA0];
	_ =	sdelay $0x4  }
0x449: {  	v2 =	vld.idx.msk [tilespmem:v4+s21+$0x0], $0xffff;
	v3 =	vor.u32 s9, v3;
	_ =	sdelay $0x4  }
0x44a: {  	v4 =	vor.u32 v16, v1;
	[tilespmem:v3+s22+$0x0] =	vst.idx.msk $0xffff, v2;
	v3 =	vld [tilespmem:$0x1FFB0];
	_ =	sdelay $0x4  }
0x44b: {  	v2 =	vld.idx.msk [tilespmem:v4+s21+$0x0], $0xffff;
	v3 =	vor.u32 s9, v3;
	_ =	sdelay $0x2  }
0x44c: {  	v4 =	vor.u32 v18, v1;
	_ =	sdelay $0x1  }
0x44d: {  	[tilespmem:v3+s22+$0x0] =	vst.idx.msk $0xffff, v2;
	v3 =	vld [tilespmem:$0x1FEC0];
	_ =	sdelay $0x2  }
0x44e: {  	v2 =	vld.idx.msk [tilespmem:v4+s21+$0x0], $0xffff  }
0x44f: {  	v4 =	vld [tilespmem:$0x1FF50]  }
0x450: {  	v3 =	vor.u32 s9, v3;
	_ =	sdelay $0x3  }
0x451: {  	v4 =	vor.u32 v4, v1  }
0x452: {  	[tilespmem:v3+s22+$0x0] =	vst.idx.msk $0xffff, v2;
	v3 =	vld [tilespmem:$0x1FED0];
	_ =	sdelay $0x3  }
0x453: {  	v2 =	vld.idx.msk [tilespmem:v4+s21+$0x0], $0xffff  }
0x454: {  	v4 =	vld [tilespmem:$0x1FF60];
	v3 =	vor.u32 s9, v3;
	_ =	sdelay $0x4  }
0x455: {  	v4 =	vor.u32 v4, v1;
	[tilespmem:v3+s22+$0x0] =	vst.idx.msk $0xffff, v2;
	v3 =	vld [tilespmem:$0x1FF70];
	_ =	sdelay $0x4  }
0x456: {  	v2 =	vld.idx.msk [tilespmem:v4+s21+$0x0], $0xffff;
	v3 =	vor.u32 s9, v3  }
0x457: {  	v4 =	vor.u32 v24, v1;
	_ =	sdelay $0x3  }
0x458: {  	[tilespmem:v3+s22+$0x0] =	vst.idx.msk $0xffff, v2;
	v3 =	vld [tilespmem:$0x1FF00]  }
0x459: {  	v2 =	vld.idx.msk [tilespmem:v4+s21+$0x0], $0xffff  }
0x45a: {  	v4 =	vld [tilespmem:$0x1FFE0];
	_ =	sdelay $0x3  }
0x45b: {  	v3 =	vor.u32 s9, v3  }
0x45c: {  	v4 =	vor.u32 v4, v1;
	_ =	sdelay $0x3  }
0x45d: {  	[tilespmem:v3+s22+$0x0] =	vst.idx.msk $0xffff, v2  }
0x45e: {  	v2 =	vld.idx.msk [tilespmem:v4+s21+$0x0], $0xffff  }
0x45f: {  	v4 =	vld [tilespmem:$0x1FF10];
	_ =	sdelay $0x2  }
0x460: {  	v3 =	vor.u32 s9, v27;
	_ =	sdelay $0x1  }
0x461: {  	v4 =	vor.u32 v4, v1;
	_ =	sdelay $0x2  }
0x462: {  	[tilespmem:v3+s22+$0x0] =	vst.idx.msk $0xffff, v2;
	v3 =	vld [tilespmem:$0x1FE90];
	_ =	sdelay $0x1  }
0x463: {  	v2 =	vld.idx.msk [tilespmem:v4+s21+$0x0], $0xffff  }
0x464: {  	v4 =	vld [tilespmem:$0x1FF20];
	_ =	sdelay $0x1  }
0x465: {  	v3 =	vor.u32 s9, v3;
	_ =	sdelay $0x2  }
0x466: {  	v4 =	vor.u32 v4, v1;
	_ =	sdelay $0x1  }
0x467: {  	[tilespmem:v3+s22+$0x0] =	vst.idx.msk $0xffff, v2;
	v3 =	vld [tilespmem:$0x1FEA0];
	_ =	sdelay $0x2  }
0x468: {  	v2 =	vld.idx.msk [tilespmem:v4+s21+$0x0], $0xffff  }
0x469: {  	v4 =	vld [tilespmem:$0x1FF30]  }
0x46a: {  	v3 =	vor.u32 s9, v3;
	_ =	sdelay $0x3  }
0x46b: {  	v4 =	vor.u32 v4, v1  }
0x46c: {  	[tilespmem:v3+s22+$0x0] =	vst.idx.msk $0xffff, v2;
	v3 =	vld [tilespmem:$0x1FEB0];
	_ =	sdelay $0x3  }
0x46d: {  	v2 =	vld.idx.msk [tilespmem:v4+s21+$0x0], $0xffff  }
0x46e: {  	v3 =	vor.u32 s9, v3;
	v4 =	vld [tilespmem:$0x1FF40];
	_ =	sdelay $0x4  }
0x46f: {  	v4 =	vor.u32 v4, v1;
	[tilespmem:v3+s22+$0x0] =	vst.idx.msk $0xffff, v2;
	v3 =	vld [tilespmem:$0x1FE80];
	_ =	sdelay $0x4  }
0x470: {  	v2 =	vld.idx.msk [tilespmem:v4+s21+$0x0], $0xffff;
	v3 =	vor.u32 s9, v3;
	_ =	sdelay $0x4  }
0x471: {  	v4 =	vor.u32 v28, v1;
	[tilespmem:v3+s22+$0x0] =	vst.idx.msk $0xffff, v2;
	v3 =	vld [tilespmem:$0x1FE70];
	_ =	sdelay $0x4  }
0x472: {  	v2 =	vld.idx.msk [tilespmem:v4+s21+$0x0], $0xffff;
	v3 =	vor.u32 s9, v3;
	_ =	sdelay $0x4  }
0x473: {  	v4 =	vor.u32 v34, v1;
	[tilespmem:v3+s22+$0x0] =	vst.idx.msk $0xffff, v2;
	v3 =	vld [tilespmem:$0x1FE60];
	_ =	sdelay $0x4  }
0x474: {  	v2 =	vld.idx.msk [tilespmem:v4+s21+$0x0], $0xffff;
	v3 =	vor.u32 s9, v3  }
0x475: {  	v4 =	vor.u32 v32, v1;
	_ =	sdelay $0x3  }
0x476: {  	[tilespmem:v3+s22+$0x0] =	vst.idx.msk $0xffff, v2  }
0x477: {  	v2 =	vld.idx.msk [tilespmem:v4+s21+$0x0], $0xffff  }
0x478: {  	v4 =	vld [tilespmem:$0x1FAF0];
	_ =	sdelay $0x3  }
0x479: {  	v3 =	vor.u32 s9, v54  }
0x47a: {  	v4 =	vor.u32 v4, v1;
	_ =	sdelay $0x3  }
0x47b: {  	[tilespmem:v3+s22+$0x0] =	vst.idx.msk $0xffff, v2  }
0x47c: {  	v2 =	vld.idx.msk [tilespmem:v4+s21+$0x0], $0xffff  }
0x47d: {  	v4 =	vld [tilespmem:$0x1FB00];
	_ =	sdelay $0x3  }
0x47e: {  	v3 =	vor.u32 s9, v55  }
0x47f: {  	v4 =	vor.u32 v4, v1;
	_ =	sdelay $0x3  }
0x480: {  	[tilespmem:v3+s22+$0x0] =	vst.idx.msk $0xffff, v2;
	v3 =	vld [tilespmem:$0x1FD90]  }
0x481: {  	v2 =	vld.idx.msk [tilespmem:v4+s21+$0x0], $0xffff  }
0x482: {  	v4 =	vld [tilespmem:$0x1FB10];
	_ =	sdelay $0x3  }
0x483: {  	v3 =	vor.u32 s9, v3  }
0x484: {  	v4 =	vor.u32 v4, v1;
	_ =	sdelay $0x3  }
0x485: {  	[tilespmem:v3+s22+$0x0] =	vst.idx.msk $0xffff, v2;
	v3 =	vld [tilespmem:$0x1FDA0]  }
0x486: {  	v2 =	vld.idx.msk [tilespmem:v4+s21+$0x0], $0xffff  }
0x487: {  	v4 =	vld [tilespmem:$0x1FB20];
	_ =	sdelay $0x3  }
0x488: {  	v3 =	vor.u32 s9, v3  }
0x489: {  	v4 =	vor.u32 v4, v1;
	_ =	sdelay $0x3  }
0x48a: {  	[tilespmem:v3+s22+$0x0] =	vst.idx.msk $0xffff, v2;
	v3 =	vld [tilespmem:$0x1FDB0]  }
0x48b: {  	v2 =	vld.idx.msk [tilespmem:v4+s21+$0x0], $0xffff  }
0x48c: {  	v4 =	vld [tilespmem:$0x1FB30];
	_ =	sdelay $0x3  }
0x48d: {  	v3 =	vor.u32 s9, v3  }
0x48e: {  	v4 =	vor.u32 v4, v1;
	_ =	sdelay $0x3  }
0x48f: {  	[tilespmem:v3+s22+$0x0] =	vst.idx.msk $0xffff, v2;
	v3 =	vld [tilespmem:$0x1FDC0]  }
0x490: {  	v2 =	vld.idx.msk [tilespmem:v4+s21+$0x0], $0xffff  }
0x491: {  	v4 =	vld [tilespmem:$0x1FB40];
	_ =	sdelay $0x3  }
0x492: {  	v3 =	vor.u32 s9, v3  }
0x493: {  	v4 =	vor.u32 v4, v1;
	_ =	sdelay $0x3  }
0x494: {  	[tilespmem:v3+s22+$0x0] =	vst.idx.msk $0xffff, v2;
	v3 =	vld [tilespmem:$0x1FDD0]  }
0x495: {  	v2 =	vld.idx.msk [tilespmem:v4+s21+$0x0], $0xffff  }
0x496: {  	v4 =	vld [tilespmem:$0x1FB50];
	_ =	sdelay $0x3  }
0x497: {  	v3 =	vor.u32 s9, v3  }
0x498: {  	v4 =	vor.u32 v4, v1;
	_ =	sdelay $0x3  }
0x499: {  	[tilespmem:v3+s22+$0x0] =	vst.idx.msk $0xffff, v2;
	v3 =	vld [tilespmem:$0x1FDE0]  }
0x49a: {  	v2 =	vld.idx.msk [tilespmem:v4+s21+$0x0], $0xffff  }
0x49b: {  	v4 =	vld [tilespmem:$0x1FB60];
	_ =	sdelay $0x3  }
0x49c: {  	v3 =	vor.u32 s9, v3  }
0x49d: {  	v4 =	vor.u32 v4, v1;
	_ =	sdelay $0x3  }
0x49e: {  	[tilespmem:v3+s22+$0x0] =	vst.idx.msk $0xffff, v2;
	v3 =	vld [tilespmem:$0x1FDF0]  }
0x49f: {  	v2 =	vld.idx.msk [tilespmem:v4+s21+$0x0], $0xffff  }
0x4a0: {  	v4 =	vld [tilespmem:$0x1FB70];
	_ =	sdelay $0x2  }
0x4a1: {  	v3 =	vor.u32 s9, v3;
	_ =	sdelay $0x1  }
0x4a2: {  	v4 =	vor.u32 v4, v1;
	_ =	sdelay $0x2  }
0x4a3: {  	[tilespmem:v3+s22+$0x0] =	vst.idx.msk $0xffff, v2;
	v3 =	vld [tilespmem:$0x1FE00];
	_ =	sdelay $0x1  }
0x4a4: {  	v2 =	vld.idx.msk [tilespmem:v4+s21+$0x0], $0xffff  }
0x4a5: {  	v4 =	vld [tilespmem:$0x1FB80];
	_ =	sdelay $0x1  }
0x4a6: {  	v3 =	vor.u32 s9, v3;
	_ =	sdelay $0x2  }
0x4a7: {  	v4 =	vor.u32 v4, v1;
	_ =	sdelay $0x1  }
0x4a8: {  	[tilespmem:v3+s22+$0x0] =	vst.idx.msk $0xffff, v2;
	v3 =	vld [tilespmem:$0x1FE10];
	_ =	sdelay $0x2  }
0x4a9: {  	v2 =	vld.idx.msk [tilespmem:v4+s21+$0x0], $0xffff  }
0x4aa: {  	v4 =	vld [tilespmem:$0x1FB90]  }
0x4ab: {  	v3 =	vor.u32 s9, v3;
	_ =	sdelay $0x3  }
0x4ac: {  	v4 =	vor.u32 v4, v1  }
0x4ad: {  	[tilespmem:v3+s22+$0x0] =	vst.idx.msk $0xffff, v2;
	v3 =	vld [tilespmem:$0x1FE20];
	_ =	sdelay $0x3  }
0x4ae: {  	v2 =	vld.idx.msk [tilespmem:v4+s21+$0x0], $0xffff  }
0x4af: {  	v3 =	vor.u32 s9, v3;
	v4 =	vld [tilespmem:$0x1FBA0];
	_ =	sdelay $0x4  }
0x4b0: {  	v4 =	vor.u32 v4, v1;
	[tilespmem:v3+s22+$0x0] =	vst.idx.msk $0xffff, v2;
	v3 =	vld [tilespmem:$0x1FE30];
	_ =	sdelay $0x4  }
0x4b1: {  	v2 =	vld.idx.msk [tilespmem:v4+s21+$0x0], $0xffff;
	v3 =	vor.u32 s9, v3;
	_ =	sdelay $0x4  }
0x4b2: {  	[tilespmem:v3+s22+$0x0] =	vst.idx.msk $0xffff, v2;
	v2 =	vld [tilespmem:$0x1FBB0];
	_ =	sdelay $0x3  }
0x4b3: {  	s11 =	simm.s32 $0x10  }
0x4b4: {  	s15 =	simm.s32 $0x20;
	v1 =	vor.u32 v2, v1;
	v2 =	vmov s11  }
.LBB2_7:
0x4b5: {  	_ =	sdelay $0x3  }
0x4b6: {  	v3 =	vld.idx.msk [tilespmem:v1+s21+$0x0], $0xffff  }
0x4b7: {  	v1 =	vld [tilespmem:$0x1FE50];
	_ =	sdelay $0x3  }
0x4b8: {  	v2 =	vshll.u32 v2, $0x5  }
0x4b9: {  	v4 =	vlaneseq.u32;
	v1 =	vor.u32 v1, v2;
	v2 =	vor.u32 s9, v21  }
0x4ba: {  	v4 =	vor.u32 v4, v1;
	_ =	sdelay $0x1  }
0x4bb: {  	s8 =	sadd.s32 $0x80, s8  }
0x4bc: {  	s17 =	sand.u32 $0x70, s11;
	s1 =	sand.u32 $0xC00, s8  }
0x4bd: {  	s9 =	sor.u32 s17, s1;
	[tilespmem:v2+s22+$0x0] =	vst.idx.msk $0xffff, v3  }
0x4be: {  	v3 =	vor.u32 s9, v5;
	v2 =	vld.idx.msk [tilespmem:v4+s21+$0x0], $0xffff  }
0x4bf: {  	v4 =	vor.u32 v26, v1;
	_ =	sdelay $0x3  }
0x4c0: {  	[tilespmem:v3+s22+$0x0] =	vst.idx.msk $0xffff, v2  }
0x4c1: {  	v3 =	vor.u32 s9, v56;
	v2 =	vld.idx.msk [tilespmem:v4+s21+$0x0], $0xffff  }
0x4c2: {  	v4 =	vor.u32 v38, v1;
	_ =	sdelay $0x3  }
0x4c3: {  	[tilespmem:v3+s22+$0x0] =	vst.idx.msk $0xffff, v2  }
0x4c4: {  	v3 =	vor.u32 s9, v9;
	v2 =	vld.idx.msk [tilespmem:v4+s21+$0x0], $0xffff  }
0x4c5: {  	v4 =	vor.u32 v43, v1;
	_ =	sdelay $0x3  }
0x4c6: {  	[tilespmem:v3+s22+$0x0] =	vst.idx.msk $0xffff, v2  }
0x4c7: {  	v3 =	vor.u32 s9, v11;
	v2 =	vld.idx.msk [tilespmem:v4+s21+$0x0], $0xffff  }
0x4c8: {  	v4 =	vor.u32 v7, v1;
	_ =	sdelay $0x3  }
0x4c9: {  	[tilespmem:v3+s22+$0x0] =	vst.idx.msk $0xffff, v2  }
0x4ca: {  	v3 =	vor.u32 s9, v8;
	v2 =	vld.idx.msk [tilespmem:v4+s21+$0x0], $0xffff  }
0x4cb: {  	v4 =	vor.u32 v10, v1;
	_ =	sdelay $0x3  }
0x4cc: {  	[tilespmem:v3+s22+$0x0] =	vst.idx.msk $0xffff, v2  }
0x4cd: {  	v3 =	vor.u32 s9, v44;
	v2 =	vld.idx.msk [tilespmem:v4+s21+$0x0], $0xffff  }
0x4ce: {  	v4 =	vor.u32 v16, v1;
	_ =	sdelay $0x3  }
0x4cf: {  	[tilespmem:v3+s22+$0x0] =	vst.idx.msk $0xffff, v2  }
0x4d0: {  	v3 =	vor.u32 s9, v45;
	v2 =	vld.idx.msk [tilespmem:v4+s21+$0x0], $0xffff  }
0x4d1: {  	v4 =	vor.u32 v18, v1;
	_ =	sdelay $0x3  }
0x4d2: {  	[tilespmem:v3+s22+$0x0] =	vst.idx.msk $0xffff, v2  }
0x4d3: {  	v3 =	vor.u32 s9, v13;
	v2 =	vld.idx.msk [tilespmem:v4+s21+$0x0], $0xffff  }
0x4d4: {  	v4 =	vor.u32 v14, v1;
	_ =	sdelay $0x3  }
0x4d5: {  	[tilespmem:v3+s22+$0x0] =	vst.idx.msk $0xffff, v2  }
0x4d6: {  	v3 =	vor.u32 s9, v15;
	v2 =	vld.idx.msk [tilespmem:v4+s21+$0x0], $0xffff  }
0x4d7: {  	v4 =	vor.u32 v17, v1;
	_ =	sdelay $0x3  }
0x4d8: {  	[tilespmem:v3+s22+$0x0] =	vst.idx.msk $0xffff, v2  }
0x4d9: {  	v3 =	vor.u32 s9, v49;
	v2 =	vld.idx.msk [tilespmem:v4+s21+$0x0], $0xffff  }
0x4da: {  	v4 =	vor.u32 v24, v1;
	_ =	sdelay $0x3  }
0x4db: {  	[tilespmem:v3+s22+$0x0] =	vst.idx.msk $0xffff, v2  }
0x4dc: {  	v3 =	vor.u32 s9, v52;
	v2 =	vld.idx.msk [tilespmem:v4+s21+$0x0], $0xffff  }
0x4dd: {  	v4 =	vor.u32 v50, v1;
	_ =	sdelay $0x3  }
0x4de: {  	[tilespmem:v3+s22+$0x0] =	vst.idx.msk $0xffff, v2  }
0x4df: {  	v3 =	vor.u32 s9, v27;
	v2 =	vld.idx.msk [tilespmem:v4+s21+$0x0], $0xffff  }
0x4e0: {  	v4 =	vor.u32 v20, v1;
	_ =	sdelay $0x3  }
0x4e1: {  	[tilespmem:v3+s22+$0x0] =	vst.idx.msk $0xffff, v2  }
0x4e2: {  	v3 =	vor.u32 s9, v51;
	v2 =	vld.idx.msk [tilespmem:v4+s21+$0x0], $0xffff  }
0x4e3: {  	v4 =	vor.u32 v22, v1;
	_ =	sdelay $0x3  }
0x4e4: {  	[tilespmem:v3+s22+$0x0] =	vst.idx.msk $0xffff, v2  }
0x4e5: {  	v3 =	vor.u32 s9, v31;
	v2 =	vld.idx.msk [tilespmem:v4+s21+$0x0], $0xffff  }
0x4e6: {  	v4 =	vor.u32 v48, v1;
	_ =	sdelay $0x3  }
0x4e7: {  	[tilespmem:v3+s22+$0x0] =	vst.idx.msk $0xffff, v2  }
0x4e8: {  	v3 =	vor.u32 s9, v37;
	v2 =	vld.idx.msk [tilespmem:v4+s21+$0x0], $0xffff;
	_ =	sdelay $0x4  }
0x4e9: {  	v4 =	vor.u32 v47, v1;
	[tilespmem:v3+s22+$0x0] =	vst.idx.msk $0xffff, v2;
	v3 =	vld [tilespmem:$0x1FE80];
	_ =	sdelay $0x4  }
0x4ea: {  	v2 =	vld.idx.msk [tilespmem:v4+s21+$0x0], $0xffff;
	v3 =	vor.u32 s9, v3;
	_ =	sdelay $0x4  }
0x4eb: {  	v4 =	vor.u32 v28, v1;
	[tilespmem:v3+s22+$0x0] =	vst.idx.msk $0xffff, v2;
	v3 =	vld [tilespmem:$0x1FE70];
	_ =	sdelay $0x4  }
0x4ec: {  	v2 =	vld.idx.msk [tilespmem:v4+s21+$0x0], $0xffff;
	v3 =	vor.u32 s9, v3;
	_ =	sdelay $0x4  }
0x4ed: {  	v4 =	vor.u32 v34, v1;
	[tilespmem:v3+s22+$0x0] =	vst.idx.msk $0xffff, v2;
	v3 =	vld [tilespmem:$0x1FE60];
	_ =	sdelay $0x4  }
0x4ee: {  	v2 =	vld.idx.msk [tilespmem:v4+s21+$0x0], $0xffff;
	v3 =	vor.u32 s9, v3  }
0x4ef: {  	v4 =	vor.u32 v32, v1;
	_ =	sdelay $0x3  }
0x4f0: {  	[tilespmem:v3+s22+$0x0] =	vst.idx.msk $0xffff, v2  }
0x4f1: {  	v3 =	vor.u32 s9, v54;
	v2 =	vld.idx.msk [tilespmem:v4+s21+$0x0], $0xffff  }
0x4f2: {  	v4 =	vor.u32 v35, v1;
	_ =	sdelay $0x3  }
0x4f3: {  	[tilespmem:v3+s22+$0x0] =	vst.idx.msk $0xffff, v2  }
0x4f4: {  	v3 =	vor.u32 s9, v55;
	v2 =	vld.idx.msk [tilespmem:v4+s21+$0x0], $0xffff  }
0x4f5: {  	v4 =	vor.u32 v12, v1;
	_ =	sdelay $0x3  }
0x4f6: {  	[tilespmem:v3+s22+$0x0] =	vst.idx.msk $0xffff, v2  }
0x4f7: {  	v3 =	vor.u32 s9, v29;
	v2 =	vld.idx.msk [tilespmem:v4+s21+$0x0], $0xffff  }
0x4f8: {  	v4 =	vor.u32 v6, v1;
	_ =	sdelay $0x3  }
0x4f9: {  	[tilespmem:v3+s22+$0x0] =	vst.idx.msk $0xffff, v2  }
0x4fa: {  	v3 =	vor.u32 s9, v30;
	v2 =	vld.idx.msk [tilespmem:v4+s21+$0x0], $0xffff  }
0x4fb: {  	v4 =	vor.u32 v46, v1;
	_ =	sdelay $0x3  }
0x4fc: {  	[tilespmem:v3+s22+$0x0] =	vst.idx.msk $0xffff, v2  }
0x4fd: {  	v3 =	vor.u32 s9, v25;
	v2 =	vld.idx.msk [tilespmem:v4+s21+$0x0], $0xffff  }
0x4fe: {  	v4 =	vor.u32 v39, v1;
	_ =	sdelay $0x3  }
0x4ff: {  	[tilespmem:v3+s22+$0x0] =	vst.idx.msk $0xffff, v2  }
0x500: {  	v3 =	vor.u32 s9, v59;
	v2 =	vld.idx.msk [tilespmem:v4+s21+$0x0], $0xffff  }
0x501: {  	v4 =	vor.u32 v53, v1;
	_ =	sdelay $0x3  }
0x502: {  	[tilespmem:v3+s22+$0x0] =	vst.idx.msk $0xffff, v2  }
0x503: {  	v3 =	vor.u32 s9, v60;
	v2 =	vld.idx.msk [tilespmem:v4+s21+$0x0], $0xffff  }
0x504: {  	v4 =	vor.u32 v41, v1;
	_ =	sdelay $0x3  }
0x505: {  	[tilespmem:v3+s22+$0x0] =	vst.idx.msk $0xffff, v2  }
0x506: {  	v3 =	vor.u32 s9, v61;
	v2 =	vld.idx.msk [tilespmem:v4+s21+$0x0], $0xffff  }
0x507: {  	v4 =	vor.u32 v42, v1;
	_ =	sdelay $0x3  }
0x508: {  	[tilespmem:v3+s22+$0x0] =	vst.idx.msk $0xffff, v2  }
0x509: {  	v3 =	vor.u32 s9, v62;
	v2 =	vld.idx.msk [tilespmem:v4+s21+$0x0], $0xffff  }
0x50a: {  	v4 =	vor.u32 v57, v1;
	_ =	sdelay $0x3  }
0x50b: {  	[tilespmem:v3+s22+$0x0] =	vst.idx.msk $0xffff, v2  }
0x50c: {  	v3 =	vor.u32 s9, v63;
	v2 =	vld.idx.msk [tilespmem:v4+s21+$0x0], $0xffff  }
0x50d: {  	v4 =	vor.u32 v58, v1;
	_ =	sdelay $0x3  }
0x50e: {  	[tilespmem:v3+s22+$0x0] =	vst.idx.msk $0xffff, v2  }
0x50f: {  	v3 =	vor.u32 s9, v33;
	v2 =	vld.idx.msk [tilespmem:v4+s21+$0x0], $0xffff  }
0x510: {  	v4 =	vor.u32 v23, v1;
	_ =	sdelay $0x3  }
0x511: {  	[tilespmem:v3+s22+$0x0] =	vst.idx.msk $0xffff, v2  }
0x512: {  	v3 =	vor.u32 s9, v19;
	v2 =	vld.idx.msk [tilespmem:v4+s21+$0x0], $0xffff  }
0x513: {  	v4 =	vor.u32 v0, v1;
	_ =	sdelay $0x3  }
0x514: {  	[tilespmem:v3+s22+$0x0] =	vst.idx.msk $0xffff, v2  }
0x515: {  	p2 =	sne.s32 s15, $0x1F0;
	v3 =	vld.idx.msk [tilespmem:v4+s21+$0x0], $0xffff;
	v4 =	vor.u32 s9, v40  }
.Ltmp4:
0x516: {  	_ = 	snop;
	(pc) =	sbr.rel @p2 .LBB2_7-.Ltmp4, $3  }
0x517: {  	_ =	sdelay $0x1  }
0x518: {  	s11 =	smov.u32 s15  }
0x519: {  	s15 =	sadd.s32 $0x10, s15;
	v1 =	vor.u32 v36, v1;
	v2 =	vmov s11;
	[tilespmem:v4+s22+$0x0] =	vst.idx.msk $0xffff, v3  }
0x51a: {  	_ =	sdelay $0x3  }
0x51b: {  	v3 =	vld.idx.msk [tilespmem:v1+s21+$0x0], $0xffff  }
0x51c: {  	v1 =	vld [tilespmem:$0x1FE50];
	_ =	sdelay $0x3  }
0x51d: {  	v2 =	vshll.u32 v2, $0x5  }
0x51e: {  	v4 =	vlaneseq.u32;
	v1 =	vor.u32 v1, v2;
	v2 =	vor.u32 s9, v21  }
0x51f: {  	v4 =	vor.u32 v4, v1;
	_ =	sdelay $0x3  }
0x520: {  	[tilespmem:v2+s22+$0x0] =	vst.idx.msk $0xffff, v3  }
0x521: {  	v2 =	vld.idx.msk [tilespmem:v4+s21+$0x0], $0xffff;
	_ =	sdelay $0x2  }
0x522: {  	s1 =	sadd.s32 $0x80, s8  }
0x523: {  	s17 =	sand.u32 $0x70, s11;
	s1 =	sand.u32 $0xC00, s1  }
0x524: {  	s8 =	sor.u32 s17, s1;
	[tilespmem:$0x1F670] =	vst v2  }
0x525: {  	v3 =	vor.u32 s8, v5;
	v2 =	vld [tilespmem:$0x1F670]  }
0x526: {  	v4 =	vor.u32 v26, v1;
	_ =	sdelay $0x3  }
0x527: {  	[tilespmem:v3+s22+$0x0] =	vst.idx.msk $0xffff, v2  }
0x528: {  	v2 =	vld.idx.msk [tilespmem:v4+s21+$0x0], $0xffff;
	_ =	sdelay $0x4  }
0x529: {  	[tilespmem:$0x1F680] =	vst v2  }
0x52a: {  	v3 =	vor.u32 s8, v56;
	v2 =	vld [tilespmem:$0x1F680]  }
0x52b: {  	v4 =	vor.u32 v38, v1;
	_ =	sdelay $0x3  }
0x52c: {  	[tilespmem:v3+s22+$0x0] =	vst.idx.msk $0xffff, v2  }
0x52d: {  	v2 =	vld.idx.msk [tilespmem:v4+s21+$0x0], $0xffff;
	_ =	sdelay $0x4  }
0x52e: {  	[tilespmem:$0x1F690] =	vst v2  }
0x52f: {  	v3 =	vor.u32 s8, v9;
	v2 =	vld [tilespmem:$0x1F690]  }
0x530: {  	v4 =	vor.u32 v43, v1;
	_ =	sdelay $0x3  }
0x531: {  	[tilespmem:v3+s22+$0x0] =	vst.idx.msk $0xffff, v2  }
0x532: {  	v2 =	vld.idx.msk [tilespmem:v4+s21+$0x0], $0xffff;
	_ =	sdelay $0x4  }
0x533: {  	[tilespmem:$0x1F6A0] =	vst v2  }
0x534: {  	v3 =	vor.u32 s8, v11;
	v2 =	vld [tilespmem:$0x1F6A0]  }
0x535: {  	v4 =	vor.u32 v7, v1;
	_ =	sdelay $0x3  }
0x536: {  	[tilespmem:v3+s22+$0x0] =	vst.idx.msk $0xffff, v2  }
0x537: {  	v2 =	vld.idx.msk [tilespmem:v4+s21+$0x0], $0xffff;
	_ =	sdelay $0x4  }
0x538: {  	[tilespmem:$0x1F6B0] =	vst v2  }
0x539: {  	v3 =	vor.u32 s8, v8;
	v2 =	vld [tilespmem:$0x1F6B0]  }
0x53a: {  	v4 =	vor.u32 v10, v1;
	_ =	sdelay $0x3  }
0x53b: {  	[tilespmem:v3+s22+$0x0] =	vst.idx.msk $0xffff, v2  }
0x53c: {  	v3 =	vor.u32 s8, v44;
	v2 =	vld.idx.msk [tilespmem:v4+s21+$0x0], $0xffff  }
0x53d: {  	v4 =	vor.u32 v16, v1;
	_ =	sdelay $0x3  }
0x53e: {  	[tilespmem:v3+s22+$0x0] =	vst.idx.msk $0xffff, v2  }
0x53f: {  	v3 =	vor.u32 s8, v45;
	v2 =	vld.idx.msk [tilespmem:v4+s21+$0x0], $0xffff  }
0x540: {  	v4 =	vor.u32 v18, v1;
	_ =	sdelay $0x3  }
0x541: {  	[tilespmem:v3+s22+$0x0] =	vst.idx.msk $0xffff, v2  }
0x542: {  	v2 =	vld.idx.msk [tilespmem:v4+s21+$0x0], $0xffff;
	_ =	sdelay $0x4  }
0x543: {  	[tilespmem:$0x1F6C0] =	vst v2  }
0x544: {  	v3 =	vor.u32 s8, v13;
	v2 =	vld [tilespmem:$0x1F6C0]  }
0x545: {  	v4 =	vor.u32 v14, v1;
	_ =	sdelay $0x3  }
0x546: {  	[tilespmem:v3+s22+$0x0] =	vst.idx.msk $0xffff, v2  }
0x547: {  	v2 =	vld.idx.msk [tilespmem:v4+s21+$0x0], $0xffff;
	_ =	sdelay $0x4  }
0x548: {  	[tilespmem:$0x1F6D0] =	vst v2  }
0x549: {  	v3 =	vor.u32 s8, v15;
	v2 =	vld [tilespmem:$0x1F6D0]  }
0x54a: {  	v4 =	vor.u32 v17, v1;
	_ =	sdelay $0x3  }
0x54b: {  	[tilespmem:v3+s22+$0x0] =	vst.idx.msk $0xffff, v2  }
0x54c: {  	v3 =	vor.u32 s8, v49;
	v2 =	vld.idx.msk [tilespmem:v4+s21+$0x0], $0xffff  }
0x54d: {  	v4 =	vor.u32 v24, v1;
	_ =	sdelay $0x3  }
0x54e: {  	[tilespmem:v3+s22+$0x0] =	vst.idx.msk $0xffff, v2  }
0x54f: {  	v2 =	vld.idx.msk [tilespmem:v4+s21+$0x0], $0xffff;
	_ =	sdelay $0x4  }
0x550: {  	[tilespmem:$0x1F6E0] =	vst v2  }
0x551: {  	v3 =	vor.u32 s8, v52;
	v2 =	vld [tilespmem:$0x1F6E0]  }
0x552: {  	v4 =	vor.u32 v50, v1;
	_ =	sdelay $0x3  }
0x553: {  	[tilespmem:v3+s22+$0x0] =	vst.idx.msk $0xffff, v2  }
0x554: {  	v2 =	vld.idx.msk [tilespmem:v4+s21+$0x0], $0xffff;
	_ =	sdelay $0x4  }
0x555: {  	[tilespmem:$0x1F6F0] =	vst v2  }
0x556: {  	v3 =	vor.u32 s8, v27;
	v2 =	vld [tilespmem:$0x1F6F0]  }
0x557: {  	v4 =	vor.u32 v20, v1;
	_ =	sdelay $0x3  }
0x558: {  	[tilespmem:v3+s22+$0x0] =	vst.idx.msk $0xffff, v2  }
0x559: {  	v2 =	vld.idx.msk [tilespmem:v4+s21+$0x0], $0xffff;
	_ =	sdelay $0x4  }
0x55a: {  	[tilespmem:$0x1F700] =	vst v2  }
0x55b: {  	v3 =	vor.u32 s8, v51;
	v2 =	vld [tilespmem:$0x1F700]  }
0x55c: {  	v4 =	vor.u32 v22, v1;
	_ =	sdelay $0x3  }
0x55d: {  	[tilespmem:v3+s22+$0x0] =	vst.idx.msk $0xffff, v2  }
0x55e: {  	v2 =	vld.idx.msk [tilespmem:v4+s21+$0x0], $0xffff;
	_ =	sdelay $0x4  }
0x55f: {  	[tilespmem:$0x1F710] =	vst v2  }
0x560: {  	v3 =	vor.u32 s8, v31;
	v2 =	vld [tilespmem:$0x1F710]  }
0x561: {  	v4 =	vor.u32 v48, v1;
	_ =	sdelay $0x3  }
0x562: {  	[tilespmem:v3+s22+$0x0] =	vst.idx.msk $0xffff, v2  }
0x563: {  	v2 =	vld.idx.msk [tilespmem:v4+s21+$0x0], $0xffff;
	_ =	sdelay $0x4  }
0x564: {  	[tilespmem:$0x1F720] =	vst v2  }
0x565: {  	v3 =	vor.u32 s8, v37;
	v2 =	vld [tilespmem:$0x1F720];
	_ =	sdelay $0x4  }
0x566: {  	v4 =	vor.u32 v47, v1;
	[tilespmem:v3+s22+$0x0] =	vst.idx.msk $0xffff, v2;
	v3 =	vld [tilespmem:$0x1FE80];
	_ =	sdelay $0x4  }
0x567: {  	v2 =	vld.idx.msk [tilespmem:v4+s21+$0x0], $0xffff;
	v3 =	vor.u32 s8, v3;
	_ =	sdelay $0x4  }
0x568: {  	v4 =	vor.u32 v28, v1;
	[tilespmem:v3+s22+$0x0] =	vst.idx.msk $0xffff, v2;
	v3 =	vld [tilespmem:$0x1FE70];
	_ =	sdelay $0x4  }
0x569: {  	v2 =	vld.idx.msk [tilespmem:v4+s21+$0x0], $0xffff;
	v3 =	vor.u32 s8, v3;
	_ =	sdelay $0x4  }
0x56a: {  	v4 =	vor.u32 v34, v1;
	[tilespmem:v3+s22+$0x0] =	vst.idx.msk $0xffff, v2;
	v3 =	vld [tilespmem:$0x1FE60];
	_ =	sdelay $0x4  }
0x56b: {  	v2 =	vld.idx.msk [tilespmem:v4+s21+$0x0], $0xffff;
	v3 =	vor.u32 s8, v3  }
0x56c: {  	v4 =	vor.u32 v32, v1;
	_ =	sdelay $0x3  }
0x56d: {  	[tilespmem:v3+s22+$0x0] =	vst.idx.msk $0xffff, v2  }
0x56e: {  	v2 =	vld.idx.msk [tilespmem:v4+s21+$0x0], $0xffff;
	_ =	sdelay $0x4  }
0x56f: {  	[tilespmem:$0x1F730] =	vst v2  }
0x570: {  	v3 =	vor.u32 s8, v54;
	v2 =	vld [tilespmem:$0x1F730]  }
0x571: {  	v4 =	vor.u32 v35, v1;
	_ =	sdelay $0x3  }
0x572: {  	[tilespmem:v3+s22+$0x0] =	vst.idx.msk $0xffff, v2  }
0x573: {  	v2 =	vld.idx.msk [tilespmem:v4+s21+$0x0], $0xffff;
	_ =	sdelay $0x4  }
0x574: {  	[tilespmem:$0x1F740] =	vst v2  }
0x575: {  	v3 =	vor.u32 s8, v55;
	v2 =	vld [tilespmem:$0x1F740]  }
0x576: {  	v4 =	vor.u32 v12, v1;
	_ =	sdelay $0x3  }
0x577: {  	[tilespmem:v3+s22+$0x0] =	vst.idx.msk $0xffff, v2  }
0x578: {  	v2 =	vld.idx.msk [tilespmem:v4+s21+$0x0], $0xffff;
	_ =	sdelay $0x4  }
0x579: {  	[tilespmem:$0x1F750] =	vst v2  }
0x57a: {  	v3 =	vor.u32 s8, v29;
	v2 =	vld [tilespmem:$0x1F750]  }
0x57b: {  	v4 =	vor.u32 v6, v1;
	_ =	sdelay $0x3  }
0x57c: {  	[tilespmem:v3+s22+$0x0] =	vst.idx.msk $0xffff, v2  }
0x57d: {  	v2 =	vld.idx.msk [tilespmem:v4+s21+$0x0], $0xffff;
	_ =	sdelay $0x4  }
0x57e: {  	[tilespmem:$0x1F760] =	vst v2  }
0x57f: {  	v3 =	vor.u32 s8, v30;
	v2 =	vld [tilespmem:$0x1F760]  }
0x580: {  	v4 =	vor.u32 v46, v1;
	_ =	sdelay $0x3  }
0x581: {  	[tilespmem:v3+s22+$0x0] =	vst.idx.msk $0xffff, v2  }
0x582: {  	v2 =	vld.idx.msk [tilespmem:v4+s21+$0x0], $0xffff;
	_ =	sdelay $0x4  }
0x583: {  	[tilespmem:$0x1F770] =	vst v2  }
0x584: {  	v3 =	vor.u32 s8, v25;
	v2 =	vld [tilespmem:$0x1F770]  }
0x585: {  	v4 =	vor.u32 v39, v1;
	_ =	sdelay $0x3  }
0x586: {  	[tilespmem:v3+s22+$0x0] =	vst.idx.msk $0xffff, v2  }
0x587: {  	v2 =	vld.idx.msk [tilespmem:v4+s21+$0x0], $0xffff;
	_ =	sdelay $0x4  }
0x588: {  	[tilespmem:$0x1F780] =	vst v2  }
0x589: {  	v3 =	vor.u32 s8, v59;
	v2 =	vld [tilespmem:$0x1F780]  }
0x58a: {  	v4 =	vor.u32 v53, v1;
	_ =	sdelay $0x3  }
0x58b: {  	[tilespmem:v3+s22+$0x0] =	vst.idx.msk $0xffff, v2  }
0x58c: {  	v2 =	vld.idx.msk [tilespmem:v4+s21+$0x0], $0xffff;
	_ =	sdelay $0x4  }
0x58d: {  	[tilespmem:$0x1F790] =	vst v2  }
0x58e: {  	v3 =	vor.u32 s8, v60;
	v2 =	vld [tilespmem:$0x1F790]  }
0x58f: {  	v4 =	vor.u32 v41, v1;
	_ =	sdelay $0x3  }
0x590: {  	[tilespmem:v3+s22+$0x0] =	vst.idx.msk $0xffff, v2  }
0x591: {  	v2 =	vld.idx.msk [tilespmem:v4+s21+$0x0], $0xffff;
	_ =	sdelay $0x4  }
0x592: {  	[tilespmem:$0x1F7A0] =	vst v2  }
0x593: {  	v3 =	vor.u32 s8, v61;
	v2 =	vld [tilespmem:$0x1F7A0]  }
0x594: {  	v4 =	vor.u32 v42, v1;
	_ =	sdelay $0x3  }
0x595: {  	[tilespmem:v3+s22+$0x0] =	vst.idx.msk $0xffff, v2  }
0x596: {  	v2 =	vld.idx.msk [tilespmem:v4+s21+$0x0], $0xffff;
	_ =	sdelay $0x4  }
0x597: {  	[tilespmem:$0x1F7B0] =	vst v2  }
0x598: {  	v3 =	vor.u32 s8, v62;
	v2 =	vld [tilespmem:$0x1F7B0]  }
0x599: {  	v4 =	vor.u32 v57, v1;
	_ =	sdelay $0x3  }
0x59a: {  	[tilespmem:v3+s22+$0x0] =	vst.idx.msk $0xffff, v2  }
0x59b: {  	v2 =	vld.idx.msk [tilespmem:v4+s21+$0x0], $0xffff;
	_ =	sdelay $0x4  }
0x59c: {  	[tilespmem:$0x1F7C0] =	vst v2  }
0x59d: {  	v3 =	vor.u32 s8, v63;
	v2 =	vld [tilespmem:$0x1F7C0]  }
0x59e: {  	v4 =	vor.u32 v58, v1;
	_ =	sdelay $0x3  }
0x59f: {  	[tilespmem:v3+s22+$0x0] =	vst.idx.msk $0xffff, v2  }
0x5a0: {  	v2 =	vld.idx.msk [tilespmem:v4+s21+$0x0], $0xffff;
	_ =	sdelay $0x4  }
0x5a1: {  	[tilespmem:$0x1F7D0] =	vst v2  }
0x5a2: {  	v3 =	vor.u32 s8, v33;
	v2 =	vld [tilespmem:$0x1F7D0]  }
0x5a3: {  	v4 =	vor.u32 v23, v1;
	_ =	sdelay $0x3  }
0x5a4: {  	[tilespmem:v3+s22+$0x0] =	vst.idx.msk $0xffff, v2  }
0x5a5: {  	v2 =	vld.idx.msk [tilespmem:v4+s21+$0x0], $0xffff;
	_ =	sdelay $0x4  }
0x5a6: {  	[tilespmem:$0x1F7E0] =	vst v2  }
0x5a7: {  	v3 =	vor.u32 s8, v19;
	v2 =	vld [tilespmem:$0x1F7E0]  }
0x5a8: {  	v4 =	vor.u32 v0, v1;
	_ =	sdelay $0x3  }
0x5a9: {  	[tilespmem:v3+s22+$0x0] =	vst.idx.msk $0xffff, v2  }
0x5aa: {  	v3 =	vor.u32 s8, v40;
	v2 =	vld.idx.msk [tilespmem:v4+s21+$0x0], $0xffff;
	_ =	sdelay $0x4  }
0x5ab: {  	v1 =	vor.u32 v36, v1;
	[tilespmem:v3+s22+$0x0] =	vst.idx.msk $0xffff, v2;
	v2 =	vld [tilespmem:$0x1FE40];
	_ =	sdelay $0x3  }
0x5ac: {  	s1 =	sadd.s32 s5, s7  }
0x5ad: {  	s7 =	sshrl.u32 s1, $0x5;
	v1 =	vld.idx.msk [tilespmem:v1+s21+$0x0], $0xffff;
	v2 =	vor.u32 s8, v2  }
0x5ae: {  	s11 =	sshll.u32 s7, $0x11;
	s9 =	sshll.u32 s1, $0xC  }
0x5af: {  	s7 =	sshll.u32 s7, $0x13;
	s8 =	ssub.s32 s9, s11  }
0x5b0: {  	s7 =	sadd.s32 s7, s8  }
0x5b1: {  	s7 =	sshrl.u32 s7, $0x3  }
0x5b2: {  	s1 =	sshll.u32 @p1 s1, $0x6;
	s7 =	sadd.s32 s2, s7;
	[tilespmem:v2+s22+$0x0] =	vst.idx.msk $0xffff, v1  }
0x5b3: {  	[hbm4b:s7+s23] =	stream.strided.scatter [tilespmem:s22], [sflag:$0x9], $0x4000, s24, s23, $0x38;
	[tilespmem:$0x18800] =	vst v63  }
0x5b4: {  	s1 =	sadd.s32 @p1 s1, s10;
	s8 =	simm.s32 @p1 $0x400;
	s7 =	simm.s32 @p1 $0x0  }
0x5b5: {  	[tilespmem:s8], [sflag:$0x3] =	stream.linear.gather @p1 [hbm4b:s1+s7], $0x200, $0x38;
	[tilespmem:$0x18800] =	vst v63  }
0x5b6: {  	s1 =	simm.s32 @p1 $0x8  }
0x5b7: {  	_ =	swait.ge @p1 [sflag:s1], $0x4000  }
0x5b8: {  	[sflag:s1] =	ssyncset.done @p1 $0x0  }
0x5b9: {  	[sflag:s1] =	ssyncadd.s32 @p1 $0xFFFFC000;
	s1 =	simm.s32 @p1 $0x2  }
0x5ba: {  	_ =	swait.ge @p1 [sflag:s1], $0x200  }
0x5bb: {  	[sflag:s1] =	ssyncset.done @p1 $0x0  }
0x5bc: {  	s8 =	simm.s32 @p1 $0x4800;
	[sflag:s1] =	ssyncadd.s32 @p1 $0xFFFFFE00;
	s1 =	simm.s32 @p1 $0x200  }
0x5bd: {  	[tilespmem:s8], [sflag:$0x6] =	stream.indirect.gather @p1 [hbm4b:s4+s1], $0x20, s1, s1, $0xb8;
	[tilespmem:$0x18800] =	vst v63  }
0x5be: {  	s1 =	simm.s32 @!p1 $0x8  }
0x5bf: {  	_ =	swait.ge @!p1 [sflag:s1], $0x4000  }
0x5c0: {  	v2 =	vld [tilespmem:$0x1FE50];
	_ =	sdelay $0x1  }
0x5c1: {  	s7 =	simm.s32 $0x0  }
0x5c2: {  	v1 =	vmov s7  }
0x5c3: {  	v1 =	vshll.u32 v1, $0x5;
	[sflag:s1] =	ssyncset.done @!p1 $0x0  }
0x5c4: {  	[sflag:s1] =	ssyncadd.s32 @!p1 $0xFFFFC000;
	v1 =	vor.u32 v2, v1;
	v2 =	vlaneseq.u32  }
0x5c5: {  	_ =	swait.ge [sflag:s31], $0x4000;
	v2 =	vor.u32 v2, v1  }
0x5c6: {  	v4 =	vld [tilespmem:$0x1FFC0];
	_ =	sdelay $0x1  }
0x5c7: {  	s15 =	sand.u32 $0xC00, s7;
	s17 =	sand.u32 $0x70, s7;
	[sflag:s31] =	ssyncset.done $0x0  }
0x5c8: {  	s8 =	sor.u32 s17, s15;
	[sflag:s31] =	ssyncadd.s32 $0xFFFFC000  }
0x5c9: {  	v3 =	vor.u32 s8, v5;
	v2 =	vld.idx.msk [tilespmem:v2+s28+$0x0], $0xffff  }
0x5ca: {  	v4 =	vor.u32 v4, v1;
	_ =	sdelay $0x3  }
0x5cb: {  	[tilespmem:v3+s29+$0x0] =	vst.idx.msk $0xffff, v2;
	v3 =	vld [tilespmem:$0x1FEF0]  }
0x5cc: {  	v2 =	vld.idx.msk [tilespmem:v4+s28+$0x0], $0xffff  }
0x5cd: {  	v4 =	vld [tilespmem:$0x1FFD0];
	_ =	sdelay $0x3  }
0x5ce: {  	v3 =	vor.u32 s8, v3  }
0x5cf: {  	v4 =	vor.u32 v4, v1;
	_ =	sdelay $0x3  }
0x5d0: {  	[tilespmem:v3+s29+$0x0] =	vst.idx.msk $0xffff, v2  }
0x5d1: {  	v2 =	vld.idx.msk [tilespmem:v4+s28+$0x0], $0xffff  }
0x5d2: {  	v4 =	vld [tilespmem:$0x1FFF0];
	_ =	sdelay $0x3  }
0x5d3: {  	v3 =	vor.u32 s8, v9  }
0x5d4: {  	v4 =	vor.u32 v4, v1;
	_ =	sdelay $0x3  }
0x5d5: {  	[tilespmem:v3+s29+$0x0] =	vst.idx.msk $0xffff, v2  }
0x5d6: {  	v2 =	vld.idx.msk [tilespmem:v4+s28+$0x0], $0xffff  }
0x5d7: {  	v4 =	vld [tilespmem:$0x1FF80]  }
0x5d8: {  	v3 =	vor.u32 s8, v11;
	_ =	sdelay $0x3  }
0x5d9: {  	v4 =	vor.u32 v4, v1  }
0x5da: {  	[tilespmem:v3+s29+$0x0] =	vst.idx.msk $0xffff, v2;
	v3 =	vld [tilespmem:$0x1FEE0];
	_ =	sdelay $0x3  }
0x5db: {  	v2 =	vld.idx.msk [tilespmem:v4+s28+$0x0], $0xffff  }
0x5dc: {  	v3 =	vor.u32 s8, v3;
	v4 =	vld [tilespmem:$0x1FF90];
	_ =	sdelay $0x4  }
0x5dd: {  	v4 =	vor.u32 v4, v1;
	[tilespmem:v3+s29+$0x0] =	vst.idx.msk $0xffff, v2;
	v3 =	vld [tilespmem:$0x1FFA0];
	_ =	sdelay $0x4  }
0x5de: {  	v2 =	vld.idx.msk [tilespmem:v4+s28+$0x0], $0xffff;
	v3 =	vor.u32 s8, v3;
	_ =	sdelay $0x4  }
0x5df: {  	v4 =	vor.u32 v16, v1;
	[tilespmem:v3+s29+$0x0] =	vst.idx.msk $0xffff, v2;
	v3 =	vld [tilespmem:$0x1FFB0];
	_ =	sdelay $0x4  }
0x5e0: {  	v2 =	vld.idx.msk [tilespmem:v4+s28+$0x0], $0xffff;
	v3 =	vor.u32 s8, v3;
	_ =	sdelay $0x2  }
0x5e1: {  	v4 =	vor.u32 v18, v1;
	_ =	sdelay $0x1  }
0x5e2: {  	[tilespmem:v3+s29+$0x0] =	vst.idx.msk $0xffff, v2;
	v3 =	vld [tilespmem:$0x1FEC0];
	_ =	sdelay $0x2  }
0x5e3: {  	v2 =	vld.idx.msk [tilespmem:v4+s28+$0x0], $0xffff  }
0x5e4: {  	v4 =	vld [tilespmem:$0x1FF50]  }
0x5e5: {  	v3 =	vor.u32 s8, v3;
	_ =	sdelay $0x3  }
0x5e6: {  	v4 =	vor.u32 v4, v1  }
0x5e7: {  	[tilespmem:v3+s29+$0x0] =	vst.idx.msk $0xffff, v2;
	v3 =	vld [tilespmem:$0x1FED0];
	_ =	sdelay $0x3  }
0x5e8: {  	v2 =	vld.idx.msk [tilespmem:v4+s28+$0x0], $0xffff  }
0x5e9: {  	v4 =	vld [tilespmem:$0x1FF60];
	v3 =	vor.u32 s8, v3;
	_ =	sdelay $0x4  }
0x5ea: {  	v4 =	vor.u32 v4, v1;
	[tilespmem:v3+s29+$0x0] =	vst.idx.msk $0xffff, v2;
	v3 =	vld [tilespmem:$0x1FF70];
	_ =	sdelay $0x4  }
0x5eb: {  	v2 =	vld.idx.msk [tilespmem:v4+s28+$0x0], $0xffff;
	v3 =	vor.u32 s8, v3  }
0x5ec: {  	v4 =	vor.u32 v24, v1;
	_ =	sdelay $0x3  }
0x5ed: {  	[tilespmem:v3+s29+$0x0] =	vst.idx.msk $0xffff, v2;
	v3 =	vld [tilespmem:$0x1FF00]  }
0x5ee: {  	v2 =	vld.idx.msk [tilespmem:v4+s28+$0x0], $0xffff  }
0x5ef: {  	v4 =	vld [tilespmem:$0x1FFE0];
	_ =	sdelay $0x3  }
0x5f0: {  	v3 =	vor.u32 s8, v3  }
0x5f1: {  	v4 =	vor.u32 v4, v1;
	_ =	sdelay $0x3  }
0x5f2: {  	[tilespmem:v3+s29+$0x0] =	vst.idx.msk $0xffff, v2  }
0x5f3: {  	v2 =	vld.idx.msk [tilespmem:v4+s28+$0x0], $0xffff  }
0x5f4: {  	v4 =	vld [tilespmem:$0x1FF10];
	_ =	sdelay $0x2  }
0x5f5: {  	v3 =	vor.u32 s8, v27;
	_ =	sdelay $0x1  }
0x5f6: {  	v4 =	vor.u32 v4, v1;
	_ =	sdelay $0x2  }
0x5f7: {  	[tilespmem:v3+s29+$0x0] =	vst.idx.msk $0xffff, v2;
	v3 =	vld [tilespmem:$0x1FE90];
	_ =	sdelay $0x1  }
0x5f8: {  	v2 =	vld.idx.msk [tilespmem:v4+s28+$0x0], $0xffff  }
0x5f9: {  	v4 =	vld [tilespmem:$0x1FF20];
	_ =	sdelay $0x1  }
0x5fa: {  	v3 =	vor.u32 s8, v3;
	_ =	sdelay $0x2  }
0x5fb: {  	v4 =	vor.u32 v4, v1;
	_ =	sdelay $0x1  }
0x5fc: {  	[tilespmem:v3+s29+$0x0] =	vst.idx.msk $0xffff, v2;
	v3 =	vld [tilespmem:$0x1FEA0];
	_ =	sdelay $0x2  }
0x5fd: {  	v2 =	vld.idx.msk [tilespmem:v4+s28+$0x0], $0xffff  }
0x5fe: {  	v4 =	vld [tilespmem:$0x1FF30]  }
0x5ff: {  	v3 =	vor.u32 s8, v3;
	_ =	sdelay $0x3  }
0x600: {  	v4 =	vor.u32 v4, v1  }
0x601: {  	[tilespmem:v3+s29+$0x0] =	vst.idx.msk $0xffff, v2;
	v3 =	vld [tilespmem:$0x1FEB0];
	_ =	sdelay $0x3  }
0x602: {  	v2 =	vld.idx.msk [tilespmem:v4+s28+$0x0], $0xffff  }
0x603: {  	v3 =	vor.u32 s8, v3;
	v4 =	vld [tilespmem:$0x1FF40];
	_ =	sdelay $0x4  }
0x604: {  	v4 =	vor.u32 v4, v1;
	[tilespmem:v3+s29+$0x0] =	vst.idx.msk $0xffff, v2;
	v3 =	vld [tilespmem:$0x1FE80];
	_ =	sdelay $0x4  }
0x605: {  	v2 =	vld.idx.msk [tilespmem:v4+s28+$0x0], $0xffff;
	v3 =	vor.u32 s8, v3;
	_ =	sdelay $0x4  }
0x606: {  	v4 =	vor.u32 v28, v1;
	[tilespmem:v3+s29+$0x0] =	vst.idx.msk $0xffff, v2;
	v3 =	vld [tilespmem:$0x1FE70];
	_ =	sdelay $0x4  }
0x607: {  	v2 =	vld.idx.msk [tilespmem:v4+s28+$0x0], $0xffff;
	v3 =	vor.u32 s8, v3;
	_ =	sdelay $0x4  }
0x608: {  	v4 =	vor.u32 v34, v1;
	[tilespmem:v3+s29+$0x0] =	vst.idx.msk $0xffff, v2;
	v3 =	vld [tilespmem:$0x1FE60];
	_ =	sdelay $0x4  }
0x609: {  	v2 =	vld.idx.msk [tilespmem:v4+s28+$0x0], $0xffff;
	v3 =	vor.u32 s8, v3  }
0x60a: {  	v4 =	vor.u32 v32, v1;
	_ =	sdelay $0x3  }
0x60b: {  	[tilespmem:v3+s29+$0x0] =	vst.idx.msk $0xffff, v2  }
0x60c: {  	v2 =	vld.idx.msk [tilespmem:v4+s28+$0x0], $0xffff  }
0x60d: {  	v4 =	vld [tilespmem:$0x1FAF0];
	_ =	sdelay $0x3  }
0x60e: {  	v3 =	vor.u32 s8, v54  }
0x60f: {  	v4 =	vor.u32 v4, v1;
	_ =	sdelay $0x3  }
0x610: {  	[tilespmem:v3+s29+$0x0] =	vst.idx.msk $0xffff, v2  }
0x611: {  	v2 =	vld.idx.msk [tilespmem:v4+s28+$0x0], $0xffff  }
0x612: {  	v4 =	vld [tilespmem:$0x1FB00];
	_ =	sdelay $0x3  }
0x613: {  	v3 =	vor.u32 s8, v55  }
0x614: {  	v4 =	vor.u32 v4, v1;
	_ =	sdelay $0x3  }
0x615: {  	[tilespmem:v3+s29+$0x0] =	vst.idx.msk $0xffff, v2;
	v3 =	vld [tilespmem:$0x1FD90]  }
0x616: {  	v2 =	vld.idx.msk [tilespmem:v4+s28+$0x0], $0xffff  }
0x617: {  	v4 =	vld [tilespmem:$0x1FB10];
	_ =	sdelay $0x3  }
0x618: {  	v3 =	vor.u32 s8, v3  }
0x619: {  	v4 =	vor.u32 v4, v1;
	_ =	sdelay $0x3  }
0x61a: {  	[tilespmem:v3+s29+$0x0] =	vst.idx.msk $0xffff, v2;
	v3 =	vld [tilespmem:$0x1FDA0]  }
0x61b: {  	v2 =	vld.idx.msk [tilespmem:v4+s28+$0x0], $0xffff  }
0x61c: {  	v4 =	vld [tilespmem:$0x1FB20];
	_ =	sdelay $0x3  }
0x61d: {  	v3 =	vor.u32 s8, v3  }
0x61e: {  	v4 =	vor.u32 v4, v1;
	_ =	sdelay $0x3  }
0x61f: {  	[tilespmem:v3+s29+$0x0] =	vst.idx.msk $0xffff, v2;
	v3 =	vld [tilespmem:$0x1FDB0]  }
0x620: {  	v2 =	vld.idx.msk [tilespmem:v4+s28+$0x0], $0xffff  }
0x621: {  	v4 =	vld [tilespmem:$0x1FB30];
	_ =	sdelay $0x3  }
0x622: {  	v3 =	vor.u32 s8, v3  }
0x623: {  	v4 =	vor.u32 v4, v1;
	_ =	sdelay $0x3  }
0x624: {  	[tilespmem:v3+s29+$0x0] =	vst.idx.msk $0xffff, v2;
	v3 =	vld [tilespmem:$0x1FDC0]  }
0x625: {  	v2 =	vld.idx.msk [tilespmem:v4+s28+$0x0], $0xffff  }
0x626: {  	v4 =	vld [tilespmem:$0x1FB40];
	_ =	sdelay $0x3  }
0x627: {  	v3 =	vor.u32 s8, v3  }
0x628: {  	v4 =	vor.u32 v4, v1;
	_ =	sdelay $0x3  }
0x629: {  	[tilespmem:v3+s29+$0x0] =	vst.idx.msk $0xffff, v2;
	v3 =	vld [tilespmem:$0x1FDD0]  }
0x62a: {  	v2 =	vld.idx.msk [tilespmem:v4+s28+$0x0], $0xffff  }
0x62b: {  	v4 =	vld [tilespmem:$0x1FB50];
	_ =	sdelay $0x3  }
0x62c: {  	v3 =	vor.u32 s8, v3  }
0x62d: {  	v4 =	vor.u32 v4, v1;
	_ =	sdelay $0x3  }
0x62e: {  	[tilespmem:v3+s29+$0x0] =	vst.idx.msk $0xffff, v2;
	v3 =	vld [tilespmem:$0x1FDE0]  }
0x62f: {  	v2 =	vld.idx.msk [tilespmem:v4+s28+$0x0], $0xffff  }
0x630: {  	v4 =	vld [tilespmem:$0x1FB60];
	_ =	sdelay $0x3  }
0x631: {  	v3 =	vor.u32 s8, v3  }
0x632: {  	v4 =	vor.u32 v4, v1;
	_ =	sdelay $0x3  }
0x633: {  	[tilespmem:v3+s29+$0x0] =	vst.idx.msk $0xffff, v2;
	v3 =	vld [tilespmem:$0x1FDF0]  }
0x634: {  	v2 =	vld.idx.msk [tilespmem:v4+s28+$0x0], $0xffff  }
0x635: {  	v4 =	vld [tilespmem:$0x1FB70];
	_ =	sdelay $0x2  }
0x636: {  	v3 =	vor.u32 s8, v3;
	_ =	sdelay $0x1  }
0x637: {  	v4 =	vor.u32 v4, v1;
	_ =	sdelay $0x2  }
0x638: {  	[tilespmem:v3+s29+$0x0] =	vst.idx.msk $0xffff, v2;
	v3 =	vld [tilespmem:$0x1FE00];
	_ =	sdelay $0x1  }
0x639: {  	v2 =	vld.idx.msk [tilespmem:v4+s28+$0x0], $0xffff  }
0x63a: {  	v4 =	vld [tilespmem:$0x1FB80];
	_ =	sdelay $0x1  }
0x63b: {  	v3 =	vor.u32 s8, v3;
	_ =	sdelay $0x2  }
0x63c: {  	v4 =	vor.u32 v4, v1;
	_ =	sdelay $0x1  }
0x63d: {  	[tilespmem:v3+s29+$0x0] =	vst.idx.msk $0xffff, v2;
	v3 =	vld [tilespmem:$0x1FE10];
	_ =	sdelay $0x2  }
0x63e: {  	v2 =	vld.idx.msk [tilespmem:v4+s28+$0x0], $0xffff  }
0x63f: {  	v4 =	vld [tilespmem:$0x1FB90]  }
0x640: {  	v3 =	vor.u32 s8, v3;
	_ =	sdelay $0x3  }
0x641: {  	v4 =	vor.u32 v4, v1  }
0x642: {  	[tilespmem:v3+s29+$0x0] =	vst.idx.msk $0xffff, v2;
	v3 =	vld [tilespmem:$0x1FE20];
	_ =	sdelay $0x3  }
0x643: {  	v2 =	vld.idx.msk [tilespmem:v4+s28+$0x0], $0xffff  }
0x644: {  	v3 =	vor.u32 s8, v3;
	v4 =	vld [tilespmem:$0x1FBA0];
	_ =	sdelay $0x4  }
0x645: {  	v4 =	vor.u32 v4, v1;
	[tilespmem:v3+s29+$0x0] =	vst.idx.msk $0xffff, v2;
	v3 =	vld [tilespmem:$0x1FE30];
	_ =	sdelay $0x4  }
0x646: {  	v2 =	vld.idx.msk [tilespmem:v4+s28+$0x0], $0xffff;
	v3 =	vor.u32 s8, v3;
	_ =	sdelay $0x4  }
0x647: {  	[tilespmem:v3+s29+$0x0] =	vst.idx.msk $0xffff, v2;
	v2 =	vld [tilespmem:$0x1FBB0];
	_ =	sdelay $0x3  }
0x648: {  	s9 =	simm.s32 $0x10  }
0x649: {  	s11 =	simm.s32 $0x20;
	v1 =	vor.u32 v2, v1;
	v2 =	vmov s9  }
.LBB2_9:
0x64a: {  	_ =	sdelay $0x3  }
0x64b: {  	v3 =	vld.idx.msk [tilespmem:v1+s28+$0x0], $0xffff  }
0x64c: {  	v1 =	vld [tilespmem:$0x1FE50];
	_ =	sdelay $0x3  }
0x64d: {  	v2 =	vshll.u32 v2, $0x5  }
0x64e: {  	v4 =	vlaneseq.u32;
	v1 =	vor.u32 v1, v2;
	v2 =	vor.u32 s8, v21  }
0x64f: {  	v4 =	vor.u32 v4, v1;
	_ =	sdelay $0x1  }
0x650: {  	s7 =	sadd.s32 $0x80, s7  }
0x651: {  	s17 =	sand.u32 $0x70, s9;
	s1 =	sand.u32 $0xC00, s7  }
0x652: {  	s8 =	sor.u32 s17, s1;
	[tilespmem:v2+s29+$0x0] =	vst.idx.msk $0xffff, v3  }
0x653: {  	v3 =	vor.u32 s8, v5;
	v2 =	vld.idx.msk [tilespmem:v4+s28+$0x0], $0xffff  }
0x654: {  	v4 =	vor.u32 v26, v1;
	_ =	sdelay $0x3  }
0x655: {  	[tilespmem:v3+s29+$0x0] =	vst.idx.msk $0xffff, v2  }
0x656: {  	v3 =	vor.u32 s8, v56;
	v2 =	vld.idx.msk [tilespmem:v4+s28+$0x0], $0xffff  }
0x657: {  	v4 =	vor.u32 v38, v1;
	_ =	sdelay $0x3  }
0x658: {  	[tilespmem:v3+s29+$0x0] =	vst.idx.msk $0xffff, v2  }
0x659: {  	v3 =	vor.u32 s8, v9;
	v2 =	vld.idx.msk [tilespmem:v4+s28+$0x0], $0xffff  }
0x65a: {  	v4 =	vor.u32 v43, v1;
	_ =	sdelay $0x3  }
0x65b: {  	[tilespmem:v3+s29+$0x0] =	vst.idx.msk $0xffff, v2  }
0x65c: {  	v3 =	vor.u32 s8, v11;
	v2 =	vld.idx.msk [tilespmem:v4+s28+$0x0], $0xffff  }
0x65d: {  	v4 =	vor.u32 v7, v1;
	_ =	sdelay $0x3  }
0x65e: {  	[tilespmem:v3+s29+$0x0] =	vst.idx.msk $0xffff, v2  }
0x65f: {  	v3 =	vor.u32 s8, v8;
	v2 =	vld.idx.msk [tilespmem:v4+s28+$0x0], $0xffff  }
0x660: {  	v4 =	vor.u32 v10, v1;
	_ =	sdelay $0x3  }
0x661: {  	[tilespmem:v3+s29+$0x0] =	vst.idx.msk $0xffff, v2  }
0x662: {  	v3 =	vor.u32 s8, v44;
	v2 =	vld.idx.msk [tilespmem:v4+s28+$0x0], $0xffff  }
0x663: {  	v4 =	vor.u32 v16, v1;
	_ =	sdelay $0x3  }
0x664: {  	[tilespmem:v3+s29+$0x0] =	vst.idx.msk $0xffff, v2  }
0x665: {  	v3 =	vor.u32 s8, v45;
	v2 =	vld.idx.msk [tilespmem:v4+s28+$0x0], $0xffff  }
0x666: {  	v4 =	vor.u32 v18, v1;
	_ =	sdelay $0x3  }
0x667: {  	[tilespmem:v3+s29+$0x0] =	vst.idx.msk $0xffff, v2  }
0x668: {  	v3 =	vor.u32 s8, v13;
	v2 =	vld.idx.msk [tilespmem:v4+s28+$0x0], $0xffff  }
0x669: {  	v4 =	vor.u32 v14, v1;
	_ =	sdelay $0x3  }
0x66a: {  	[tilespmem:v3+s29+$0x0] =	vst.idx.msk $0xffff, v2  }
0x66b: {  	v3 =	vor.u32 s8, v15;
	v2 =	vld.idx.msk [tilespmem:v4+s28+$0x0], $0xffff  }
0x66c: {  	v4 =	vor.u32 v17, v1;
	_ =	sdelay $0x3  }
0x66d: {  	[tilespmem:v3+s29+$0x0] =	vst.idx.msk $0xffff, v2  }
0x66e: {  	v3 =	vor.u32 s8, v49;
	v2 =	vld.idx.msk [tilespmem:v4+s28+$0x0], $0xffff  }
0x66f: {  	v4 =	vor.u32 v24, v1;
	_ =	sdelay $0x3  }
0x670: {  	[tilespmem:v3+s29+$0x0] =	vst.idx.msk $0xffff, v2  }
0x671: {  	v3 =	vor.u32 s8, v52;
	v2 =	vld.idx.msk [tilespmem:v4+s28+$0x0], $0xffff  }
0x672: {  	v4 =	vor.u32 v50, v1;
	_ =	sdelay $0x3  }
0x673: {  	[tilespmem:v3+s29+$0x0] =	vst.idx.msk $0xffff, v2  }
0x674: {  	v3 =	vor.u32 s8, v27;
	v2 =	vld.idx.msk [tilespmem:v4+s28+$0x0], $0xffff  }
0x675: {  	v4 =	vor.u32 v20, v1;
	_ =	sdelay $0x3  }
0x676: {  	[tilespmem:v3+s29+$0x0] =	vst.idx.msk $0xffff, v2  }
0x677: {  	v3 =	vor.u32 s8, v51;
	v2 =	vld.idx.msk [tilespmem:v4+s28+$0x0], $0xffff  }
0x678: {  	v4 =	vor.u32 v22, v1;
	_ =	sdelay $0x3  }
0x679: {  	[tilespmem:v3+s29+$0x0] =	vst.idx.msk $0xffff, v2  }
0x67a: {  	v3 =	vor.u32 s8, v31;
	v2 =	vld.idx.msk [tilespmem:v4+s28+$0x0], $0xffff  }
0x67b: {  	v4 =	vor.u32 v48, v1;
	_ =	sdelay $0x3  }
0x67c: {  	[tilespmem:v3+s29+$0x0] =	vst.idx.msk $0xffff, v2  }
0x67d: {  	v3 =	vor.u32 s8, v37;
	v2 =	vld.idx.msk [tilespmem:v4+s28+$0x0], $0xffff;
	_ =	sdelay $0x4  }
0x67e: {  	v4 =	vor.u32 v47, v1;
	[tilespmem:v3+s29+$0x0] =	vst.idx.msk $0xffff, v2;
	v3 =	vld [tilespmem:$0x1FE80];
	_ =	sdelay $0x4  }
0x67f: {  	v2 =	vld.idx.msk [tilespmem:v4+s28+$0x0], $0xffff;
	v3 =	vor.u32 s8, v3;
	_ =	sdelay $0x4  }
0x680: {  	v4 =	vor.u32 v28, v1;
	[tilespmem:v3+s29+$0x0] =	vst.idx.msk $0xffff, v2;
	v3 =	vld [tilespmem:$0x1FE70];
	_ =	sdelay $0x4  }
0x681: {  	v2 =	vld.idx.msk [tilespmem:v4+s28+$0x0], $0xffff;
	v3 =	vor.u32 s8, v3;
	_ =	sdelay $0x4  }
0x682: {  	v4 =	vor.u32 v34, v1;
	[tilespmem:v3+s29+$0x0] =	vst.idx.msk $0xffff, v2;
	v3 =	vld [tilespmem:$0x1FE60];
	_ =	sdelay $0x4  }
0x683: {  	v2 =	vld.idx.msk [tilespmem:v4+s28+$0x0], $0xffff;
	v3 =	vor.u32 s8, v3  }
0x684: {  	v4 =	vor.u32 v32, v1;
	_ =	sdelay $0x3  }
0x685: {  	[tilespmem:v3+s29+$0x0] =	vst.idx.msk $0xffff, v2  }
0x686: {  	v3 =	vor.u32 s8, v54;
	v2 =	vld.idx.msk [tilespmem:v4+s28+$0x0], $0xffff  }
0x687: {  	v4 =	vor.u32 v35, v1;
	_ =	sdelay $0x3  }
0x688: {  	[tilespmem:v3+s29+$0x0] =	vst.idx.msk $0xffff, v2  }
0x689: {  	v3 =	vor.u32 s8, v55;
	v2 =	vld.idx.msk [tilespmem:v4+s28+$0x0], $0xffff  }
0x68a: {  	v4 =	vor.u32 v12, v1;
	_ =	sdelay $0x3  }
0x68b: {  	[tilespmem:v3+s29+$0x0] =	vst.idx.msk $0xffff, v2  }
0x68c: {  	v3 =	vor.u32 s8, v29;
	v2 =	vld.idx.msk [tilespmem:v4+s28+$0x0], $0xffff  }
0x68d: {  	v4 =	vor.u32 v6, v1;
	_ =	sdelay $0x3  }
0x68e: {  	[tilespmem:v3+s29+$0x0] =	vst.idx.msk $0xffff, v2  }
0x68f: {  	v3 =	vor.u32 s8, v30;
	v2 =	vld.idx.msk [tilespmem:v4+s28+$0x0], $0xffff  }
0x690: {  	v4 =	vor.u32 v46, v1;
	_ =	sdelay $0x3  }
0x691: {  	[tilespmem:v3+s29+$0x0] =	vst.idx.msk $0xffff, v2  }
0x692: {  	v3 =	vor.u32 s8, v25;
	v2 =	vld.idx.msk [tilespmem:v4+s28+$0x0], $0xffff  }
0x693: {  	v4 =	vor.u32 v39, v1;
	_ =	sdelay $0x3  }
0x694: {  	[tilespmem:v3+s29+$0x0] =	vst.idx.msk $0xffff, v2  }
0x695: {  	v3 =	vor.u32 s8, v59;
	v2 =	vld.idx.msk [tilespmem:v4+s28+$0x0], $0xffff  }
0x696: {  	v4 =	vor.u32 v53, v1;
	_ =	sdelay $0x3  }
0x697: {  	[tilespmem:v3+s29+$0x0] =	vst.idx.msk $0xffff, v2  }
0x698: {  	v3 =	vor.u32 s8, v60;
	v2 =	vld.idx.msk [tilespmem:v4+s28+$0x0], $0xffff  }
0x699: {  	v4 =	vor.u32 v41, v1;
	_ =	sdelay $0x3  }
0x69a: {  	[tilespmem:v3+s29+$0x0] =	vst.idx.msk $0xffff, v2  }
0x69b: {  	v3 =	vor.u32 s8, v61;
	v2 =	vld.idx.msk [tilespmem:v4+s28+$0x0], $0xffff  }
0x69c: {  	v4 =	vor.u32 v42, v1;
	_ =	sdelay $0x3  }
0x69d: {  	[tilespmem:v3+s29+$0x0] =	vst.idx.msk $0xffff, v2  }
0x69e: {  	v3 =	vor.u32 s8, v62;
	v2 =	vld.idx.msk [tilespmem:v4+s28+$0x0], $0xffff  }
0x69f: {  	v4 =	vor.u32 v57, v1;
	_ =	sdelay $0x3  }
0x6a0: {  	[tilespmem:v3+s29+$0x0] =	vst.idx.msk $0xffff, v2  }
0x6a1: {  	v3 =	vor.u32 s8, v63;
	v2 =	vld.idx.msk [tilespmem:v4+s28+$0x0], $0xffff  }
0x6a2: {  	v4 =	vor.u32 v58, v1;
	_ =	sdelay $0x3  }
0x6a3: {  	[tilespmem:v3+s29+$0x0] =	vst.idx.msk $0xffff, v2  }
0x6a4: {  	v3 =	vor.u32 s8, v33;
	v2 =	vld.idx.msk [tilespmem:v4+s28+$0x0], $0xffff  }
0x6a5: {  	v4 =	vor.u32 v23, v1;
	_ =	sdelay $0x3  }
0x6a6: {  	[tilespmem:v3+s29+$0x0] =	vst.idx.msk $0xffff, v2  }
0x6a7: {  	v3 =	vor.u32 s8, v19;
	v2 =	vld.idx.msk [tilespmem:v4+s28+$0x0], $0xffff  }
0x6a8: {  	v4 =	vor.u32 v0, v1;
	_ =	sdelay $0x3  }
0x6a9: {  	[tilespmem:v3+s29+$0x0] =	vst.idx.msk $0xffff, v2  }
0x6aa: {  	p1 =	sne.s32 s11, $0x1F0;
	v3 =	vld.idx.msk [tilespmem:v4+s28+$0x0], $0xffff;
	v4 =	vor.u32 s8, v40  }
.Ltmp5:
0x6ab: {  	_ = 	snop;
	(pc) =	sbr.rel @p1 .LBB2_9-.Ltmp5, $3  }
0x6ac: {  	_ =	sdelay $0x1  }
0x6ad: {  	s9 =	smov.u32 s11  }
0x6ae: {  	s11 =	sadd.s32 $0x10, s11;
	v1 =	vor.u32 v36, v1;
	v2 =	vmov s9;
	[tilespmem:v4+s29+$0x0] =	vst.idx.msk $0xffff, v3  }
0x6af: {  	_ =	sdelay $0x3  }
0x6b0: {  	v3 =	vld.idx.msk [tilespmem:v1+s28+$0x0], $0xffff  }
0x6b1: {  	v1 =	vld [tilespmem:$0x1FE50];
	_ =	sdelay $0x3  }
0x6b2: {  	v2 =	vshll.u32 v2, $0x5  }
0x6b3: {  	v4 =	vlaneseq.u32;
	v1 =	vor.u32 v1, v2;
	v2 =	vor.u32 s8, v21  }
0x6b4: {  	v4 =	vor.u32 v4, v1;
	_ =	sdelay $0x1  }
0x6b5: {  	s1 =	sadd.s32 $0x80, s7  }
0x6b6: {  	s9 =	sand.u32 $0x70, s9;
	s1 =	sand.u32 $0xC00, s1  }
0x6b7: {  	s7 =	sor.u32 s9, s1;
	[tilespmem:v2+s29+$0x0] =	vst.idx.msk $0xffff, v3  }
0x6b8: {  	v3 =	vor.u32 s7, v5;
	v2 =	vld.idx.msk [tilespmem:v4+s28+$0x0], $0xffff  }
0x6b9: {  	v4 =	vor.u32 v26, v1;
	_ =	sdelay $0x3  }
0x6ba: {  	[tilespmem:v3+s29+$0x0] =	vst.idx.msk $0xffff, v2  }
0x6bb: {  	v3 =	vor.u32 s7, v56;
	v2 =	vld.idx.msk [tilespmem:v4+s28+$0x0], $0xffff  }
0x6bc: {  	v4 =	vor.u32 v38, v1;
	_ =	sdelay $0x3  }
0x6bd: {  	[tilespmem:v3+s29+$0x0] =	vst.idx.msk $0xffff, v2  }
0x6be: {  	v3 =	vor.u32 s7, v9;
	v2 =	vld.idx.msk [tilespmem:v4+s28+$0x0], $0xffff  }
0x6bf: {  	v4 =	vor.u32 v43, v1;
	_ =	sdelay $0x3  }
0x6c0: {  	[tilespmem:v3+s29+$0x0] =	vst.idx.msk $0xffff, v2  }
0x6c1: {  	v3 =	vor.u32 s7, v11;
	v2 =	vld.idx.msk [tilespmem:v4+s28+$0x0], $0xffff  }
0x6c2: {  	v4 =	vor.u32 v7, v1;
	_ =	sdelay $0x3  }
0x6c3: {  	[tilespmem:v3+s29+$0x0] =	vst.idx.msk $0xffff, v2  }
0x6c4: {  	v3 =	vor.u32 s7, v8;
	v2 =	vld.idx.msk [tilespmem:v4+s28+$0x0], $0xffff  }
0x6c5: {  	v4 =	vor.u32 v10, v1;
	_ =	sdelay $0x3  }
0x6c6: {  	[tilespmem:v3+s29+$0x0] =	vst.idx.msk $0xffff, v2  }
0x6c7: {  	v3 =	vor.u32 s7, v44;
	v2 =	vld.idx.msk [tilespmem:v4+s28+$0x0], $0xffff  }
0x6c8: {  	v4 =	vor.u32 v16, v1;
	_ =	sdelay $0x3  }
0x6c9: {  	[tilespmem:v3+s29+$0x0] =	vst.idx.msk $0xffff, v2  }
0x6ca: {  	v3 =	vor.u32 s7, v45;
	v2 =	vld.idx.msk [tilespmem:v4+s28+$0x0], $0xffff  }
0x6cb: {  	v4 =	vor.u32 v18, v1;
	_ =	sdelay $0x3  }
0x6cc: {  	[tilespmem:v3+s29+$0x0] =	vst.idx.msk $0xffff, v2  }
0x6cd: {  	v3 =	vor.u32 s7, v13;
	v2 =	vld.idx.msk [tilespmem:v4+s28+$0x0], $0xffff  }
0x6ce: {  	v4 =	vor.u32 v14, v1;
	_ =	sdelay $0x3  }
0x6cf: {  	[tilespmem:v3+s29+$0x0] =	vst.idx.msk $0xffff, v2  }
0x6d0: {  	v3 =	vor.u32 s7, v15;
	v2 =	vld.idx.msk [tilespmem:v4+s28+$0x0], $0xffff  }
0x6d1: {  	v4 =	vor.u32 v17, v1;
	_ =	sdelay $0x3  }
0x6d2: {  	[tilespmem:v3+s29+$0x0] =	vst.idx.msk $0xffff, v2  }
0x6d3: {  	v3 =	vor.u32 s7, v49;
	v2 =	vld.idx.msk [tilespmem:v4+s28+$0x0], $0xffff  }
0x6d4: {  	v4 =	vor.u32 v24, v1;
	_ =	sdelay $0x3  }
0x6d5: {  	[tilespmem:v3+s29+$0x0] =	vst.idx.msk $0xffff, v2  }
0x6d6: {  	v3 =	vor.u32 s7, v52;
	v2 =	vld.idx.msk [tilespmem:v4+s28+$0x0], $0xffff  }
0x6d7: {  	v4 =	vor.u32 v50, v1;
	_ =	sdelay $0x3  }
0x6d8: {  	[tilespmem:v3+s29+$0x0] =	vst.idx.msk $0xffff, v2  }
0x6d9: {  	v3 =	vor.u32 s7, v27;
	v2 =	vld.idx.msk [tilespmem:v4+s28+$0x0], $0xffff  }
0x6da: {  	v4 =	vor.u32 v20, v1;
	_ =	sdelay $0x3  }
0x6db: {  	[tilespmem:v3+s29+$0x0] =	vst.idx.msk $0xffff, v2  }
0x6dc: {  	v3 =	vor.u32 s7, v51;
	v2 =	vld.idx.msk [tilespmem:v4+s28+$0x0], $0xffff  }
0x6dd: {  	v4 =	vor.u32 v22, v1;
	_ =	sdelay $0x3  }
0x6de: {  	[tilespmem:v3+s29+$0x0] =	vst.idx.msk $0xffff, v2  }
0x6df: {  	v3 =	vor.u32 s7, v31;
	v2 =	vld.idx.msk [tilespmem:v4+s28+$0x0], $0xffff  }
0x6e0: {  	v4 =	vor.u32 v48, v1;
	_ =	sdelay $0x3  }
0x6e1: {  	[tilespmem:v3+s29+$0x0] =	vst.idx.msk $0xffff, v2  }
0x6e2: {  	v3 =	vor.u32 s7, v37;
	v2 =	vld.idx.msk [tilespmem:v4+s28+$0x0], $0xffff  }
0x6e3: {  	v21 =	vmov v47;
	v4 =	vor.u32 v47, v1;
	v47 =	vld [tilespmem:$0x1FE80];
	_ =	sdelay $0x3  }
0x6e4: {  	[tilespmem:v3+s29+$0x0] =	vst.idx.msk $0xffff, v2  }
0x6e5: {  	v3 =	vor.u32 s7, v47;
	v2 =	vld.idx.msk [tilespmem:v4+s28+$0x0], $0xffff  }
0x6e6: {  	v5 =	vld [tilespmem:$0x1FE70];
	v4 =	vor.u32 v28, v1;
	_ =	sdelay $0x3  }
0x6e7: {  	[tilespmem:v3+s29+$0x0] =	vst.idx.msk $0xffff, v2  }
0x6e8: {  	v3 =	vor.u32 s7, v5;
	v2 =	vld.idx.msk [tilespmem:v4+s28+$0x0], $0xffff  }
0x6e9: {  	v11 =	vmov v18;
	v18 =	vmov v34;
	v4 =	vor.u32 v34, v1;
	v34 =	vld [tilespmem:$0x1FE60];
	_ =	sdelay $0x3  }
0x6ea: {  	[tilespmem:v3+s29+$0x0] =	vst.idx.msk $0xffff, v2  }
0x6eb: {  	v3 =	vor.u32 s7, v34;
	v2 =	vld.idx.msk [tilespmem:v4+s28+$0x0], $0xffff  }
0x6ec: {  	v4 =	vor.u32 v32, v1;
	_ =	sdelay $0x3  }
0x6ed: {  	[tilespmem:v3+s29+$0x0] =	vst.idx.msk $0xffff, v2  }
0x6ee: {  	v3 =	vor.u32 s7, v54;
	v2 =	vld.idx.msk [tilespmem:v4+s28+$0x0], $0xffff  }
0x6ef: {  	v4 =	vor.u32 v35, v1;
	_ =	sdelay $0x3  }
0x6f0: {  	[tilespmem:v3+s29+$0x0] =	vst.idx.msk $0xffff, v2  }
0x6f1: {  	v3 =	vor.u32 s7, v55;
	v2 =	vld.idx.msk [tilespmem:v4+s28+$0x0], $0xffff  }
0x6f2: {  	v4 =	vor.u32 v12, v1;
	_ =	sdelay $0x3  }
0x6f3: {  	[tilespmem:v3+s29+$0x0] =	vst.idx.msk $0xffff, v2  }
0x6f4: {  	v3 =	vor.u32 s7, v29;
	v2 =	vld.idx.msk [tilespmem:v4+s28+$0x0], $0xffff  }
0x6f5: {  	v4 =	vor.u32 v6, v1;
	_ =	sdelay $0x3  }
0x6f6: {  	[tilespmem:v3+s29+$0x0] =	vst.idx.msk $0xffff, v2  }
0x6f7: {  	v3 =	vor.u32 s7, v30;
	v2 =	vld.idx.msk [tilespmem:v4+s28+$0x0], $0xffff  }
0x6f8: {  	v4 =	vor.u32 v46, v1;
	_ =	sdelay $0x3  }
0x6f9: {  	[tilespmem:v3+s29+$0x0] =	vst.idx.msk $0xffff, v2  }
0x6fa: {  	v3 =	vor.u32 s7, v25;
	v2 =	vld.idx.msk [tilespmem:v4+s28+$0x0], $0xffff  }
0x6fb: {  	v4 =	vor.u32 v39, v1;
	_ =	sdelay $0x3  }
0x6fc: {  	[tilespmem:v3+s29+$0x0] =	vst.idx.msk $0xffff, v2  }
0x6fd: {  	v3 =	vor.u32 s7, v59;
	v2 =	vld.idx.msk [tilespmem:v4+s28+$0x0], $0xffff  }
0x6fe: {  	v4 =	vor.u32 v53, v1;
	_ =	sdelay $0x3  }
0x6ff: {  	[tilespmem:v3+s29+$0x0] =	vst.idx.msk $0xffff, v2  }
0x700: {  	v3 =	vor.u32 s7, v60;
	v2 =	vld.idx.msk [tilespmem:v4+s28+$0x0], $0xffff  }
0x701: {  	v4 =	vor.u32 v41, v1;
	_ =	sdelay $0x3  }
0x702: {  	[tilespmem:v3+s29+$0x0] =	vst.idx.msk $0xffff, v2  }
0x703: {  	v3 =	vor.u32 s7, v61;
	v2 =	vld.idx.msk [tilespmem:v4+s28+$0x0], $0xffff  }
0x704: {  	v4 =	vor.u32 v42, v1;
	_ =	sdelay $0x3  }
0x705: {  	[tilespmem:v3+s29+$0x0] =	vst.idx.msk $0xffff, v2  }
0x706: {  	v3 =	vor.u32 s7, v62;
	v2 =	vld.idx.msk [tilespmem:v4+s28+$0x0], $0xffff  }
0x707: {  	v4 =	vor.u32 v57, v1;
	_ =	sdelay $0x3  }
0x708: {  	[tilespmem:v3+s29+$0x0] =	vst.idx.msk $0xffff, v2  }
0x709: {  	v3 =	vor.u32 s7, v63;
	v2 =	vld.idx.msk [tilespmem:v4+s28+$0x0], $0xffff  }
0x70a: {  	v4 =	vor.u32 v58, v1;
	_ =	sdelay $0x3  }
0x70b: {  	[tilespmem:v3+s29+$0x0] =	vst.idx.msk $0xffff, v2  }
0x70c: {  	v3 =	vor.u32 s7, v33;
	v2 =	vld.idx.msk [tilespmem:v4+s28+$0x0], $0xffff  }
0x70d: {  	v4 =	vor.u32 v23, v1;
	_ =	sdelay $0x3  }
0x70e: {  	[tilespmem:v3+s29+$0x0] =	vst.idx.msk $0xffff, v2  }
0x70f: {  	v3 =	vor.u32 s7, v19;
	v2 =	vld.idx.msk [tilespmem:v4+s28+$0x0], $0xffff  }
0x710: {  	v4 =	vor.u32 v0, v1;
	_ =	sdelay $0x3  }
0x711: {  	[tilespmem:v3+s29+$0x0] =	vst.idx.msk $0xffff, v2  }
0x712: {  	v3 =	vor.u32 s7, v40;
	v2 =	vld.idx.msk [tilespmem:v4+s28+$0x0], $0xffff  }
0x713: {  	v63 =	vld [tilespmem:$0x1FE40];
	v0 =	vor.u32 v36, v1;
	_ =	sdelay $0x3  }
0x714: {  	s6 =	sadd.s32 s5, s6;
	[tilespmem:v3+s29+$0x0] =	vst.idx.msk $0xffff, v2  }
0x715: {  	s11 =	sshrl.u32 s6, $0x5;
	v1 =	vor.u32 s7, v63;
	v0 =	vld.idx.msk [tilespmem:v0+s28+$0x0], $0xffff  }
0x716: {  	s15 =	sshll.u32 s6, $0xC;
	s17 =	sshll.u32 s11, $0x11  }
.Ltmp6:
0x717: {  	s1 =	sshll.u32 s11, $0x13;
	s7 =	ssub.s32 s15, s17;
	(pc) =	sbr.rel @p0 .LBB2_12-.Ltmp6, $4  }
0x718: {  	s1 =	sadd.s32 s1, s7  }
0x719: {  	v26 =	vmov v28;
	s1 =	sshrl.u32 s1, $0x3  }
0x71a: {  	v56 =	vmovc v16;
	v9 =	vmovc v24;
	v16 =	vmov v27;
	v24 =	vmov v32;
	v27 =	vmov v54;
	v4 =	vld [tilespmem:$0x1FEF0];
	s1 =	sadd.s32 s2, s1;
	[tilespmem:v1+s29+$0x0] =	vst.idx.msk $0xffff, v0  }
0x71b: {  	v28 =	vmovc v55;
	v32 =	vmovc v21;
	v21 =	vmov v34;
	v42 =	vmov v47;
	v36 =	vmov v5;
	v3 =	vld [tilespmem:$0x1FFC0];
	[hbm4b:s1+s23] =	stream.strided.scatter [tilespmem:s29], [sflag:$0xA], $0x4000, s24, s23, $0x38  }
.Ltmp7:
0x71c: {  	(pc) =	sbr.rel .LBB2_2-.Ltmp7, $4  }
0x71d: {  	v35 =	vld [tilespmem:$0x1FD60]  }
0x71e: {  	s1 =	sshll.u32 s6, $0x6;
	v54 =	vld [tilespmem:$0x1FD70]  }
0x71f: {  	s0 =	sadd.s32 $0x1, s0;
	v46 =	vlaneseq.u32;
	v6 =	vld [tilespmem:$0x1FD80];
	v5 =	vmov v56;
	s1 =	sadd.s32 s1, s10  }
0x720: {  	v12 =	vmovc v11;
	v19 =	vmovc v16;
	v53 =	vmov v27;
	v57 =	vmov v28;
	v1 =	vld [tilespmem:$0x1FE50];
	v29 =	vmov v18;
	[tilespmem:s14], [sflag:$0x4] =	stream.linear.gather [hbm4b:s1+s3], $0x200, $0x38  }
.LBB2_13:
0x721: {  	_ =	sfence.sel $0x180000  }
0x722: {  	[bflag:$0x0] =	sbarrier.arrive $0xFFFF  }
0x723: {  	_ =	strace $0x90000047  }
0x724: {  	s0 =	stileid.u32;
	[bflag:$0x2] =	sbarrier.arrive $0xFFFF  }
0x725: {  	p0 =	sne.s32 s0, $0x0;
	s0 =	rddreg [dreg:$0x2]  }
0x726: {  	s0 =	sadd.s32 @!p0 $0x100000, s0  }
0x727: {  	[sflag:s0] =	ssyncadd.tile.s32 @!p0 $0x1;
	_ =	shalt  }
.Lfunc_end2:
_tile_overlayer_lowered:
.L_overlay_start_2:
0x728: {  	(tag) =	ssettag $0x2  }
0x729: {  	s0 =	rddreg [dreg:$0x0];
	s2 =	stileid.u32  }
0x72a: {  	s1 =	rddreg [dreg:$0x1];
	p0 =	sne.s32 s2, $0x0  }
0x72b: {  	s3 =	rddreg [dreg:$0x2];
	[bflag:$0x3] =	sbarrier.arrive $0xFFFF;
	s2 =	simm.s32 @!p0 $0x1C0B  }
0x72c: {  	[timem:s3], [sflag:s2] =	dma.local @!p0 [hbm:s0], s1  }
0x72d: {  	s0 =	simm.s32 @!p0 $0xB  }
0x72e: {  	_ =	swait.ge @!p0 [sflag:s0], s1  }
0x72f: {  	s1 =	ssub.s32 @!p0 $0x0, s1;
	[sflag:s0] =	ssyncset.done @!p0 $0x0  }
0x730: {  	[sflag:s0] =	ssyncadd.s32 @!p0 s1  }
0x731: {  	[bflag:$0x3] =	sbarrier.arrive $0xFFFF  }
0x732: {  	_ =	shalt  }

</sc_bundles>
